<compile_context>
chip_gen: v7x
topology: tpu7x:2x2x1
jax: 0.10.2.dev20260603
libtpu: 0.0.44.dev20260713+nightly
codegen_flags: <defaults>
</compile_context>

<pallas_src>
import functools

import jax
import jax.numpy as jnp
import numpy as np
from jax import lax
from jax.experimental import pallas as pl
from jax.experimental.pallas import tpu as pltpu
from jax.experimental.pallas import tpu_sc as plsc

_EPS = 1e-05
_NUM_GRAPHS = 16
_N, _D, _E = 10000, 128, 320000
_NC, _NS, _L = 2, 16, 16
_NW = _NC * _NS
_EW = _E // _NW
_CHUNK = 80
_NCHUNK = _EW // _CHUNK
_NBUF = 2
_UNROLL = 2

_ROW_SCRATCH = [pltpu.VMEM((_CHUNK, _D), jnp.float32)] * (3 * _NBUF)


def _sc_mesh():
    return plsc.VectorSubcoreMesh(core_axis_name="c", subcore_axis_name="s",
                                  num_cores=_NC, num_subcores=_NS)


@functools.partial(
    pl.kernel,
    out_type=[jax.ShapeDtypeStruct((_E,), jnp.float32),
              jax.ShapeDtypeStruct((_E,), jnp.float32)],
    mesh=_sc_mesh(),
    scratch_types=[
        pltpu.VMEM((_NUM_GRAPHS,), jnp.int32),
        pltpu.VMEM((_NUM_GRAPHS,), jnp.int32),
        pltpu.VMEM((_EW,), jnp.int32),
        pltpu.VMEM((_EW,), jnp.int32),
        pltpu.VMEM((_EW,), jnp.int32),
        pltpu.VMEM((_EW,), jnp.float32),
        pltpu.VMEM((_EW,), jnp.float32),
        pltpu.VMEM((_EW,), jnp.float32),
    ] + _ROW_SCRATCH + [
        pltpu.SemaphoreType.DMA,
    ] + [pltpu.SemaphoreType.DMA] * _NBUF,
    compiler_params=pltpu.CompilerParams(needs_layout_passes=False),
)
def _sc_dots(z_hbm, src_hbm, dst_hbm, u_hbm, cnt_hbm, start_hbm,
             pos_hbm, negv_hbm,
             cnt_v, start_v, srci_v, dsti_v, negi_v, u_v, posacc, negacc,
             *rest):
    rows = rest[:3 * _NBUF]
    sem_in = rest[3 * _NBUF]
    sems = rest[3 * _NBUF + 1:]
    bufs = tuple((rows[3 * b], rows[3 * b + 1], rows[3 * b + 2], sems[b])
                 for b in range(_NBUF))

    wid = lax.axis_index("s") * jnp.int32(_NC) + lax.axis_index("c")
    base = wid * jnp.int32(_EW)
    lane = lax.iota(jnp.int32, _L)
    lane0 = lane == 0
    lane1 = lane == 1
    even = (lane & jnp.int32(1)) == 0
    perms = {sh: lane ^ jnp.int32(sh) for sh in (1, 2, 4, 8)}

    pltpu.sync_copy(cnt_hbm, cnt_v)
    pltpu.sync_copy(start_hbm, start_v)
    cp_a = pltpu.async_copy(src_hbm.at[pl.ds(base, _EW)], srci_v, sem_in)
    cp_b = pltpu.async_copy(dst_hbm.at[pl.ds(base, _EW)], dsti_v, sem_in)
    cp_c = pltpu.async_copy(u_hbm.at[pl.ds(base, _EW)], u_v, sem_in)
    cp_a.wait()
    cp_b.wait()
    cp_c.wait()

    def neg_body(t, c):
        sl = pl.ds(t * jnp.int32(_L), _L)
        sv = srci_v[sl]
        g = jnp.zeros((_L,), jnp.int32)
        for bit in (8, 4, 2, 1):
            probe = g | jnp.int32(bit)
            vals = plsc.load_gather(start_v, [probe])
            g = jnp.where(vals <= sv, probe, g)
        cnt = plsc.load_gather(cnt_v, [g])
        st = plsc.load_gather(start_v, [g])
        r = (u_v[sl] * cnt.astype(jnp.float32)).astype(jnp.int32)
        negi_v[sl] = st + jnp.minimum(r, cnt - 1)
        return c

    def gather_descs(j, b):
        sr, dr, nr, sem = bufs[b]
        sl = pl.ds(j * jnp.int32(_CHUNK), _CHUNK)
        return (pltpu.make_async_copy(z_hbm.at[srci_v.at[sl]], sr, sem),
                pltpu.make_async_copy(z_hbm.at[dsti_v.at[sl]], dr, sem),
                pltpu.make_async_copy(z_hbm.at[negi_v.at[sl]], nr, sem))

    def issue(j, b):
        for c in gather_descs(j, b):
            c.start()

    def drain(j, b):
        for c in gather_descs(j, b):
            c.wait()

    def compute(j, b):
        sr, dr, nr, _ = bufs[b]
        ebase = j * jnp.int32(_CHUNK)

        @plsc.parallel_loop(jnp.int32(0), jnp.int32(_CHUNK),
                            jnp.int32(_UNROLL), unroll=2)
        def edge_body(e0):
            for i in range(_UNROLL):
                e = e0 + jnp.int32(i)
                accp = None
                accn = None
                for k in range(_D // _L):
                    ks = pl.ds(k * _L, _L)
                    s = sr[e, ks]
                    pp = s * dr[e, ks]
                    pn = s * nr[e, ks]
                    accp = pp if accp is None else accp + pp
                    accn = pn if accn is None else accn + pn
                p1 = accp + accp[perms[1]]
                n1 = accn + accn[perms[1]]
                c = jnp.where(even, p1, n1)
                for sh in (2, 4, 8):
                    c = c + c[perms[sh]]
                ev = jnp.full((_L,), ebase + e, jnp.int32)
                plsc.store_scatter(posacc, [ev], c, mask=lane0)
                plsc.store_scatter(negacc, [ev], c, mask=lane1)

    for b in range(_NBUF):
        for c in gather_descs(jnp.int32(b), b)[:2]:
            c.start()
    lax.fori_loop(jnp.int32(0), jnp.int32(_EW // _L), neg_body, jnp.int32(0))
    for b in range(_NBUF):
        gather_descs(jnp.int32(b), b)[2].start()

    def round_body(t, c):
        j0 = t * jnp.int32(_NBUF)
        for b in range(_NBUF):
            j = j0 + jnp.int32(b)
            drain(j, b)
            compute(j, b)

            @pl.when(j + _NBUF < _NCHUNK)
            def _():
                issue(j + jnp.int32(_NBUF), b)

        return c

    lax.fori_loop(jnp.int32(0), jnp.int32(_NCHUNK // _NBUF), round_body,
                  jnp.int32(0))
    for b in range(_NCHUNK % _NBUF):
        jt = jnp.int32((_NCHUNK // _NBUF) * _NBUF + b)
        drain(jt, b)
        compute(jt, b)

    pltpu.sync_copy(posacc, pos_hbm.at[pl.ds(base, _EW)])
    pltpu.sync_copy(negacc, negv_hbm.at[pl.ds(base, _EW)])


def _tc_reduce_body(pos_ref, neg_ref, out_ref):
    p = pos_ref[...]
    q = neg_ref[...]
    pos_term = -jnp.log(jax.nn.sigmoid(p) + _EPS)
    neg_term = -jnp.log(1.0 - jax.nn.sigmoid(q) + _EPS)
    out_ref[0] = (jnp.sum(pos_term) + jnp.sum(neg_term)) / _E


_tc_reduce = pl.pallas_call(
    _tc_reduce_body,
    out_shape=jax.ShapeDtypeStruct((1,), jnp.float32),
    out_specs=pl.BlockSpec(memory_space=pltpu.SMEM),
)


def _threefry2x32_np(k1, k2, x0, x1):
    rotations = [(13, 15, 26, 6), (17, 29, 16, 24)]
    ks = [np.uint32(k1), np.uint32(k2),
          np.uint32(np.uint32(k1) ^ np.uint32(k2) ^ np.uint32(0x1BD11BDA))]
    x0 = x0 + ks[0]
    x1 = x1 + ks[1]

    def rotl(x, d):
        return (x << np.uint32(d)) | (x >> np.uint32(32 - d))

    for i in range(5):
        for r in rotations[i % 2]:
            x0 = x0 + x1
            x1 = x0 ^ rotl(x1, r)
        x0 = x0 + ks[(i + 1) % 3]
        x1 = x1 + ks[(i + 2) % 3] + np.uint32(i + 1)
    return x0, x1


def _make_u() -> np.ndarray:
    i = np.arange(_E, dtype=np.uint64)
    x0, x1 = _threefry2x32_np(0, 42,
                              (i >> np.uint64(32)).astype(np.uint32),
                              (i & np.uint64(0xFFFFFFFF)).astype(np.uint32))
    bits = x0 ^ x1
    fbits = (bits >> np.uint32(9)) | np.uint32(0x3F800000)
    return fbits.view(np.float32) - np.float32(1.0)


_U = _make_u()


def kernel(z, edge_index, batch):
    z32 = z.astype(jnp.float32)
    src = edge_index[0].astype(jnp.int32)
    dst = edge_index[1].astype(jnp.int32)
    b32 = batch.astype(jnp.int32)
    counts = jnp.sum(
        b32[None, :] == jnp.arange(_NUM_GRAPHS, dtype=jnp.int32)[:, None],
        axis=1, dtype=jnp.int32)
    starts = (jnp.cumsum(counts) - counts).astype(jnp.int32)
    cnt_tab = jnp.maximum(counts, 1).astype(jnp.int32)
    u = jnp.asarray(_U)
    pos_v, neg_v = _sc_dots(z32, src, dst, u, cnt_tab, starts)
    loss = _tc_reduce(pos_v.reshape(_E // _D, _D), neg_v.reshape(_E // _D, _D))
    return loss[0]

# --- scband reference (transcript-rebuilt; emitter-appended) ---
"""Pipeline reference for scband-fllrecon-loss-57071525429448 (READ-ONLY COPY).

The authoritative reference and input builder live on the scoring server;
editing this copy changes nothing except your own understanding.
"""

import jax, jax.numpy as jnp
import numpy as np
jax.config.update('jax_enable_x64', True)

EPS = 1e-05
NUM_GRAPHS = 16


def setup_inputs(seed: int = 0) -> dict:
    key = jax.random.key(seed)
    k1, k2, k3 = jax.random.split(key, 3)
    N, D, E = 10000, 128, 320000
    z = jax.random.normal(k1, (N, D), dtype=jnp.float32)
    edge_index = jax.random.randint(k2, (2, E), 0, N, dtype=jnp.int64)
    batch = jnp.sort(jax.random.randint(k3, (N,), 0, NUM_GRAPHS, dtype=jnp.int64))
    return {"z": z, "edge_index": edge_index, "batch": batch}


def inner_product_decoder(z, edge_index, sigmoid=True):
    # value = (z[src] * z[dst]).sum(-1)
    value = jnp.sum(z[edge_index[0]] * z[edge_index[1]], axis=-1)
    return jax.nn.sigmoid(value) if sigmoid else value


def batched_negative_sampling(edge_index, batch, num_nodes):
    # Sample, for each positive edge, a negative destination node uniformly
    # from the same graph (identified via batch vector) as the source node.
    counts = jnp.bincount(batch, length=NUM_GRAPHS)
    starts = jnp.concatenate([jnp.zeros((1,), dtype=counts.dtype), jnp.cumsum(counts)[:-1]])
    src = edge_index[0]
    g = batch[src]
    cnt = jnp.maximum(counts[g], 1)
    u = jax.random.uniform(jax.random.key(42), (edge_index.shape[1],), dtype=jnp.float32)
    neg_dst = starts[g] + jnp.minimum(jnp.floor(u * cnt).astype(src.dtype), cnt - 1)
    return jnp.stack([src, neg_dst], axis=0)


def reference(z, edge_index, batch):
    pos = inner_product_decoder(z, edge_index, sigmoid=True)
    pos_loss = -jnp.log(pos + EPS).mean()
    neg_edge_index = batched_negative_sampling(edge_index, batch, z.shape[0])
    neg = inner_product_decoder(z, neg_edge_index, sigmoid=True)
    neg_loss = -jnp.log(1.0 - neg + EPS).mean()
    return pos_loss + neg_loss

if __name__ == "__main__":
    import jax
    _d = setup_inputs()
    print(jax.jit(kernel)(*tuple(_d.values())))

</pallas_src>

<mosaic_0001>
#map = affine_map<(d0, d1) -> (0, 0)>
#map1 = affine_map<(d0, d1) -> (0)>
module attributes {stable_mosaic.version = 14 : i64} {
  func.func @_sc_dots(%arg0: i32, %arg1: i32, %arg2: memref<10000x128xf32, #tpu.memory_space<hbm>>, %arg3: memref<320000xi32, #tpu.memory_space<hbm>>, %arg4: memref<320000xi32, #tpu.memory_space<hbm>>, %arg5: memref<320000xf32, #tpu.memory_space<hbm>>, %arg6: memref<16xi32, #tpu.memory_space<hbm>>, %arg7: memref<16xi32, #tpu.memory_space<hbm>>, %arg8: memref<320000xf32, #tpu.memory_space<hbm>>, %arg9: memref<320000xf32, #tpu.memory_space<hbm>>, %arg10: memref<16xi32, #tpu.memory_space<vmem>>, %arg11: memref<16xi32, #tpu.memory_space<vmem>>, %arg12: memref<10000xi32, #tpu.memory_space<vmem>>, %arg13: memref<10000xi32, #tpu.memory_space<vmem>>, %arg14: memref<10000xi32, #tpu.memory_space<vmem>>, %arg15: memref<10000xf32, #tpu.memory_space<vmem>>, %arg16: memref<10000xf32, #tpu.memory_space<vmem>>, %arg17: memref<10000xf32, #tpu.memory_space<vmem>>, %arg18: memref<80x128xf32, #tpu.memory_space<vmem>>, %arg19: memref<80x128xf32, #tpu.memory_space<vmem>>, %arg20: memref<80x128xf32, #tpu.memory_space<vmem>>, %arg21: memref<80x128xf32, #tpu.memory_space<vmem>>, %arg22: memref<80x128xf32, #tpu.memory_space<vmem>>, %arg23: memref<80x128xf32, #tpu.memory_space<vmem>>, %arg24: memref<!tpu.dma_semaphore, #tpu.memory_space<semaphore_mem>>, %arg25: memref<!tpu.dma_semaphore, #tpu.memory_space<semaphore_mem>>, %arg26: memref<!tpu.dma_semaphore, #tpu.memory_space<semaphore_mem>>) attributes {dimension_semantics = [#tpu.dimension_semantics<core_parallel>, #tpu.dimension_semantics<subcore_parallel>], iteration_bounds = array<i64: 2, 16>, scalar_prefetch = 0 : i64, scratch_operands = 17 : i64, tpu.core_type = #tpu.core_type<sc_vector_subcore>, window_params = [{transform_indices = #map}, {transform_indices = #map1}, {transform_indices = #map1}, {transform_indices = #map1}, {transform_indices = #map1}, {transform_indices = #map1}, {transform_indices = #map1}, {transform_indices = #map1}]} {
    %mul3A = arith.constant 2 : i32
    %mul3A_0 = arith.muli %arg1, %mul3A : i32
    %add3A = arith.addi %mul3A_0, %arg0 : i32
    %mul3A_1 = arith.constant 10000 : i32
    %mul3A_2 = arith.muli %add3A, %mul3A_1 : i32
    %iota3A = tpu.iota {dimensions = array<i32: 0>} : vector<16xi32>
    %eq3A = arith.constant 0 : i32
    %eq3A_3 = vector.broadcast %eq3A : i32 to vector<16xi32>
    %eq3A_4 = arith.cmpi eq, %iota3A, %eq3A_3 : vector<16xi32>
    %eq3A_5 = arith.constant 1 : i32
    %eq3A_6 = vector.broadcast %eq3A_5 : i32 to vector<16xi32>
    %eq3A_7 = arith.cmpi eq, %iota3A, %eq3A_6 : vector<16xi32>
    %and3A = arith.constant 1 : i32
    %and3A_8 = vector.broadcast %and3A : i32 to vector<16xi32>
    %and3A_9 = arith.andi %iota3A, %and3A_8 : vector<16xi32>
    %eq3A_10 = arith.constant 0 : i32
    %eq3A_11 = vector.broadcast %eq3A_10 : i32 to vector<16xi32>
    %eq3A_12 = arith.cmpi eq, %and3A_9, %eq3A_11 : vector<16xi32>
    %xor3A = arith.constant 1 : i32
    %xor3A_13 = vector.broadcast %xor3A : i32 to vector<16xi32>
    %xor3A_14 = arith.xori %iota3A, %xor3A_13 : vector<16xi32>
    %xor3A_15 = arith.constant 2 : i32
    %xor3A_16 = vector.broadcast %xor3A_15 : i32 to vector<16xi32>
    %xor3A_17 = arith.xori %iota3A, %xor3A_16 : vector<16xi32>
    %xor3A_18 = arith.constant 4 : i32
    %xor3A_19 = vector.broadcast %xor3A_18 : i32 to vector<16xi32>
    %xor3A_20 = arith.xori %iota3A, %xor3A_19 : vector<16xi32>
    %xor3A_21 = arith.constant 8 : i32
    %xor3A_22 = vector.broadcast %xor3A_21 : i32 to vector<16xi32>
    %xor3A_23 = arith.xori %iota3A, %xor3A_22 : vector<16xi32>
    "tpu.region"() ({
      %run_scoped3A = tpu.sem_alloc : memref<!tpu.dma_semaphore, #tpu.memory_space<semaphore_mem>>
      tpu.enqueue_dma source(%arg6 : memref<16xi32, #tpu.memory_space<hbm>>) target(%arg10 : memref<16xi32, #tpu.memory_space<vmem>>) target_semaphore(%run_scoped3A : memref<!tpu.dma_semaphore, #tpu.memory_space<semaphore_mem>>)
      tpu.wait_dma2 semaphore(%run_scoped3A : memref<!tpu.dma_semaphore, #tpu.memory_space<semaphore_mem>>) src(%arg6 : memref<16xi32, #tpu.memory_space<hbm>>) dst(%arg10 : memref<16xi32, #tpu.memory_space<vmem>>)
      tpu.yield
    }) : () -> ()
    "tpu.region"() ({
      %run_scoped3A = tpu.sem_alloc : memref<!tpu.dma_semaphore, #tpu.memory_space<semaphore_mem>>
      tpu.enqueue_dma source(%arg7 : memref<16xi32, #tpu.memory_space<hbm>>) target(%arg11 : memref<16xi32, #tpu.memory_space<vmem>>) target_semaphore(%run_scoped3A : memref<!tpu.dma_semaphore, #tpu.memory_space<semaphore_mem>>)
      tpu.wait_dma2 semaphore(%run_scoped3A : memref<!tpu.dma_semaphore, #tpu.memory_space<semaphore_mem>>) src(%arg7 : memref<16xi32, #tpu.memory_space<hbm>>) dst(%arg11 : memref<16xi32, #tpu.memory_space<vmem>>)
      tpu.yield
    }) : () -> ()
    %dma_start3A = tpu.memref_slice %arg3[%mul3A_2] : memref<320000xi32, #tpu.memory_space<hbm>> -> memref<10000xi32, #tpu.memory_space<hbm>>
    %dma_start3A_24 = tpu.memref_slice %arg3[%mul3A_2] : memref<320000xi32, #tpu.memory_space<hbm>> -> memref<10000xi32, #tpu.memory_space<hbm>>
    tpu.enqueue_dma source(%dma_start3A_24 : memref<10000xi32, #tpu.memory_space<hbm>>) target(%arg12 : memref<10000xi32, #tpu.memory_space<vmem>>) target_semaphore(%arg24 : memref<!tpu.dma_semaphore, #tpu.memory_space<semaphore_mem>>)
    %dma_start3A_25 = tpu.memref_slice %arg4[%mul3A_2] : memref<320000xi32, #tpu.memory_space<hbm>> -> memref<10000xi32, #tpu.memory_space<hbm>>
    %dma_start3A_26 = tpu.memref_slice %arg4[%mul3A_2] : memref<320000xi32, #tpu.memory_space<hbm>> -> memref<10000xi32, #tpu.memory_space<hbm>>
    tpu.enqueue_dma source(%dma_start3A_26 : memref<10000xi32, #tpu.memory_space<hbm>>) target(%arg13 : memref<10000xi32, #tpu.memory_space<vmem>>) target_semaphore(%arg24 : memref<!tpu.dma_semaphore, #tpu.memory_space<semaphore_mem>>)
    %dma_start3A_27 = tpu.memref_slice %arg5[%mul3A_2] : memref<320000xf32, #tpu.memory_space<hbm>> -> memref<10000xf32, #tpu.memory_space<hbm>>
    %dma_start3A_28 = tpu.memref_slice %arg5[%mul3A_2] : memref<320000xf32, #tpu.memory_space<hbm>> -> memref<10000xf32, #tpu.memory_space<hbm>>
    tpu.enqueue_dma source(%dma_start3A_28 : memref<10000xf32, #tpu.memory_space<hbm>>) target(%arg15 : memref<10000xf32, #tpu.memory_space<vmem>>) target_semaphore(%arg24 : memref<!tpu.dma_semaphore, #tpu.memory_space<semaphore_mem>>)
    %dma_wait3A = tpu.memref_slice %arg3[%mul3A_2] : memref<320000xi32, #tpu.memory_space<hbm>> -> memref<10000xi32, #tpu.memory_space<hbm>>
    %dma_wait3A_29 = tpu.memref_slice %arg3[%mul3A_2] : memref<320000xi32, #tpu.memory_space<hbm>> -> memref<10000xi32, #tpu.memory_space<hbm>>
    tpu.wait_dma2 semaphore(%arg24 : memref<!tpu.dma_semaphore, #tpu.memory_space<semaphore_mem>>) src(%dma_wait3A_29 : memref<10000xi32, #tpu.memory_space<hbm>>) dst(%arg12 : memref<10000xi32, #tpu.memory_space<vmem>>)
    %dma_wait3A_30 = tpu.memref_slice %arg4[%mul3A_2] : memref<320000xi32, #tpu.memory_space<hbm>> -> memref<10000xi32, #tpu.memory_space<hbm>>
    %dma_wait3A_31 = tpu.memref_slice %arg4[%mul3A_2] : memref<320000xi32, #tpu.memory_space<hbm>> -> memref<10000xi32, #tpu.memory_space<hbm>>
    tpu.wait_dma2 semaphore(%arg24 : memref<!tpu.dma_semaphore, #tpu.memory_space<semaphore_mem>>) src(%dma_wait3A_31 : memref<10000xi32, #tpu.memory_space<hbm>>) dst(%arg13 : memref<10000xi32, #tpu.memory_space<vmem>>)
    %dma_wait3A_32 = tpu.memref_slice %arg5[%mul3A_2] : memref<320000xf32, #tpu.memory_space<hbm>> -> memref<10000xf32, #tpu.memory_space<hbm>>
    %dma_wait3A_33 = tpu.memref_slice %arg5[%mul3A_2] : memref<320000xf32, #tpu.memory_space<hbm>> -> memref<10000xf32, #tpu.memory_space<hbm>>
    tpu.wait_dma2 semaphore(%arg24 : memref<!tpu.dma_semaphore, #tpu.memory_space<semaphore_mem>>) src(%dma_wait3A_33 : memref<10000xf32, #tpu.memory_space<hbm>>) dst(%arg15 : memref<10000xf32, #tpu.memory_space<vmem>>)
    %mul3A_34 = arith.constant 0 : i32
    %mul3A_35 = arith.constant 80 : i32
    %mul3A_36 = arith.muli %mul3A_34, %mul3A_35 : i32
    %dma_start3A_37 = tpu.memref_slice %arg12[%mul3A_36] : memref<10000xi32, #tpu.memory_space<vmem>> -> memref<80xi32, #tpu.memory_space<vmem>>
    %dma_start3A_38 = arith.constant 0 : i32
    %dma_start3A_39 = arith.constant 0 : i32
    %dma_start3A_40 = tpu.memref_slice %arg2[%dma_start3A_38, %dma_start3A_39] : memref<10000x128xf32, #tpu.memory_space<hbm>> -> memref<10000x128xf32, #tpu.memory_space<hbm>>
    tpu.enqueue_indirect_dma source(%dma_start3A_40 : memref<10000x128xf32, #tpu.memory_space<hbm>>) target(%arg18 : memref<80x128xf32, #tpu.memory_space<vmem>>) offsets(%dma_start3A_37 : memref<80xi32, #tpu.memory_space<vmem>>) semaphore(%arg25 : memref<!tpu.dma_semaphore, #tpu.memory_space<semaphore_mem>>)
    %dma_start3A_41 = tpu.memref_slice %arg13[%mul3A_36] : memref<10000xi32, #tpu.memory_space<vmem>> -> memref<80xi32, #tpu.memory_space<vmem>>
    %dma_start3A_42 = arith.constant 0 : i32
    %dma_start3A_43 = arith.constant 0 : i32
    %dma_start3A_44 = tpu.memref_slice %arg2[%dma_start3A_42, %dma_start3A_43] : memref<10000x128xf32, #tpu.memory_space<hbm>> -> memref<10000x128xf32, #tpu.memory_space<hbm>>
    tpu.enqueue_indirect_dma source(%dma_start3A_44 : memref<10000x128xf32, #tpu.memory_space<hbm>>) target(%arg19 : memref<80x128xf32, #tpu.memory_space<vmem>>) offsets(%dma_start3A_41 : memref<80xi32, #tpu.memory_space<vmem>>) semaphore(%arg25 : memref<!tpu.dma_semaphore, #tpu.memory_space<semaphore_mem>>)
    %mul3A_45 = arith.constant 1 : i32
    %mul3A_46 = arith.constant 80 : i32
    %mul3A_47 = arith.muli %mul3A_45, %mul3A_46 : i32
    %dma_start3A_48 = tpu.memref_slice %arg12[%mul3A_47] : memref<10000xi32, #tpu.memory_space<vmem>> -> memref<80xi32, #tpu.memory_space<vmem>>
    %dma_start3A_49 = arith.constant 0 : i32
    %dma_start3A_50 = arith.constant 0 : i32
    %dma_start3A_51 = tpu.memref_slice %arg2[%dma_start3A_49, %dma_start3A_50] : memref<10000x128xf32, #tpu.memory_space<hbm>> -> memref<10000x128xf32, #tpu.memory_space<hbm>>
    tpu.enqueue_indirect_dma source(%dma_start3A_51 : memref<10000x128xf32, #tpu.memory_space<hbm>>) target(%arg21 : memref<80x128xf32, #tpu.memory_space<vmem>>) offsets(%dma_start3A_48 : memref<80xi32, #tpu.memory_space<vmem>>) semaphore(%arg26 : memref<!tpu.dma_semaphore, #tpu.memory_space<semaphore_mem>>)
    %dma_start3A_52 = tpu.memref_slice %arg13[%mul3A_47] : memref<10000xi32, #tpu.memory_space<vmem>> -> memref<80xi32, #tpu.memory_space<vmem>>
    %dma_start3A_53 = arith.constant 0 : i32
    %dma_start3A_54 = arith.constant 0 : i32
    %dma_start3A_55 = tpu.memref_slice %arg2[%dma_start3A_53, %dma_start3A_54] : memref<10000x128xf32, #tpu.memory_space<hbm>> -> memref<10000x128xf32, #tpu.memory_space<hbm>>
    tpu.enqueue_indirect_dma source(%dma_start3A_55 : memref<10000x128xf32, #tpu.memory_space<hbm>>) target(%arg22 : memref<80x128xf32, #tpu.memory_space<vmem>>) offsets(%dma_start3A_52 : memref<80xi32, #tpu.memory_space<vmem>>) semaphore(%arg26 : memref<!tpu.dma_semaphore, #tpu.memory_space<semaphore_mem>>)
    %while3A = arith.constant 0 : i32
    %while3A_56 = arith.constant 0 : i32
    %while3A_57 = arith.constant 625 : i32
    %while3A_58 = arith.subi %while3A_57, %while3A_56 : i32
    %while3A_59 = arith.addi %while3A_56, %while3A_58 : i32
    %while3A_60 = arith.constant 1 : i32
    %while3A_61 = arith.divsi %while3A_58, %while3A_60 : i32
    %while3A_62 = arith.muli %while3A_61, %while3A_60 : i32
    %while3A_63 = arith.addi %while3A_56, %while3A_62 : i32
    %while3A_64 = arith.constant 1 : i32
    scf.for %while3A_111 = %while3A_56 to %while3A_63 step %while3A_64  : i32 {
      %mul3A_112 = arith.constant 16 : i32
      %mul3A_113 = arith.muli %while3A_111, %mul3A_112 : i32
      %get3A = arith.index_cast %mul3A_113 : i32 to index
      %get3A_114 = tpu.vector_load %arg12[%get3A] {strides = array<i32>} : memref<10000xi32, #tpu.memory_space<vmem>>, vector<16xi32>,
      %broadcast_in_dim3A = arith.constant 0 : i32
      %broadcast_in_dim3A_115 = vector.broadcast %broadcast_in_dim3A : i32 to vector<16xi32>
      %or3A = arith.constant 8 : i32
      %or3A_116 = vector.broadcast %or3A : i32 to vector<16xi32>
      %or3A_117 = arith.ori %broadcast_in_dim3A_115, %or3A_116 : vector<16xi32>
      %gather3A = tpu.vector_load_idx %arg11[%or3A_117] : memref<16xi32, #tpu.memory_space<vmem>>[vector<16xi32>], vector<16xi32>,
      %le3A = arith.cmpi sle, %gather3A, %get3A_114 : vector<16xi32>
      %select_n3A = arith.select %le3A, %or3A_117, %broadcast_in_dim3A_115 : vector<16xi1>, vector<16xi32>
      %or3A_118 = arith.constant 4 : i32
      %or3A_119 = vector.broadcast %or3A_118 : i32 to vector<16xi32>
      %or3A_120 = arith.ori %select_n3A, %or3A_119 : vector<16xi32>
      %gather3A_121 = tpu.vector_load_idx %arg11[%or3A_120] : memref<16xi32, #tpu.memory_space<vmem>>[vector<16xi32>], vector<16xi32>,
      %le3A_122 = arith.cmpi sle, %gather3A_121, %get3A_114 : vector<16xi32>
      %select_n3A_123 = arith.select %le3A_122, %or3A_120, %select_n3A : vector<16xi1>, vector<16xi32>
      %or3A_124 = arith.constant 2 : i32
      %or3A_125 = vector.broadcast %or3A_124 : i32 to vector<16xi32>
      %or3A_126 = arith.ori %select_n3A_123, %or3A_125 : vector<16xi32>
      %gather3A_127 = tpu.vector_load_idx %arg11[%or3A_126] : memref<16xi32, #tpu.memory_space<vmem>>[vector<16xi32>], vector<16xi32>,
      %le3A_128 = arith.cmpi sle, %gather3A_127, %get3A_114 : vector<16xi32>
      %select_n3A_129 = arith.select %le3A_128, %or3A_126, %select_n3A_123 : vector<16xi1>, vector<16xi32>
      %or3A_130 = arith.constant 1 : i32
      %or3A_131 = vector.broadcast %or3A_130 : i32 to vector<16xi32>
      %or3A_132 = arith.ori %select_n3A_129, %or3A_131 : vector<16xi32>
      %gather3A_133 = tpu.vector_load_idx %arg11[%or3A_132] : memref<16xi32, #tpu.memory_space<vmem>>[vector<16xi32>], vector<16xi32>,
      %le3A_134 = arith.cmpi sle, %gather3A_133, %get3A_114 : vector<16xi32>
      %select_n3A_135 = arith.select %le3A_134, %or3A_132, %select_n3A_129 : vector<16xi1>, vector<16xi32>
      %gather3A_136 = tpu.vector_load_idx %arg10[%select_n3A_135] : memref<16xi32, #tpu.memory_space<vmem>>[vector<16xi32>], vector<16xi32>,
      %gather3A_137 = tpu.vector_load_idx %arg11[%select_n3A_135] : memref<16xi32, #tpu.memory_space<vmem>>[vector<16xi32>], vector<16xi32>,
      %get3A_138 = arith.index_cast %mul3A_113 : i32 to index
      %get3A_139 = tpu.vector_load %arg15[%get3A_138] {strides = array<i32>} : memref<10000xf32, #tpu.memory_space<vmem>>, vector<16xf32>,
      %convert_element_type3A = arith.sitofp %gather3A_136 : vector<16xi32> to vector<16xf32>
      %mul3A_140 = arith.mulf %get3A_139, %convert_element_type3A : vector<16xf32>
      %convert_element_type3A_141 = arith.fptosi %mul3A_140 : vector<16xf32> to vector<16xi32>
      %sub3A = arith.constant 1 : i32
      %sub3A_142 = vector.broadcast %sub3A : i32 to vector<16xi32>
      %sub3A_143 = arith.subi %gather3A_136, %sub3A_142 : vector<16xi32>
      %min3A = arith.minsi %convert_element_type3A_141, %sub3A_143 : vector<16xi32>
      %add3A_144 = arith.addi %gather3A_137, %min3A : vector<16xi32>
      %swap3A = arith.index_cast %mul3A_113 : i32 to index
      %swap3A_145 = tpu.vector_load %arg14[%swap3A] {strides = array<i32>} : memref<10000xi32, #tpu.memory_space<vmem>>, vector<16xi32>,
      tpu.vector_store %arg14[%swap3A], %add3A_144 {strides = array<i32>} : memref<10000xi32, #tpu.memory_space<vmem>>, vector<16xi32>,
    }
    %while3A_65 = arith.constant 1 : i32
    scf.for %while3A_111 = %while3A_63 to %while3A_59 step %while3A_65  : i32 {
      %mul3A_112 = arith.constant 16 : i32
      %mul3A_113 = arith.muli %while3A_111, %mul3A_112 : i32
      %get3A = arith.index_cast %mul3A_113 : i32 to index
      %get3A_114 = tpu.vector_load %arg12[%get3A] {strides = array<i32>} : memref<10000xi32, #tpu.memory_space<vmem>>, vector<16xi32>,
      %broadcast_in_dim3A = arith.constant 0 : i32
      %broadcast_in_dim3A_115 = vector.broadcast %broadcast_in_dim3A : i32 to vector<16xi32>
      %or3A = arith.constant 8 : i32
      %or3A_116 = vector.broadcast %or3A : i32 to vector<16xi32>
      %or3A_117 = arith.ori %broadcast_in_dim3A_115, %or3A_116 : vector<16xi32>
      %gather3A = tpu.vector_load_idx %arg11[%or3A_117] : memref<16xi32, #tpu.memory_space<vmem>>[vector<16xi32>], vector<16xi32>,
      %le3A = arith.cmpi sle, %gather3A, %get3A_114 : vector<16xi32>
      %select_n3A = arith.select %le3A, %or3A_117, %broadcast_in_dim3A_115 : vector<16xi1>, vector<16xi32>
      %or3A_118 = arith.constant 4 : i32
      %or3A_119 = vector.broadcast %or3A_118 : i32 to vector<16xi32>
      %or3A_120 = arith.ori %select_n3A, %or3A_119 : vector<16xi32>
      %gather3A_121 = tpu.vector_load_idx %arg11[%or3A_120] : memref<16xi32, #tpu.memory_space<vmem>>[vector<16xi32>], vector<16xi32>,
      %le3A_122 = arith.cmpi sle, %gather3A_121, %get3A_114 : vector<16xi32>
      %select_n3A_123 = arith.select %le3A_122, %or3A_120, %select_n3A : vector<16xi1>, vector<16xi32>
      %or3A_124 = arith.constant 2 : i32
      %or3A_125 = vector.broadcast %or3A_124 : i32 to vector<16xi32>
      %or3A_126 = arith.ori %select_n3A_123, %or3A_125 : vector<16xi32>
      %gather3A_127 = tpu.vector_load_idx %arg11[%or3A_126] : memref<16xi32, #tpu.memory_space<vmem>>[vector<16xi32>], vector<16xi32>,
      %le3A_128 = arith.cmpi sle, %gather3A_127, %get3A_114 : vector<16xi32>
      %select_n3A_129 = arith.select %le3A_128, %or3A_126, %select_n3A_123 : vector<16xi1>, vector<16xi32>
      %or3A_130 = arith.constant 1 : i32
      %or3A_131 = vector.broadcast %or3A_130 : i32 to vector<16xi32>
      %or3A_132 = arith.ori %select_n3A_129, %or3A_131 : vector<16xi32>
      %gather3A_133 = tpu.vector_load_idx %arg11[%or3A_132] : memref<16xi32, #tpu.memory_space<vmem>>[vector<16xi32>], vector<16xi32>,
      %le3A_134 = arith.cmpi sle, %gather3A_133, %get3A_114 : vector<16xi32>
      %select_n3A_135 = arith.select %le3A_134, %or3A_132, %select_n3A_129 : vector<16xi1>, vector<16xi32>
      %gather3A_136 = tpu.vector_load_idx %arg10[%select_n3A_135] : memref<16xi32, #tpu.memory_space<vmem>>[vector<16xi32>], vector<16xi32>,
      %gather3A_137 = tpu.vector_load_idx %arg11[%select_n3A_135] : memref<16xi32, #tpu.memory_space<vmem>>[vector<16xi32>], vector<16xi32>,
      %get3A_138 = arith.index_cast %mul3A_113 : i32 to index
      %get3A_139 = tpu.vector_load %arg15[%get3A_138] {strides = array<i32>} : memref<10000xf32, #tpu.memory_space<vmem>>, vector<16xf32>,
      %convert_element_type3A = arith.sitofp %gather3A_136 : vector<16xi32> to vector<16xf32>
      %mul3A_140 = arith.mulf %get3A_139, %convert_element_type3A : vector<16xf32>
      %convert_element_type3A_141 = arith.fptosi %mul3A_140 : vector<16xf32> to vector<16xi32>
      %sub3A = arith.constant 1 : i32
      %sub3A_142 = vector.broadcast %sub3A : i32 to vector<16xi32>
      %sub3A_143 = arith.subi %gather3A_136, %sub3A_142 : vector<16xi32>
      %min3A = arith.minsi %convert_element_type3A_141, %sub3A_143 : vector<16xi32>
      %add3A_144 = arith.addi %gather3A_137, %min3A : vector<16xi32>
      %swap3A = arith.index_cast %mul3A_113 : i32 to index
      %swap3A_145 = tpu.vector_load %arg14[%swap3A] {strides = array<i32>} : memref<10000xi32, #tpu.memory_space<vmem>>, vector<16xi32>,
      tpu.vector_store %arg14[%swap3A], %add3A_144 {strides = array<i32>} : memref<10000xi32, #tpu.memory_space<vmem>>, vector<16xi32>,
    }
    %mul3A_66 = arith.constant 0 : i32
    %mul3A_67 = arith.constant 80 : i32
    %mul3A_68 = arith.muli %mul3A_66, %mul3A_67 : i32
    %dma_start3A_69 = tpu.memref_slice %arg14[%mul3A_68] : memref<10000xi32, #tpu.memory_space<vmem>> -> memref<80xi32, #tpu.memory_space<vmem>>
    %dma_start3A_70 = arith.constant 0 : i32
    %dma_start3A_71 = arith.constant 0 : i32
    %dma_start3A_72 = tpu.memref_slice %arg2[%dma_start3A_70, %dma_start3A_71] : memref<10000x128xf32, #tpu.memory_space<hbm>> -> memref<10000x128xf32, #tpu.memory_space<hbm>>
    tpu.enqueue_indirect_dma source(%dma_start3A_72 : memref<10000x128xf32, #tpu.memory_space<hbm>>) target(%arg20 : memref<80x128xf32, #tpu.memory_space<vmem>>) offsets(%dma_start3A_69 : memref<80xi32, #tpu.memory_space<vmem>>) semaphore(%arg25 : memref<!tpu.dma_semaphore, #tpu.memory_space<semaphore_mem>>)
    %mul3A_73 = arith.constant 1 : i32
    %mul3A_74 = arith.constant 80 : i32
    %mul3A_75 = arith.muli %mul3A_73, %mul3A_74 : i32
    %dma_start3A_76 = tpu.memref_slice %arg14[%mul3A_75] : memref<10000xi32, #tpu.memory_space<vmem>> -> memref<80xi32, #tpu.memory_space<vmem>>
    %dma_start3A_77 = arith.constant 0 : i32
    %dma_start3A_78 = arith.constant 0 : i32
    %dma_start3A_79 = tpu.memref_slice %arg2[%dma_start3A_77, %dma_start3A_78] : memref<10000x128xf32, #tpu.memory_space<hbm>> -> memref<10000x128xf32, #tpu.memory_space<hbm>>
    tpu.enqueue_indirect_dma source(%dma_start3A_79 : memref<10000x128xf32, #tpu.memory_space<hbm>>) target(%arg23 : memref<80x128xf32, #tpu.memory_space<vmem>>) offsets(%dma_start3A_76 : memref<80xi32, #tpu.memory_space<vmem>>) semaphore(%arg26 : memref<!tpu.dma_semaphore, #tpu.memory_space<semaphore_mem>>)
    %while3A_80 = arith.constant 0 : i32
    %while3A_81 = arith.constant 0 : i32
    %while3A_82 = arith.constant 62 : i32
    %while3A_83 = arith.subi %while3A_82, %while3A_81 : i32
    %while3A_84 = arith.addi %while3A_81, %while3A_83 : i32
    %while3A_85 = arith.constant 1 : i32
    %while3A_86 = arith.divsi %while3A_83, %while3A_85 : i32
    %while3A_87 = arith.muli %while3A_86, %while3A_85 : i32
    %while3A_88 = arith.addi %while3A_81, %while3A_87 : i32
    %while3A_89 = arith.constant 1 : i32
    scf.for %while3A_111 = %while3A_81 to %while3A_88 step %while3A_89  : i32 {
      %mul3A_112 = arith.constant 2 : i32
      %mul3A_113 = arith.muli %while3A_111, %mul3A_112 : i32
      %add3A_114 = arith.constant 0 : i32
      %add3A_115 = arith.addi %mul3A_113, %add3A_114 : i32
      %mul3A_116 = arith.constant 80 : i32
      %mul3A_117 = arith.muli %add3A_115, %mul3A_116 : i32
      %dma_wait3A_118 = tpu.memref_slice %arg12[%mul3A_117] : memref<10000xi32, #tpu.memory_space<vmem>> -> memref<80xi32, #tpu.memory_space<vmem>>
      %dma_wait3A_119 = arith.constant 0 : i32
      %dma_wait3A_120 = arith.constant 0 : i32
      %dma_wait3A_121 = tpu.memref_slice %arg2[%dma_wait3A_119, %dma_wait3A_120] : memref<10000x128xf32, #tpu.memory_space<hbm>> -> memref<10000x128xf32, #tpu.memory_space<hbm>>
      tpu.wait_indirect_dma semaphore(%arg25 : memref<!tpu.dma_semaphore, #tpu.memory_space<semaphore_mem>>) src(%dma_wait3A_121 : memref<10000x128xf32, #tpu.memory_space<hbm>>) dst(%arg18 : memref<80x128xf32, #tpu.memory_space<vmem>>)
      %dma_wait3A_122 = tpu.memref_slice %arg13[%mul3A_117] : memref<10000xi32, #tpu.memory_space<vmem>> -> memref<80xi32, #tpu.memory_space<vmem>>
      %dma_wait3A_123 = arith.constant 0 : i32
      %dma_wait3A_124 = arith.constant 0 : i32
      %dma_wait3A_125 = tpu.memref_slice %arg2[%dma_wait3A_123, %dma_wait3A_124] : memref<10000x128xf32, #tpu.memory_space<hbm>> -> memref<10000x128xf32, #tpu.memory_space<hbm>>
      tpu.wait_indirect_dma semaphore(%arg25 : memref<!tpu.dma_semaphore, #tpu.memory_space<semaphore_mem>>) src(%dma_wait3A_125 : memref<10000x128xf32, #tpu.memory_space<hbm>>) dst(%arg19 : memref<80x128xf32, #tpu.memory_space<vmem>>)
      %dma_wait3A_126 = tpu.memref_slice %arg14[%mul3A_117] : memref<10000xi32, #tpu.memory_space<vmem>> -> memref<80xi32, #tpu.memory_space<vmem>>
      %dma_wait3A_127 = arith.constant 0 : i32
      %dma_wait3A_128 = arith.constant 0 : i32
      %dma_wait3A_129 = tpu.memref_slice %arg2[%dma_wait3A_127, %dma_wait3A_128] : memref<10000x128xf32, #tpu.memory_space<hbm>> -> memref<10000x128xf32, #tpu.memory_space<hbm>>
      tpu.wait_indirect_dma semaphore(%arg25 : memref<!tpu.dma_semaphore, #tpu.memory_space<semaphore_mem>>) src(%dma_wait3A_129 : memref<10000x128xf32, #tpu.memory_space<hbm>>) dst(%arg20 : memref<80x128xf32, #tpu.memory_space<vmem>>)
      %mul3A_130 = arith.constant 80 : i32
      %mul3A_131 = arith.muli %add3A_115, %mul3A_130 : i32
      %parallel_loop3A_132 = arith.constant 0 : i32
      %parallel_loop3A_133 = arith.constant 80 : i32
      %parallel_loop3A_134 = arith.constant 2 : i32
      scf.for %parallel_loop3A_167 = %parallel_loop3A_132 to %parallel_loop3A_133 step %parallel_loop3A_134  : i32 {
        %parallel_loop3A_168 = arith.constant 0 : i32
        %parallel_loop3A_169 = arith.addi %parallel_loop3A_167, %parallel_loop3A_168 : i32
        %parallel_loop3A_170 = arith.index_cast %parallel_loop3A_169 : i32 to index
        %parallel_loop3A_171 = arith.constant 0 : index
        %parallel_loop3A_172 = tpu.vector_load %arg18[%parallel_loop3A_170, %parallel_loop3A_171] {strides = array<i32>} : memref<80x128xf32, #tpu.memory_space<vmem>>, vector<16xf32>,
        %parallel_loop3A_173 = arith.index_cast %parallel_loop3A_169 : i32 to index
        %parallel_loop3A_174 = arith.constant 0 : index
        %parallel_loop3A_175 = tpu.vector_load %arg19[%parallel_loop3A_173, %parallel_loop3A_174] {strides = array<i32>} : memref<80x128xf32, #tpu.memory_space<vmem>>, vector<16xf32>,
        %parallel_loop3A_176 = arith.mulf %parallel_loop3A_172, %parallel_loop3A_175 : vector<16xf32>
        %parallel_loop3A_177 = arith.index_cast %parallel_loop3A_169 : i32 to index
        %parallel_loop3A_178 = arith.constant 0 : index
        %parallel_loop3A_179 = tpu.vector_load %arg20[%parallel_loop3A_177, %parallel_loop3A_178] {strides = array<i32>} : memref<80x128xf32, #tpu.memory_space<vmem>>, vector<16xf32>,
        %parallel_loop3A_180 = arith.mulf %parallel_loop3A_172, %parallel_loop3A_179 : vector<16xf32>
        %parallel_loop3A_181 = arith.index_cast %parallel_loop3A_169 : i32 to index
        %parallel_loop3A_182 = arith.constant 16 : index
        %parallel_loop3A_183 = tpu.vector_load %arg18[%parallel_loop3A_181, %parallel_loop3A_182] {strides = array<i32>} : memref<80x128xf32, #tpu.memory_space<vmem>>, vector<16xf32>,
        %parallel_loop3A_184 = arith.index_cast %parallel_loop3A_169 : i32 to index
        %parallel_loop3A_185 = arith.constant 16 : index
        %parallel_loop3A_186 = tpu.vector_load %arg19[%parallel_loop3A_184, %parallel_loop3A_185] {strides = array<i32>} : memref<80x128xf32, #tpu.memory_space<vmem>>, vector<16xf32>,
        %parallel_loop3A_187 = arith.mulf %parallel_loop3A_183, %parallel_loop3A_186 : vector<16xf32>
        %parallel_loop3A_188 = arith.index_cast %parallel_loop3A_169 : i32 to index
        %parallel_loop3A_189 = arith.constant 16 : index
        %parallel_loop3A_190 = tpu.vector_load %arg20[%parallel_loop3A_188, %parallel_loop3A_189] {strides = array<i32>} : memref<80x128xf32, #tpu.memory_space<vmem>>, vector<16xf32>,
        %parallel_loop3A_191 = arith.mulf %parallel_loop3A_183, %parallel_loop3A_190 : vector<16xf32>
        %parallel_loop3A_192 = arith.addf %parallel_loop3A_176, %parallel_loop3A_187 : vector<16xf32>
        %parallel_loop3A_193 = arith.addf %parallel_loop3A_180, %parallel_loop3A_191 : vector<16xf32>
        %parallel_loop3A_194 = arith.index_cast %parallel_loop3A_169 : i32 to index
        %parallel_loop3A_195 = arith.constant 32 : index
        %parallel_loop3A_196 = tpu.vector_load %arg18[%parallel_loop3A_194, %parallel_loop3A_195] {strides = array<i32>} : memref<80x128xf32, #tpu.memory_space<vmem>>, vector<16xf32>,
        %parallel_loop3A_197 = arith.index_cast %parallel_loop3A_169 : i32 to index
        %parallel_loop3A_198 = arith.constant 32 : index
        %parallel_loop3A_199 = tpu.vector_load %arg19[%parallel_loop3A_197, %parallel_loop3A_198] {strides = array<i32>} : memref<80x128xf32, #tpu.memory_space<vmem>>, vector<16xf32>,
        %parallel_loop3A_200 = arith.mulf %parallel_loop3A_196, %parallel_loop3A_199 : vector<16xf32>
        %parallel_loop3A_201 = arith.index_cast %parallel_loop3A_169 : i32 to index
        %parallel_loop3A_202 = arith.constant 32 : index
        %parallel_loop3A_203 = tpu.vector_load %arg20[%parallel_loop3A_201, %parallel_loop3A_202] {strides = array<i32>} : memref<80x128xf32, #tpu.memory_space<vmem>>, vector<16xf32>,
        %parallel_loop3A_204 = arith.mulf %parallel_loop3A_196, %parallel_loop3A_203 : vector<16xf32>
        %parallel_loop3A_205 = arith.addf %parallel_loop3A_192, %parallel_loop3A_200 : vector<16xf32>
        %parallel_loop3A_206 = arith.addf %parallel_loop3A_193, %parallel_loop3A_204 : vector<16xf32>
        %parallel_loop3A_207 = arith.index_cast %parallel_loop3A_169 : i32 to index
        %parallel_loop3A_208 = arith.constant 48 : index
        %parallel_loop3A_209 = tpu.vector_load %arg18[%parallel_loop3A_207, %parallel_loop3A_208] {strides = array<i32>} : memref<80x128xf32, #tpu.memory_space<vmem>>, vector<16xf32>,
        %parallel_loop3A_210 = arith.index_cast %parallel_loop3A_169 : i32 to index
        %parallel_loop3A_211 = arith.constant 48 : index
        %parallel_loop3A_212 = tpu.vector_load %arg19[%parallel_loop3A_210, %parallel_loop3A_211] {strides = array<i32>} : memref<80x128xf32, #tpu.memory_space<vmem>>, vector<16xf32>,
        %parallel_loop3A_213 = arith.mulf %parallel_loop3A_209, %parallel_loop3A_212 : vector<16xf32>
        %parallel_loop3A_214 = arith.index_cast %parallel_loop3A_169 : i32 to index
        %parallel_loop3A_215 = arith.constant 48 : index
        %parallel_loop3A_216 = tpu.vector_load %arg20[%parallel_loop3A_214, %parallel_loop3A_215] {strides = array<i32>} : memref<80x128xf32, #tpu.memory_space<vmem>>, vector<16xf32>,
        %parallel_loop3A_217 = arith.mulf %parallel_loop3A_209, %parallel_loop3A_216 : vector<16xf32>
        %parallel_loop3A_218 = arith.addf %parallel_loop3A_205, %parallel_loop3A_213 : vector<16xf32>
        %parallel_loop3A_219 = arith.addf %parallel_loop3A_206, %parallel_loop3A_217 : vector<16xf32>
        %parallel_loop3A_220 = arith.index_cast %parallel_loop3A_169 : i32 to index
        %parallel_loop3A_221 = arith.constant 64 : index
        %parallel_loop3A_222 = tpu.vector_load %arg18[%parallel_loop3A_220, %parallel_loop3A_221] {strides = array<i32>} : memref<80x128xf32, #tpu.memory_space<vmem>>, vector<16xf32>,
        %parallel_loop3A_223 = arith.index_cast %parallel_loop3A_169 : i32 to index
        %parallel_loop3A_224 = arith.constant 64 : index
        %parallel_loop3A_225 = tpu.vector_load %arg19[%parallel_loop3A_223, %parallel_loop3A_224] {strides = array<i32>} : memref<80x128xf32, #tpu.memory_space<vmem>>, vector<16xf32>,
        %parallel_loop3A_226 = arith.mulf %parallel_loop3A_222, %parallel_loop3A_225 : vector<16xf32>
        %parallel_loop3A_227 = arith.index_cast %parallel_loop3A_169 : i32 to index
        %parallel_loop3A_228 = arith.constant 64 : index
        %parallel_loop3A_229 = tpu.vector_load %arg20[%parallel_loop3A_227, %parallel_loop3A_228] {strides = array<i32>} : memref<80x128xf32, #tpu.memory_space<vmem>>, vector<16xf32>,
        %parallel_loop3A_230 = arith.mulf %parallel_loop3A_222, %parallel_loop3A_229 : vector<16xf32>
        %parallel_loop3A_231 = arith.addf %parallel_loop3A_218, %parallel_loop3A_226 : vector<16xf32>
        %parallel_loop3A_232 = arith.addf %parallel_loop3A_219, %parallel_loop3A_230 : vector<16xf32>
        %parallel_loop3A_233 = arith.index_cast %parallel_loop3A_169 : i32 to index
        %parallel_loop3A_234 = arith.constant 80 : index
        %parallel_loop3A_235 = tpu.vector_load %arg18[%parallel_loop3A_233, %parallel_loop3A_234] {strides = array<i32>} : memref<80x128xf32, #tpu.memory_space<vmem>>, vector<16xf32>,
        %parallel_loop3A_236 = arith.index_cast %parallel_loop3A_169 : i32 to index
        %parallel_loop3A_237 = arith.constant 80 : index
        %parallel_loop3A_238 = tpu.vector_load %arg19[%parallel_loop3A_236, %parallel_loop3A_237] {strides = array<i32>} : memref<80x128xf32, #tpu.memory_space<vmem>>, vector<16xf32>,
        %parallel_loop3A_239 = arith.mulf %parallel_loop3A_235, %parallel_loop3A_238 : vector<16xf32>
        %parallel_loop3A_240 = arith.index_cast %parallel_loop3A_169 : i32 to index
        %parallel_loop3A_241 = arith.constant 80 : index
        %parallel_loop3A_242 = tpu.vector_load %arg20[%parallel_loop3A_240, %parallel_loop3A_241] {strides = array<i32>} : memref<80x128xf32, #tpu.memory_space<vmem>>, vector<16xf32>,
        %parallel_loop3A_243 = arith.mulf %parallel_loop3A_235, %parallel_loop3A_242 : vector<16xf32>
        %parallel_loop3A_244 = arith.addf %parallel_loop3A_231, %parallel_loop3A_239 : vector<16xf32>
        %parallel_loop3A_245 = arith.addf %parallel_loop3A_232, %parallel_loop3A_243 : vector<16xf32>
        %parallel_loop3A_246 = arith.index_cast %parallel_loop3A_169 : i32 to index
        %parallel_loop3A_247 = arith.constant 96 : index
        %parallel_loop3A_248 = tpu.vector_load %arg18[%parallel_loop3A_246, %parallel_loop3A_247] {strides = array<i32>} : memref<80x128xf32, #tpu.memory_space<vmem>>, vector<16xf32>,
        %parallel_loop3A_249 = arith.index_cast %parallel_loop3A_169 : i32 to index
        %parallel_loop3A_250 = arith.constant 96 : index
        %parallel_loop3A_251 = tpu.vector_load %arg19[%parallel_loop3A_249, %parallel_loop3A_250] {strides = array<i32>} : memref<80x128xf32, #tpu.memory_space<vmem>>, vector<16xf32>,
        %parallel_loop3A_252 = arith.mulf %parallel_loop3A_248, %parallel_loop3A_251 : vector<16xf32>
        %parallel_loop3A_253 = arith.index_cast %parallel_loop3A_169 : i32 to index
        %parallel_loop3A_254 = arith.constant 96 : index
        %parallel_loop3A_255 = tpu.vector_load %arg20[%parallel_loop3A_253, %parallel_loop3A_254] {strides = array<i32>} : memref<80x128xf32, #tpu.memory_space<vmem>>, vector<16xf32>,
        %parallel_loop3A_256 = arith.mulf %parallel_loop3A_248, %parallel_loop3A_255 : vector<16xf32>
        %parallel_loop3A_257 = arith.addf %parallel_loop3A_244, %parallel_loop3A_252 : vector<16xf32>
        %parallel_loop3A_258 = arith.addf %parallel_loop3A_245, %parallel_loop3A_256 : vector<16xf32>
        %parallel_loop3A_259 = arith.index_cast %parallel_loop3A_169 : i32 to index
        %parallel_loop3A_260 = arith.constant 112 : index
        %parallel_loop3A_261 = tpu.vector_load %arg18[%parallel_loop3A_259, %parallel_loop3A_260] {strides = array<i32>} : memref<80x128xf32, #tpu.memory_space<vmem>>, vector<16xf32>,
        %parallel_loop3A_262 = arith.index_cast %parallel_loop3A_169 : i32 to index
        %parallel_loop3A_263 = arith.constant 112 : index
        %parallel_loop3A_264 = tpu.vector_load %arg19[%parallel_loop3A_262, %parallel_loop3A_263] {strides = array<i32>} : memref<80x128xf32, #tpu.memory_space<vmem>>, vector<16xf32>,
        %parallel_loop3A_265 = arith.mulf %parallel_loop3A_261, %parallel_loop3A_264 : vector<16xf32>
        %parallel_loop3A_266 = arith.index_cast %parallel_loop3A_169 : i32 to index
        %parallel_loop3A_267 = arith.constant 112 : index
        %parallel_loop3A_268 = tpu.vector_load %arg20[%parallel_loop3A_266, %parallel_loop3A_267] {strides = array<i32>} : memref<80x128xf32, #tpu.memory_space<vmem>>, vector<16xf32>,
        %parallel_loop3A_269 = arith.mulf %parallel_loop3A_261, %parallel_loop3A_268 : vector<16xf32>
        %parallel_loop3A_270 = arith.addf %parallel_loop3A_257, %parallel_loop3A_265 : vector<16xf32>
        %parallel_loop3A_271 = arith.addf %parallel_loop3A_258, %parallel_loop3A_269 : vector<16xf32>
        %parallel_loop3A_272 = arith.constant 0 : i32
        %parallel_loop3A_273 = vector.broadcast %parallel_loop3A_272 : i32 to vector<16xi32>
        %parallel_loop3A_274 = arith.cmpi slt, %xor3A_14, %parallel_loop3A_273 : vector<16xi32>
        %parallel_loop3A_275 = arith.constant 16 : i32
        %parallel_loop3A_276 = vector.broadcast %parallel_loop3A_275 : i32 to vector<16xi32>
        %parallel_loop3A_277 = arith.addi %xor3A_14, %parallel_loop3A_276 : vector<16xi32>
        %parallel_loop3A_278 = arith.select %parallel_loop3A_274, %parallel_loop3A_277, %xor3A_14 : vector<16xi1>, vector<16xi32>
        %parallel_loop3A_279 = vector.shape_cast %parallel_loop3A_278 : vector<16xi32> to vector<16x1xi32>
        %parallel_loop3A_280 = vector.shape_cast %parallel_loop3A_279 : vector<16x1xi32> to vector<16xi32>
        %parallel_loop3A_281 = tpu.dynamic_gather %parallel_loop3A_270[%parallel_loop3A_280] in [0] : vector<16xf32>, vector<16xi32> -> vector<16xf32>
        %parallel_loop3A_282 = arith.addf %parallel_loop3A_270, %parallel_loop3A_281 : vector<16xf32>
        %parallel_loop3A_283 = arith.constant 0 : i32
        %parallel_loop3A_284 = vector.broadcast %parallel_loop3A_283 : i32 to vector<16xi32>
        %parallel_loop3A_285 = arith.cmpi slt, %xor3A_14, %parallel_loop3A_284 : vector<16xi32>
        %parallel_loop3A_286 = arith.constant 16 : i32
        %parallel_loop3A_287 = vector.broadcast %parallel_loop3A_286 : i32 to vector<16xi32>
        %parallel_loop3A_288 = arith.addi %xor3A_14, %parallel_loop3A_287 : vector<16xi32>
        %parallel_loop3A_289 = arith.select %parallel_loop3A_285, %parallel_loop3A_288, %xor3A_14 : vector<16xi1>, vector<16xi32>
        %parallel_loop3A_290 = vector.shape_cast %parallel_loop3A_289 : vector<16xi32> to vector<16x1xi32>
        %parallel_loop3A_291 = vector.shape_cast %parallel_loop3A_290 : vector<16x1xi32> to vector<16xi32>
        %parallel_loop3A_292 = tpu.dynamic_gather %parallel_loop3A_271[%parallel_loop3A_291] in [0] : vector<16xf32>, vector<16xi32> -> vector<16xf32>
        %parallel_loop3A_293 = arith.addf %parallel_loop3A_271, %parallel_loop3A_292 : vector<16xf32>
        %parallel_loop3A_294 = arith.select %eq3A_12, %parallel_loop3A_282, %parallel_loop3A_293 : vector<16xi1>, vector<16xf32>
        %parallel_loop3A_295 = arith.constant 0 : i32
        %parallel_loop3A_296 = vector.broadcast %parallel_loop3A_295 : i32 to vector<16xi32>
        %parallel_loop3A_297 = arith.cmpi slt, %xor3A_17, %parallel_loop3A_296 : vector<16xi32>
        %parallel_loop3A_298 = arith.constant 16 : i32
        %parallel_loop3A_299 = vector.broadcast %parallel_loop3A_298 : i32 to vector<16xi32>
        %parallel_loop3A_300 = arith.addi %xor3A_17, %parallel_loop3A_299 : vector<16xi32>
        %parallel_loop3A_301 = arith.select %parallel_loop3A_297, %parallel_loop3A_300, %xor3A_17 : vector<16xi1>, vector<16xi32>
        %parallel_loop3A_302 = vector.shape_cast %parallel_loop3A_301 : vector<16xi32> to vector<16x1xi32>
        %parallel_loop3A_303 = vector.shape_cast %parallel_loop3A_302 : vector<16x1xi32> to vector<16xi32>
        %parallel_loop3A_304 = tpu.dynamic_gather %parallel_loop3A_294[%parallel_loop3A_303] in [0] : vector<16xf32>, vector<16xi32> -> vector<16xf32>
        %parallel_loop3A_305 = arith.addf %parallel_loop3A_294, %parallel_loop3A_304 : vector<16xf32>
        %parallel_loop3A_306 = arith.constant 0 : i32
        %parallel_loop3A_307 = vector.broadcast %parallel_loop3A_306 : i32 to vector<16xi32>
        %parallel_loop3A_308 = arith.cmpi slt, %xor3A_20, %parallel_loop3A_307 : vector<16xi32>
        %parallel_loop3A_309 = arith.constant 16 : i32
        %parallel_loop3A_310 = vector.broadcast %parallel_loop3A_309 : i32 to vector<16xi32>
        %parallel_loop3A_311 = arith.addi %xor3A_20, %parallel_loop3A_310 : vector<16xi32>
        %parallel_loop3A_312 = arith.select %parallel_loop3A_308, %parallel_loop3A_311, %xor3A_20 : vector<16xi1>, vector<16xi32>
        %parallel_loop3A_313 = vector.shape_cast %parallel_loop3A_312 : vector<16xi32> to vector<16x1xi32>
        %parallel_loop3A_314 = vector.shape_cast %parallel_loop3A_313 : vector<16x1xi32> to vector<16xi32>
        %parallel_loop3A_315 = tpu.dynamic_gather %parallel_loop3A_305[%parallel_loop3A_314] in [0] : vector<16xf32>, vector<16xi32> -> vector<16xf32>
        %parallel_loop3A_316 = arith.addf %parallel_loop3A_305, %parallel_loop3A_315 : vector<16xf32>
        %parallel_loop3A_317 = arith.constant 0 : i32
        %parallel_loop3A_318 = vector.broadcast %parallel_loop3A_317 : i32 to vector<16xi32>
        %parallel_loop3A_319 = arith.cmpi slt, %xor3A_23, %parallel_loop3A_318 : vector<16xi32>
        %parallel_loop3A_320 = arith.constant 16 : i32
        %parallel_loop3A_321 = vector.broadcast %parallel_loop3A_320 : i32 to vector<16xi32>
        %parallel_loop3A_322 = arith.addi %xor3A_23, %parallel_loop3A_321 : vector<16xi32>
        %parallel_loop3A_323 = arith.select %parallel_loop3A_319, %parallel_loop3A_322, %xor3A_23 : vector<16xi1>, vector<16xi32>
        %parallel_loop3A_324 = vector.shape_cast %parallel_loop3A_323 : vector<16xi32> to vector<16x1xi32>
        %parallel_loop3A_325 = vector.shape_cast %parallel_loop3A_324 : vector<16x1xi32> to vector<16xi32>
        %parallel_loop3A_326 = tpu.dynamic_gather %parallel_loop3A_316[%parallel_loop3A_325] in [0] : vector<16xf32>, vector<16xi32> -> vector<16xf32>
        %parallel_loop3A_327 = arith.addf %parallel_loop3A_316, %parallel_loop3A_326 : vector<16xf32>
        %parallel_loop3A_328 = arith.addi %mul3A_131, %parallel_loop3A_169 : i32
        %parallel_loop3A_329 = vector.broadcast %parallel_loop3A_328 : i32 to vector<16xi32>
        tpu.vector_store_idx %arg16[%parallel_loop3A_329], %parallel_loop3A_327 masked %eq3A_4 : memref<10000xf32, #tpu.memory_space<vmem>>[vector<16xi32>], vector<16xf32>, vector<16xi1>
        tpu.vector_store_idx %arg17[%parallel_loop3A_329], %parallel_loop3A_327 masked %eq3A_7 : memref<10000xf32, #tpu.memory_space<vmem>>[vector<16xi32>], vector<16xf32>, vector<16xi1>
        %parallel_loop3A_330 = arith.constant 1 : i32
        %parallel_loop3A_331 = arith.addi %parallel_loop3A_167, %parallel_loop3A_330 : i32
        %parallel_loop3A_332 = arith.index_cast %parallel_loop3A_331 : i32 to index
        %parallel_loop3A_333 = arith.constant 0 : index
        %parallel_loop3A_334 = tpu.vector_load %arg18[%parallel_loop3A_332, %parallel_loop3A_333] {strides = array<i32>} : memref<80x128xf32, #tpu.memory_space<vmem>>, vector<16xf32>,
        %parallel_loop3A_335 = arith.index_cast %parallel_loop3A_331 : i32 to index
        %parallel_loop3A_336 = arith.constant 0 : index
        %parallel_loop3A_337 = tpu.vector_load %arg19[%parallel_loop3A_335, %parallel_loop3A_336] {strides = array<i32>} : memref<80x128xf32, #tpu.memory_space<vmem>>, vector<16xf32>,
        %parallel_loop3A_338 = arith.mulf %parallel_loop3A_334, %parallel_loop3A_337 : vector<16xf32>
        %parallel_loop3A_339 = arith.index_cast %parallel_loop3A_331 : i32 to index
        %parallel_loop3A_340 = arith.constant 0 : index
        %parallel_loop3A_341 = tpu.vector_load %arg20[%parallel_loop3A_339, %parallel_loop3A_340] {strides = array<i32>} : memref<80x128xf32, #tpu.memory_space<vmem>>, vector<16xf32>,
        %parallel_loop3A_342 = arith.mulf %parallel_loop3A_334, %parallel_loop3A_341 : vector<16xf32>
        %parallel_loop3A_343 = arith.index_cast %parallel_loop3A_331 : i32 to index
        %parallel_loop3A_344 = arith.constant 16 : index
        %parallel_loop3A_345 = tpu.vector_load %arg18[%parallel_loop3A_343, %parallel_loop3A_344] {strides = array<i32>} : memref<80x128xf32, #tpu.memory_space<vmem>>, vector<16xf32>,
        %parallel_loop3A_346 = arith.index_cast %parallel_loop3A_331 : i32 to index
        %parallel_loop3A_347 = arith.constant 16 : index
        %parallel_loop3A_348 = tpu.vector_load %arg19[%parallel_loop3A_346, %parallel_loop3A_347] {strides = array<i32>} : memref<80x128xf32, #tpu.memory_space<vmem>>, vector<16xf32>,
        %parallel_loop3A_349 = arith.mulf %parallel_loop3A_345, %parallel_loop3A_348 : vector<16xf32>
        %parallel_loop3A_350 = arith.index_cast %parallel_loop3A_331 : i32 to index
        %parallel_loop3A_351 = arith.constant 16 : index
        %parallel_loop3A_352 = tpu.vector_load %arg20[%parallel_loop3A_350, %parallel_loop3A_351] {strides = array<i32>} : memref<80x128xf32, #tpu.memory_space<vmem>>, vector<16xf32>,
        %parallel_loop3A_353 = arith.mulf %parallel_loop3A_345, %parallel_loop3A_352 : vector<16xf32>
        %parallel_loop3A_354 = arith.addf %parallel_loop3A_338, %parallel_loop3A_349 : vector<16xf32>
        %parallel_loop3A_355 = arith.addf %parallel_loop3A_342, %parallel_loop3A_353 : vector<16xf32>
        %parallel_loop3A_356 = arith.index_cast %parallel_loop3A_331 : i32 to index
        %parallel_loop3A_357 = arith.constant 32 : index
        %parallel_loop3A_358 = tpu.vector_load %arg18[%parallel_loop3A_356, %parallel_loop3A_357] {strides = array<i32>} : memref<80x128xf32, #tpu.memory_space<vmem>>, vector<16xf32>,
        %parallel_loop3A_359 = arith.index_cast %parallel_loop3A_331 : i32 to index
        %parallel_loop3A_360 = arith.constant 32 : index
        %parallel_loop3A_361 = tpu.vector_load %arg19[%parallel_loop3A_359, %parallel_loop3A_360] {strides = array<i32>} : memref<80x128xf32, #tpu.memory_space<vmem>>, vector<16xf32>,
        %parallel_loop3A_362 = arith.mulf %parallel_loop3A_358, %parallel_loop3A_361 : vector<16xf32>
        %parallel_loop3A_363 = arith.index_cast %parallel_loop3A_331 : i32 to index
        %parallel_loop3A_364 = arith.constant 32 : index
        %parallel_loop3A_365 = tpu.vector_load %arg20[%parallel_loop3A_363, %parallel_loop3A_364] {strides = array<i32>} : memref<80x128xf32, #tpu.memory_space<vmem>>, vector<16xf32>,
        %parallel_loop3A_366 = arith.mulf %parallel_loop3A_358, %parallel_loop3A_365 : vector<16xf32>
        %parallel_loop3A_367 = arith.addf %parallel_loop3A_354, %parallel_loop3A_362 : vector<16xf32>
        %parallel_loop3A_368 = arith.addf %parallel_loop3A_355, %parallel_loop3A_366 : vector<16xf32>
        %parallel_loop3A_369 = arith.index_cast %parallel_loop3A_331 : i32 to index
        %parallel_loop3A_370 = arith.constant 48 : index
        %parallel_loop3A_371 = tpu.vector_load %arg18[%parallel_loop3A_369, %parallel_loop3A_370] {strides = array<i32>} : memref<80x128xf32, #tpu.memory_space<vmem>>, vector<16xf32>,
        %parallel_loop3A_372 = arith.index_cast %parallel_loop3A_331 : i32 to index
        %parallel_loop3A_373 = arith.constant 48 : index
        %parallel_loop3A_374 = tpu.vector_load %arg19[%parallel_loop3A_372, %parallel_loop3A_373] {strides = array<i32>} : memref<80x128xf32, #tpu.memory_space<vmem>>, vector<16xf32>,
        %parallel_loop3A_375 = arith.mulf %parallel_loop3A_371, %parallel_loop3A_374 : vector<16xf32>
        %parallel_loop3A_376 = arith.index_cast %parallel_loop3A_331 : i32 to index
        %parallel_loop3A_377 = arith.constant 48 : index
        %parallel_loop3A_378 = tpu.vector_load %arg20[%parallel_loop3A_376, %parallel_loop3A_377] {strides = array<i32>} : memref<80x128xf32, #tpu.memory_space<vmem>>, vector<16xf32>,
        %parallel_loop3A_379 = arith.mulf %parallel_loop3A_371, %parallel_loop3A_378 : vector<16xf32>
        %parallel_loop3A_380 = arith.addf %parallel_loop3A_367, %parallel_loop3A_375 : vector<16xf32>
        %parallel_loop3A_381 = arith.addf %parallel_loop3A_368, %parallel_loop3A_379 : vector<16xf32>
        %parallel_loop3A_382 = arith.index_cast %parallel_loop3A_331 : i32 to index
        %parallel_loop3A_383 = arith.constant 64 : index
        %parallel_loop3A_384 = tpu.vector_load %arg18[%parallel_loop3A_382, %parallel_loop3A_383] {strides = array<i32>} : memref<80x128xf32, #tpu.memory_space<vmem>>, vector<16xf32>,
        %parallel_loop3A_385 = arith.index_cast %parallel_loop3A_331 : i32 to index
        %parallel_loop3A_386 = arith.constant 64 : index
        %parallel_loop3A_387 = tpu.vector_load %arg19[%parallel_loop3A_385, %parallel_loop3A_386] {strides = array<i32>} : memref<80x128xf32, #tpu.memory_space<vmem>>, vector<16xf32>,
        %parallel_loop3A_388 = arith.mulf %parallel_loop3A_384, %parallel_loop3A_387 : vector<16xf32>
        %parallel_loop3A_389 = arith.index_cast %parallel_loop3A_331 : i32 to index
        %parallel_loop3A_390 = arith.constant 64 : index
        %parallel_loop3A_391 = tpu.vector_load %arg20[%parallel_loop3A_389, %parallel_loop3A_390] {strides = array<i32>} : memref<80x128xf32, #tpu.memory_space<vmem>>, vector<16xf32>,
        %parallel_loop3A_392 = arith.mulf %parallel_loop3A_384, %parallel_loop3A_391 : vector<16xf32>
        %parallel_loop3A_393 = arith.addf %parallel_loop3A_380, %parallel_loop3A_388 : vector<16xf32>
        %parallel_loop3A_394 = arith.addf %parallel_loop3A_381, %parallel_loop3A_392 : vector<16xf32>
        %parallel_loop3A_395 = arith.index_cast %parallel_loop3A_331 : i32 to index
        %parallel_loop3A_396 = arith.constant 80 : index
        %parallel_loop3A_397 = tpu.vector_load %arg18[%parallel_loop3A_395, %parallel_loop3A_396] {strides = array<i32>} : memref<80x128xf32, #tpu.memory_space<vmem>>, vector<16xf32>,
        %parallel_loop3A_398 = arith.index_cast %parallel_loop3A_331 : i32 to index
        %parallel_loop3A_399 = arith.constant 80 : index
        %parallel_loop3A_400 = tpu.vector_load %arg19[%parallel_loop3A_398, %parallel_loop3A_399] {strides = array<i32>} : memref<80x128xf32, #tpu.memory_space<vmem>>, vector<16xf32>,
        %parallel_loop3A_401 = arith.mulf %parallel_loop3A_397, %parallel_loop3A_400 : vector<16xf32>
        %parallel_loop3A_402 = arith.index_cast %parallel_loop3A_331 : i32 to index
        %parallel_loop3A_403 = arith.constant 80 : index
        %parallel_loop3A_404 = tpu.vector_load %arg20[%parallel_loop3A_402, %parallel_loop3A_403] {strides = array<i32>} : memref<80x128xf32, #tpu.memory_space<vmem>>, vector<16xf32>,
        %parallel_loop3A_405 = arith.mulf %parallel_loop3A_397, %parallel_loop3A_404 : vector<16xf32>
        %parallel_loop3A_406 = arith.addf %parallel_loop3A_393, %parallel_loop3A_401 : vector<16xf32>
        %parallel_loop3A_407 = arith.addf %parallel_loop3A_394, %parallel_loop3A_405 : vector<16xf32>
        %parallel_loop3A_408 = arith.index_cast %parallel_loop3A_331 : i32 to index
        %parallel_loop3A_409 = arith.constant 96 : index
        %parallel_loop3A_410 = tpu.vector_load %arg18[%parallel_loop3A_408, %parallel_loop3A_409] {strides = array<i32>} : memref<80x128xf32, #tpu.memory_space<vmem>>, vector<16xf32>,
        %parallel_loop3A_411 = arith.index_cast %parallel_loop3A_331 : i32 to index
        %parallel_loop3A_412 = arith.constant 96 : index
        %parallel_loop3A_413 = tpu.vector_load %arg19[%parallel_loop3A_411, %parallel_loop3A_412] {strides = array<i32>} : memref<80x128xf32, #tpu.memory_space<vmem>>, vector<16xf32>,
        %parallel_loop3A_414 = arith.mulf %parallel_loop3A_410, %parallel_loop3A_413 : vector<16xf32>
        %parallel_loop3A_415 = arith.index_cast %parallel_loop3A_331 : i32 to index
        %parallel_loop3A_416 = arith.constant 96 : index
        %parallel_loop3A_417 = tpu.vector_load %arg20[%parallel_loop3A_415, %parallel_loop3A_416] {strides = array<i32>} : memref<80x128xf32, #tpu.memory_space<vmem>>, vector<16xf32>,
        %parallel_loop3A_418 = arith.mulf %parallel_loop3A_410, %parallel_loop3A_417 : vector<16xf32>
        %parallel_loop3A_419 = arith.addf %parallel_loop3A_406, %parallel_loop3A_414 : vector<16xf32>
        %parallel_loop3A_420 = arith.addf %parallel_loop3A_407, %parallel_loop3A_418 : vector<16xf32>
        %parallel_loop3A_421 = arith.index_cast %parallel_loop3A_331 : i32 to index
        %parallel_loop3A_422 = arith.constant 112 : index
        %parallel_loop3A_423 = tpu.vector_load %arg18[%parallel_loop3A_421, %parallel_loop3A_422] {strides = array<i32>} : memref<80x128xf32, #tpu.memory_space<vmem>>, vector<16xf32>,
        %parallel_loop3A_424 = arith.index_cast %parallel_loop3A_331 : i32 to index
        %parallel_loop3A_425 = arith.constant 112 : index
        %parallel_loop3A_426 = tpu.vector_load %arg19[%parallel_loop3A_424, %parallel_loop3A_425] {strides = array<i32>} : memref<80x128xf32, #tpu.memory_space<vmem>>, vector<16xf32>,
        %parallel_loop3A_427 = arith.mulf %parallel_loop3A_423, %parallel_loop3A_426 : vector<16xf32>
        %parallel_loop3A_428 = arith.index_cast %parallel_loop3A_331 : i32 to index
        %parallel_loop3A_429 = arith.constant 112 : index
        %parallel_loop3A_430 = tpu.vector_load %arg20[%parallel_loop3A_428, %parallel_loop3A_429] {strides = array<i32>} : memref<80x128xf32, #tpu.memory_space<vmem>>, vector<16xf32>,
        %parallel_loop3A_431 = arith.mulf %parallel_loop3A_423, %parallel_loop3A_430 : vector<16xf32>
        %parallel_loop3A_432 = arith.addf %parallel_loop3A_419, %parallel_loop3A_427 : vector<16xf32>
        %parallel_loop3A_433 = arith.addf %parallel_loop3A_420, %parallel_loop3A_431 : vector<16xf32>
        %parallel_loop3A_434 = arith.constant 0 : i32
        %parallel_loop3A_435 = vector.broadcast %parallel_loop3A_434 : i32 to vector<16xi32>
        %parallel_loop3A_436 = arith.cmpi slt, %xor3A_14, %parallel_loop3A_435 : vector<16xi32>
        %parallel_loop3A_437 = arith.constant 16 : i32
        %parallel_loop3A_438 = vector.broadcast %parallel_loop3A_437 : i32 to vector<16xi32>
        %parallel_loop3A_439 = arith.addi %xor3A_14, %parallel_loop3A_438 : vector<16xi32>
        %parallel_loop3A_440 = arith.select %parallel_loop3A_436, %parallel_loop3A_439, %xor3A_14 : vector<16xi1>, vector<16xi32>
        %parallel_loop3A_441 = vector.shape_cast %parallel_loop3A_440 : vector<16xi32> to vector<16x1xi32>
        %parallel_loop3A_442 = vector.shape_cast %parallel_loop3A_441 : vector<16x1xi32> to vector<16xi32>
        %parallel_loop3A_443 = tpu.dynamic_gather %parallel_loop3A_432[%parallel_loop3A_442] in [0] : vector<16xf32>, vector<16xi32> -> vector<16xf32>
        %parallel_loop3A_444 = arith.addf %parallel_loop3A_432, %parallel_loop3A_443 : vector<16xf32>
        %parallel_loop3A_445 = arith.constant 0 : i32
        %parallel_loop3A_446 = vector.broadcast %parallel_loop3A_445 : i32 to vector<16xi32>
        %parallel_loop3A_447 = arith.cmpi slt, %xor3A_14, %parallel_loop3A_446 : vector<16xi32>
        %parallel_loop3A_448 = arith.constant 16 : i32
        %parallel_loop3A_449 = vector.broadcast %parallel_loop3A_448 : i32 to vector<16xi32>
        %parallel_loop3A_450 = arith.addi %xor3A_14, %parallel_loop3A_449 : vector<16xi32>
        %parallel_loop3A_451 = arith.select %parallel_loop3A_447, %parallel_loop3A_450, %xor3A_14 : vector<16xi1>, vector<16xi32>
        %parallel_loop3A_452 = vector.shape_cast %parallel_loop3A_451 : vector<16xi32> to vector<16x1xi32>
        %parallel_loop3A_453 = vector.shape_cast %parallel_loop3A_452 : vector<16x1xi32> to vector<16xi32>
        %parallel_loop3A_454 = tpu.dynamic_gather %parallel_loop3A_433[%parallel_loop3A_453] in [0] : vector<16xf32>, vector<16xi32> -> vector<16xf32>
        %parallel_loop3A_455 = arith.addf %parallel_loop3A_433, %parallel_loop3A_454 : vector<16xf32>
        %parallel_loop3A_456 = arith.select %eq3A_12, %parallel_loop3A_444, %parallel_loop3A_455 : vector<16xi1>, vector<16xf32>
        %parallel_loop3A_457 = arith.constant 0 : i32
        %parallel_loop3A_458 = vector.broadcast %parallel_loop3A_457 : i32 to vector<16xi32>
        %parallel_loop3A_459 = arith.cmpi slt, %xor3A_17, %parallel_loop3A_458 : vector<16xi32>
        %parallel_loop3A_460 = arith.constant 16 : i32
        %parallel_loop3A_461 = vector.broadcast %parallel_loop3A_460 : i32 to vector<16xi32>
        %parallel_loop3A_462 = arith.addi %xor3A_17, %parallel_loop3A_461 : vector<16xi32>
        %parallel_loop3A_463 = arith.select %parallel_loop3A_459, %parallel_loop3A_462, %xor3A_17 : vector<16xi1>, vector<16xi32>
        %parallel_loop3A_464 = vector.shape_cast %parallel_loop3A_463 : vector<16xi32> to vector<16x1xi32>
        %parallel_loop3A_465 = vector.shape_cast %parallel_loop3A_464 : vector<16x1xi32> to vector<16xi32>
        %parallel_loop3A_466 = tpu.dynamic_gather %parallel_loop3A_456[%parallel_loop3A_465] in [0] : vector<16xf32>, vector<16xi32> -> vector<16xf32>
        %parallel_loop3A_467 = arith.addf %parallel_loop3A_456, %parallel_loop3A_466 : vector<16xf32>
        %parallel_loop3A_468 = arith.constant 0 : i32
        %parallel_loop3A_469 = vector.broadcast %parallel_loop3A_468 : i32 to vector<16xi32>
        %parallel_loop3A_470 = arith.cmpi slt, %xor3A_20, %parallel_loop3A_469 : vector<16xi32>
        %parallel_loop3A_471 = arith.constant 16 : i32
        %parallel_loop3A_472 = vector.broadcast %parallel_loop3A_471 : i32 to vector<16xi32>
        %parallel_loop3A_473 = arith.addi %xor3A_20, %parallel_loop3A_472 : vector<16xi32>
        %parallel_loop3A_474 = arith.select %parallel_loop3A_470, %parallel_loop3A_473, %xor3A_20 : vector<16xi1>, vector<16xi32>
        %parallel_loop3A_475 = vector.shape_cast %parallel_loop3A_474 : vector<16xi32> to vector<16x1xi32>
        %parallel_loop3A_476 = vector.shape_cast %parallel_loop3A_475 : vector<16x1xi32> to vector<16xi32>
        %parallel_loop3A_477 = tpu.dynamic_gather %parallel_loop3A_467[%parallel_loop3A_476] in [0] : vector<16xf32>, vector<16xi32> -> vector<16xf32>
        %parallel_loop3A_478 = arith.addf %parallel_loop3A_467, %parallel_loop3A_477 : vector<16xf32>
        %parallel_loop3A_479 = arith.constant 0 : i32
        %parallel_loop3A_480 = vector.broadcast %parallel_loop3A_479 : i32 to vector<16xi32>
        %parallel_loop3A_481 = arith.cmpi slt, %xor3A_23, %parallel_loop3A_480 : vector<16xi32>
        %parallel_loop3A_482 = arith.constant 16 : i32
        %parallel_loop3A_483 = vector.broadcast %parallel_loop3A_482 : i32 to vector<16xi32>
        %parallel_loop3A_484 = arith.addi %xor3A_23, %parallel_loop3A_483 : vector<16xi32>
        %parallel_loop3A_485 = arith.select %parallel_loop3A_481, %parallel_loop3A_484, %xor3A_23 : vector<16xi1>, vector<16xi32>
        %parallel_loop3A_486 = vector.shape_cast %parallel_loop3A_485 : vector<16xi32> to vector<16x1xi32>
        %parallel_loop3A_487 = vector.shape_cast %parallel_loop3A_486 : vector<16x1xi32> to vector<16xi32>
        %parallel_loop3A_488 = tpu.dynamic_gather %parallel_loop3A_478[%parallel_loop3A_487] in [0] : vector<16xf32>, vector<16xi32> -> vector<16xf32>
        %parallel_loop3A_489 = arith.addf %parallel_loop3A_478, %parallel_loop3A_488 : vector<16xf32>
        %parallel_loop3A_490 = arith.addi %mul3A_131, %parallel_loop3A_331 : i32
        %parallel_loop3A_491 = vector.broadcast %parallel_loop3A_490 : i32 to vector<16xi32>
        tpu.vector_store_idx %arg16[%parallel_loop3A_491], %parallel_loop3A_489 masked %eq3A_4 : memref<10000xf32, #tpu.memory_space<vmem>>[vector<16xi32>], vector<16xf32>, vector<16xi1>
        tpu.vector_store_idx %arg17[%parallel_loop3A_491], %parallel_loop3A_489 masked %eq3A_7 : memref<10000xf32, #tpu.memory_space<vmem>>[vector<16xi32>], vector<16xf32>, vector<16xi1>
      } {sc.loop_unroll_factor = 2 : i64, sc.parallel_access}
      %add3A_135 = arith.constant 2 : i32
      %add3A_136 = arith.addi %add3A_115, %add3A_135 : i32
      %lt3A = arith.constant 125 : i32
      %lt3A_137 = arith.cmpi slt, %add3A_136, %lt3A : i32
      %convert_element_type3A = arith.extui %lt3A_137 : i1 to i32
      %cond3A = arith.constant 0 : i32
      %cond3A_138 = arith.cmpi ne, %convert_element_type3A, %cond3A : i32
      scf.if %cond3A_138 {
        %add3A_167 = arith.constant 2 : i32
        %add3A_168 = arith.addi %add3A_115, %add3A_167 : i32
        %mul3A_169 = arith.constant 80 : i32
        %mul3A_170 = arith.muli %add3A_168, %mul3A_169 : i32
        %dma_start3A_171 = tpu.memref_slice %arg12[%mul3A_170] : memref<10000xi32, #tpu.memory_space<vmem>> -> memref<80xi32, #tpu.memory_space<vmem>>
        %dma_start3A_172 = arith.constant 0 : i32
        %dma_start3A_173 = arith.constant 0 : i32
        %dma_start3A_174 = tpu.memref_slice %arg2[%dma_start3A_172, %dma_start3A_173] : memref<10000x128xf32, #tpu.memory_space<hbm>> -> memref<10000x128xf32, #tpu.memory_space<hbm>>
        tpu.enqueue_indirect_dma source(%dma_start3A_174 : memref<10000x128xf32, #tpu.memory_space<hbm>>) target(%arg18 : memref<80x128xf32, #tpu.memory_space<vmem>>) offsets(%dma_start3A_171 : memref<80xi32, #tpu.memory_space<vmem>>) semaphore(%arg25 : memref<!tpu.dma_semaphore, #tpu.memory_space<semaphore_mem>>)
        %dma_start3A_175 = tpu.memref_slice %arg13[%mul3A_170] : memref<10000xi32, #tpu.memory_space<vmem>> -> memref<80xi32, #tpu.memory_space<vmem>>
        %dma_start3A_176 = arith.constant 0 : i32
        %dma_start3A_177 = arith.constant 0 : i32
        %dma_start3A_178 = tpu.memref_slice %arg2[%dma_start3A_176, %dma_start3A_177] : memref<10000x128xf32, #tpu.memory_space<hbm>> -> memref<10000x128xf32, #tpu.memory_space<hbm>>
        tpu.enqueue_indirect_dma source(%dma_start3A_178 : memref<10000x128xf32, #tpu.memory_space<hbm>>) target(%arg19 : memref<80x128xf32, #tpu.memory_space<vmem>>) offsets(%dma_start3A_175 : memref<80xi32, #tpu.memory_space<vmem>>) semaphore(%arg25 : memref<!tpu.dma_semaphore, #tpu.memory_space<semaphore_mem>>)
        %dma_start3A_179 = tpu.memref_slice %arg14[%mul3A_170] : memref<10000xi32, #tpu.memory_space<vmem>> -> memref<80xi32, #tpu.memory_space<vmem>>
        %dma_start3A_180 = arith.constant 0 : i32
        %dma_start3A_181 = arith.constant 0 : i32
        %dma_start3A_182 = tpu.memref_slice %arg2[%dma_start3A_180, %dma_start3A_181] : memref<10000x128xf32, #tpu.memory_space<hbm>> -> memref<10000x128xf32, #tpu.memory_space<hbm>>
        tpu.enqueue_indirect_dma source(%dma_start3A_182 : memref<10000x128xf32, #tpu.memory_space<hbm>>) target(%arg20 : memref<80x128xf32, #tpu.memory_space<vmem>>) offsets(%dma_start3A_179 : memref<80xi32, #tpu.memory_space<vmem>>) semaphore(%arg25 : memref<!tpu.dma_semaphore, #tpu.memory_space<semaphore_mem>>)
      } else {
      }
      %add3A_139 = arith.constant 1 : i32
      %add3A_140 = arith.addi %mul3A_113, %add3A_139 : i32
      %mul3A_141 = arith.constant 80 : i32
      %mul3A_142 = arith.muli %add3A_140, %mul3A_141 : i32
      %dma_wait3A_143 = tpu.memref_slice %arg12[%mul3A_142] : memref<10000xi32, #tpu.memory_space<vmem>> -> memref<80xi32, #tpu.memory_space<vmem>>
      %dma_wait3A_144 = arith.constant 0 : i32
      %dma_wait3A_145 = arith.constant 0 : i32
      %dma_wait3A_146 = tpu.memref_slice %arg2[%dma_wait3A_144, %dma_wait3A_145] : memref<10000x128xf32, #tpu.memory_space<hbm>> -> memref<10000x128xf32, #tpu.memory_space<hbm>>
      tpu.wait_indirect_dma semaphore(%arg26 : memref<!tpu.dma_semaphore, #tpu.memory_space<semaphore_mem>>) src(%dma_wait3A_146 : memref<10000x128xf32, #tpu.memory_space<hbm>>) dst(%arg21 : memref<80x128xf32, #tpu.memory_space<vmem>>)
      %dma_wait3A_147 = tpu.memref_slice %arg13[%mul3A_142] : memref<10000xi32, #tpu.memory_space<vmem>> -> memref<80xi32, #tpu.memory_space<vmem>>
      %dma_wait3A_148 = arith.constant 0 : i32
      %dma_wait3A_149 = arith.constant 0 : i32
      %dma_wait3A_150 = tpu.memref_slice %arg2[%dma_wait3A_148, %dma_wait3A_149] : memref<10000x128xf32, #tpu.memory_space<hbm>> -> memref<10000x128xf32, #tpu.memory_space<hbm>>
      tpu.wait_indirect_dma semaphore(%arg26 : memref<!tpu.dma_semaphore, #tpu.memory_space<semaphore_mem>>) src(%dma_wait3A_150 : memref<10000x128xf32, #tpu.memory_space<hbm>>) dst(%arg22 : memref<80x128xf32, #tpu.memory_space<vmem>>)
      %dma_wait3A_151 = tpu.memref_slice %arg14[%mul3A_142] : memref<10000xi32, #tpu.memory_space<vmem>> -> memref<80xi32, #tpu.memory_space<vmem>>
      %dma_wait3A_152 = arith.constant 0 : i32
      %dma_wait3A_153 = arith.constant 0 : i32
      %dma_wait3A_154 = tpu.memref_slice %arg2[%dma_wait3A_152, %dma_wait3A_153] : memref<10000x128xf32, #tpu.memory_space<hbm>> -> memref<10000x128xf32, #tpu.memory_space<hbm>>
      tpu.wait_indirect_dma semaphore(%arg26 : memref<!tpu.dma_semaphore, #tpu.memory_space<semaphore_mem>>) src(%dma_wait3A_154 : memref<10000x128xf32, #tpu.memory_space<hbm>>) dst(%arg23 : memref<80x128xf32, #tpu.memory_space<vmem>>)
      %mul3A_155 = arith.constant 80 : i32
      %mul3A_156 = arith.muli %add3A_140, %mul3A_155 : i32
      %parallel_loop3A_157 = arith.constant 0 : i32
      %parallel_loop3A_158 = arith.constant 80 : i32
      %parallel_loop3A_159 = arith.constant 2 : i32
      scf.for %parallel_loop3A_167 = %parallel_loop3A_157 to %parallel_loop3A_158 step %parallel_loop3A_159  : i32 {
        %parallel_loop3A_168 = arith.constant 0 : i32
        %parallel_loop3A_169 = arith.addi %parallel_loop3A_167, %parallel_loop3A_168 : i32
        %parallel_loop3A_170 = arith.index_cast %parallel_loop3A_169 : i32 to index
        %parallel_loop3A_171 = arith.constant 0 : index
        %parallel_loop3A_172 = tpu.vector_load %arg21[%parallel_loop3A_170, %parallel_loop3A_171] {strides = array<i32>} : memref<80x128xf32, #tpu.memory_space<vmem>>, vector<16xf32>,
        %parallel_loop3A_173 = arith.index_cast %parallel_loop3A_169 : i32 to index
        %parallel_loop3A_174 = arith.constant 0 : index
        %parallel_loop3A_175 = tpu.vector_load %arg22[%parallel_loop3A_173, %parallel_loop3A_174] {strides = array<i32>} : memref<80x128xf32, #tpu.memory_space<vmem>>, vector<16xf32>,
        %parallel_loop3A_176 = arith.mulf %parallel_loop3A_172, %parallel_loop3A_175 : vector<16xf32>
        %parallel_loop3A_177 = arith.index_cast %parallel_loop3A_169 : i32 to index
        %parallel_loop3A_178 = arith.constant 0 : index
        %parallel_loop3A_179 = tpu.vector_load %arg23[%parallel_loop3A_177, %parallel_loop3A_178] {strides = array<i32>} : memref<80x128xf32, #tpu.memory_space<vmem>>, vector<16xf32>,
        %parallel_loop3A_180 = arith.mulf %parallel_loop3A_172, %parallel_loop3A_179 : vector<16xf32>
        %parallel_loop3A_181 = arith.index_cast %parallel_loop3A_169 : i32 to index
        %parallel_loop3A_182 = arith.constant 16 : index
        %parallel_loop3A_183 = tpu.vector_load %arg21[%parallel_loop3A_181, %parallel_loop3A_182] {strides = array<i32>} : memref<80x128xf32, #tpu.memory_space<vmem>>, vector<16xf32>,
        %parallel_loop3A_184 = arith.index_cast %parallel_loop3A_169 : i32 to index
        %parallel_loop3A_185 = arith.constant 16 : index
        %parallel_loop3A_186 = tpu.vector_load %arg22[%parallel_loop3A_184, %parallel_loop3A_185] {strides = array<i32>} : memref<80x128xf32, #tpu.memory_space<vmem>>, vector<16xf32>,
        %parallel_loop3A_187 = arith.mulf %parallel_loop3A_183, %parallel_loop3A_186 : vector<16xf32>
        %parallel_loop3A_188 = arith.index_cast %parallel_loop3A_169 : i32 to index
        %parallel_loop3A_189 = arith.constant 16 : index
        %parallel_loop3A_190 = tpu.vector_load %arg23[%parallel_loop3A_188, %parallel_loop3A_189] {strides = array<i32>} : memref<80x128xf32, #tpu.memory_space<vmem>>, vector<16xf32>,
        %parallel_loop3A_191 = arith.mulf %parallel_loop3A_183, %parallel_loop3A_190 : vector<16xf32>
        %parallel_loop3A_192 = arith.addf %parallel_loop3A_176, %parallel_loop3A_187 : vector<16xf32>
        %parallel_loop3A_193 = arith.addf %parallel_loop3A_180, %parallel_loop3A_191 : vector<16xf32>
        %parallel_loop3A_194 = arith.index_cast %parallel_loop3A_169 : i32 to index
        %parallel_loop3A_195 = arith.constant 32 : index
        %parallel_loop3A_196 = tpu.vector_load %arg21[%parallel_loop3A_194, %parallel_loop3A_195] {strides = array<i32>} : memref<80x128xf32, #tpu.memory_space<vmem>>, vector<16xf32>,
        %parallel_loop3A_197 = arith.index_cast %parallel_loop3A_169 : i32 to index
        %parallel_loop3A_198 = arith.constant 32 : index
        %parallel_loop3A_199 = tpu.vector_load %arg22[%parallel_loop3A_197, %parallel_loop3A_198] {strides = array<i32>} : memref<80x128xf32, #tpu.memory_space<vmem>>, vector<16xf32>,
        %parallel_loop3A_200 = arith.mulf %parallel_loop3A_196, %parallel_loop3A_199 : vector<16xf32>
        %parallel_loop3A_201 = arith.index_cast %parallel_loop3A_169 : i32 to index
        %parallel_loop3A_202 = arith.constant 32 : index
        %parallel_loop3A_203 = tpu.vector_load %arg23[%parallel_loop3A_201, %parallel_loop3A_202] {strides = array<i32>} : memref<80x128xf32, #tpu.memory_space<vmem>>, vector<16xf32>,
        %parallel_loop3A_204 = arith.mulf %parallel_loop3A_196, %parallel_loop3A_203 : vector<16xf32>
        %parallel_loop3A_205 = arith.addf %parallel_loop3A_192, %parallel_loop3A_200 : vector<16xf32>
        %parallel_loop3A_206 = arith.addf %parallel_loop3A_193, %parallel_loop3A_204 : vector<16xf32>
        %parallel_loop3A_207 = arith.index_cast %parallel_loop3A_169 : i32 to index
        %parallel_loop3A_208 = arith.constant 48 : index
        %parallel_loop3A_209 = tpu.vector_load %arg21[%parallel_loop3A_207, %parallel_loop3A_208] {strides = array<i32>} : memref<80x128xf32, #tpu.memory_space<vmem>>, vector<16xf32>,
        %parallel_loop3A_210 = arith.index_cast %parallel_loop3A_169 : i32 to index
        %parallel_loop3A_211 = arith.constant 48 : index
        %parallel_loop3A_212 = tpu.vector_load %arg22[%parallel_loop3A_210, %parallel_loop3A_211] {strides = array<i32>} : memref<80x128xf32, #tpu.memory_space<vmem>>, vector<16xf32>,
        %parallel_loop3A_213 = arith.mulf %parallel_loop3A_209, %parallel_loop3A_212 : vector<16xf32>
        %parallel_loop3A_214 = arith.index_cast %parallel_loop3A_169 : i32 to index
        %parallel_loop3A_215 = arith.constant 48 : index
        %parallel_loop3A_216 = tpu.vector_load %arg23[%parallel_loop3A_214, %parallel_loop3A_215] {strides = array<i32>} : memref<80x128xf32, #tpu.memory_space<vmem>>, vector<16xf32>,
        %parallel_loop3A_217 = arith.mulf %parallel_loop3A_209, %parallel_loop3A_216 : vector<16xf32>
        %parallel_loop3A_218 = arith.addf %parallel_loop3A_205, %parallel_loop3A_213 : vector<16xf32>
        %parallel_loop3A_219 = arith.addf %parallel_loop3A_206, %parallel_loop3A_217 : vector<16xf32>
        %parallel_loop3A_220 = arith.index_cast %parallel_loop3A_169 : i32 to index
        %parallel_loop3A_221 = arith.constant 64 : index
        %parallel_loop3A_222 = tpu.vector_load %arg21[%parallel_loop3A_220, %parallel_loop3A_221] {strides = array<i32>} : memref<80x128xf32, #tpu.memory_space<vmem>>, vector<16xf32>,
        %parallel_loop3A_223 = arith.index_cast %parallel_loop3A_169 : i32 to index
        %parallel_loop3A_224 = arith.constant 64 : index
        %parallel_loop3A_225 = tpu.vector_load %arg22[%parallel_loop3A_223, %parallel_loop3A_224] {strides = array<i32>} : memref<80x128xf32, #tpu.memory_space<vmem>>, vector<16xf32>,
        %parallel_loop3A_226 = arith.mulf %parallel_loop3A_222, %parallel_loop3A_225 : vector<16xf32>
        %parallel_loop3A_227 = arith.index_cast %parallel_loop3A_169 : i32 to index
        %parallel_loop3A_228 = arith.constant 64 : index
        %parallel_loop3A_229 = tpu.vector_load %arg23[%parallel_loop3A_227, %parallel_loop3A_228] {strides = array<i32>} : memref<80x128xf32, #tpu.memory_space<vmem>>, vector<16xf32>,
        %parallel_loop3A_230 = arith.mulf %parallel_loop3A_222, %parallel_loop3A_229 : vector<16xf32>
        %parallel_loop3A_231 = arith.addf %parallel_loop3A_218, %parallel_loop3A_226 : vector<16xf32>
        %parallel_loop3A_232 = arith.addf %parallel_loop3A_219, %parallel_loop3A_230 : vector<16xf32>
        %parallel_loop3A_233 = arith.index_cast %parallel_loop3A_169 : i32 to index
        %parallel_loop3A_234 = arith.constant 80 : index
        %parallel_loop3A_235 = tpu.vector_load %arg21[%parallel_loop3A_233, %parallel_loop3A_234] {strides = array<i32>} : memref<80x128xf32, #tpu.memory_space<vmem>>, vector<16xf32>,
        %parallel_loop3A_236 = arith.index_cast %parallel_loop3A_169 : i32 to index
        %parallel_loop3A_237 = arith.constant 80 : index
        %parallel_loop3A_238 = tpu.vector_load %arg22[%parallel_loop3A_236, %parallel_loop3A_237] {strides = array<i32>} : memref<80x128xf32, #tpu.memory_space<vmem>>, vector<16xf32>,
        %parallel_loop3A_239 = arith.mulf %parallel_loop3A_235, %parallel_loop3A_238 : vector<16xf32>
        %parallel_loop3A_240 = arith.index_cast %parallel_loop3A_169 : i32 to index
        %parallel_loop3A_241 = arith.constant 80 : index
        %parallel_loop3A_242 = tpu.vector_load %arg23[%parallel_loop3A_240, %parallel_loop3A_241] {strides = array<i32>} : memref<80x128xf32, #tpu.memory_space<vmem>>, vector<16xf32>,
        %parallel_loop3A_243 = arith.mulf %parallel_loop3A_235, %parallel_loop3A_242 : vector<16xf32>
        %parallel_loop3A_244 = arith.addf %parallel_loop3A_231, %parallel_loop3A_239 : vector<16xf32>
        %parallel_loop3A_245 = arith.addf %parallel_loop3A_232, %parallel_loop3A_243 : vector<16xf32>
        %parallel_loop3A_246 = arith.index_cast %parallel_loop3A_169 : i32 to index
        %parallel_loop3A_247 = arith.constant 96 : index
        %parallel_loop3A_248 = tpu.vector_load %arg21[%parallel_loop3A_246, %parallel_loop3A_247] {strides = array<i32>} : memref<80x128xf32, #tpu.memory_space<vmem>>, vector<16xf32>,
        %parallel_loop3A_249 = arith.index_cast %parallel_loop3A_169 : i32 to index
        %parallel_loop3A_250 = arith.constant 96 : index
        %parallel_loop3A_251 = tpu.vector_load %arg22[%parallel_loop3A_249, %parallel_loop3A_250] {strides = array<i32>} : memref<80x128xf32, #tpu.memory_space<vmem>>, vector<16xf32>,
        %parallel_loop3A_252 = arith.mulf %parallel_loop3A_248, %parallel_loop3A_251 : vector<16xf32>
        %parallel_loop3A_253 = arith.index_cast %parallel_loop3A_169 : i32 to index
        %parallel_loop3A_254 = arith.constant 96 : index
        %parallel_loop3A_255 = tpu.vector_load %arg23[%parallel_loop3A_253, %parallel_loop3A_254] {strides = array<i32>} : memref<80x128xf32, #tpu.memory_space<vmem>>, vector<16xf32>,
        %parallel_loop3A_256 = arith.mulf %parallel_loop3A_248, %parallel_loop3A_255 : vector<16xf32>
        %parallel_loop3A_257 = arith.addf %parallel_loop3A_244, %parallel_loop3A_252 : vector<16xf32>
        %parallel_loop3A_258 = arith.addf %parallel_loop3A_245, %parallel_loop3A_256 : vector<16xf32>
        %parallel_loop3A_259 = arith.index_cast %parallel_loop3A_169 : i32 to index
        %parallel_loop3A_260 = arith.constant 112 : index
        %parallel_loop3A_261 = tpu.vector_load %arg21[%parallel_loop3A_259, %parallel_loop3A_260] {strides = array<i32>} : memref<80x128xf32, #tpu.memory_space<vmem>>, vector<16xf32>,
        %parallel_loop3A_262 = arith.index_cast %parallel_loop3A_169 : i32 to index
        %parallel_loop3A_263 = arith.constant 112 : index
        %parallel_loop3A_264 = tpu.vector_load %arg22[%parallel_loop3A_262, %parallel_loop3A_263] {strides = array<i32>} : memref<80x128xf32, #tpu.memory_space<vmem>>, vector<16xf32>,
        %parallel_loop3A_265 = arith.mulf %parallel_loop3A_261, %parallel_loop3A_264 : vector<16xf32>
        %parallel_loop3A_266 = arith.index_cast %parallel_loop3A_169 : i32 to index
        %parallel_loop3A_267 = arith.constant 112 : index
        %parallel_loop3A_268 = tpu.vector_load %arg23[%parallel_loop3A_266, %parallel_loop3A_267] {strides = array<i32>} : memref<80x128xf32, #tpu.memory_space<vmem>>, vector<16xf32>,
        %parallel_loop3A_269 = arith.mulf %parallel_loop3A_261, %parallel_loop3A_268 : vector<16xf32>
        %parallel_loop3A_270 = arith.addf %parallel_loop3A_257, %parallel_loop3A_265 : vector<16xf32>
        %parallel_loop3A_271 = arith.addf %parallel_loop3A_258, %parallel_loop3A_269 : vector<16xf32>
        %parallel_loop3A_272 = arith.constant 0 : i32
        %parallel_loop3A_273 = vector.broadcast %parallel_loop3A_272 : i32 to vector<16xi32>
        %parallel_loop3A_274 = arith.cmpi slt, %xor3A_14, %parallel_loop3A_273 : vector<16xi32>
        %parallel_loop3A_275 = arith.constant 16 : i32
        %parallel_loop3A_276 = vector.broadcast %parallel_loop3A_275 : i32 to vector<16xi32>
        %parallel_loop3A_277 = arith.addi %xor3A_14, %parallel_loop3A_276 : vector<16xi32>
        %parallel_loop3A_278 = arith.select %parallel_loop3A_274, %parallel_loop3A_277, %xor3A_14 : vector<16xi1>, vector<16xi32>
        %parallel_loop3A_279 = vector.shape_cast %parallel_loop3A_278 : vector<16xi32> to vector<16x1xi32>
        %parallel_loop3A_280 = vector.shape_cast %parallel_loop3A_279 : vector<16x1xi32> to vector<16xi32>
        %parallel_loop3A_281 = tpu.dynamic_gather %parallel_loop3A_270[%parallel_loop3A_280] in [0] : vector<16xf32>, vector<16xi32> -> vector<16xf32>
        %parallel_loop3A_282 = arith.addf %parallel_loop3A_270, %parallel_loop3A_281 : vector<16xf32>
        %parallel_loop3A_283 = arith.constant 0 : i32
        %parallel_loop3A_284 = vector.broadcast %parallel_loop3A_283 : i32 to vector<16xi32>
        %parallel_loop3A_285 = arith.cmpi slt, %xor3A_14, %parallel_loop3A_284 : vector<16xi32>
        %parallel_loop3A_286 = arith.constant 16 : i32
        %parallel_loop3A_287 = vector.broadcast %parallel_loop3A_286 : i32 to vector<16xi32>
        %parallel_loop3A_288 = arith.addi %xor3A_14, %parallel_loop3A_287 : vector<16xi32>
        %parallel_loop3A_289 = arith.select %parallel_loop3A_285, %parallel_loop3A_288, %xor3A_14 : vector<16xi1>, vector<16xi32>
        %parallel_loop3A_290 = vector.shape_cast %parallel_loop3A_289 : vector<16xi32> to vector<16x1xi32>
        %parallel_loop3A_291 = vector.shape_cast %parallel_loop3A_290 : vector<16x1xi32> to vector<16xi32>
        %parallel_loop3A_292 = tpu.dynamic_gather %parallel_loop3A_271[%parallel_loop3A_291] in [0] : vector<16xf32>, vector<16xi32> -> vector<16xf32>
        %parallel_loop3A_293 = arith.addf %parallel_loop3A_271, %parallel_loop3A_292 : vector<16xf32>
        %parallel_loop3A_294 = arith.select %eq3A_12, %parallel_loop3A_282, %parallel_loop3A_293 : vector<16xi1>, vector<16xf32>
        %parallel_loop3A_295 = arith.constant 0 : i32
        %parallel_loop3A_296 = vector.broadcast %parallel_loop3A_295 : i32 to vector<16xi32>
        %parallel_loop3A_297 = arith.cmpi slt, %xor3A_17, %parallel_loop3A_296 : vector<16xi32>
        %parallel_loop3A_298 = arith.constant 16 : i32
        %parallel_loop3A_299 = vector.broadcast %parallel_loop3A_298 : i32 to vector<16xi32>
        %parallel_loop3A_300 = arith.addi %xor3A_17, %parallel_loop3A_299 : vector<16xi32>
        %parallel_loop3A_301 = arith.select %parallel_loop3A_297, %parallel_loop3A_300, %xor3A_17 : vector<16xi1>, vector<16xi32>
        %parallel_loop3A_302 = vector.shape_cast %parallel_loop3A_301 : vector<16xi32> to vector<16x1xi32>
        %parallel_loop3A_303 = vector.shape_cast %parallel_loop3A_302 : vector<16x1xi32> to vector<16xi32>
        %parallel_loop3A_304 = tpu.dynamic_gather %parallel_loop3A_294[%parallel_loop3A_303] in [0] : vector<16xf32>, vector<16xi32> -> vector<16xf32>
        %parallel_loop3A_305 = arith.addf %parallel_loop3A_294, %parallel_loop3A_304 : vector<16xf32>
        %parallel_loop3A_306 = arith.constant 0 : i32
        %parallel_loop3A_307 = vector.broadcast %parallel_loop3A_306 : i32 to vector<16xi32>
        %parallel_loop3A_308 = arith.cmpi slt, %xor3A_20, %parallel_loop3A_307 : vector<16xi32>
        %parallel_loop3A_309 = arith.constant 16 : i32
        %parallel_loop3A_310 = vector.broadcast %parallel_loop3A_309 : i32 to vector<16xi32>
        %parallel_loop3A_311 = arith.addi %xor3A_20, %parallel_loop3A_310 : vector<16xi32>
        %parallel_loop3A_312 = arith.select %parallel_loop3A_308, %parallel_loop3A_311, %xor3A_20 : vector<16xi1>, vector<16xi32>
        %parallel_loop3A_313 = vector.shape_cast %parallel_loop3A_312 : vector<16xi32> to vector<16x1xi32>
        %parallel_loop3A_314 = vector.shape_cast %parallel_loop3A_313 : vector<16x1xi32> to vector<16xi32>
        %parallel_loop3A_315 = tpu.dynamic_gather %parallel_loop3A_305[%parallel_loop3A_314] in [0] : vector<16xf32>, vector<16xi32> -> vector<16xf32>
        %parallel_loop3A_316 = arith.addf %parallel_loop3A_305, %parallel_loop3A_315 : vector<16xf32>
        %parallel_loop3A_317 = arith.constant 0 : i32
        %parallel_loop3A_318 = vector.broadcast %parallel_loop3A_317 : i32 to vector<16xi32>
        %parallel_loop3A_319 = arith.cmpi slt, %xor3A_23, %parallel_loop3A_318 : vector<16xi32>
        %parallel_loop3A_320 = arith.constant 16 : i32
        %parallel_loop3A_321 = vector.broadcast %parallel_loop3A_320 : i32 to vector<16xi32>
        %parallel_loop3A_322 = arith.addi %xor3A_23, %parallel_loop3A_321 : vector<16xi32>
        %parallel_loop3A_323 = arith.select %parallel_loop3A_319, %parallel_loop3A_322, %xor3A_23 : vector<16xi1>, vector<16xi32>
        %parallel_loop3A_324 = vector.shape_cast %parallel_loop3A_323 : vector<16xi32> to vector<16x1xi32>
        %parallel_loop3A_325 = vector.shape_cast %parallel_loop3A_324 : vector<16x1xi32> to vector<16xi32>
        %parallel_loop3A_326 = tpu.dynamic_gather %parallel_loop3A_316[%parallel_loop3A_325] in [0] : vector<16xf32>, vector<16xi32> -> vector<16xf32>
        %parallel_loop3A_327 = arith.addf %parallel_loop3A_316, %parallel_loop3A_326 : vector<16xf32>
        %parallel_loop3A_328 = arith.addi %mul3A_156, %parallel_loop3A_169 : i32
        %parallel_loop3A_329 = vector.broadcast %parallel_loop3A_328 : i32 to vector<16xi32>
        tpu.vector_store_idx %arg16[%parallel_loop3A_329], %parallel_loop3A_327 masked %eq3A_4 : memref<10000xf32, #tpu.memory_space<vmem>>[vector<16xi32>], vector<16xf32>, vector<16xi1>
        tpu.vector_store_idx %arg17[%parallel_loop3A_329], %parallel_loop3A_327 masked %eq3A_7 : memref<10000xf32, #tpu.memory_space<vmem>>[vector<16xi32>], vector<16xf32>, vector<16xi1>
        %parallel_loop3A_330 = arith.constant 1 : i32
        %parallel_loop3A_331 = arith.addi %parallel_loop3A_167, %parallel_loop3A_330 : i32
        %parallel_loop3A_332 = arith.index_cast %parallel_loop3A_331 : i32 to index
        %parallel_loop3A_333 = arith.constant 0 : index
        %parallel_loop3A_334 = tpu.vector_load %arg21[%parallel_loop3A_332, %parallel_loop3A_333] {strides = array<i32>} : memref<80x128xf32, #tpu.memory_space<vmem>>, vector<16xf32>,
        %parallel_loop3A_335 = arith.index_cast %parallel_loop3A_331 : i32 to index
        %parallel_loop3A_336 = arith.constant 0 : index
        %parallel_loop3A_337 = tpu.vector_load %arg22[%parallel_loop3A_335, %parallel_loop3A_336] {strides = array<i32>} : memref<80x128xf32, #tpu.memory_space<vmem>>, vector<16xf32>,
        %parallel_loop3A_338 = arith.mulf %parallel_loop3A_334, %parallel_loop3A_337 : vector<16xf32>
        %parallel_loop3A_339 = arith.index_cast %parallel_loop3A_331 : i32 to index
        %parallel_loop3A_340 = arith.constant 0 : index
        %parallel_loop3A_341 = tpu.vector_load %arg23[%parallel_loop3A_339, %parallel_loop3A_340] {strides = array<i32>} : memref<80x128xf32, #tpu.memory_space<vmem>>, vector<16xf32>,
        %parallel_loop3A_342 = arith.mulf %parallel_loop3A_334, %parallel_loop3A_341 : vector<16xf32>
        %parallel_loop3A_343 = arith.index_cast %parallel_loop3A_331 : i32 to index
        %parallel_loop3A_344 = arith.constant 16 : index
        %parallel_loop3A_345 = tpu.vector_load %arg21[%parallel_loop3A_343, %parallel_loop3A_344] {strides = array<i32>} : memref<80x128xf32, #tpu.memory_space<vmem>>, vector<16xf32>,
        %parallel_loop3A_346 = arith.index_cast %parallel_loop3A_331 : i32 to index
        %parallel_loop3A_347 = arith.constant 16 : index
        %parallel_loop3A_348 = tpu.vector_load %arg22[%parallel_loop3A_346, %parallel_loop3A_347] {strides = array<i32>} : memref<80x128xf32, #tpu.memory_space<vmem>>, vector<16xf32>,
        %parallel_loop3A_349 = arith.mulf %parallel_loop3A_345, %parallel_loop3A_348 : vector<16xf32>
        %parallel_loop3A_350 = arith.index_cast %parallel_loop3A_331 : i32 to index
        %parallel_loop3A_351 = arith.constant 16 : index
        %parallel_loop3A_352 = tpu.vector_load %arg23[%parallel_loop3A_350, %parallel_loop3A_351] {strides = array<i32>} : memref<80x128xf32, #tpu.memory_space<vmem>>, vector<16xf32>,
        %parallel_loop3A_353 = arith.mulf %parallel_loop3A_345, %parallel_loop3A_352 : vector<16xf32>
        %parallel_loop3A_354 = arith.addf %parallel_loop3A_338, %parallel_loop3A_349 : vector<16xf32>
        %parallel_loop3A_355 = arith.addf %parallel_loop3A_342, %parallel_loop3A_353 : vector<16xf32>
        %parallel_loop3A_356 = arith.index_cast %parallel_loop3A_331 : i32 to index
        %parallel_loop3A_357 = arith.constant 32 : index
        %parallel_loop3A_358 = tpu.vector_load %arg21[%parallel_loop3A_356, %parallel_loop3A_357] {strides = array<i32>} : memref<80x128xf32, #tpu.memory_space<vmem>>, vector<16xf32>,
        %parallel_loop3A_359 = arith.index_cast %parallel_loop3A_331 : i32 to index
        %parallel_loop3A_360 = arith.constant 32 : index
        %parallel_loop3A_361 = tpu.vector_load %arg22[%parallel_loop3A_359, %parallel_loop3A_360] {strides = array<i32>} : memref<80x128xf32, #tpu.memory_space<vmem>>, vector<16xf32>,
        %parallel_loop3A_362 = arith.mulf %parallel_loop3A_358, %parallel_loop3A_361 : vector<16xf32>
        %parallel_loop3A_363 = arith.index_cast %parallel_loop3A_331 : i32 to index
        %parallel_loop3A_364 = arith.constant 32 : index
        %parallel_loop3A_365 = tpu.vector_load %arg23[%parallel_loop3A_363, %parallel_loop3A_364] {strides = array<i32>} : memref<80x128xf32, #tpu.memory_space<vmem>>, vector<16xf32>,
        %parallel_loop3A_366 = arith.mulf %parallel_loop3A_358, %parallel_loop3A_365 : vector<16xf32>
        %parallel_loop3A_367 = arith.addf %parallel_loop3A_354, %parallel_loop3A_362 : vector<16xf32>
        %parallel_loop3A_368 = arith.addf %parallel_loop3A_355, %parallel_loop3A_366 : vector<16xf32>
        %parallel_loop3A_369 = arith.index_cast %parallel_loop3A_331 : i32 to index
        %parallel_loop3A_370 = arith.constant 48 : index
        %parallel_loop3A_371 = tpu.vector_load %arg21[%parallel_loop3A_369, %parallel_loop3A_370] {strides = array<i32>} : memref<80x128xf32, #tpu.memory_space<vmem>>, vector<16xf32>,
        %parallel_loop3A_372 = arith.index_cast %parallel_loop3A_331 : i32 to index
        %parallel_loop3A_373 = arith.constant 48 : index
        %parallel_loop3A_374 = tpu.vector_load %arg22[%parallel_loop3A_372, %parallel_loop3A_373] {strides = array<i32>} : memref<80x128xf32, #tpu.memory_space<vmem>>, vector<16xf32>,
        %parallel_loop3A_375 = arith.mulf %parallel_loop3A_371, %parallel_loop3A_374 : vector<16xf32>
        %parallel_loop3A_376 = arith.index_cast %parallel_loop3A_331 : i32 to index
        %parallel_loop3A_377 = arith.constant 48 : index
        %parallel_loop3A_378 = tpu.vector_load %arg23[%parallel_loop3A_376, %parallel_loop3A_377] {strides = array<i32>} : memref<80x128xf32, #tpu.memory_space<vmem>>, vector<16xf32>,
        %parallel_loop3A_379 = arith.mulf %parallel_loop3A_371, %parallel_loop3A_378 : vector<16xf32>
        %parallel_loop3A_380 = arith.addf %parallel_loop3A_367, %parallel_loop3A_375 : vector<16xf32>
        %parallel_loop3A_381 = arith.addf %parallel_loop3A_368, %parallel_loop3A_379 : vector<16xf32>
        %parallel_loop3A_382 = arith.index_cast %parallel_loop3A_331 : i32 to index
        %parallel_loop3A_383 = arith.constant 64 : index
        %parallel_loop3A_384 = tpu.vector_load %arg21[%parallel_loop3A_382, %parallel_loop3A_383] {strides = array<i32>} : memref<80x128xf32, #tpu.memory_space<vmem>>, vector<16xf32>,
        %parallel_loop3A_385 = arith.index_cast %parallel_loop3A_331 : i32 to index
        %parallel_loop3A_386 = arith.constant 64 : index
        %parallel_loop3A_387 = tpu.vector_load %arg22[%parallel_loop3A_385, %parallel_loop3A_386] {strides = array<i32>} : memref<80x128xf32, #tpu.memory_space<vmem>>, vector<16xf32>,
        %parallel_loop3A_388 = arith.mulf %parallel_loop3A_384, %parallel_loop3A_387 : vector<16xf32>
        %parallel_loop3A_389 = arith.index_cast %parallel_loop3A_331 : i32 to index
        %parallel_loop3A_390 = arith.constant 64 : index
        %parallel_loop3A_391 = tpu.vector_load %arg23[%parallel_loop3A_389, %parallel_loop3A_390] {strides = array<i32>} : memref<80x128xf32, #tpu.memory_space<vmem>>, vector<16xf32>,
        %parallel_loop3A_392 = arith.mulf %parallel_loop3A_384, %parallel_loop3A_391 : vector<16xf32>
        %parallel_loop3A_393 = arith.addf %parallel_loop3A_380, %parallel_loop3A_388 : vector<16xf32>
        %parallel_loop3A_394 = arith.addf %parallel_loop3A_381, %parallel_loop3A_392 : vector<16xf32>
        %parallel_loop3A_395 = arith.index_cast %parallel_loop3A_331 : i32 to index
        %parallel_loop3A_396 = arith.constant 80 : index
        %parallel_loop3A_397 = tpu.vector_load %arg21[%parallel_loop3A_395, %parallel_loop3A_396] {strides = array<i32>} : memref<80x128xf32, #tpu.memory_space<vmem>>, vector<16xf32>,
        %parallel_loop3A_398 = arith.index_cast %parallel_loop3A_331 : i32 to index
        %parallel_loop3A_399 = arith.constant 80 : index
        %parallel_loop3A_400 = tpu.vector_load %arg22[%parallel_loop3A_398, %parallel_loop3A_399] {strides = array<i32>} : memref<80x128xf32, #tpu.memory_space<vmem>>, vector<16xf32>,
        %parallel_loop3A_401 = arith.mulf %parallel_loop3A_397, %parallel_loop3A_400 : vector<16xf32>
        %parallel_loop3A_402 = arith.index_cast %parallel_loop3A_331 : i32 to index
        %parallel_loop3A_403 = arith.constant 80 : index
        %parallel_loop3A_404 = tpu.vector_load %arg23[%parallel_loop3A_402, %parallel_loop3A_403] {strides = array<i32>} : memref<80x128xf32, #tpu.memory_space<vmem>>, vector<16xf32>,
        %parallel_loop3A_405 = arith.mulf %parallel_loop3A_397, %parallel_loop3A_404 : vector<16xf32>
        %parallel_loop3A_406 = arith.addf %parallel_loop3A_393, %parallel_loop3A_401 : vector<16xf32>
        %parallel_loop3A_407 = arith.addf %parallel_loop3A_394, %parallel_loop3A_405 : vector<16xf32>
        %parallel_loop3A_408 = arith.index_cast %parallel_loop3A_331 : i32 to index
        %parallel_loop3A_409 = arith.constant 96 : index
        %parallel_loop3A_410 = tpu.vector_load %arg21[%parallel_loop3A_408, %parallel_loop3A_409] {strides = array<i32>} : memref<80x128xf32, #tpu.memory_space<vmem>>, vector<16xf32>,
        %parallel_loop3A_411 = arith.index_cast %parallel_loop3A_331 : i32 to index
        %parallel_loop3A_412 = arith.constant 96 : index
        %parallel_loop3A_413 = tpu.vector_load %arg22[%parallel_loop3A_411, %parallel_loop3A_412] {strides = array<i32>} : memref<80x128xf32, #tpu.memory_space<vmem>>, vector<16xf32>,
        %parallel_loop3A_414 = arith.mulf %parallel_loop3A_410, %parallel_loop3A_413 : vector<16xf32>
        %parallel_loop3A_415 = arith.index_cast %parallel_loop3A_331 : i32 to index
        %parallel_loop3A_416 = arith.constant 96 : index
        %parallel_loop3A_417 = tpu.vector_load %arg23[%parallel_loop3A_415, %parallel_loop3A_416] {strides = array<i32>} : memref<80x128xf32, #tpu.memory_space<vmem>>, vector<16xf32>,
        %parallel_loop3A_418 = arith.mulf %parallel_loop3A_410, %parallel_loop3A_417 : vector<16xf32>
        %parallel_loop3A_419 = arith.addf %parallel_loop3A_406, %parallel_loop3A_414 : vector<16xf32>
        %parallel_loop3A_420 = arith.addf %parallel_loop3A_407, %parallel_loop3A_418 : vector<16xf32>
        %parallel_loop3A_421 = arith.index_cast %parallel_loop3A_331 : i32 to index
        %parallel_loop3A_422 = arith.constant 112 : index
        %parallel_loop3A_423 = tpu.vector_load %arg21[%parallel_loop3A_421, %parallel_loop3A_422] {strides = array<i32>} : memref<80x128xf32, #tpu.memory_space<vmem>>, vector<16xf32>,
        %parallel_loop3A_424 = arith.index_cast %parallel_loop3A_331 : i32 to index
        %parallel_loop3A_425 = arith.constant 112 : index
        %parallel_loop3A_426 = tpu.vector_load %arg22[%parallel_loop3A_424, %parallel_loop3A_425] {strides = array<i32>} : memref<80x128xf32, #tpu.memory_space<vmem>>, vector<16xf32>,
        %parallel_loop3A_427 = arith.mulf %parallel_loop3A_423, %parallel_loop3A_426 : vector<16xf32>
        %parallel_loop3A_428 = arith.index_cast %parallel_loop3A_331 : i32 to index
        %parallel_loop3A_429 = arith.constant 112 : index
        %parallel_loop3A_430 = tpu.vector_load %arg23[%parallel_loop3A_428, %parallel_loop3A_429] {strides = array<i32>} : memref<80x128xf32, #tpu.memory_space<vmem>>, vector<16xf32>,
        %parallel_loop3A_431 = arith.mulf %parallel_loop3A_423, %parallel_loop3A_430 : vector<16xf32>
        %parallel_loop3A_432 = arith.addf %parallel_loop3A_419, %parallel_loop3A_427 : vector<16xf32>
        %parallel_loop3A_433 = arith.addf %parallel_loop3A_420, %parallel_loop3A_431 : vector<16xf32>
        %parallel_loop3A_434 = arith.constant 0 : i32
        %parallel_loop3A_435 = vector.broadcast %parallel_loop3A_434 : i32 to vector<16xi32>
        %parallel_loop3A_436 = arith.cmpi slt, %xor3A_14, %parallel_loop3A_435 : vector<16xi32>
        %parallel_loop3A_437 = arith.constant 16 : i32
        %parallel_loop3A_438 = vector.broadcast %parallel_loop3A_437 : i32 to vector<16xi32>
        %parallel_loop3A_439 = arith.addi %xor3A_14, %parallel_loop3A_438 : vector<16xi32>
        %parallel_loop3A_440 = arith.select %parallel_loop3A_436, %parallel_loop3A_439, %xor3A_14 : vector<16xi1>, vector<16xi32>
        %parallel_loop3A_441 = vector.shape_cast %parallel_loop3A_440 : vector<16xi32> to vector<16x1xi32>
        %parallel_loop3A_442 = vector.shape_cast %parallel_loop3A_441 : vector<16x1xi32> to vector<16xi32>
        %parallel_loop3A_443 = tpu.dynamic_gather %parallel_loop3A_432[%parallel_loop3A_442] in [0] : vector<16xf32>, vector<16xi32> -> vector<16xf32>
        %parallel_loop3A_444 = arith.addf %parallel_loop3A_432, %parallel_loop3A_443 : vector<16xf32>
        %parallel_loop3A_445 = arith.constant 0 : i32
        %parallel_loop3A_446 = vector.broadcast %parallel_loop3A_445 : i32 to vector<16xi32>
        %parallel_loop3A_447 = arith.cmpi slt, %xor3A_14, %parallel_loop3A_446 : vector<16xi32>
        %parallel_loop3A_448 = arith.constant 16 : i32
        %parallel_loop3A_449 = vector.broadcast %parallel_loop3A_448 : i32 to vector<16xi32>
        %parallel_loop3A_450 = arith.addi %xor3A_14, %parallel_loop3A_449 : vector<16xi32>
        %parallel_loop3A_451 = arith.select %parallel_loop3A_447, %parallel_loop3A_450, %xor3A_14 : vector<16xi1>, vector<16xi32>
        %parallel_loop3A_452 = vector.shape_cast %parallel_loop3A_451 : vector<16xi32> to vector<16x1xi32>
        %parallel_loop3A_453 = vector.shape_cast %parallel_loop3A_452 : vector<16x1xi32> to vector<16xi32>
        %parallel_loop3A_454 = tpu.dynamic_gather %parallel_loop3A_433[%parallel_loop3A_453] in [0] : vector<16xf32>, vector<16xi32> -> vector<16xf32>
        %parallel_loop3A_455 = arith.addf %parallel_loop3A_433, %parallel_loop3A_454 : vector<16xf32>
        %parallel_loop3A_456 = arith.select %eq3A_12, %parallel_loop3A_444, %parallel_loop3A_455 : vector<16xi1>, vector<16xf32>
        %parallel_loop3A_457 = arith.constant 0 : i32
        %parallel_loop3A_458 = vector.broadcast %parallel_loop3A_457 : i32 to vector<16xi32>
        %parallel_loop3A_459 = arith.cmpi slt, %xor3A_17, %parallel_loop3A_458 : vector<16xi32>
        %parallel_loop3A_460 = arith.constant 16 : i32
        %parallel_loop3A_461 = vector.broadcast %parallel_loop3A_460 : i32 to vector<16xi32>
        %parallel_loop3A_462 = arith.addi %xor3A_17, %parallel_loop3A_461 : vector<16xi32>
        %parallel_loop3A_463 = arith.select %parallel_loop3A_459, %parallel_loop3A_462, %xor3A_17 : vector<16xi1>, vector<16xi32>
        %parallel_loop3A_464 = vector.shape_cast %parallel_loop3A_463 : vector<16xi32> to vector<16x1xi32>
        %parallel_loop3A_465 = vector.shape_cast %parallel_loop3A_464 : vector<16x1xi32> to vector<16xi32>
        %parallel_loop3A_466 = tpu.dynamic_gather %parallel_loop3A_456[%parallel_loop3A_465] in [0] : vector<16xf32>, vector<16xi32> -> vector<16xf32>
        %parallel_loop3A_467 = arith.addf %parallel_loop3A_456, %parallel_loop3A_466 : vector<16xf32>
        %parallel_loop3A_468 = arith.constant 0 : i32
        %parallel_loop3A_469 = vector.broadcast %parallel_loop3A_468 : i32 to vector<16xi32>
        %parallel_loop3A_470 = arith.cmpi slt, %xor3A_20, %parallel_loop3A_469 : vector<16xi32>
        %parallel_loop3A_471 = arith.constant 16 : i32
        %parallel_loop3A_472 = vector.broadcast %parallel_loop3A_471 : i32 to vector<16xi32>
        %parallel_loop3A_473 = arith.addi %xor3A_20, %parallel_loop3A_472 : vector<16xi32>
        %parallel_loop3A_474 = arith.select %parallel_loop3A_470, %parallel_loop3A_473, %xor3A_20 : vector<16xi1>, vector<16xi32>
        %parallel_loop3A_475 = vector.shape_cast %parallel_loop3A_474 : vector<16xi32> to vector<16x1xi32>
        %parallel_loop3A_476 = vector.shape_cast %parallel_loop3A_475 : vector<16x1xi32> to vector<16xi32>
        %parallel_loop3A_477 = tpu.dynamic_gather %parallel_loop3A_467[%parallel_loop3A_476] in [0] : vector<16xf32>, vector<16xi32> -> vector<16xf32>
        %parallel_loop3A_478 = arith.addf %parallel_loop3A_467, %parallel_loop3A_477 : vector<16xf32>
        %parallel_loop3A_479 = arith.constant 0 : i32
        %parallel_loop3A_480 = vector.broadcast %parallel_loop3A_479 : i32 to vector<16xi32>
        %parallel_loop3A_481 = arith.cmpi slt, %xor3A_23, %parallel_loop3A_480 : vector<16xi32>
        %parallel_loop3A_482 = arith.constant 16 : i32
        %parallel_loop3A_483 = vector.broadcast %parallel_loop3A_482 : i32 to vector<16xi32>
        %parallel_loop3A_484 = arith.addi %xor3A_23, %parallel_loop3A_483 : vector<16xi32>
        %parallel_loop3A_485 = arith.select %parallel_loop3A_481, %parallel_loop3A_484, %xor3A_23 : vector<16xi1>, vector<16xi32>
        %parallel_loop3A_486 = vector.shape_cast %parallel_loop3A_485 : vector<16xi32> to vector<16x1xi32>
        %parallel_loop3A_487 = vector.shape_cast %parallel_loop3A_486 : vector<16x1xi32> to vector<16xi32>
        %parallel_loop3A_488 = tpu.dynamic_gather %parallel_loop3A_478[%parallel_loop3A_487] in [0] : vector<16xf32>, vector<16xi32> -> vector<16xf32>
        %parallel_loop3A_489 = arith.addf %parallel_loop3A_478, %parallel_loop3A_488 : vector<16xf32>
        %parallel_loop3A_490 = arith.addi %mul3A_156, %parallel_loop3A_331 : i32
        %parallel_loop3A_491 = vector.broadcast %parallel_loop3A_490 : i32 to vector<16xi32>
        tpu.vector_store_idx %arg16[%parallel_loop3A_491], %parallel_loop3A_489 masked %eq3A_4 : memref<10000xf32, #tpu.memory_space<vmem>>[vector<16xi32>], vector<16xf32>, vector<16xi1>
        tpu.vector_store_idx %arg17[%parallel_loop3A_491], %parallel_loop3A_489 masked %eq3A_7 : memref<10000xf32, #tpu.memory_space<vmem>>[vector<16xi32>], vector<16xf32>, vector<16xi1>
      } {sc.loop_unroll_factor = 2 : i64, sc.parallel_access}
      %add3A_160 = arith.constant 2 : i32
      %add3A_161 = arith.addi %add3A_140, %add3A_160 : i32
      %lt3A_162 = arith.constant 125 : i32
      %lt3A_163 = arith.cmpi slt, %add3A_161, %lt3A_162 : i32
      %convert_element_type3A_164 = arith.extui %lt3A_163 : i1 to i32
      %cond3A_165 = arith.constant 0 : i32
      %cond3A_166 = arith.cmpi ne, %convert_element_type3A_164, %cond3A_165 : i32
      scf.if %cond3A_166 {
        %add3A_167 = arith.constant 2 : i32
        %add3A_168 = arith.addi %add3A_140, %add3A_167 : i32
        %mul3A_169 = arith.constant 80 : i32
        %mul3A_170 = arith.muli %add3A_168, %mul3A_169 : i32
        %dma_start3A_171 = tpu.memref_slice %arg12[%mul3A_170] : memref<10000xi32, #tpu.memory_space<vmem>> -> memref<80xi32, #tpu.memory_space<vmem>>
        %dma_start3A_172 = arith.constant 0 : i32
        %dma_start3A_173 = arith.constant 0 : i32
        %dma_start3A_174 = tpu.memref_slice %arg2[%dma_start3A_172, %dma_start3A_173] : memref<10000x128xf32, #tpu.memory_space<hbm>> -> memref<10000x128xf32, #tpu.memory_space<hbm>>
        tpu.enqueue_indirect_dma source(%dma_start3A_174 : memref<10000x128xf32, #tpu.memory_space<hbm>>) target(%arg21 : memref<80x128xf32, #tpu.memory_space<vmem>>) offsets(%dma_start3A_171 : memref<80xi32, #tpu.memory_space<vmem>>) semaphore(%arg26 : memref<!tpu.dma_semaphore, #tpu.memory_space<semaphore_mem>>)
        %dma_start3A_175 = tpu.memref_slice %arg13[%mul3A_170] : memref<10000xi32, #tpu.memory_space<vmem>> -> memref<80xi32, #tpu.memory_space<vmem>>
        %dma_start3A_176 = arith.constant 0 : i32
        %dma_start3A_177 = arith.constant 0 : i32
        %dma_start3A_178 = tpu.memref_slice %arg2[%dma_start3A_176, %dma_start3A_177] : memref<10000x128xf32, #tpu.memory_space<hbm>> -> memref<10000x128xf32, #tpu.memory_space<hbm>>
        tpu.enqueue_indirect_dma source(%dma_start3A_178 : memref<10000x128xf32, #tpu.memory_space<hbm>>) target(%arg22 : memref<80x128xf32, #tpu.memory_space<vmem>>) offsets(%dma_start3A_175 : memref<80xi32, #tpu.memory_space<vmem>>) semaphore(%arg26 : memref<!tpu.dma_semaphore, #tpu.memory_space<semaphore_mem>>)
        %dma_start3A_179 = tpu.memref_slice %arg14[%mul3A_170] : memref<10000xi32, #tpu.memory_space<vmem>> -> memref<80xi32, #tpu.memory_space<vmem>>
        %dma_start3A_180 = arith.constant 0 : i32
        %dma_start3A_181 = arith.constant 0 : i32
        %dma_start3A_182 = tpu.memref_slice %arg2[%dma_start3A_180, %dma_start3A_181] : memref<10000x128xf32, #tpu.memory_space<hbm>> -> memref<10000x128xf32, #tpu.memory_space<hbm>>
        tpu.enqueue_indirect_dma source(%dma_start3A_182 : memref<10000x128xf32, #tpu.memory_space<hbm>>) target(%arg23 : memref<80x128xf32, #tpu.memory_space<vmem>>) offsets(%dma_start3A_179 : memref<80xi32, #tpu.memory_space<vmem>>) semaphore(%arg26 : memref<!tpu.dma_semaphore, #tpu.memory_space<semaphore_mem>>)
      } else {
      }
    }
    %while3A_90 = arith.constant 1 : i32
    scf.for %while3A_111 = %while3A_88 to %while3A_84 step %while3A_90  : i32 {
      %mul3A_112 = arith.constant 2 : i32
      %mul3A_113 = arith.muli %while3A_111, %mul3A_112 : i32
      %add3A_114 = arith.constant 0 : i32
      %add3A_115 = arith.addi %mul3A_113, %add3A_114 : i32
      %mul3A_116 = arith.constant 80 : i32
      %mul3A_117 = arith.muli %add3A_115, %mul3A_116 : i32
      %dma_wait3A_118 = tpu.memref_slice %arg12[%mul3A_117] : memref<10000xi32, #tpu.memory_space<vmem>> -> memref<80xi32, #tpu.memory_space<vmem>>
      %dma_wait3A_119 = arith.constant 0 : i32
      %dma_wait3A_120 = arith.constant 0 : i32
      %dma_wait3A_121 = tpu.memref_slice %arg2[%dma_wait3A_119, %dma_wait3A_120] : memref<10000x128xf32, #tpu.memory_space<hbm>> -> memref<10000x128xf32, #tpu.memory_space<hbm>>
      tpu.wait_indirect_dma semaphore(%arg25 : memref<!tpu.dma_semaphore, #tpu.memory_space<semaphore_mem>>) src(%dma_wait3A_121 : memref<10000x128xf32, #tpu.memory_space<hbm>>) dst(%arg18 : memref<80x128xf32, #tpu.memory_space<vmem>>)
      %dma_wait3A_122 = tpu.memref_slice %arg13[%mul3A_117] : memref<10000xi32, #tpu.memory_space<vmem>> -> memref<80xi32, #tpu.memory_space<vmem>>
      %dma_wait3A_123 = arith.constant 0 : i32
      %dma_wait3A_124 = arith.constant 0 : i32
      %dma_wait3A_125 = tpu.memref_slice %arg2[%dma_wait3A_123, %dma_wait3A_124] : memref<10000x128xf32, #tpu.memory_space<hbm>> -> memref<10000x128xf32, #tpu.memory_space<hbm>>
      tpu.wait_indirect_dma semaphore(%arg25 : memref<!tpu.dma_semaphore, #tpu.memory_space<semaphore_mem>>) src(%dma_wait3A_125 : memref<10000x128xf32, #tpu.memory_space<hbm>>) dst(%arg19 : memref<80x128xf32, #tpu.memory_space<vmem>>)
      %dma_wait3A_126 = tpu.memref_slice %arg14[%mul3A_117] : memref<10000xi32, #tpu.memory_space<vmem>> -> memref<80xi32, #tpu.memory_space<vmem>>
      %dma_wait3A_127 = arith.constant 0 : i32
      %dma_wait3A_128 = arith.constant 0 : i32
      %dma_wait3A_129 = tpu.memref_slice %arg2[%dma_wait3A_127, %dma_wait3A_128] : memref<10000x128xf32, #tpu.memory_space<hbm>> -> memref<10000x128xf32, #tpu.memory_space<hbm>>
      tpu.wait_indirect_dma semaphore(%arg25 : memref<!tpu.dma_semaphore, #tpu.memory_space<semaphore_mem>>) src(%dma_wait3A_129 : memref<10000x128xf32, #tpu.memory_space<hbm>>) dst(%arg20 : memref<80x128xf32, #tpu.memory_space<vmem>>)
      %mul3A_130 = arith.constant 80 : i32
      %mul3A_131 = arith.muli %add3A_115, %mul3A_130 : i32
      %parallel_loop3A_132 = arith.constant 0 : i32
      %parallel_loop3A_133 = arith.constant 80 : i32
      %parallel_loop3A_134 = arith.constant 2 : i32
      scf.for %parallel_loop3A_167 = %parallel_loop3A_132 to %parallel_loop3A_133 step %parallel_loop3A_134  : i32 {
        %parallel_loop3A_168 = arith.constant 0 : i32
        %parallel_loop3A_169 = arith.addi %parallel_loop3A_167, %parallel_loop3A_168 : i32
        %parallel_loop3A_170 = arith.index_cast %parallel_loop3A_169 : i32 to index
        %parallel_loop3A_171 = arith.constant 0 : index
        %parallel_loop3A_172 = tpu.vector_load %arg18[%parallel_loop3A_170, %parallel_loop3A_171] {strides = array<i32>} : memref<80x128xf32, #tpu.memory_space<vmem>>, vector<16xf32>,
        %parallel_loop3A_173 = arith.index_cast %parallel_loop3A_169 : i32 to index
        %parallel_loop3A_174 = arith.constant 0 : index
        %parallel_loop3A_175 = tpu.vector_load %arg19[%parallel_loop3A_173, %parallel_loop3A_174] {strides = array<i32>} : memref<80x128xf32, #tpu.memory_space<vmem>>, vector<16xf32>,
        %parallel_loop3A_176 = arith.mulf %parallel_loop3A_172, %parallel_loop3A_175 : vector<16xf32>
        %parallel_loop3A_177 = arith.index_cast %parallel_loop3A_169 : i32 to index
        %parallel_loop3A_178 = arith.constant 0 : index
        %parallel_loop3A_179 = tpu.vector_load %arg20[%parallel_loop3A_177, %parallel_loop3A_178] {strides = array<i32>} : memref<80x128xf32, #tpu.memory_space<vmem>>, vector<16xf32>,
        %parallel_loop3A_180 = arith.mulf %parallel_loop3A_172, %parallel_loop3A_179 : vector<16xf32>
        %parallel_loop3A_181 = arith.index_cast %parallel_loop3A_169 : i32 to index
        %parallel_loop3A_182 = arith.constant 16 : index
        %parallel_loop3A_183 = tpu.vector_load %arg18[%parallel_loop3A_181, %parallel_loop3A_182] {strides = array<i32>} : memref<80x128xf32, #tpu.memory_space<vmem>>, vector<16xf32>,
        %parallel_loop3A_184 = arith.index_cast %parallel_loop3A_169 : i32 to index
        %parallel_loop3A_185 = arith.constant 16 : index
        %parallel_loop3A_186 = tpu.vector_load %arg19[%parallel_loop3A_184, %parallel_loop3A_185] {strides = array<i32>} : memref<80x128xf32, #tpu.memory_space<vmem>>, vector<16xf32>,
        %parallel_loop3A_187 = arith.mulf %parallel_loop3A_183, %parallel_loop3A_186 : vector<16xf32>
        %parallel_loop3A_188 = arith.index_cast %parallel_loop3A_169 : i32 to index
        %parallel_loop3A_189 = arith.constant 16 : index
        %parallel_loop3A_190 = tpu.vector_load %arg20[%parallel_loop3A_188, %parallel_loop3A_189] {strides = array<i32>} : memref<80x128xf32, #tpu.memory_space<vmem>>, vector<16xf32>,
        %parallel_loop3A_191 = arith.mulf %parallel_loop3A_183, %parallel_loop3A_190 : vector<16xf32>
        %parallel_loop3A_192 = arith.addf %parallel_loop3A_176, %parallel_loop3A_187 : vector<16xf32>
        %parallel_loop3A_193 = arith.addf %parallel_loop3A_180, %parallel_loop3A_191 : vector<16xf32>
        %parallel_loop3A_194 = arith.index_cast %parallel_loop3A_169 : i32 to index
        %parallel_loop3A_195 = arith.constant 32 : index
        %parallel_loop3A_196 = tpu.vector_load %arg18[%parallel_loop3A_194, %parallel_loop3A_195] {strides = array<i32>} : memref<80x128xf32, #tpu.memory_space<vmem>>, vector<16xf32>,
        %parallel_loop3A_197 = arith.index_cast %parallel_loop3A_169 : i32 to index
        %parallel_loop3A_198 = arith.constant 32 : index
        %parallel_loop3A_199 = tpu.vector_load %arg19[%parallel_loop3A_197, %parallel_loop3A_198] {strides = array<i32>} : memref<80x128xf32, #tpu.memory_space<vmem>>, vector<16xf32>,
        %parallel_loop3A_200 = arith.mulf %parallel_loop3A_196, %parallel_loop3A_199 : vector<16xf32>
        %parallel_loop3A_201 = arith.index_cast %parallel_loop3A_169 : i32 to index
        %parallel_loop3A_202 = arith.constant 32 : index
        %parallel_loop3A_203 = tpu.vector_load %arg20[%parallel_loop3A_201, %parallel_loop3A_202] {strides = array<i32>} : memref<80x128xf32, #tpu.memory_space<vmem>>, vector<16xf32>,
        %parallel_loop3A_204 = arith.mulf %parallel_loop3A_196, %parallel_loop3A_203 : vector<16xf32>
        %parallel_loop3A_205 = arith.addf %parallel_loop3A_192, %parallel_loop3A_200 : vector<16xf32>
        %parallel_loop3A_206 = arith.addf %parallel_loop3A_193, %parallel_loop3A_204 : vector<16xf32>
        %parallel_loop3A_207 = arith.index_cast %parallel_loop3A_169 : i32 to index
        %parallel_loop3A_208 = arith.constant 48 : index
        %parallel_loop3A_209 = tpu.vector_load %arg18[%parallel_loop3A_207, %parallel_loop3A_208] {strides = array<i32>} : memref<80x128xf32, #tpu.memory_space<vmem>>, vector<16xf32>,
        %parallel_loop3A_210 = arith.index_cast %parallel_loop3A_169 : i32 to index
        %parallel_loop3A_211 = arith.constant 48 : index
        %parallel_loop3A_212 = tpu.vector_load %arg19[%parallel_loop3A_210, %parallel_loop3A_211] {strides = array<i32>} : memref<80x128xf32, #tpu.memory_space<vmem>>, vector<16xf32>,
        %parallel_loop3A_213 = arith.mulf %parallel_loop3A_209, %parallel_loop3A_212 : vector<16xf32>
        %parallel_loop3A_214 = arith.index_cast %parallel_loop3A_169 : i32 to index
        %parallel_loop3A_215 = arith.constant 48 : index
        %parallel_loop3A_216 = tpu.vector_load %arg20[%parallel_loop3A_214, %parallel_loop3A_215] {strides = array<i32>} : memref<80x128xf32, #tpu.memory_space<vmem>>, vector<16xf32>,
        %parallel_loop3A_217 = arith.mulf %parallel_loop3A_209, %parallel_loop3A_216 : vector<16xf32>
        %parallel_loop3A_218 = arith.addf %parallel_loop3A_205, %parallel_loop3A_213 : vector<16xf32>
        %parallel_loop3A_219 = arith.addf %parallel_loop3A_206, %parallel_loop3A_217 : vector<16xf32>
        %parallel_loop3A_220 = arith.index_cast %parallel_loop3A_169 : i32 to index
        %parallel_loop3A_221 = arith.constant 64 : index
        %parallel_loop3A_222 = tpu.vector_load %arg18[%parallel_loop3A_220, %parallel_loop3A_221] {strides = array<i32>} : memref<80x128xf32, #tpu.memory_space<vmem>>, vector<16xf32>,
        %parallel_loop3A_223 = arith.index_cast %parallel_loop3A_169 : i32 to index
        %parallel_loop3A_224 = arith.constant 64 : index
        %parallel_loop3A_225 = tpu.vector_load %arg19[%parallel_loop3A_223, %parallel_loop3A_224] {strides = array<i32>} : memref<80x128xf32, #tpu.memory_space<vmem>>, vector<16xf32>,
        %parallel_loop3A_226 = arith.mulf %parallel_loop3A_222, %parallel_loop3A_225 : vector<16xf32>
        %parallel_loop3A_227 = arith.index_cast %parallel_loop3A_169 : i32 to index
        %parallel_loop3A_228 = arith.constant 64 : index
        %parallel_loop3A_229 = tpu.vector_load %arg20[%parallel_loop3A_227, %parallel_loop3A_228] {strides = array<i32>} : memref<80x128xf32, #tpu.memory_space<vmem>>, vector<16xf32>,
        %parallel_loop3A_230 = arith.mulf %parallel_loop3A_222, %parallel_loop3A_229 : vector<16xf32>
        %parallel_loop3A_231 = arith.addf %parallel_loop3A_218, %parallel_loop3A_226 : vector<16xf32>
        %parallel_loop3A_232 = arith.addf %parallel_loop3A_219, %parallel_loop3A_230 : vector<16xf32>
        %parallel_loop3A_233 = arith.index_cast %parallel_loop3A_169 : i32 to index
        %parallel_loop3A_234 = arith.constant 80 : index
        %parallel_loop3A_235 = tpu.vector_load %arg18[%parallel_loop3A_233, %parallel_loop3A_234] {strides = array<i32>} : memref<80x128xf32, #tpu.memory_space<vmem>>, vector<16xf32>,
        %parallel_loop3A_236 = arith.index_cast %parallel_loop3A_169 : i32 to index
        %parallel_loop3A_237 = arith.constant 80 : index
        %parallel_loop3A_238 = tpu.vector_load %arg19[%parallel_loop3A_236, %parallel_loop3A_237] {strides = array<i32>} : memref<80x128xf32, #tpu.memory_space<vmem>>, vector<16xf32>,
        %parallel_loop3A_239 = arith.mulf %parallel_loop3A_235, %parallel_loop3A_238 : vector<16xf32>
        %parallel_loop3A_240 = arith.index_cast %parallel_loop3A_169 : i32 to index
        %parallel_loop3A_241 = arith.constant 80 : index
        %parallel_loop3A_242 = tpu.vector_load %arg20[%parallel_loop3A_240, %parallel_loop3A_241] {strides = array<i32>} : memref<80x128xf32, #tpu.memory_space<vmem>>, vector<16xf32>,
        %parallel_loop3A_243 = arith.mulf %parallel_loop3A_235, %parallel_loop3A_242 : vector<16xf32>
        %parallel_loop3A_244 = arith.addf %parallel_loop3A_231, %parallel_loop3A_239 : vector<16xf32>
        %parallel_loop3A_245 = arith.addf %parallel_loop3A_232, %parallel_loop3A_243 : vector<16xf32>
        %parallel_loop3A_246 = arith.index_cast %parallel_loop3A_169 : i32 to index
        %parallel_loop3A_247 = arith.constant 96 : index
        %parallel_loop3A_248 = tpu.vector_load %arg18[%parallel_loop3A_246, %parallel_loop3A_247] {strides = array<i32>} : memref<80x128xf32, #tpu.memory_space<vmem>>, vector<16xf32>,
        %parallel_loop3A_249 = arith.index_cast %parallel_loop3A_169 : i32 to index
        %parallel_loop3A_250 = arith.constant 96 : index
        %parallel_loop3A_251 = tpu.vector_load %arg19[%parallel_loop3A_249, %parallel_loop3A_250] {strides = array<i32>} : memref<80x128xf32, #tpu.memory_space<vmem>>, vector<16xf32>,
        %parallel_loop3A_252 = arith.mulf %parallel_loop3A_248, %parallel_loop3A_251 : vector<16xf32>
        %parallel_loop3A_253 = arith.index_cast %parallel_loop3A_169 : i32 to index
        %parallel_loop3A_254 = arith.constant 96 : index
        %parallel_loop3A_255 = tpu.vector_load %arg20[%parallel_loop3A_253, %parallel_loop3A_254] {strides = array<i32>} : memref<80x128xf32, #tpu.memory_space<vmem>>, vector<16xf32>,
        %parallel_loop3A_256 = arith.mulf %parallel_loop3A_248, %parallel_loop3A_255 : vector<16xf32>
        %parallel_loop3A_257 = arith.addf %parallel_loop3A_244, %parallel_loop3A_252 : vector<16xf32>
        %parallel_loop3A_258 = arith.addf %parallel_loop3A_245, %parallel_loop3A_256 : vector<16xf32>
        %parallel_loop3A_259 = arith.index_cast %parallel_loop3A_169 : i32 to index
        %parallel_loop3A_260 = arith.constant 112 : index
        %parallel_loop3A_261 = tpu.vector_load %arg18[%parallel_loop3A_259, %parallel_loop3A_260] {strides = array<i32>} : memref<80x128xf32, #tpu.memory_space<vmem>>, vector<16xf32>,
        %parallel_loop3A_262 = arith.index_cast %parallel_loop3A_169 : i32 to index
        %parallel_loop3A_263 = arith.constant 112 : index
        %parallel_loop3A_264 = tpu.vector_load %arg19[%parallel_loop3A_262, %parallel_loop3A_263] {strides = array<i32>} : memref<80x128xf32, #tpu.memory_space<vmem>>, vector<16xf32>,
        %parallel_loop3A_265 = arith.mulf %parallel_loop3A_261, %parallel_loop3A_264 : vector<16xf32>
        %parallel_loop3A_266 = arith.index_cast %parallel_loop3A_169 : i32 to index
        %parallel_loop3A_267 = arith.constant 112 : index
        %parallel_loop3A_268 = tpu.vector_load %arg20[%parallel_loop3A_266, %parallel_loop3A_267] {strides = array<i32>} : memref<80x128xf32, #tpu.memory_space<vmem>>, vector<16xf32>,
        %parallel_loop3A_269 = arith.mulf %parallel_loop3A_261, %parallel_loop3A_268 : vector<16xf32>
        %parallel_loop3A_270 = arith.addf %parallel_loop3A_257, %parallel_loop3A_265 : vector<16xf32>
        %parallel_loop3A_271 = arith.addf %parallel_loop3A_258, %parallel_loop3A_269 : vector<16xf32>
        %parallel_loop3A_272 = arith.constant 0 : i32
        %parallel_loop3A_273 = vector.broadcast %parallel_loop3A_272 : i32 to vector<16xi32>
        %parallel_loop3A_274 = arith.cmpi slt, %xor3A_14, %parallel_loop3A_273 : vector<16xi32>
        %parallel_loop3A_275 = arith.constant 16 : i32
        %parallel_loop3A_276 = vector.broadcast %parallel_loop3A_275 : i32 to vector<16xi32>
        %parallel_loop3A_277 = arith.addi %xor3A_14, %parallel_loop3A_276 : vector<16xi32>
        %parallel_loop3A_278 = arith.select %parallel_loop3A_274, %parallel_loop3A_277, %xor3A_14 : vector<16xi1>, vector<16xi32>
        %parallel_loop3A_279 = vector.shape_cast %parallel_loop3A_278 : vector<16xi32> to vector<16x1xi32>
        %parallel_loop3A_280 = vector.shape_cast %parallel_loop3A_279 : vector<16x1xi32> to vector<16xi32>
        %parallel_loop3A_281 = tpu.dynamic_gather %parallel_loop3A_270[%parallel_loop3A_280] in [0] : vector<16xf32>, vector<16xi32> -> vector<16xf32>
        %parallel_loop3A_282 = arith.addf %parallel_loop3A_270, %parallel_loop3A_281 : vector<16xf32>
        %parallel_loop3A_283 = arith.constant 0 : i32
        %parallel_loop3A_284 = vector.broadcast %parallel_loop3A_283 : i32 to vector<16xi32>
        %parallel_loop3A_285 = arith.cmpi slt, %xor3A_14, %parallel_loop3A_284 : vector<16xi32>
        %parallel_loop3A_286 = arith.constant 16 : i32
        %parallel_loop3A_287 = vector.broadcast %parallel_loop3A_286 : i32 to vector<16xi32>
        %parallel_loop3A_288 = arith.addi %xor3A_14, %parallel_loop3A_287 : vector<16xi32>
        %parallel_loop3A_289 = arith.select %parallel_loop3A_285, %parallel_loop3A_288, %xor3A_14 : vector<16xi1>, vector<16xi32>
        %parallel_loop3A_290 = vector.shape_cast %parallel_loop3A_289 : vector<16xi32> to vector<16x1xi32>
        %parallel_loop3A_291 = vector.shape_cast %parallel_loop3A_290 : vector<16x1xi32> to vector<16xi32>
        %parallel_loop3A_292 = tpu.dynamic_gather %parallel_loop3A_271[%parallel_loop3A_291] in [0] : vector<16xf32>, vector<16xi32> -> vector<16xf32>
        %parallel_loop3A_293 = arith.addf %parallel_loop3A_271, %parallel_loop3A_292 : vector<16xf32>
        %parallel_loop3A_294 = arith.select %eq3A_12, %parallel_loop3A_282, %parallel_loop3A_293 : vector<16xi1>, vector<16xf32>
        %parallel_loop3A_295 = arith.constant 0 : i32
        %parallel_loop3A_296 = vector.broadcast %parallel_loop3A_295 : i32 to vector<16xi32>
        %parallel_loop3A_297 = arith.cmpi slt, %xor3A_17, %parallel_loop3A_296 : vector<16xi32>
        %parallel_loop3A_298 = arith.constant 16 : i32
        %parallel_loop3A_299 = vector.broadcast %parallel_loop3A_298 : i32 to vector<16xi32>
        %parallel_loop3A_300 = arith.addi %xor3A_17, %parallel_loop3A_299 : vector<16xi32>
        %parallel_loop3A_301 = arith.select %parallel_loop3A_297, %parallel_loop3A_300, %xor3A_17 : vector<16xi1>, vector<16xi32>
        %parallel_loop3A_302 = vector.shape_cast %parallel_loop3A_301 : vector<16xi32> to vector<16x1xi32>
        %parallel_loop3A_303 = vector.shape_cast %parallel_loop3A_302 : vector<16x1xi32> to vector<16xi32>
        %parallel_loop3A_304 = tpu.dynamic_gather %parallel_loop3A_294[%parallel_loop3A_303] in [0] : vector<16xf32>, vector<16xi32> -> vector<16xf32>
        %parallel_loop3A_305 = arith.addf %parallel_loop3A_294, %parallel_loop3A_304 : vector<16xf32>
        %parallel_loop3A_306 = arith.constant 0 : i32
        %parallel_loop3A_307 = vector.broadcast %parallel_loop3A_306 : i32 to vector<16xi32>
        %parallel_loop3A_308 = arith.cmpi slt, %xor3A_20, %parallel_loop3A_307 : vector<16xi32>
        %parallel_loop3A_309 = arith.constant 16 : i32
        %parallel_loop3A_310 = vector.broadcast %parallel_loop3A_309 : i32 to vector<16xi32>
        %parallel_loop3A_311 = arith.addi %xor3A_20, %parallel_loop3A_310 : vector<16xi32>
        %parallel_loop3A_312 = arith.select %parallel_loop3A_308, %parallel_loop3A_311, %xor3A_20 : vector<16xi1>, vector<16xi32>
        %parallel_loop3A_313 = vector.shape_cast %parallel_loop3A_312 : vector<16xi32> to vector<16x1xi32>
        %parallel_loop3A_314 = vector.shape_cast %parallel_loop3A_313 : vector<16x1xi32> to vector<16xi32>
        %parallel_loop3A_315 = tpu.dynamic_gather %parallel_loop3A_305[%parallel_loop3A_314] in [0] : vector<16xf32>, vector<16xi32> -> vector<16xf32>
        %parallel_loop3A_316 = arith.addf %parallel_loop3A_305, %parallel_loop3A_315 : vector<16xf32>
        %parallel_loop3A_317 = arith.constant 0 : i32
        %parallel_loop3A_318 = vector.broadcast %parallel_loop3A_317 : i32 to vector<16xi32>
        %parallel_loop3A_319 = arith.cmpi slt, %xor3A_23, %parallel_loop3A_318 : vector<16xi32>
        %parallel_loop3A_320 = arith.constant 16 : i32
        %parallel_loop3A_321 = vector.broadcast %parallel_loop3A_320 : i32 to vector<16xi32>
        %parallel_loop3A_322 = arith.addi %xor3A_23, %parallel_loop3A_321 : vector<16xi32>
        %parallel_loop3A_323 = arith.select %parallel_loop3A_319, %parallel_loop3A_322, %xor3A_23 : vector<16xi1>, vector<16xi32>
        %parallel_loop3A_324 = vector.shape_cast %parallel_loop3A_323 : vector<16xi32> to vector<16x1xi32>
        %parallel_loop3A_325 = vector.shape_cast %parallel_loop3A_324 : vector<16x1xi32> to vector<16xi32>
        %parallel_loop3A_326 = tpu.dynamic_gather %parallel_loop3A_316[%parallel_loop3A_325] in [0] : vector<16xf32>, vector<16xi32> -> vector<16xf32>
        %parallel_loop3A_327 = arith.addf %parallel_loop3A_316, %parallel_loop3A_326 : vector<16xf32>
        %parallel_loop3A_328 = arith.addi %mul3A_131, %parallel_loop3A_169 : i32
        %parallel_loop3A_329 = vector.broadcast %parallel_loop3A_328 : i32 to vector<16xi32>
        tpu.vector_store_idx %arg16[%parallel_loop3A_329], %parallel_loop3A_327 masked %eq3A_4 : memref<10000xf32, #tpu.memory_space<vmem>>[vector<16xi32>], vector<16xf32>, vector<16xi1>
        tpu.vector_store_idx %arg17[%parallel_loop3A_329], %parallel_loop3A_327 masked %eq3A_7 : memref<10000xf32, #tpu.memory_space<vmem>>[vector<16xi32>], vector<16xf32>, vector<16xi1>
        %parallel_loop3A_330 = arith.constant 1 : i32
        %parallel_loop3A_331 = arith.addi %parallel_loop3A_167, %parallel_loop3A_330 : i32
        %parallel_loop3A_332 = arith.index_cast %parallel_loop3A_331 : i32 to index
        %parallel_loop3A_333 = arith.constant 0 : index
        %parallel_loop3A_334 = tpu.vector_load %arg18[%parallel_loop3A_332, %parallel_loop3A_333] {strides = array<i32>} : memref<80x128xf32, #tpu.memory_space<vmem>>, vector<16xf32>,
        %parallel_loop3A_335 = arith.index_cast %parallel_loop3A_331 : i32 to index
        %parallel_loop3A_336 = arith.constant 0 : index
        %parallel_loop3A_337 = tpu.vector_load %arg19[%parallel_loop3A_335, %parallel_loop3A_336] {strides = array<i32>} : memref<80x128xf32, #tpu.memory_space<vmem>>, vector<16xf32>,
        %parallel_loop3A_338 = arith.mulf %parallel_loop3A_334, %parallel_loop3A_337 : vector<16xf32>
        %parallel_loop3A_339 = arith.index_cast %parallel_loop3A_331 : i32 to index
        %parallel_loop3A_340 = arith.constant 0 : index
        %parallel_loop3A_341 = tpu.vector_load %arg20[%parallel_loop3A_339, %parallel_loop3A_340] {strides = array<i32>} : memref<80x128xf32, #tpu.memory_space<vmem>>, vector<16xf32>,
        %parallel_loop3A_342 = arith.mulf %parallel_loop3A_334, %parallel_loop3A_341 : vector<16xf32>
        %parallel_loop3A_343 = arith.index_cast %parallel_loop3A_331 : i32 to index
        %parallel_loop3A_344 = arith.constant 16 : index
        %parallel_loop3A_345 = tpu.vector_load %arg18[%parallel_loop3A_343, %parallel_loop3A_344] {strides = array<i32>} : memref<80x128xf32, #tpu.memory_space<vmem>>, vector<16xf32>,
        %parallel_loop3A_346 = arith.index_cast %parallel_loop3A_331 : i32 to index
        %parallel_loop3A_347 = arith.constant 16 : index
        %parallel_loop3A_348 = tpu.vector_load %arg19[%parallel_loop3A_346, %parallel_loop3A_347] {strides = array<i32>} : memref<80x128xf32, #tpu.memory_space<vmem>>, vector<16xf32>,
        %parallel_loop3A_349 = arith.mulf %parallel_loop3A_345, %parallel_loop3A_348 : vector<16xf32>
        %parallel_loop3A_350 = arith.index_cast %parallel_loop3A_331 : i32 to index
        %parallel_loop3A_351 = arith.constant 16 : index
        %parallel_loop3A_352 = tpu.vector_load %arg20[%parallel_loop3A_350, %parallel_loop3A_351] {strides = array<i32>} : memref<80x128xf32, #tpu.memory_space<vmem>>, vector<16xf32>,
        %parallel_loop3A_353 = arith.mulf %parallel_loop3A_345, %parallel_loop3A_352 : vector<16xf32>
        %parallel_loop3A_354 = arith.addf %parallel_loop3A_338, %parallel_loop3A_349 : vector<16xf32>
        %parallel_loop3A_355 = arith.addf %parallel_loop3A_342, %parallel_loop3A_353 : vector<16xf32>
        %parallel_loop3A_356 = arith.index_cast %parallel_loop3A_331 : i32 to index
        %parallel_loop3A_357 = arith.constant 32 : index
        %parallel_loop3A_358 = tpu.vector_load %arg18[%parallel_loop3A_356, %parallel_loop3A_357] {strides = array<i32>} : memref<80x128xf32, #tpu.memory_space<vmem>>, vector<16xf32>,
        %parallel_loop3A_359 = arith.index_cast %parallel_loop3A_331 : i32 to index
        %parallel_loop3A_360 = arith.constant 32 : index
        %parallel_loop3A_361 = tpu.vector_load %arg19[%parallel_loop3A_359, %parallel_loop3A_360] {strides = array<i32>} : memref<80x128xf32, #tpu.memory_space<vmem>>, vector<16xf32>,
        %parallel_loop3A_362 = arith.mulf %parallel_loop3A_358, %parallel_loop3A_361 : vector<16xf32>
        %parallel_loop3A_363 = arith.index_cast %parallel_loop3A_331 : i32 to index
        %parallel_loop3A_364 = arith.constant 32 : index
        %parallel_loop3A_365 = tpu.vector_load %arg20[%parallel_loop3A_363, %parallel_loop3A_364] {strides = array<i32>} : memref<80x128xf32, #tpu.memory_space<vmem>>, vector<16xf32>,
        %parallel_loop3A_366 = arith.mulf %parallel_loop3A_358, %parallel_loop3A_365 : vector<16xf32>
        %parallel_loop3A_367 = arith.addf %parallel_loop3A_354, %parallel_loop3A_362 : vector<16xf32>
        %parallel_loop3A_368 = arith.addf %parallel_loop3A_355, %parallel_loop3A_366 : vector<16xf32>
        %parallel_loop3A_369 = arith.index_cast %parallel_loop3A_331 : i32 to index
        %parallel_loop3A_370 = arith.constant 48 : index
        %parallel_loop3A_371 = tpu.vector_load %arg18[%parallel_loop3A_369, %parallel_loop3A_370] {strides = array<i32>} : memref<80x128xf32, #tpu.memory_space<vmem>>, vector<16xf32>,
        %parallel_loop3A_372 = arith.index_cast %parallel_loop3A_331 : i32 to index
        %parallel_loop3A_373 = arith.constant 48 : index
        %parallel_loop3A_374 = tpu.vector_load %arg19[%parallel_loop3A_372, %parallel_loop3A_373] {strides = array<i32>} : memref<80x128xf32, #tpu.memory_space<vmem>>, vector<16xf32>,
        %parallel_loop3A_375 = arith.mulf %parallel_loop3A_371, %parallel_loop3A_374 : vector<16xf32>
        %parallel_loop3A_376 = arith.index_cast %parallel_loop3A_331 : i32 to index
        %parallel_loop3A_377 = arith.constant 48 : index
        %parallel_loop3A_378 = tpu.vector_load %arg20[%parallel_loop3A_376, %parallel_loop3A_377] {strides = array<i32>} : memref<80x128xf32, #tpu.memory_space<vmem>>, vector<16xf32>,
        %parallel_loop3A_379 = arith.mulf %parallel_loop3A_371, %parallel_loop3A_378 : vector<16xf32>
        %parallel_loop3A_380 = arith.addf %parallel_loop3A_367, %parallel_loop3A_375 : vector<16xf32>
        %parallel_loop3A_381 = arith.addf %parallel_loop3A_368, %parallel_loop3A_379 : vector<16xf32>
        %parallel_loop3A_382 = arith.index_cast %parallel_loop3A_331 : i32 to index
        %parallel_loop3A_383 = arith.constant 64 : index
        %parallel_loop3A_384 = tpu.vector_load %arg18[%parallel_loop3A_382, %parallel_loop3A_383] {strides = array<i32>} : memref<80x128xf32, #tpu.memory_space<vmem>>, vector<16xf32>,
        %parallel_loop3A_385 = arith.index_cast %parallel_loop3A_331 : i32 to index
        %parallel_loop3A_386 = arith.constant 64 : index
        %parallel_loop3A_387 = tpu.vector_load %arg19[%parallel_loop3A_385, %parallel_loop3A_386] {strides = array<i32>} : memref<80x128xf32, #tpu.memory_space<vmem>>, vector<16xf32>,
        %parallel_loop3A_388 = arith.mulf %parallel_loop3A_384, %parallel_loop3A_387 : vector<16xf32>
        %parallel_loop3A_389 = arith.index_cast %parallel_loop3A_331 : i32 to index
        %parallel_loop3A_390 = arith.constant 64 : index
        %parallel_loop3A_391 = tpu.vector_load %arg20[%parallel_loop3A_389, %parallel_loop3A_390] {strides = array<i32>} : memref<80x128xf32, #tpu.memory_space<vmem>>, vector<16xf32>,
        %parallel_loop3A_392 = arith.mulf %parallel_loop3A_384, %parallel_loop3A_391 : vector<16xf32>
        %parallel_loop3A_393 = arith.addf %parallel_loop3A_380, %parallel_loop3A_388 : vector<16xf32>
        %parallel_loop3A_394 = arith.addf %parallel_loop3A_381, %parallel_loop3A_392 : vector<16xf32>
        %parallel_loop3A_395 = arith.index_cast %parallel_loop3A_331 : i32 to index
        %parallel_loop3A_396 = arith.constant 80 : index
        %parallel_loop3A_397 = tpu.vector_load %arg18[%parallel_loop3A_395, %parallel_loop3A_396] {strides = array<i32>} : memref<80x128xf32, #tpu.memory_space<vmem>>, vector<16xf32>,
        %parallel_loop3A_398 = arith.index_cast %parallel_loop3A_331 : i32 to index
        %parallel_loop3A_399 = arith.constant 80 : index
        %parallel_loop3A_400 = tpu.vector_load %arg19[%parallel_loop3A_398, %parallel_loop3A_399] {strides = array<i32>} : memref<80x128xf32, #tpu.memory_space<vmem>>, vector<16xf32>,
        %parallel_loop3A_401 = arith.mulf %parallel_loop3A_397, %parallel_loop3A_400 : vector<16xf32>
        %parallel_loop3A_402 = arith.index_cast %parallel_loop3A_331 : i32 to index
        %parallel_loop3A_403 = arith.constant 80 : index
        %parallel_loop3A_404 = tpu.vector_load %arg20[%parallel_loop3A_402, %parallel_loop3A_403] {strides = array<i32>} : memref<80x128xf32, #tpu.memory_space<vmem>>, vector<16xf32>,
        %parallel_loop3A_405 = arith.mulf %parallel_loop3A_397, %parallel_loop3A_404 : vector<16xf32>
        %parallel_loop3A_406 = arith.addf %parallel_loop3A_393, %parallel_loop3A_401 : vector<16xf32>
        %parallel_loop3A_407 = arith.addf %parallel_loop3A_394, %parallel_loop3A_405 : vector<16xf32>
        %parallel_loop3A_408 = arith.index_cast %parallel_loop3A_331 : i32 to index
        %parallel_loop3A_409 = arith.constant 96 : index
        %parallel_loop3A_410 = tpu.vector_load %arg18[%parallel_loop3A_408, %parallel_loop3A_409] {strides = array<i32>} : memref<80x128xf32, #tpu.memory_space<vmem>>, vector<16xf32>,
        %parallel_loop3A_411 = arith.index_cast %parallel_loop3A_331 : i32 to index
        %parallel_loop3A_412 = arith.constant 96 : index
        %parallel_loop3A_413 = tpu.vector_load %arg19[%parallel_loop3A_411, %parallel_loop3A_412] {strides = array<i32>} : memref<80x128xf32, #tpu.memory_space<vmem>>, vector<16xf32>,
        %parallel_loop3A_414 = arith.mulf %parallel_loop3A_410, %parallel_loop3A_413 : vector<16xf32>
        %parallel_loop3A_415 = arith.index_cast %parallel_loop3A_331 : i32 to index
        %parallel_loop3A_416 = arith.constant 96 : index
        %parallel_loop3A_417 = tpu.vector_load %arg20[%parallel_loop3A_415, %parallel_loop3A_416] {strides = array<i32>} : memref<80x128xf32, #tpu.memory_space<vmem>>, vector<16xf32>,
        %parallel_loop3A_418 = arith.mulf %parallel_loop3A_410, %parallel_loop3A_417 : vector<16xf32>
        %parallel_loop3A_419 = arith.addf %parallel_loop3A_406, %parallel_loop3A_414 : vector<16xf32>
        %parallel_loop3A_420 = arith.addf %parallel_loop3A_407, %parallel_loop3A_418 : vector<16xf32>
        %parallel_loop3A_421 = arith.index_cast %parallel_loop3A_331 : i32 to index
        %parallel_loop3A_422 = arith.constant 112 : index
        %parallel_loop3A_423 = tpu.vector_load %arg18[%parallel_loop3A_421, %parallel_loop3A_422] {strides = array<i32>} : memref<80x128xf32, #tpu.memory_space<vmem>>, vector<16xf32>,
        %parallel_loop3A_424 = arith.index_cast %parallel_loop3A_331 : i32 to index
        %parallel_loop3A_425 = arith.constant 112 : index
        %parallel_loop3A_426 = tpu.vector_load %arg19[%parallel_loop3A_424, %parallel_loop3A_425] {strides = array<i32>} : memref<80x128xf32, #tpu.memory_space<vmem>>, vector<16xf32>,
        %parallel_loop3A_427 = arith.mulf %parallel_loop3A_423, %parallel_loop3A_426 : vector<16xf32>
        %parallel_loop3A_428 = arith.index_cast %parallel_loop3A_331 : i32 to index
        %parallel_loop3A_429 = arith.constant 112 : index
        %parallel_loop3A_430 = tpu.vector_load %arg20[%parallel_loop3A_428, %parallel_loop3A_429] {strides = array<i32>} : memref<80x128xf32, #tpu.memory_space<vmem>>, vector<16xf32>,
        %parallel_loop3A_431 = arith.mulf %parallel_loop3A_423, %parallel_loop3A_430 : vector<16xf32>
        %parallel_loop3A_432 = arith.addf %parallel_loop3A_419, %parallel_loop3A_427 : vector<16xf32>
        %parallel_loop3A_433 = arith.addf %parallel_loop3A_420, %parallel_loop3A_431 : vector<16xf32>
        %parallel_loop3A_434 = arith.constant 0 : i32
        %parallel_loop3A_435 = vector.broadcast %parallel_loop3A_434 : i32 to vector<16xi32>
        %parallel_loop3A_436 = arith.cmpi slt, %xor3A_14, %parallel_loop3A_435 : vector<16xi32>
        %parallel_loop3A_437 = arith.constant 16 : i32
        %parallel_loop3A_438 = vector.broadcast %parallel_loop3A_437 : i32 to vector<16xi32>
        %parallel_loop3A_439 = arith.addi %xor3A_14, %parallel_loop3A_438 : vector<16xi32>
        %parallel_loop3A_440 = arith.select %parallel_loop3A_436, %parallel_loop3A_439, %xor3A_14 : vector<16xi1>, vector<16xi32>
        %parallel_loop3A_441 = vector.shape_cast %parallel_loop3A_440 : vector<16xi32> to vector<16x1xi32>
        %parallel_loop3A_442 = vector.shape_cast %parallel_loop3A_441 : vector<16x1xi32> to vector<16xi32>
        %parallel_loop3A_443 = tpu.dynamic_gather %parallel_loop3A_432[%parallel_loop3A_442] in [0] : vector<16xf32>, vector<16xi32> -> vector<16xf32>
        %parallel_loop3A_444 = arith.addf %parallel_loop3A_432, %parallel_loop3A_443 : vector<16xf32>
        %parallel_loop3A_445 = arith.constant 0 : i32
        %parallel_loop3A_446 = vector.broadcast %parallel_loop3A_445 : i32 to vector<16xi32>
        %parallel_loop3A_447 = arith.cmpi slt, %xor3A_14, %parallel_loop3A_446 : vector<16xi32>
        %parallel_loop3A_448 = arith.constant 16 : i32
        %parallel_loop3A_449 = vector.broadcast %parallel_loop3A_448 : i32 to vector<16xi32>
        %parallel_loop3A_450 = arith.addi %xor3A_14, %parallel_loop3A_449 : vector<16xi32>
        %parallel_loop3A_451 = arith.select %parallel_loop3A_447, %parallel_loop3A_450, %xor3A_14 : vector<16xi1>, vector<16xi32>
        %parallel_loop3A_452 = vector.shape_cast %parallel_loop3A_451 : vector<16xi32> to vector<16x1xi32>
        %parallel_loop3A_453 = vector.shape_cast %parallel_loop3A_452 : vector<16x1xi32> to vector<16xi32>
        %parallel_loop3A_454 = tpu.dynamic_gather %parallel_loop3A_433[%parallel_loop3A_453] in [0] : vector<16xf32>, vector<16xi32> -> vector<16xf32>
        %parallel_loop3A_455 = arith.addf %parallel_loop3A_433, %parallel_loop3A_454 : vector<16xf32>
        %parallel_loop3A_456 = arith.select %eq3A_12, %parallel_loop3A_444, %parallel_loop3A_455 : vector<16xi1>, vector<16xf32>
        %parallel_loop3A_457 = arith.constant 0 : i32
        %parallel_loop3A_458 = vector.broadcast %parallel_loop3A_457 : i32 to vector<16xi32>
        %parallel_loop3A_459 = arith.cmpi slt, %xor3A_17, %parallel_loop3A_458 : vector<16xi32>
        %parallel_loop3A_460 = arith.constant 16 : i32
        %parallel_loop3A_461 = vector.broadcast %parallel_loop3A_460 : i32 to vector<16xi32>
        %parallel_loop3A_462 = arith.addi %xor3A_17, %parallel_loop3A_461 : vector<16xi32>
        %parallel_loop3A_463 = arith.select %parallel_loop3A_459, %parallel_loop3A_462, %xor3A_17 : vector<16xi1>, vector<16xi32>
        %parallel_loop3A_464 = vector.shape_cast %parallel_loop3A_463 : vector<16xi32> to vector<16x1xi32>
        %parallel_loop3A_465 = vector.shape_cast %parallel_loop3A_464 : vector<16x1xi32> to vector<16xi32>
        %parallel_loop3A_466 = tpu.dynamic_gather %parallel_loop3A_456[%parallel_loop3A_465] in [0] : vector<16xf32>, vector<16xi32> -> vector<16xf32>
        %parallel_loop3A_467 = arith.addf %parallel_loop3A_456, %parallel_loop3A_466 : vector<16xf32>
        %parallel_loop3A_468 = arith.constant 0 : i32
        %parallel_loop3A_469 = vector.broadcast %parallel_loop3A_468 : i32 to vector<16xi32>
        %parallel_loop3A_470 = arith.cmpi slt, %xor3A_20, %parallel_loop3A_469 : vector<16xi32>
        %parallel_loop3A_471 = arith.constant 16 : i32
        %parallel_loop3A_472 = vector.broadcast %parallel_loop3A_471 : i32 to vector<16xi32>
        %parallel_loop3A_473 = arith.addi %xor3A_20, %parallel_loop3A_472 : vector<16xi32>
        %parallel_loop3A_474 = arith.select %parallel_loop3A_470, %parallel_loop3A_473, %xor3A_20 : vector<16xi1>, vector<16xi32>
        %parallel_loop3A_475 = vector.shape_cast %parallel_loop3A_474 : vector<16xi32> to vector<16x1xi32>
        %parallel_loop3A_476 = vector.shape_cast %parallel_loop3A_475 : vector<16x1xi32> to vector<16xi32>
        %parallel_loop3A_477 = tpu.dynamic_gather %parallel_loop3A_467[%parallel_loop3A_476] in [0] : vector<16xf32>, vector<16xi32> -> vector<16xf32>
        %parallel_loop3A_478 = arith.addf %parallel_loop3A_467, %parallel_loop3A_477 : vector<16xf32>
        %parallel_loop3A_479 = arith.constant 0 : i32
        %parallel_loop3A_480 = vector.broadcast %parallel_loop3A_479 : i32 to vector<16xi32>
        %parallel_loop3A_481 = arith.cmpi slt, %xor3A_23, %parallel_loop3A_480 : vector<16xi32>
        %parallel_loop3A_482 = arith.constant 16 : i32
        %parallel_loop3A_483 = vector.broadcast %parallel_loop3A_482 : i32 to vector<16xi32>
        %parallel_loop3A_484 = arith.addi %xor3A_23, %parallel_loop3A_483 : vector<16xi32>
        %parallel_loop3A_485 = arith.select %parallel_loop3A_481, %parallel_loop3A_484, %xor3A_23 : vector<16xi1>, vector<16xi32>
        %parallel_loop3A_486 = vector.shape_cast %parallel_loop3A_485 : vector<16xi32> to vector<16x1xi32>
        %parallel_loop3A_487 = vector.shape_cast %parallel_loop3A_486 : vector<16x1xi32> to vector<16xi32>
        %parallel_loop3A_488 = tpu.dynamic_gather %parallel_loop3A_478[%parallel_loop3A_487] in [0] : vector<16xf32>, vector<16xi32> -> vector<16xf32>
        %parallel_loop3A_489 = arith.addf %parallel_loop3A_478, %parallel_loop3A_488 : vector<16xf32>
        %parallel_loop3A_490 = arith.addi %mul3A_131, %parallel_loop3A_331 : i32
        %parallel_loop3A_491 = vector.broadcast %parallel_loop3A_490 : i32 to vector<16xi32>
        tpu.vector_store_idx %arg16[%parallel_loop3A_491], %parallel_loop3A_489 masked %eq3A_4 : memref<10000xf32, #tpu.memory_space<vmem>>[vector<16xi32>], vector<16xf32>, vector<16xi1>
        tpu.vector_store_idx %arg17[%parallel_loop3A_491], %parallel_loop3A_489 masked %eq3A_7 : memref<10000xf32, #tpu.memory_space<vmem>>[vector<16xi32>], vector<16xf32>, vector<16xi1>
      } {sc.loop_unroll_factor = 2 : i64, sc.parallel_access}
      %add3A_135 = arith.constant 2 : i32
      %add3A_136 = arith.addi %add3A_115, %add3A_135 : i32
      %lt3A = arith.constant 125 : i32
      %lt3A_137 = arith.cmpi slt, %add3A_136, %lt3A : i32
      %convert_element_type3A = arith.extui %lt3A_137 : i1 to i32
      %cond3A = arith.constant 0 : i32
      %cond3A_138 = arith.cmpi ne, %convert_element_type3A, %cond3A : i32
      scf.if %cond3A_138 {
        %add3A_167 = arith.constant 2 : i32
        %add3A_168 = arith.addi %add3A_115, %add3A_167 : i32
        %mul3A_169 = arith.constant 80 : i32
        %mul3A_170 = arith.muli %add3A_168, %mul3A_169 : i32
        %dma_start3A_171 = tpu.memref_slice %arg12[%mul3A_170] : memref<10000xi32, #tpu.memory_space<vmem>> -> memref<80xi32, #tpu.memory_space<vmem>>
        %dma_start3A_172 = arith.constant 0 : i32
        %dma_start3A_173 = arith.constant 0 : i32
        %dma_start3A_174 = tpu.memref_slice %arg2[%dma_start3A_172, %dma_start3A_173] : memref<10000x128xf32, #tpu.memory_space<hbm>> -> memref<10000x128xf32, #tpu.memory_space<hbm>>
        tpu.enqueue_indirect_dma source(%dma_start3A_174 : memref<10000x128xf32, #tpu.memory_space<hbm>>) target(%arg18 : memref<80x128xf32, #tpu.memory_space<vmem>>) offsets(%dma_start3A_171 : memref<80xi32, #tpu.memory_space<vmem>>) semaphore(%arg25 : memref<!tpu.dma_semaphore, #tpu.memory_space<semaphore_mem>>)
        %dma_start3A_175 = tpu.memref_slice %arg13[%mul3A_170] : memref<10000xi32, #tpu.memory_space<vmem>> -> memref<80xi32, #tpu.memory_space<vmem>>
        %dma_start3A_176 = arith.constant 0 : i32
        %dma_start3A_177 = arith.constant 0 : i32
        %dma_start3A_178 = tpu.memref_slice %arg2[%dma_start3A_176, %dma_start3A_177] : memref<10000x128xf32, #tpu.memory_space<hbm>> -> memref<10000x128xf32, #tpu.memory_space<hbm>>
        tpu.enqueue_indirect_dma source(%dma_start3A_178 : memref<10000x128xf32, #tpu.memory_space<hbm>>) target(%arg19 : memref<80x128xf32, #tpu.memory_space<vmem>>) offsets(%dma_start3A_175 : memref<80xi32, #tpu.memory_space<vmem>>) semaphore(%arg25 : memref<!tpu.dma_semaphore, #tpu.memory_space<semaphore_mem>>)
        %dma_start3A_179 = tpu.memref_slice %arg14[%mul3A_170] : memref<10000xi32, #tpu.memory_space<vmem>> -> memref<80xi32, #tpu.memory_space<vmem>>
        %dma_start3A_180 = arith.constant 0 : i32
        %dma_start3A_181 = arith.constant 0 : i32
        %dma_start3A_182 = tpu.memref_slice %arg2[%dma_start3A_180, %dma_start3A_181] : memref<10000x128xf32, #tpu.memory_space<hbm>> -> memref<10000x128xf32, #tpu.memory_space<hbm>>
        tpu.enqueue_indirect_dma source(%dma_start3A_182 : memref<10000x128xf32, #tpu.memory_space<hbm>>) target(%arg20 : memref<80x128xf32, #tpu.memory_space<vmem>>) offsets(%dma_start3A_179 : memref<80xi32, #tpu.memory_space<vmem>>) semaphore(%arg25 : memref<!tpu.dma_semaphore, #tpu.memory_space<semaphore_mem>>)
      } else {
      }
      %add3A_139 = arith.constant 1 : i32
      %add3A_140 = arith.addi %mul3A_113, %add3A_139 : i32
      %mul3A_141 = arith.constant 80 : i32
      %mul3A_142 = arith.muli %add3A_140, %mul3A_141 : i32
      %dma_wait3A_143 = tpu.memref_slice %arg12[%mul3A_142] : memref<10000xi32, #tpu.memory_space<vmem>> -> memref<80xi32, #tpu.memory_space<vmem>>
      %dma_wait3A_144 = arith.constant 0 : i32
      %dma_wait3A_145 = arith.constant 0 : i32
      %dma_wait3A_146 = tpu.memref_slice %arg2[%dma_wait3A_144, %dma_wait3A_145] : memref<10000x128xf32, #tpu.memory_space<hbm>> -> memref<10000x128xf32, #tpu.memory_space<hbm>>
      tpu.wait_indirect_dma semaphore(%arg26 : memref<!tpu.dma_semaphore, #tpu.memory_space<semaphore_mem>>) src(%dma_wait3A_146 : memref<10000x128xf32, #tpu.memory_space<hbm>>) dst(%arg21 : memref<80x128xf32, #tpu.memory_space<vmem>>)
      %dma_wait3A_147 = tpu.memref_slice %arg13[%mul3A_142] : memref<10000xi32, #tpu.memory_space<vmem>> -> memref<80xi32, #tpu.memory_space<vmem>>
      %dma_wait3A_148 = arith.constant 0 : i32
      %dma_wait3A_149 = arith.constant 0 : i32
      %dma_wait3A_150 = tpu.memref_slice %arg2[%dma_wait3A_148, %dma_wait3A_149] : memref<10000x128xf32, #tpu.memory_space<hbm>> -> memref<10000x128xf32, #tpu.memory_space<hbm>>
      tpu.wait_indirect_dma semaphore(%arg26 : memref<!tpu.dma_semaphore, #tpu.memory_space<semaphore_mem>>) src(%dma_wait3A_150 : memref<10000x128xf32, #tpu.memory_space<hbm>>) dst(%arg22 : memref<80x128xf32, #tpu.memory_space<vmem>>)
      %dma_wait3A_151 = tpu.memref_slice %arg14[%mul3A_142] : memref<10000xi32, #tpu.memory_space<vmem>> -> memref<80xi32, #tpu.memory_space<vmem>>
      %dma_wait3A_152 = arith.constant 0 : i32
      %dma_wait3A_153 = arith.constant 0 : i32
      %dma_wait3A_154 = tpu.memref_slice %arg2[%dma_wait3A_152, %dma_wait3A_153] : memref<10000x128xf32, #tpu.memory_space<hbm>> -> memref<10000x128xf32, #tpu.memory_space<hbm>>
      tpu.wait_indirect_dma semaphore(%arg26 : memref<!tpu.dma_semaphore, #tpu.memory_space<semaphore_mem>>) src(%dma_wait3A_154 : memref<10000x128xf32, #tpu.memory_space<hbm>>) dst(%arg23 : memref<80x128xf32, #tpu.memory_space<vmem>>)
      %mul3A_155 = arith.constant 80 : i32
      %mul3A_156 = arith.muli %add3A_140, %mul3A_155 : i32
      %parallel_loop3A_157 = arith.constant 0 : i32
      %parallel_loop3A_158 = arith.constant 80 : i32
      %parallel_loop3A_159 = arith.constant 2 : i32
      scf.for %parallel_loop3A_167 = %parallel_loop3A_157 to %parallel_loop3A_158 step %parallel_loop3A_159  : i32 {
        %parallel_loop3A_168 = arith.constant 0 : i32
        %parallel_loop3A_169 = arith.addi %parallel_loop3A_167, %parallel_loop3A_168 : i32
        %parallel_loop3A_170 = arith.index_cast %parallel_loop3A_169 : i32 to index
        %parallel_loop3A_171 = arith.constant 0 : index
        %parallel_loop3A_172 = tpu.vector_load %arg21[%parallel_loop3A_170, %parallel_loop3A_171] {strides = array<i32>} : memref<80x128xf32, #tpu.memory_space<vmem>>, vector<16xf32>,
        %parallel_loop3A_173 = arith.index_cast %parallel_loop3A_169 : i32 to index
        %parallel_loop3A_174 = arith.constant 0 : index
        %parallel_loop3A_175 = tpu.vector_load %arg22[%parallel_loop3A_173, %parallel_loop3A_174] {strides = array<i32>} : memref<80x128xf32, #tpu.memory_space<vmem>>, vector<16xf32>,
        %parallel_loop3A_176 = arith.mulf %parallel_loop3A_172, %parallel_loop3A_175 : vector<16xf32>
        %parallel_loop3A_177 = arith.index_cast %parallel_loop3A_169 : i32 to index
        %parallel_loop3A_178 = arith.constant 0 : index
        %parallel_loop3A_179 = tpu.vector_load %arg23[%parallel_loop3A_177, %parallel_loop3A_178] {strides = array<i32>} : memref<80x128xf32, #tpu.memory_space<vmem>>, vector<16xf32>,
        %parallel_loop3A_180 = arith.mulf %parallel_loop3A_172, %parallel_loop3A_179 : vector<16xf32>
        %parallel_loop3A_181 = arith.index_cast %parallel_loop3A_169 : i32 to index
        %parallel_loop3A_182 = arith.constant 16 : index
        %parallel_loop3A_183 = tpu.vector_load %arg21[%parallel_loop3A_181, %parallel_loop3A_182] {strides = array<i32>} : memref<80x128xf32, #tpu.memory_space<vmem>>, vector<16xf32>,
        %parallel_loop3A_184 = arith.index_cast %parallel_loop3A_169 : i32 to index
        %parallel_loop3A_185 = arith.constant 16 : index
        %parallel_loop3A_186 = tpu.vector_load %arg22[%parallel_loop3A_184, %parallel_loop3A_185] {strides = array<i32>} : memref<80x128xf32, #tpu.memory_space<vmem>>, vector<16xf32>,
        %parallel_loop3A_187 = arith.mulf %parallel_loop3A_183, %parallel_loop3A_186 : vector<16xf32>
        %parallel_loop3A_188 = arith.index_cast %parallel_loop3A_169 : i32 to index
        %parallel_loop3A_189 = arith.constant 16 : index
        %parallel_loop3A_190 = tpu.vector_load %arg23[%parallel_loop3A_188, %parallel_loop3A_189] {strides = array<i32>} : memref<80x128xf32, #tpu.memory_space<vmem>>, vector<16xf32>,
        %parallel_loop3A_191 = arith.mulf %parallel_loop3A_183, %parallel_loop3A_190 : vector<16xf32>
        %parallel_loop3A_192 = arith.addf %parallel_loop3A_176, %parallel_loop3A_187 : vector<16xf32>
        %parallel_loop3A_193 = arith.addf %parallel_loop3A_180, %parallel_loop3A_191 : vector<16xf32>
        %parallel_loop3A_194 = arith.index_cast %parallel_loop3A_169 : i32 to index
        %parallel_loop3A_195 = arith.constant 32 : index
        %parallel_loop3A_196 = tpu.vector_load %arg21[%parallel_loop3A_194, %parallel_loop3A_195] {strides = array<i32>} : memref<80x128xf32, #tpu.memory_space<vmem>>, vector<16xf32>,
        %parallel_loop3A_197 = arith.index_cast %parallel_loop3A_169 : i32 to index
        %parallel_loop3A_198 = arith.constant 32 : index
        %parallel_loop3A_199 = tpu.vector_load %arg22[%parallel_loop3A_197, %parallel_loop3A_198] {strides = array<i32>} : memref<80x128xf32, #tpu.memory_space<vmem>>, vector<16xf32>,
        %parallel_loop3A_200 = arith.mulf %parallel_loop3A_196, %parallel_loop3A_199 : vector<16xf32>
        %parallel_loop3A_201 = arith.index_cast %parallel_loop3A_169 : i32 to index
        %parallel_loop3A_202 = arith.constant 32 : index
        %parallel_loop3A_203 = tpu.vector_load %arg23[%parallel_loop3A_201, %parallel_loop3A_202] {strides = array<i32>} : memref<80x128xf32, #tpu.memory_space<vmem>>, vector<16xf32>,
        %parallel_loop3A_204 = arith.mulf %parallel_loop3A_196, %parallel_loop3A_203 : vector<16xf32>
        %parallel_loop3A_205 = arith.addf %parallel_loop3A_192, %parallel_loop3A_200 : vector<16xf32>
        %parallel_loop3A_206 = arith.addf %parallel_loop3A_193, %parallel_loop3A_204 : vector<16xf32>
        %parallel_loop3A_207 = arith.index_cast %parallel_loop3A_169 : i32 to index
        %parallel_loop3A_208 = arith.constant 48 : index
        %parallel_loop3A_209 = tpu.vector_load %arg21[%parallel_loop3A_207, %parallel_loop3A_208] {strides = array<i32>} : memref<80x128xf32, #tpu.memory_space<vmem>>, vector<16xf32>,
        %parallel_loop3A_210 = arith.index_cast %parallel_loop3A_169 : i32 to index
        %parallel_loop3A_211 = arith.constant 48 : index
        %parallel_loop3A_212 = tpu.vector_load %arg22[%parallel_loop3A_210, %parallel_loop3A_211] {strides = array<i32>} : memref<80x128xf32, #tpu.memory_space<vmem>>, vector<16xf32>,
        %parallel_loop3A_213 = arith.mulf %parallel_loop3A_209, %parallel_loop3A_212 : vector<16xf32>
        %parallel_loop3A_214 = arith.index_cast %parallel_loop3A_169 : i32 to index
        %parallel_loop3A_215 = arith.constant 48 : index
        %parallel_loop3A_216 = tpu.vector_load %arg23[%parallel_loop3A_214, %parallel_loop3A_215] {strides = array<i32>} : memref<80x128xf32, #tpu.memory_space<vmem>>, vector<16xf32>,
        %parallel_loop3A_217 = arith.mulf %parallel_loop3A_209, %parallel_loop3A_216 : vector<16xf32>
        %parallel_loop3A_218 = arith.addf %parallel_loop3A_205, %parallel_loop3A_213 : vector<16xf32>
        %parallel_loop3A_219 = arith.addf %parallel_loop3A_206, %parallel_loop3A_217 : vector<16xf32>
        %parallel_loop3A_220 = arith.index_cast %parallel_loop3A_169 : i32 to index
        %parallel_loop3A_221 = arith.constant 64 : index
        %parallel_loop3A_222 = tpu.vector_load %arg21[%parallel_loop3A_220, %parallel_loop3A_221] {strides = array<i32>} : memref<80x128xf32, #tpu.memory_space<vmem>>, vector<16xf32>,
        %parallel_loop3A_223 = arith.index_cast %parallel_loop3A_169 : i32 to index
        %parallel_loop3A_224 = arith.constant 64 : index
        %parallel_loop3A_225 = tpu.vector_load %arg22[%parallel_loop3A_223, %parallel_loop3A_224] {strides = array<i32>} : memref<80x128xf32, #tpu.memory_space<vmem>>, vector<16xf32>,
        %parallel_loop3A_226 = arith.mulf %parallel_loop3A_222, %parallel_loop3A_225 : vector<16xf32>
        %parallel_loop3A_227 = arith.index_cast %parallel_loop3A_169 : i32 to index
        %parallel_loop3A_228 = arith.constant 64 : index
        %parallel_loop3A_229 = tpu.vector_load %arg23[%parallel_loop3A_227, %parallel_loop3A_228] {strides = array<i32>} : memref<80x128xf32, #tpu.memory_space<vmem>>, vector<16xf32>,
        %parallel_loop3A_230 = arith.mulf %parallel_loop3A_222, %parallel_loop3A_229 : vector<16xf32>
        %parallel_loop3A_231 = arith.addf %parallel_loop3A_218, %parallel_loop3A_226 : vector<16xf32>
        %parallel_loop3A_232 = arith.addf %parallel_loop3A_219, %parallel_loop3A_230 : vector<16xf32>
        %parallel_loop3A_233 = arith.index_cast %parallel_loop3A_169 : i32 to index
        %parallel_loop3A_234 = arith.constant 80 : index
        %parallel_loop3A_235 = tpu.vector_load %arg21[%parallel_loop3A_233, %parallel_loop3A_234] {strides = array<i32>} : memref<80x128xf32, #tpu.memory_space<vmem>>, vector<16xf32>,
        %parallel_loop3A_236 = arith.index_cast %parallel_loop3A_169 : i32 to index
        %parallel_loop3A_237 = arith.constant 80 : index
        %parallel_loop3A_238 = tpu.vector_load %arg22[%parallel_loop3A_236, %parallel_loop3A_237] {strides = array<i32>} : memref<80x128xf32, #tpu.memory_space<vmem>>, vector<16xf32>,
        %parallel_loop3A_239 = arith.mulf %parallel_loop3A_235, %parallel_loop3A_238 : vector<16xf32>
        %parallel_loop3A_240 = arith.index_cast %parallel_loop3A_169 : i32 to index
        %parallel_loop3A_241 = arith.constant 80 : index
        %parallel_loop3A_242 = tpu.vector_load %arg23[%parallel_loop3A_240, %parallel_loop3A_241] {strides = array<i32>} : memref<80x128xf32, #tpu.memory_space<vmem>>, vector<16xf32>,
        %parallel_loop3A_243 = arith.mulf %parallel_loop3A_235, %parallel_loop3A_242 : vector<16xf32>
        %parallel_loop3A_244 = arith.addf %parallel_loop3A_231, %parallel_loop3A_239 : vector<16xf32>
        %parallel_loop3A_245 = arith.addf %parallel_loop3A_232, %parallel_loop3A_243 : vector<16xf32>
        %parallel_loop3A_246 = arith.index_cast %parallel_loop3A_169 : i32 to index
        %parallel_loop3A_247 = arith.constant 96 : index
        %parallel_loop3A_248 = tpu.vector_load %arg21[%parallel_loop3A_246, %parallel_loop3A_247] {strides = array<i32>} : memref<80x128xf32, #tpu.memory_space<vmem>>, vector<16xf32>,
        %parallel_loop3A_249 = arith.index_cast %parallel_loop3A_169 : i32 to index
        %parallel_loop3A_250 = arith.constant 96 : index
        %parallel_loop3A_251 = tpu.vector_load %arg22[%parallel_loop3A_249, %parallel_loop3A_250] {strides = array<i32>} : memref<80x128xf32, #tpu.memory_space<vmem>>, vector<16xf32>,
        %parallel_loop3A_252 = arith.mulf %parallel_loop3A_248, %parallel_loop3A_251 : vector<16xf32>
        %parallel_loop3A_253 = arith.index_cast %parallel_loop3A_169 : i32 to index
        %parallel_loop3A_254 = arith.constant 96 : index
        %parallel_loop3A_255 = tpu.vector_load %arg23[%parallel_loop3A_253, %parallel_loop3A_254] {strides = array<i32>} : memref<80x128xf32, #tpu.memory_space<vmem>>, vector<16xf32>,
        %parallel_loop3A_256 = arith.mulf %parallel_loop3A_248, %parallel_loop3A_255 : vector<16xf32>
        %parallel_loop3A_257 = arith.addf %parallel_loop3A_244, %parallel_loop3A_252 : vector<16xf32>
        %parallel_loop3A_258 = arith.addf %parallel_loop3A_245, %parallel_loop3A_256 : vector<16xf32>
        %parallel_loop3A_259 = arith.index_cast %parallel_loop3A_169 : i32 to index
        %parallel_loop3A_260 = arith.constant 112 : index
        %parallel_loop3A_261 = tpu.vector_load %arg21[%parallel_loop3A_259, %parallel_loop3A_260] {strides = array<i32>} : memref<80x128xf32, #tpu.memory_space<vmem>>, vector<16xf32>,
        %parallel_loop3A_262 = arith.index_cast %parallel_loop3A_169 : i32 to index
        %parallel_loop3A_263 = arith.constant 112 : index
        %parallel_loop3A_264 = tpu.vector_load %arg22[%parallel_loop3A_262, %parallel_loop3A_263] {strides = array<i32>} : memref<80x128xf32, #tpu.memory_space<vmem>>, vector<16xf32>,
        %parallel_loop3A_265 = arith.mulf %parallel_loop3A_261, %parallel_loop3A_264 : vector<16xf32>
        %parallel_loop3A_266 = arith.index_cast %parallel_loop3A_169 : i32 to index
        %parallel_loop3A_267 = arith.constant 112 : index
        %parallel_loop3A_268 = tpu.vector_load %arg23[%parallel_loop3A_266, %parallel_loop3A_267] {strides = array<i32>} : memref<80x128xf32, #tpu.memory_space<vmem>>, vector<16xf32>,
        %parallel_loop3A_269 = arith.mulf %parallel_loop3A_261, %parallel_loop3A_268 : vector<16xf32>
        %parallel_loop3A_270 = arith.addf %parallel_loop3A_257, %parallel_loop3A_265 : vector<16xf32>
        %parallel_loop3A_271 = arith.addf %parallel_loop3A_258, %parallel_loop3A_269 : vector<16xf32>
        %parallel_loop3A_272 = arith.constant 0 : i32
        %parallel_loop3A_273 = vector.broadcast %parallel_loop3A_272 : i32 to vector<16xi32>
        %parallel_loop3A_274 = arith.cmpi slt, %xor3A_14, %parallel_loop3A_273 : vector<16xi32>
        %parallel_loop3A_275 = arith.constant 16 : i32
        %parallel_loop3A_276 = vector.broadcast %parallel_loop3A_275 : i32 to vector<16xi32>
        %parallel_loop3A_277 = arith.addi %xor3A_14, %parallel_loop3A_276 : vector<16xi32>
        %parallel_loop3A_278 = arith.select %parallel_loop3A_274, %parallel_loop3A_277, %xor3A_14 : vector<16xi1>, vector<16xi32>
        %parallel_loop3A_279 = vector.shape_cast %parallel_loop3A_278 : vector<16xi32> to vector<16x1xi32>
        %parallel_loop3A_280 = vector.shape_cast %parallel_loop3A_279 : vector<16x1xi32> to vector<16xi32>
        %parallel_loop3A_281 = tpu.dynamic_gather %parallel_loop3A_270[%parallel_loop3A_280] in [0] : vector<16xf32>, vector<16xi32> -> vector<16xf32>
        %parallel_loop3A_282 = arith.addf %parallel_loop3A_270, %parallel_loop3A_281 : vector<16xf32>
        %parallel_loop3A_283 = arith.constant 0 : i32
        %parallel_loop3A_284 = vector.broadcast %parallel_loop3A_283 : i32 to vector<16xi32>
        %parallel_loop3A_285 = arith.cmpi slt, %xor3A_14, %parallel_loop3A_284 : vector<16xi32>
        %parallel_loop3A_286 = arith.constant 16 : i32
        %parallel_loop3A_287 = vector.broadcast %parallel_loop3A_286 : i32 to vector<16xi32>
        %parallel_loop3A_288 = arith.addi %xor3A_14, %parallel_loop3A_287 : vector<16xi32>
        %parallel_loop3A_289 = arith.select %parallel_loop3A_285, %parallel_loop3A_288, %xor3A_14 : vector<16xi1>, vector<16xi32>
        %parallel_loop3A_290 = vector.shape_cast %parallel_loop3A_289 : vector<16xi32> to vector<16x1xi32>
        %parallel_loop3A_291 = vector.shape_cast %parallel_loop3A_290 : vector<16x1xi32> to vector<16xi32>
        %parallel_loop3A_292 = tpu.dynamic_gather %parallel_loop3A_271[%parallel_loop3A_291] in [0] : vector<16xf32>, vector<16xi32> -> vector<16xf32>
        %parallel_loop3A_293 = arith.addf %parallel_loop3A_271, %parallel_loop3A_292 : vector<16xf32>
        %parallel_loop3A_294 = arith.select %eq3A_12, %parallel_loop3A_282, %parallel_loop3A_293 : vector<16xi1>, vector<16xf32>
        %parallel_loop3A_295 = arith.constant 0 : i32
        %parallel_loop3A_296 = vector.broadcast %parallel_loop3A_295 : i32 to vector<16xi32>
        %parallel_loop3A_297 = arith.cmpi slt, %xor3A_17, %parallel_loop3A_296 : vector<16xi32>
        %parallel_loop3A_298 = arith.constant 16 : i32
        %parallel_loop3A_299 = vector.broadcast %parallel_loop3A_298 : i32 to vector<16xi32>
        %parallel_loop3A_300 = arith.addi %xor3A_17, %parallel_loop3A_299 : vector<16xi32>
        %parallel_loop3A_301 = arith.select %parallel_loop3A_297, %parallel_loop3A_300, %xor3A_17 : vector<16xi1>, vector<16xi32>
        %parallel_loop3A_302 = vector.shape_cast %parallel_loop3A_301 : vector<16xi32> to vector<16x1xi32>
        %parallel_loop3A_303 = vector.shape_cast %parallel_loop3A_302 : vector<16x1xi32> to vector<16xi32>
        %parallel_loop3A_304 = tpu.dynamic_gather %parallel_loop3A_294[%parallel_loop3A_303] in [0] : vector<16xf32>, vector<16xi32> -> vector<16xf32>
        %parallel_loop3A_305 = arith.addf %parallel_loop3A_294, %parallel_loop3A_304 : vector<16xf32>
        %parallel_loop3A_306 = arith.constant 0 : i32
        %parallel_loop3A_307 = vector.broadcast %parallel_loop3A_306 : i32 to vector<16xi32>
        %parallel_loop3A_308 = arith.cmpi slt, %xor3A_20, %parallel_loop3A_307 : vector<16xi32>
        %parallel_loop3A_309 = arith.constant 16 : i32
        %parallel_loop3A_310 = vector.broadcast %parallel_loop3A_309 : i32 to vector<16xi32>
        %parallel_loop3A_311 = arith.addi %xor3A_20, %parallel_loop3A_310 : vector<16xi32>
        %parallel_loop3A_312 = arith.select %parallel_loop3A_308, %parallel_loop3A_311, %xor3A_20 : vector<16xi1>, vector<16xi32>
        %parallel_loop3A_313 = vector.shape_cast %parallel_loop3A_312 : vector<16xi32> to vector<16x1xi32>
        %parallel_loop3A_314 = vector.shape_cast %parallel_loop3A_313 : vector<16x1xi32> to vector<16xi32>
        %parallel_loop3A_315 = tpu.dynamic_gather %parallel_loop3A_305[%parallel_loop3A_314] in [0] : vector<16xf32>, vector<16xi32> -> vector<16xf32>
        %parallel_loop3A_316 = arith.addf %parallel_loop3A_305, %parallel_loop3A_315 : vector<16xf32>
        %parallel_loop3A_317 = arith.constant 0 : i32
        %parallel_loop3A_318 = vector.broadcast %parallel_loop3A_317 : i32 to vector<16xi32>
        %parallel_loop3A_319 = arith.cmpi slt, %xor3A_23, %parallel_loop3A_318 : vector<16xi32>
        %parallel_loop3A_320 = arith.constant 16 : i32
        %parallel_loop3A_321 = vector.broadcast %parallel_loop3A_320 : i32 to vector<16xi32>
        %parallel_loop3A_322 = arith.addi %xor3A_23, %parallel_loop3A_321 : vector<16xi32>
        %parallel_loop3A_323 = arith.select %parallel_loop3A_319, %parallel_loop3A_322, %xor3A_23 : vector<16xi1>, vector<16xi32>
        %parallel_loop3A_324 = vector.shape_cast %parallel_loop3A_323 : vector<16xi32> to vector<16x1xi32>
        %parallel_loop3A_325 = vector.shape_cast %parallel_loop3A_324 : vector<16x1xi32> to vector<16xi32>
        %parallel_loop3A_326 = tpu.dynamic_gather %parallel_loop3A_316[%parallel_loop3A_325] in [0] : vector<16xf32>, vector<16xi32> -> vector<16xf32>
        %parallel_loop3A_327 = arith.addf %parallel_loop3A_316, %parallel_loop3A_326 : vector<16xf32>
        %parallel_loop3A_328 = arith.addi %mul3A_156, %parallel_loop3A_169 : i32
        %parallel_loop3A_329 = vector.broadcast %parallel_loop3A_328 : i32 to vector<16xi32>
        tpu.vector_store_idx %arg16[%parallel_loop3A_329], %parallel_loop3A_327 masked %eq3A_4 : memref<10000xf32, #tpu.memory_space<vmem>>[vector<16xi32>], vector<16xf32>, vector<16xi1>
        tpu.vector_store_idx %arg17[%parallel_loop3A_329], %parallel_loop3A_327 masked %eq3A_7 : memref<10000xf32, #tpu.memory_space<vmem>>[vector<16xi32>], vector<16xf32>, vector<16xi1>
        %parallel_loop3A_330 = arith.constant 1 : i32
        %parallel_loop3A_331 = arith.addi %parallel_loop3A_167, %parallel_loop3A_330 : i32
        %parallel_loop3A_332 = arith.index_cast %parallel_loop3A_331 : i32 to index
        %parallel_loop3A_333 = arith.constant 0 : index
        %parallel_loop3A_334 = tpu.vector_load %arg21[%parallel_loop3A_332, %parallel_loop3A_333] {strides = array<i32>} : memref<80x128xf32, #tpu.memory_space<vmem>>, vector<16xf32>,
        %parallel_loop3A_335 = arith.index_cast %parallel_loop3A_331 : i32 to index
        %parallel_loop3A_336 = arith.constant 0 : index
        %parallel_loop3A_337 = tpu.vector_load %arg22[%parallel_loop3A_335, %parallel_loop3A_336] {strides = array<i32>} : memref<80x128xf32, #tpu.memory_space<vmem>>, vector<16xf32>,
        %parallel_loop3A_338 = arith.mulf %parallel_loop3A_334, %parallel_loop3A_337 : vector<16xf32>
        %parallel_loop3A_339 = arith.index_cast %parallel_loop3A_331 : i32 to index
        %parallel_loop3A_340 = arith.constant 0 : index
        %parallel_loop3A_341 = tpu.vector_load %arg23[%parallel_loop3A_339, %parallel_loop3A_340] {strides = array<i32>} : memref<80x128xf32, #tpu.memory_space<vmem>>, vector<16xf32>,
        %parallel_loop3A_342 = arith.mulf %parallel_loop3A_334, %parallel_loop3A_341 : vector<16xf32>
        %parallel_loop3A_343 = arith.index_cast %parallel_loop3A_331 : i32 to index
        %parallel_loop3A_344 = arith.constant 16 : index
        %parallel_loop3A_345 = tpu.vector_load %arg21[%parallel_loop3A_343, %parallel_loop3A_344] {strides = array<i32>} : memref<80x128xf32, #tpu.memory_space<vmem>>, vector<16xf32>,
        %parallel_loop3A_346 = arith.index_cast %parallel_loop3A_331 : i32 to index
        %parallel_loop3A_347 = arith.constant 16 : index
        %parallel_loop3A_348 = tpu.vector_load %arg22[%parallel_loop3A_346, %parallel_loop3A_347] {strides = array<i32>} : memref<80x128xf32, #tpu.memory_space<vmem>>, vector<16xf32>,
        %parallel_loop3A_349 = arith.mulf %parallel_loop3A_345, %parallel_loop3A_348 : vector<16xf32>
        %parallel_loop3A_350 = arith.index_cast %parallel_loop3A_331 : i32 to index
        %parallel_loop3A_351 = arith.constant 16 : index
        %parallel_loop3A_352 = tpu.vector_load %arg23[%parallel_loop3A_350, %parallel_loop3A_351] {strides = array<i32>} : memref<80x128xf32, #tpu.memory_space<vmem>>, vector<16xf32>,
        %parallel_loop3A_353 = arith.mulf %parallel_loop3A_345, %parallel_loop3A_352 : vector<16xf32>
        %parallel_loop3A_354 = arith.addf %parallel_loop3A_338, %parallel_loop3A_349 : vector<16xf32>
        %parallel_loop3A_355 = arith.addf %parallel_loop3A_342, %parallel_loop3A_353 : vector<16xf32>
        %parallel_loop3A_356 = arith.index_cast %parallel_loop3A_331 : i32 to index
        %parallel_loop3A_357 = arith.constant 32 : index
        %parallel_loop3A_358 = tpu.vector_load %arg21[%parallel_loop3A_356, %parallel_loop3A_357] {strides = array<i32>} : memref<80x128xf32, #tpu.memory_space<vmem>>, vector<16xf32>,
        %parallel_loop3A_359 = arith.index_cast %parallel_loop3A_331 : i32 to index
        %parallel_loop3A_360 = arith.constant 32 : index
        %parallel_loop3A_361 = tpu.vector_load %arg22[%parallel_loop3A_359, %parallel_loop3A_360] {strides = array<i32>} : memref<80x128xf32, #tpu.memory_space<vmem>>, vector<16xf32>,
        %parallel_loop3A_362 = arith.mulf %parallel_loop3A_358, %parallel_loop3A_361 : vector<16xf32>
        %parallel_loop3A_363 = arith.index_cast %parallel_loop3A_331 : i32 to index
        %parallel_loop3A_364 = arith.constant 32 : index
        %parallel_loop3A_365 = tpu.vector_load %arg23[%parallel_loop3A_363, %parallel_loop3A_364] {strides = array<i32>} : memref<80x128xf32, #tpu.memory_space<vmem>>, vector<16xf32>,
        %parallel_loop3A_366 = arith.mulf %parallel_loop3A_358, %parallel_loop3A_365 : vector<16xf32>
        %parallel_loop3A_367 = arith.addf %parallel_loop3A_354, %parallel_loop3A_362 : vector<16xf32>
        %parallel_loop3A_368 = arith.addf %parallel_loop3A_355, %parallel_loop3A_366 : vector<16xf32>
        %parallel_loop3A_369 = arith.index_cast %parallel_loop3A_331 : i32 to index
        %parallel_loop3A_370 = arith.constant 48 : index
        %parallel_loop3A_371 = tpu.vector_load %arg21[%parallel_loop3A_369, %parallel_loop3A_370] {strides = array<i32>} : memref<80x128xf32, #tpu.memory_space<vmem>>, vector<16xf32>,
        %parallel_loop3A_372 = arith.index_cast %parallel_loop3A_331 : i32 to index
        %parallel_loop3A_373 = arith.constant 48 : index
        %parallel_loop3A_374 = tpu.vector_load %arg22[%parallel_loop3A_372, %parallel_loop3A_373] {strides = array<i32>} : memref<80x128xf32, #tpu.memory_space<vmem>>, vector<16xf32>,
        %parallel_loop3A_375 = arith.mulf %parallel_loop3A_371, %parallel_loop3A_374 : vector<16xf32>
        %parallel_loop3A_376 = arith.index_cast %parallel_loop3A_331 : i32 to index
        %parallel_loop3A_377 = arith.constant 48 : index
        %parallel_loop3A_378 = tpu.vector_load %arg23[%parallel_loop3A_376, %parallel_loop3A_377] {strides = array<i32>} : memref<80x128xf32, #tpu.memory_space<vmem>>, vector<16xf32>,
        %parallel_loop3A_379 = arith.mulf %parallel_loop3A_371, %parallel_loop3A_378 : vector<16xf32>
        %parallel_loop3A_380 = arith.addf %parallel_loop3A_367, %parallel_loop3A_375 : vector<16xf32>
        %parallel_loop3A_381 = arith.addf %parallel_loop3A_368, %parallel_loop3A_379 : vector<16xf32>
        %parallel_loop3A_382 = arith.index_cast %parallel_loop3A_331 : i32 to index
        %parallel_loop3A_383 = arith.constant 64 : index
        %parallel_loop3A_384 = tpu.vector_load %arg21[%parallel_loop3A_382, %parallel_loop3A_383] {strides = array<i32>} : memref<80x128xf32, #tpu.memory_space<vmem>>, vector<16xf32>,
        %parallel_loop3A_385 = arith.index_cast %parallel_loop3A_331 : i32 to index
        %parallel_loop3A_386 = arith.constant 64 : index
        %parallel_loop3A_387 = tpu.vector_load %arg22[%parallel_loop3A_385, %parallel_loop3A_386] {strides = array<i32>} : memref<80x128xf32, #tpu.memory_space<vmem>>, vector<16xf32>,
        %parallel_loop3A_388 = arith.mulf %parallel_loop3A_384, %parallel_loop3A_387 : vector<16xf32>
        %parallel_loop3A_389 = arith.index_cast %parallel_loop3A_331 : i32 to index
        %parallel_loop3A_390 = arith.constant 64 : index
        %parallel_loop3A_391 = tpu.vector_load %arg23[%parallel_loop3A_389, %parallel_loop3A_390] {strides = array<i32>} : memref<80x128xf32, #tpu.memory_space<vmem>>, vector<16xf32>,
        %parallel_loop3A_392 = arith.mulf %parallel_loop3A_384, %parallel_loop3A_391 : vector<16xf32>
        %parallel_loop3A_393 = arith.addf %parallel_loop3A_380, %parallel_loop3A_388 : vector<16xf32>
        %parallel_loop3A_394 = arith.addf %parallel_loop3A_381, %parallel_loop3A_392 : vector<16xf32>
        %parallel_loop3A_395 = arith.index_cast %parallel_loop3A_331 : i32 to index
        %parallel_loop3A_396 = arith.constant 80 : index
        %parallel_loop3A_397 = tpu.vector_load %arg21[%parallel_loop3A_395, %parallel_loop3A_396] {strides = array<i32>} : memref<80x128xf32, #tpu.memory_space<vmem>>, vector<16xf32>,
        %parallel_loop3A_398 = arith.index_cast %parallel_loop3A_331 : i32 to index
        %parallel_loop3A_399 = arith.constant 80 : index
        %parallel_loop3A_400 = tpu.vector_load %arg22[%parallel_loop3A_398, %parallel_loop3A_399] {strides = array<i32>} : memref<80x128xf32, #tpu.memory_space<vmem>>, vector<16xf32>,
        %parallel_loop3A_401 = arith.mulf %parallel_loop3A_397, %parallel_loop3A_400 : vector<16xf32>
        %parallel_loop3A_402 = arith.index_cast %parallel_loop3A_331 : i32 to index
        %parallel_loop3A_403 = arith.constant 80 : index
        %parallel_loop3A_404 = tpu.vector_load %arg23[%parallel_loop3A_402, %parallel_loop3A_403] {strides = array<i32>} : memref<80x128xf32, #tpu.memory_space<vmem>>, vector<16xf32>,
        %parallel_loop3A_405 = arith.mulf %parallel_loop3A_397, %parallel_loop3A_404 : vector<16xf32>
        %parallel_loop3A_406 = arith.addf %parallel_loop3A_393, %parallel_loop3A_401 : vector<16xf32>
        %parallel_loop3A_407 = arith.addf %parallel_loop3A_394, %parallel_loop3A_405 : vector<16xf32>
        %parallel_loop3A_408 = arith.index_cast %parallel_loop3A_331 : i32 to index
        %parallel_loop3A_409 = arith.constant 96 : index
        %parallel_loop3A_410 = tpu.vector_load %arg21[%parallel_loop3A_408, %parallel_loop3A_409] {strides = array<i32>} : memref<80x128xf32, #tpu.memory_space<vmem>>, vector<16xf32>,
        %parallel_loop3A_411 = arith.index_cast %parallel_loop3A_331 : i32 to index
        %parallel_loop3A_412 = arith.constant 96 : index
        %parallel_loop3A_413 = tpu.vector_load %arg22[%parallel_loop3A_411, %parallel_loop3A_412] {strides = array<i32>} : memref<80x128xf32, #tpu.memory_space<vmem>>, vector<16xf32>,
        %parallel_loop3A_414 = arith.mulf %parallel_loop3A_410, %parallel_loop3A_413 : vector<16xf32>
        %parallel_loop3A_415 = arith.index_cast %parallel_loop3A_331 : i32 to index
        %parallel_loop3A_416 = arith.constant 96 : index
        %parallel_loop3A_417 = tpu.vector_load %arg23[%parallel_loop3A_415, %parallel_loop3A_416] {strides = array<i32>} : memref<80x128xf32, #tpu.memory_space<vmem>>, vector<16xf32>,
        %parallel_loop3A_418 = arith.mulf %parallel_loop3A_410, %parallel_loop3A_417 : vector<16xf32>
        %parallel_loop3A_419 = arith.addf %parallel_loop3A_406, %parallel_loop3A_414 : vector<16xf32>
        %parallel_loop3A_420 = arith.addf %parallel_loop3A_407, %parallel_loop3A_418 : vector<16xf32>
        %parallel_loop3A_421 = arith.index_cast %parallel_loop3A_331 : i32 to index
        %parallel_loop3A_422 = arith.constant 112 : index
        %parallel_loop3A_423 = tpu.vector_load %arg21[%parallel_loop3A_421, %parallel_loop3A_422] {strides = array<i32>} : memref<80x128xf32, #tpu.memory_space<vmem>>, vector<16xf32>,
        %parallel_loop3A_424 = arith.index_cast %parallel_loop3A_331 : i32 to index
        %parallel_loop3A_425 = arith.constant 112 : index
        %parallel_loop3A_426 = tpu.vector_load %arg22[%parallel_loop3A_424, %parallel_loop3A_425] {strides = array<i32>} : memref<80x128xf32, #tpu.memory_space<vmem>>, vector<16xf32>,
        %parallel_loop3A_427 = arith.mulf %parallel_loop3A_423, %parallel_loop3A_426 : vector<16xf32>
        %parallel_loop3A_428 = arith.index_cast %parallel_loop3A_331 : i32 to index
        %parallel_loop3A_429 = arith.constant 112 : index
        %parallel_loop3A_430 = tpu.vector_load %arg23[%parallel_loop3A_428, %parallel_loop3A_429] {strides = array<i32>} : memref<80x128xf32, #tpu.memory_space<vmem>>, vector<16xf32>,
        %parallel_loop3A_431 = arith.mulf %parallel_loop3A_423, %parallel_loop3A_430 : vector<16xf32>
        %parallel_loop3A_432 = arith.addf %parallel_loop3A_419, %parallel_loop3A_427 : vector<16xf32>
        %parallel_loop3A_433 = arith.addf %parallel_loop3A_420, %parallel_loop3A_431 : vector<16xf32>
        %parallel_loop3A_434 = arith.constant 0 : i32
        %parallel_loop3A_435 = vector.broadcast %parallel_loop3A_434 : i32 to vector<16xi32>
        %parallel_loop3A_436 = arith.cmpi slt, %xor3A_14, %parallel_loop3A_435 : vector<16xi32>
        %parallel_loop3A_437 = arith.constant 16 : i32
        %parallel_loop3A_438 = vector.broadcast %parallel_loop3A_437 : i32 to vector<16xi32>
        %parallel_loop3A_439 = arith.addi %xor3A_14, %parallel_loop3A_438 : vector<16xi32>
        %parallel_loop3A_440 = arith.select %parallel_loop3A_436, %parallel_loop3A_439, %xor3A_14 : vector<16xi1>, vector<16xi32>
        %parallel_loop3A_441 = vector.shape_cast %parallel_loop3A_440 : vector<16xi32> to vector<16x1xi32>
        %parallel_loop3A_442 = vector.shape_cast %parallel_loop3A_441 : vector<16x1xi32> to vector<16xi32>
        %parallel_loop3A_443 = tpu.dynamic_gather %parallel_loop3A_432[%parallel_loop3A_442] in [0] : vector<16xf32>, vector<16xi32> -> vector<16xf32>
        %parallel_loop3A_444 = arith.addf %parallel_loop3A_432, %parallel_loop3A_443 : vector<16xf32>
        %parallel_loop3A_445 = arith.constant 0 : i32
        %parallel_loop3A_446 = vector.broadcast %parallel_loop3A_445 : i32 to vector<16xi32>
        %parallel_loop3A_447 = arith.cmpi slt, %xor3A_14, %parallel_loop3A_446 : vector<16xi32>
        %parallel_loop3A_448 = arith.constant 16 : i32
        %parallel_loop3A_449 = vector.broadcast %parallel_loop3A_448 : i32 to vector<16xi32>
        %parallel_loop3A_450 = arith.addi %xor3A_14, %parallel_loop3A_449 : vector<16xi32>
        %parallel_loop3A_451 = arith.select %parallel_loop3A_447, %parallel_loop3A_450, %xor3A_14 : vector<16xi1>, vector<16xi32>
        %parallel_loop3A_452 = vector.shape_cast %parallel_loop3A_451 : vector<16xi32> to vector<16x1xi32>
        %parallel_loop3A_453 = vector.shape_cast %parallel_loop3A_452 : vector<16x1xi32> to vector<16xi32>
        %parallel_loop3A_454 = tpu.dynamic_gather %parallel_loop3A_433[%parallel_loop3A_453] in [0] : vector<16xf32>, vector<16xi32> -> vector<16xf32>
        %parallel_loop3A_455 = arith.addf %parallel_loop3A_433, %parallel_loop3A_454 : vector<16xf32>
        %parallel_loop3A_456 = arith.select %eq3A_12, %parallel_loop3A_444, %parallel_loop3A_455 : vector<16xi1>, vector<16xf32>
        %parallel_loop3A_457 = arith.constant 0 : i32
        %parallel_loop3A_458 = vector.broadcast %parallel_loop3A_457 : i32 to vector<16xi32>
        %parallel_loop3A_459 = arith.cmpi slt, %xor3A_17, %parallel_loop3A_458 : vector<16xi32>
        %parallel_loop3A_460 = arith.constant 16 : i32
        %parallel_loop3A_461 = vector.broadcast %parallel_loop3A_460 : i32 to vector<16xi32>
        %parallel_loop3A_462 = arith.addi %xor3A_17, %parallel_loop3A_461 : vector<16xi32>
        %parallel_loop3A_463 = arith.select %parallel_loop3A_459, %parallel_loop3A_462, %xor3A_17 : vector<16xi1>, vector<16xi32>
        %parallel_loop3A_464 = vector.shape_cast %parallel_loop3A_463 : vector<16xi32> to vector<16x1xi32>
        %parallel_loop3A_465 = vector.shape_cast %parallel_loop3A_464 : vector<16x1xi32> to vector<16xi32>
        %parallel_loop3A_466 = tpu.dynamic_gather %parallel_loop3A_456[%parallel_loop3A_465] in [0] : vector<16xf32>, vector<16xi32> -> vector<16xf32>
        %parallel_loop3A_467 = arith.addf %parallel_loop3A_456, %parallel_loop3A_466 : vector<16xf32>
        %parallel_loop3A_468 = arith.constant 0 : i32
        %parallel_loop3A_469 = vector.broadcast %parallel_loop3A_468 : i32 to vector<16xi32>
        %parallel_loop3A_470 = arith.cmpi slt, %xor3A_20, %parallel_loop3A_469 : vector<16xi32>
        %parallel_loop3A_471 = arith.constant 16 : i32
        %parallel_loop3A_472 = vector.broadcast %parallel_loop3A_471 : i32 to vector<16xi32>
        %parallel_loop3A_473 = arith.addi %xor3A_20, %parallel_loop3A_472 : vector<16xi32>
        %parallel_loop3A_474 = arith.select %parallel_loop3A_470, %parallel_loop3A_473, %xor3A_20 : vector<16xi1>, vector<16xi32>
        %parallel_loop3A_475 = vector.shape_cast %parallel_loop3A_474 : vector<16xi32> to vector<16x1xi32>
        %parallel_loop3A_476 = vector.shape_cast %parallel_loop3A_475 : vector<16x1xi32> to vector<16xi32>
        %parallel_loop3A_477 = tpu.dynamic_gather %parallel_loop3A_467[%parallel_loop3A_476] in [0] : vector<16xf32>, vector<16xi32> -> vector<16xf32>
        %parallel_loop3A_478 = arith.addf %parallel_loop3A_467, %parallel_loop3A_477 : vector<16xf32>
        %parallel_loop3A_479 = arith.constant 0 : i32
        %parallel_loop3A_480 = vector.broadcast %parallel_loop3A_479 : i32 to vector<16xi32>
        %parallel_loop3A_481 = arith.cmpi slt, %xor3A_23, %parallel_loop3A_480 : vector<16xi32>
        %parallel_loop3A_482 = arith.constant 16 : i32
        %parallel_loop3A_483 = vector.broadcast %parallel_loop3A_482 : i32 to vector<16xi32>
        %parallel_loop3A_484 = arith.addi %xor3A_23, %parallel_loop3A_483 : vector<16xi32>
        %parallel_loop3A_485 = arith.select %parallel_loop3A_481, %parallel_loop3A_484, %xor3A_23 : vector<16xi1>, vector<16xi32>
        %parallel_loop3A_486 = vector.shape_cast %parallel_loop3A_485 : vector<16xi32> to vector<16x1xi32>
        %parallel_loop3A_487 = vector.shape_cast %parallel_loop3A_486 : vector<16x1xi32> to vector<16xi32>
        %parallel_loop3A_488 = tpu.dynamic_gather %parallel_loop3A_478[%parallel_loop3A_487] in [0] : vector<16xf32>, vector<16xi32> -> vector<16xf32>
        %parallel_loop3A_489 = arith.addf %parallel_loop3A_478, %parallel_loop3A_488 : vector<16xf32>
        %parallel_loop3A_490 = arith.addi %mul3A_156, %parallel_loop3A_331 : i32
        %parallel_loop3A_491 = vector.broadcast %parallel_loop3A_490 : i32 to vector<16xi32>
        tpu.vector_store_idx %arg16[%parallel_loop3A_491], %parallel_loop3A_489 masked %eq3A_4 : memref<10000xf32, #tpu.memory_space<vmem>>[vector<16xi32>], vector<16xf32>, vector<16xi1>
        tpu.vector_store_idx %arg17[%parallel_loop3A_491], %parallel_loop3A_489 masked %eq3A_7 : memref<10000xf32, #tpu.memory_space<vmem>>[vector<16xi32>], vector<16xf32>, vector<16xi1>
      } {sc.loop_unroll_factor = 2 : i64, sc.parallel_access}
      %add3A_160 = arith.constant 2 : i32
      %add3A_161 = arith.addi %add3A_140, %add3A_160 : i32
      %lt3A_162 = arith.constant 125 : i32
      %lt3A_163 = arith.cmpi slt, %add3A_161, %lt3A_162 : i32
      %convert_element_type3A_164 = arith.extui %lt3A_163 : i1 to i32
      %cond3A_165 = arith.constant 0 : i32
      %cond3A_166 = arith.cmpi ne, %convert_element_type3A_164, %cond3A_165 : i32
      scf.if %cond3A_166 {
        %add3A_167 = arith.constant 2 : i32
        %add3A_168 = arith.addi %add3A_140, %add3A_167 : i32
        %mul3A_169 = arith.constant 80 : i32
        %mul3A_170 = arith.muli %add3A_168, %mul3A_169 : i32
        %dma_start3A_171 = tpu.memref_slice %arg12[%mul3A_170] : memref<10000xi32, #tpu.memory_space<vmem>> -> memref<80xi32, #tpu.memory_space<vmem>>
        %dma_start3A_172 = arith.constant 0 : i32
        %dma_start3A_173 = arith.constant 0 : i32
        %dma_start3A_174 = tpu.memref_slice %arg2[%dma_start3A_172, %dma_start3A_173] : memref<10000x128xf32, #tpu.memory_space<hbm>> -> memref<10000x128xf32, #tpu.memory_space<hbm>>
        tpu.enqueue_indirect_dma source(%dma_start3A_174 : memref<10000x128xf32, #tpu.memory_space<hbm>>) target(%arg21 : memref<80x128xf32, #tpu.memory_space<vmem>>) offsets(%dma_start3A_171 : memref<80xi32, #tpu.memory_space<vmem>>) semaphore(%arg26 : memref<!tpu.dma_semaphore, #tpu.memory_space<semaphore_mem>>)
        %dma_start3A_175 = tpu.memref_slice %arg13[%mul3A_170] : memref<10000xi32, #tpu.memory_space<vmem>> -> memref<80xi32, #tpu.memory_space<vmem>>
        %dma_start3A_176 = arith.constant 0 : i32
        %dma_start3A_177 = arith.constant 0 : i32
        %dma_start3A_178 = tpu.memref_slice %arg2[%dma_start3A_176, %dma_start3A_177] : memref<10000x128xf32, #tpu.memory_space<hbm>> -> memref<10000x128xf32, #tpu.memory_space<hbm>>
        tpu.enqueue_indirect_dma source(%dma_start3A_178 : memref<10000x128xf32, #tpu.memory_space<hbm>>) target(%arg22 : memref<80x128xf32, #tpu.memory_space<vmem>>) offsets(%dma_start3A_175 : memref<80xi32, #tpu.memory_space<vmem>>) semaphore(%arg26 : memref<!tpu.dma_semaphore, #tpu.memory_space<semaphore_mem>>)
        %dma_start3A_179 = tpu.memref_slice %arg14[%mul3A_170] : memref<10000xi32, #tpu.memory_space<vmem>> -> memref<80xi32, #tpu.memory_space<vmem>>
        %dma_start3A_180 = arith.constant 0 : i32
        %dma_start3A_181 = arith.constant 0 : i32
        %dma_start3A_182 = tpu.memref_slice %arg2[%dma_start3A_180, %dma_start3A_181] : memref<10000x128xf32, #tpu.memory_space<hbm>> -> memref<10000x128xf32, #tpu.memory_space<hbm>>
        tpu.enqueue_indirect_dma source(%dma_start3A_182 : memref<10000x128xf32, #tpu.memory_space<hbm>>) target(%arg23 : memref<80x128xf32, #tpu.memory_space<vmem>>) offsets(%dma_start3A_179 : memref<80xi32, #tpu.memory_space<vmem>>) semaphore(%arg26 : memref<!tpu.dma_semaphore, #tpu.memory_space<semaphore_mem>>)
      } else {
      }
    }
    %mul3A_91 = arith.constant 124 : i32
    %mul3A_92 = arith.constant 80 : i32
    %mul3A_93 = arith.muli %mul3A_91, %mul3A_92 : i32
    %dma_wait3A_94 = tpu.memref_slice %arg12[%mul3A_93] : memref<10000xi32, #tpu.memory_space<vmem>> -> memref<80xi32, #tpu.memory_space<vmem>>
    %dma_wait3A_95 = arith.constant 0 : i32
    %dma_wait3A_96 = arith.constant 0 : i32
    %dma_wait3A_97 = tpu.memref_slice %arg2[%dma_wait3A_95, %dma_wait3A_96] : memref<10000x128xf32, #tpu.memory_space<hbm>> -> memref<10000x128xf32, #tpu.memory_space<hbm>>
    tpu.wait_indirect_dma semaphore(%arg25 : memref<!tpu.dma_semaphore, #tpu.memory_space<semaphore_mem>>) src(%dma_wait3A_97 : memref<10000x128xf32, #tpu.memory_space<hbm>>) dst(%arg18 : memref<80x128xf32, #tpu.memory_space<vmem>>)
    %dma_wait3A_98 = tpu.memref_slice %arg13[%mul3A_93] : memref<10000xi32, #tpu.memory_space<vmem>> -> memref<80xi32, #tpu.memory_space<vmem>>
    %dma_wait3A_99 = arith.constant 0 : i32
    %dma_wait3A_100 = arith.constant 0 : i32
    %dma_wait3A_101 = tpu.memref_slice %arg2[%dma_wait3A_99, %dma_wait3A_100] : memref<10000x128xf32, #tpu.memory_space<hbm>> -> memref<10000x128xf32, #tpu.memory_space<hbm>>
    tpu.wait_indirect_dma semaphore(%arg25 : memref<!tpu.dma_semaphore, #tpu.memory_space<semaphore_mem>>) src(%dma_wait3A_101 : memref<10000x128xf32, #tpu.memory_space<hbm>>) dst(%arg19 : memref<80x128xf32, #tpu.memory_space<vmem>>)
    %dma_wait3A_102 = tpu.memref_slice %arg14[%mul3A_93] : memref<10000xi32, #tpu.memory_space<vmem>> -> memref<80xi32, #tpu.memory_space<vmem>>
    %dma_wait3A_103 = arith.constant 0 : i32
    %dma_wait3A_104 = arith.constant 0 : i32
    %dma_wait3A_105 = tpu.memref_slice %arg2[%dma_wait3A_103, %dma_wait3A_104] : memref<10000x128xf32, #tpu.memory_space<hbm>> -> memref<10000x128xf32, #tpu.memory_space<hbm>>
    tpu.wait_indirect_dma semaphore(%arg25 : memref<!tpu.dma_semaphore, #tpu.memory_space<semaphore_mem>>) src(%dma_wait3A_105 : memref<10000x128xf32, #tpu.memory_space<hbm>>) dst(%arg20 : memref<80x128xf32, #tpu.memory_space<vmem>>)
    %mul3A_106 = arith.constant 124 : i32
    %mul3A_107 = arith.constant 80 : i32
    %mul3A_108 = arith.muli %mul3A_106, %mul3A_107 : i32
    %parallel_loop3A = arith.constant 0 : i32
    %parallel_loop3A_109 = arith.constant 80 : i32
    %parallel_loop3A_110 = arith.constant 2 : i32
    scf.for %parallel_loop3A_111 = %parallel_loop3A to %parallel_loop3A_109 step %parallel_loop3A_110  : i32 {
      %parallel_loop3A_112 = arith.constant 0 : i32
      %parallel_loop3A_113 = arith.addi %parallel_loop3A_111, %parallel_loop3A_112 : i32
      %parallel_loop3A_114 = arith.index_cast %parallel_loop3A_113 : i32 to index
      %parallel_loop3A_115 = arith.constant 0 : index
      %parallel_loop3A_116 = tpu.vector_load %arg18[%parallel_loop3A_114, %parallel_loop3A_115] {strides = array<i32>} : memref<80x128xf32, #tpu.memory_space<vmem>>, vector<16xf32>,
      %parallel_loop3A_117 = arith.index_cast %parallel_loop3A_113 : i32 to index
      %parallel_loop3A_118 = arith.constant 0 : index
      %parallel_loop3A_119 = tpu.vector_load %arg19[%parallel_loop3A_117, %parallel_loop3A_118] {strides = array<i32>} : memref<80x128xf32, #tpu.memory_space<vmem>>, vector<16xf32>,
      %parallel_loop3A_120 = arith.mulf %parallel_loop3A_116, %parallel_loop3A_119 : vector<16xf32>
      %parallel_loop3A_121 = arith.index_cast %parallel_loop3A_113 : i32 to index
      %parallel_loop3A_122 = arith.constant 0 : index
      %parallel_loop3A_123 = tpu.vector_load %arg20[%parallel_loop3A_121, %parallel_loop3A_122] {strides = array<i32>} : memref<80x128xf32, #tpu.memory_space<vmem>>, vector<16xf32>,
      %parallel_loop3A_124 = arith.mulf %parallel_loop3A_116, %parallel_loop3A_123 : vector<16xf32>
      %parallel_loop3A_125 = arith.index_cast %parallel_loop3A_113 : i32 to index
      %parallel_loop3A_126 = arith.constant 16 : index
      %parallel_loop3A_127 = tpu.vector_load %arg18[%parallel_loop3A_125, %parallel_loop3A_126] {strides = array<i32>} : memref<80x128xf32, #tpu.memory_space<vmem>>, vector<16xf32>,
      %parallel_loop3A_128 = arith.index_cast %parallel_loop3A_113 : i32 to index
      %parallel_loop3A_129 = arith.constant 16 : index
      %parallel_loop3A_130 = tpu.vector_load %arg19[%parallel_loop3A_128, %parallel_loop3A_129] {strides = array<i32>} : memref<80x128xf32, #tpu.memory_space<vmem>>, vector<16xf32>,
      %parallel_loop3A_131 = arith.mulf %parallel_loop3A_127, %parallel_loop3A_130 : vector<16xf32>
      %parallel_loop3A_132 = arith.index_cast %parallel_loop3A_113 : i32 to index
      %parallel_loop3A_133 = arith.constant 16 : index
      %parallel_loop3A_134 = tpu.vector_load %arg20[%parallel_loop3A_132, %parallel_loop3A_133] {strides = array<i32>} : memref<80x128xf32, #tpu.memory_space<vmem>>, vector<16xf32>,
      %parallel_loop3A_135 = arith.mulf %parallel_loop3A_127, %parallel_loop3A_134 : vector<16xf32>
      %parallel_loop3A_136 = arith.addf %parallel_loop3A_120, %parallel_loop3A_131 : vector<16xf32>
      %parallel_loop3A_137 = arith.addf %parallel_loop3A_124, %parallel_loop3A_135 : vector<16xf32>
      %parallel_loop3A_138 = arith.index_cast %parallel_loop3A_113 : i32 to index
      %parallel_loop3A_139 = arith.constant 32 : index
      %parallel_loop3A_140 = tpu.vector_load %arg18[%parallel_loop3A_138, %parallel_loop3A_139] {strides = array<i32>} : memref<80x128xf32, #tpu.memory_space<vmem>>, vector<16xf32>,
      %parallel_loop3A_141 = arith.index_cast %parallel_loop3A_113 : i32 to index
      %parallel_loop3A_142 = arith.constant 32 : index
      %parallel_loop3A_143 = tpu.vector_load %arg19[%parallel_loop3A_141, %parallel_loop3A_142] {strides = array<i32>} : memref<80x128xf32, #tpu.memory_space<vmem>>, vector<16xf32>,
      %parallel_loop3A_144 = arith.mulf %parallel_loop3A_140, %parallel_loop3A_143 : vector<16xf32>
      %parallel_loop3A_145 = arith.index_cast %parallel_loop3A_113 : i32 to index
      %parallel_loop3A_146 = arith.constant 32 : index
      %parallel_loop3A_147 = tpu.vector_load %arg20[%parallel_loop3A_145, %parallel_loop3A_146] {strides = array<i32>} : memref<80x128xf32, #tpu.memory_space<vmem>>, vector<16xf32>,
      %parallel_loop3A_148 = arith.mulf %parallel_loop3A_140, %parallel_loop3A_147 : vector<16xf32>
      %parallel_loop3A_149 = arith.addf %parallel_loop3A_136, %parallel_loop3A_144 : vector<16xf32>
      %parallel_loop3A_150 = arith.addf %parallel_loop3A_137, %parallel_loop3A_148 : vector<16xf32>
      %parallel_loop3A_151 = arith.index_cast %parallel_loop3A_113 : i32 to index
      %parallel_loop3A_152 = arith.constant 48 : index
      %parallel_loop3A_153 = tpu.vector_load %arg18[%parallel_loop3A_151, %parallel_loop3A_152] {strides = array<i32>} : memref<80x128xf32, #tpu.memory_space<vmem>>, vector<16xf32>,
      %parallel_loop3A_154 = arith.index_cast %parallel_loop3A_113 : i32 to index
      %parallel_loop3A_155 = arith.constant 48 : index
      %parallel_loop3A_156 = tpu.vector_load %arg19[%parallel_loop3A_154, %parallel_loop3A_155] {strides = array<i32>} : memref<80x128xf32, #tpu.memory_space<vmem>>, vector<16xf32>,
      %parallel_loop3A_157 = arith.mulf %parallel_loop3A_153, %parallel_loop3A_156 : vector<16xf32>
      %parallel_loop3A_158 = arith.index_cast %parallel_loop3A_113 : i32 to index
      %parallel_loop3A_159 = arith.constant 48 : index
      %parallel_loop3A_160 = tpu.vector_load %arg20[%parallel_loop3A_158, %parallel_loop3A_159] {strides = array<i32>} : memref<80x128xf32, #tpu.memory_space<vmem>>, vector<16xf32>,
      %parallel_loop3A_161 = arith.mulf %parallel_loop3A_153, %parallel_loop3A_160 : vector<16xf32>
      %parallel_loop3A_162 = arith.addf %parallel_loop3A_149, %parallel_loop3A_157 : vector<16xf32>
      %parallel_loop3A_163 = arith.addf %parallel_loop3A_150, %parallel_loop3A_161 : vector<16xf32>
      %parallel_loop3A_164 = arith.index_cast %parallel_loop3A_113 : i32 to index
      %parallel_loop3A_165 = arith.constant 64 : index
      %parallel_loop3A_166 = tpu.vector_load %arg18[%parallel_loop3A_164, %parallel_loop3A_165] {strides = array<i32>} : memref<80x128xf32, #tpu.memory_space<vmem>>, vector<16xf32>,
      %parallel_loop3A_167 = arith.index_cast %parallel_loop3A_113 : i32 to index
      %parallel_loop3A_168 = arith.constant 64 : index
      %parallel_loop3A_169 = tpu.vector_load %arg19[%parallel_loop3A_167, %parallel_loop3A_168] {strides = array<i32>} : memref<80x128xf32, #tpu.memory_space<vmem>>, vector<16xf32>,
      %parallel_loop3A_170 = arith.mulf %parallel_loop3A_166, %parallel_loop3A_169 : vector<16xf32>
      %parallel_loop3A_171 = arith.index_cast %parallel_loop3A_113 : i32 to index
      %parallel_loop3A_172 = arith.constant 64 : index
      %parallel_loop3A_173 = tpu.vector_load %arg20[%parallel_loop3A_171, %parallel_loop3A_172] {strides = array<i32>} : memref<80x128xf32, #tpu.memory_space<vmem>>, vector<16xf32>,
      %parallel_loop3A_174 = arith.mulf %parallel_loop3A_166, %parallel_loop3A_173 : vector<16xf32>
      %parallel_loop3A_175 = arith.addf %parallel_loop3A_162, %parallel_loop3A_170 : vector<16xf32>
      %parallel_loop3A_176 = arith.addf %parallel_loop3A_163, %parallel_loop3A_174 : vector<16xf32>
      %parallel_loop3A_177 = arith.index_cast %parallel_loop3A_113 : i32 to index
      %parallel_loop3A_178 = arith.constant 80 : index
      %parallel_loop3A_179 = tpu.vector_load %arg18[%parallel_loop3A_177, %parallel_loop3A_178] {strides = array<i32>} : memref<80x128xf32, #tpu.memory_space<vmem>>, vector<16xf32>,
      %parallel_loop3A_180 = arith.index_cast %parallel_loop3A_113 : i32 to index
      %parallel_loop3A_181 = arith.constant 80 : index
      %parallel_loop3A_182 = tpu.vector_load %arg19[%parallel_loop3A_180, %parallel_loop3A_181] {strides = array<i32>} : memref<80x128xf32, #tpu.memory_space<vmem>>, vector<16xf32>,
      %parallel_loop3A_183 = arith.mulf %parallel_loop3A_179, %parallel_loop3A_182 : vector<16xf32>
      %parallel_loop3A_184 = arith.index_cast %parallel_loop3A_113 : i32 to index
      %parallel_loop3A_185 = arith.constant 80 : index
      %parallel_loop3A_186 = tpu.vector_load %arg20[%parallel_loop3A_184, %parallel_loop3A_185] {strides = array<i32>} : memref<80x128xf32, #tpu.memory_space<vmem>>, vector<16xf32>,
      %parallel_loop3A_187 = arith.mulf %parallel_loop3A_179, %parallel_loop3A_186 : vector<16xf32>
      %parallel_loop3A_188 = arith.addf %parallel_loop3A_175, %parallel_loop3A_183 : vector<16xf32>
      %parallel_loop3A_189 = arith.addf %parallel_loop3A_176, %parallel_loop3A_187 : vector<16xf32>
      %parallel_loop3A_190 = arith.index_cast %parallel_loop3A_113 : i32 to index
      %parallel_loop3A_191 = arith.constant 96 : index
      %parallel_loop3A_192 = tpu.vector_load %arg18[%parallel_loop3A_190, %parallel_loop3A_191] {strides = array<i32>} : memref<80x128xf32, #tpu.memory_space<vmem>>, vector<16xf32>,
      %parallel_loop3A_193 = arith.index_cast %parallel_loop3A_113 : i32 to index
      %parallel_loop3A_194 = arith.constant 96 : index
      %parallel_loop3A_195 = tpu.vector_load %arg19[%parallel_loop3A_193, %parallel_loop3A_194] {strides = array<i32>} : memref<80x128xf32, #tpu.memory_space<vmem>>, vector<16xf32>,
      %parallel_loop3A_196 = arith.mulf %parallel_loop3A_192, %parallel_loop3A_195 : vector<16xf32>
      %parallel_loop3A_197 = arith.index_cast %parallel_loop3A_113 : i32 to index
      %parallel_loop3A_198 = arith.constant 96 : index
      %parallel_loop3A_199 = tpu.vector_load %arg20[%parallel_loop3A_197, %parallel_loop3A_198] {strides = array<i32>} : memref<80x128xf32, #tpu.memory_space<vmem>>, vector<16xf32>,
      %parallel_loop3A_200 = arith.mulf %parallel_loop3A_192, %parallel_loop3A_199 : vector<16xf32>
      %parallel_loop3A_201 = arith.addf %parallel_loop3A_188, %parallel_loop3A_196 : vector<16xf32>
      %parallel_loop3A_202 = arith.addf %parallel_loop3A_189, %parallel_loop3A_200 : vector<16xf32>
      %parallel_loop3A_203 = arith.index_cast %parallel_loop3A_113 : i32 to index
      %parallel_loop3A_204 = arith.constant 112 : index
      %parallel_loop3A_205 = tpu.vector_load %arg18[%parallel_loop3A_203, %parallel_loop3A_204] {strides = array<i32>} : memref<80x128xf32, #tpu.memory_space<vmem>>, vector<16xf32>,
      %parallel_loop3A_206 = arith.index_cast %parallel_loop3A_113 : i32 to index
      %parallel_loop3A_207 = arith.constant 112 : index
      %parallel_loop3A_208 = tpu.vector_load %arg19[%parallel_loop3A_206, %parallel_loop3A_207] {strides = array<i32>} : memref<80x128xf32, #tpu.memory_space<vmem>>, vector<16xf32>,
      %parallel_loop3A_209 = arith.mulf %parallel_loop3A_205, %parallel_loop3A_208 : vector<16xf32>
      %parallel_loop3A_210 = arith.index_cast %parallel_loop3A_113 : i32 to index
      %parallel_loop3A_211 = arith.constant 112 : index
      %parallel_loop3A_212 = tpu.vector_load %arg20[%parallel_loop3A_210, %parallel_loop3A_211] {strides = array<i32>} : memref<80x128xf32, #tpu.memory_space<vmem>>, vector<16xf32>,
      %parallel_loop3A_213 = arith.mulf %parallel_loop3A_205, %parallel_loop3A_212 : vector<16xf32>
      %parallel_loop3A_214 = arith.addf %parallel_loop3A_201, %parallel_loop3A_209 : vector<16xf32>
      %parallel_loop3A_215 = arith.addf %parallel_loop3A_202, %parallel_loop3A_213 : vector<16xf32>
      %parallel_loop3A_216 = arith.constant 0 : i32
      %parallel_loop3A_217 = vector.broadcast %parallel_loop3A_216 : i32 to vector<16xi32>
      %parallel_loop3A_218 = arith.cmpi slt, %xor3A_14, %parallel_loop3A_217 : vector<16xi32>
      %parallel_loop3A_219 = arith.constant 16 : i32
      %parallel_loop3A_220 = vector.broadcast %parallel_loop3A_219 : i32 to vector<16xi32>
      %parallel_loop3A_221 = arith.addi %xor3A_14, %parallel_loop3A_220 : vector<16xi32>
      %parallel_loop3A_222 = arith.select %parallel_loop3A_218, %parallel_loop3A_221, %xor3A_14 : vector<16xi1>, vector<16xi32>
      %parallel_loop3A_223 = vector.shape_cast %parallel_loop3A_222 : vector<16xi32> to vector<16x1xi32>
      %parallel_loop3A_224 = vector.shape_cast %parallel_loop3A_223 : vector<16x1xi32> to vector<16xi32>
      %parallel_loop3A_225 = tpu.dynamic_gather %parallel_loop3A_214[%parallel_loop3A_224] in [0] : vector<16xf32>, vector<16xi32> -> vector<16xf32>
      %parallel_loop3A_226 = arith.addf %parallel_loop3A_214, %parallel_loop3A_225 : vector<16xf32>
      %parallel_loop3A_227 = arith.constant 0 : i32
      %parallel_loop3A_228 = vector.broadcast %parallel_loop3A_227 : i32 to vector<16xi32>
      %parallel_loop3A_229 = arith.cmpi slt, %xor3A_14, %parallel_loop3A_228 : vector<16xi32>
      %parallel_loop3A_230 = arith.constant 16 : i32
      %parallel_loop3A_231 = vector.broadcast %parallel_loop3A_230 : i32 to vector<16xi32>
      %parallel_loop3A_232 = arith.addi %xor3A_14, %parallel_loop3A_231 : vector<16xi32>
      %parallel_loop3A_233 = arith.select %parallel_loop3A_229, %parallel_loop3A_232, %xor3A_14 : vector<16xi1>, vector<16xi32>
      %parallel_loop3A_234 = vector.shape_cast %parallel_loop3A_233 : vector<16xi32> to vector<16x1xi32>
      %parallel_loop3A_235 = vector.shape_cast %parallel_loop3A_234 : vector<16x1xi32> to vector<16xi32>
      %parallel_loop3A_236 = tpu.dynamic_gather %parallel_loop3A_215[%parallel_loop3A_235] in [0] : vector<16xf32>, vector<16xi32> -> vector<16xf32>
      %parallel_loop3A_237 = arith.addf %parallel_loop3A_215, %parallel_loop3A_236 : vector<16xf32>
      %parallel_loop3A_238 = arith.select %eq3A_12, %parallel_loop3A_226, %parallel_loop3A_237 : vector<16xi1>, vector<16xf32>
      %parallel_loop3A_239 = arith.constant 0 : i32
      %parallel_loop3A_240 = vector.broadcast %parallel_loop3A_239 : i32 to vector<16xi32>
      %parallel_loop3A_241 = arith.cmpi slt, %xor3A_17, %parallel_loop3A_240 : vector<16xi32>
      %parallel_loop3A_242 = arith.constant 16 : i32
      %parallel_loop3A_243 = vector.broadcast %parallel_loop3A_242 : i32 to vector<16xi32>
      %parallel_loop3A_244 = arith.addi %xor3A_17, %parallel_loop3A_243 : vector<16xi32>
      %parallel_loop3A_245 = arith.select %parallel_loop3A_241, %parallel_loop3A_244, %xor3A_17 : vector<16xi1>, vector<16xi32>
      %parallel_loop3A_246 = vector.shape_cast %parallel_loop3A_245 : vector<16xi32> to vector<16x1xi32>
      %parallel_loop3A_247 = vector.shape_cast %parallel_loop3A_246 : vector<16x1xi32> to vector<16xi32>
      %parallel_loop3A_248 = tpu.dynamic_gather %parallel_loop3A_238[%parallel_loop3A_247] in [0] : vector<16xf32>, vector<16xi32> -> vector<16xf32>
      %parallel_loop3A_249 = arith.addf %parallel_loop3A_238, %parallel_loop3A_248 : vector<16xf32>
      %parallel_loop3A_250 = arith.constant 0 : i32
      %parallel_loop3A_251 = vector.broadcast %parallel_loop3A_250 : i32 to vector<16xi32>
      %parallel_loop3A_252 = arith.cmpi slt, %xor3A_20, %parallel_loop3A_251 : vector<16xi32>
      %parallel_loop3A_253 = arith.constant 16 : i32
      %parallel_loop3A_254 = vector.broadcast %parallel_loop3A_253 : i32 to vector<16xi32>
      %parallel_loop3A_255 = arith.addi %xor3A_20, %parallel_loop3A_254 : vector<16xi32>
      %parallel_loop3A_256 = arith.select %parallel_loop3A_252, %parallel_loop3A_255, %xor3A_20 : vector<16xi1>, vector<16xi32>
      %parallel_loop3A_257 = vector.shape_cast %parallel_loop3A_256 : vector<16xi32> to vector<16x1xi32>
      %parallel_loop3A_258 = vector.shape_cast %parallel_loop3A_257 : vector<16x1xi32> to vector<16xi32>
      %parallel_loop3A_259 = tpu.dynamic_gather %parallel_loop3A_249[%parallel_loop3A_258] in [0] : vector<16xf32>, vector<16xi32> -> vector<16xf32>
      %parallel_loop3A_260 = arith.addf %parallel_loop3A_249, %parallel_loop3A_259 : vector<16xf32>
      %parallel_loop3A_261 = arith.constant 0 : i32
      %parallel_loop3A_262 = vector.broadcast %parallel_loop3A_261 : i32 to vector<16xi32>
      %parallel_loop3A_263 = arith.cmpi slt, %xor3A_23, %parallel_loop3A_262 : vector<16xi32>
      %parallel_loop3A_264 = arith.constant 16 : i32
      %parallel_loop3A_265 = vector.broadcast %parallel_loop3A_264 : i32 to vector<16xi32>
      %parallel_loop3A_266 = arith.addi %xor3A_23, %parallel_loop3A_265 : vector<16xi32>
      %parallel_loop3A_267 = arith.select %parallel_loop3A_263, %parallel_loop3A_266, %xor3A_23 : vector<16xi1>, vector<16xi32>
      %parallel_loop3A_268 = vector.shape_cast %parallel_loop3A_267 : vector<16xi32> to vector<16x1xi32>
      %parallel_loop3A_269 = vector.shape_cast %parallel_loop3A_268 : vector<16x1xi32> to vector<16xi32>
      %parallel_loop3A_270 = tpu.dynamic_gather %parallel_loop3A_260[%parallel_loop3A_269] in [0] : vector<16xf32>, vector<16xi32> -> vector<16xf32>
      %parallel_loop3A_271 = arith.addf %parallel_loop3A_260, %parallel_loop3A_270 : vector<16xf32>
      %parallel_loop3A_272 = arith.addi %mul3A_108, %parallel_loop3A_113 : i32
      %parallel_loop3A_273 = vector.broadcast %parallel_loop3A_272 : i32 to vector<16xi32>
      tpu.vector_store_idx %arg16[%parallel_loop3A_273], %parallel_loop3A_271 masked %eq3A_4 : memref<10000xf32, #tpu.memory_space<vmem>>[vector<16xi32>], vector<16xf32>, vector<16xi1>
      tpu.vector_store_idx %arg17[%parallel_loop3A_273], %parallel_loop3A_271 masked %eq3A_7 : memref<10000xf32, #tpu.memory_space<vmem>>[vector<16xi32>], vector<16xf32>, vector<16xi1>
      %parallel_loop3A_274 = arith.constant 1 : i32
      %parallel_loop3A_275 = arith.addi %parallel_loop3A_111, %parallel_loop3A_274 : i32
      %parallel_loop3A_276 = arith.index_cast %parallel_loop3A_275 : i32 to index
      %parallel_loop3A_277 = arith.constant 0 : index
      %parallel_loop3A_278 = tpu.vector_load %arg18[%parallel_loop3A_276, %parallel_loop3A_277] {strides = array<i32>} : memref<80x128xf32, #tpu.memory_space<vmem>>, vector<16xf32>,
      %parallel_loop3A_279 = arith.index_cast %parallel_loop3A_275 : i32 to index
      %parallel_loop3A_280 = arith.constant 0 : index
      %parallel_loop3A_281 = tpu.vector_load %arg19[%parallel_loop3A_279, %parallel_loop3A_280] {strides = array<i32>} : memref<80x128xf32, #tpu.memory_space<vmem>>, vector<16xf32>,
      %parallel_loop3A_282 = arith.mulf %parallel_loop3A_278, %parallel_loop3A_281 : vector<16xf32>
      %parallel_loop3A_283 = arith.index_cast %parallel_loop3A_275 : i32 to index
      %parallel_loop3A_284 = arith.constant 0 : index
      %parallel_loop3A_285 = tpu.vector_load %arg20[%parallel_loop3A_283, %parallel_loop3A_284] {strides = array<i32>} : memref<80x128xf32, #tpu.memory_space<vmem>>, vector<16xf32>,
      %parallel_loop3A_286 = arith.mulf %parallel_loop3A_278, %parallel_loop3A_285 : vector<16xf32>
      %parallel_loop3A_287 = arith.index_cast %parallel_loop3A_275 : i32 to index
      %parallel_loop3A_288 = arith.constant 16 : index
      %parallel_loop3A_289 = tpu.vector_load %arg18[%parallel_loop3A_287, %parallel_loop3A_288] {strides = array<i32>} : memref<80x128xf32, #tpu.memory_space<vmem>>, vector<16xf32>,
      %parallel_loop3A_290 = arith.index_cast %parallel_loop3A_275 : i32 to index
      %parallel_loop3A_291 = arith.constant 16 : index
      %parallel_loop3A_292 = tpu.vector_load %arg19[%parallel_loop3A_290, %parallel_loop3A_291] {strides = array<i32>} : memref<80x128xf32, #tpu.memory_space<vmem>>, vector<16xf32>,
      %parallel_loop3A_293 = arith.mulf %parallel_loop3A_289, %parallel_loop3A_292 : vector<16xf32>
      %parallel_loop3A_294 = arith.index_cast %parallel_loop3A_275 : i32 to index
      %parallel_loop3A_295 = arith.constant 16 : index
      %parallel_loop3A_296 = tpu.vector_load %arg20[%parallel_loop3A_294, %parallel_loop3A_295] {strides = array<i32>} : memref<80x128xf32, #tpu.memory_space<vmem>>, vector<16xf32>,
      %parallel_loop3A_297 = arith.mulf %parallel_loop3A_289, %parallel_loop3A_296 : vector<16xf32>
      %parallel_loop3A_298 = arith.addf %parallel_loop3A_282, %parallel_loop3A_293 : vector<16xf32>
      %parallel_loop3A_299 = arith.addf %parallel_loop3A_286, %parallel_loop3A_297 : vector<16xf32>
      %parallel_loop3A_300 = arith.index_cast %parallel_loop3A_275 : i32 to index
      %parallel_loop3A_301 = arith.constant 32 : index
      %parallel_loop3A_302 = tpu.vector_load %arg18[%parallel_loop3A_300, %parallel_loop3A_301] {strides = array<i32>} : memref<80x128xf32, #tpu.memory_space<vmem>>, vector<16xf32>,
      %parallel_loop3A_303 = arith.index_cast %parallel_loop3A_275 : i32 to index
      %parallel_loop3A_304 = arith.constant 32 : index
      %parallel_loop3A_305 = tpu.vector_load %arg19[%parallel_loop3A_303, %parallel_loop3A_304] {strides = array<i32>} : memref<80x128xf32, #tpu.memory_space<vmem>>, vector<16xf32>,
      %parallel_loop3A_306 = arith.mulf %parallel_loop3A_302, %parallel_loop3A_305 : vector<16xf32>
      %parallel_loop3A_307 = arith.index_cast %parallel_loop3A_275 : i32 to index
      %parallel_loop3A_308 = arith.constant 32 : index
      %parallel_loop3A_309 = tpu.vector_load %arg20[%parallel_loop3A_307, %parallel_loop3A_308] {strides = array<i32>} : memref<80x128xf32, #tpu.memory_space<vmem>>, vector<16xf32>,
      %parallel_loop3A_310 = arith.mulf %parallel_loop3A_302, %parallel_loop3A_309 : vector<16xf32>
      %parallel_loop3A_311 = arith.addf %parallel_loop3A_298, %parallel_loop3A_306 : vector<16xf32>
      %parallel_loop3A_312 = arith.addf %parallel_loop3A_299, %parallel_loop3A_310 : vector<16xf32>
      %parallel_loop3A_313 = arith.index_cast %parallel_loop3A_275 : i32 to index
      %parallel_loop3A_314 = arith.constant 48 : index
      %parallel_loop3A_315 = tpu.vector_load %arg18[%parallel_loop3A_313, %parallel_loop3A_314] {strides = array<i32>} : memref<80x128xf32, #tpu.memory_space<vmem>>, vector<16xf32>,
      %parallel_loop3A_316 = arith.index_cast %parallel_loop3A_275 : i32 to index
      %parallel_loop3A_317 = arith.constant 48 : index
      %parallel_loop3A_318 = tpu.vector_load %arg19[%parallel_loop3A_316, %parallel_loop3A_317] {strides = array<i32>} : memref<80x128xf32, #tpu.memory_space<vmem>>, vector<16xf32>,
      %parallel_loop3A_319 = arith.mulf %parallel_loop3A_315, %parallel_loop3A_318 : vector<16xf32>
      %parallel_loop3A_320 = arith.index_cast %parallel_loop3A_275 : i32 to index
      %parallel_loop3A_321 = arith.constant 48 : index
      %parallel_loop3A_322 = tpu.vector_load %arg20[%parallel_loop3A_320, %parallel_loop3A_321] {strides = array<i32>} : memref<80x128xf32, #tpu.memory_space<vmem>>, vector<16xf32>,
      %parallel_loop3A_323 = arith.mulf %parallel_loop3A_315, %parallel_loop3A_322 : vector<16xf32>
      %parallel_loop3A_324 = arith.addf %parallel_loop3A_311, %parallel_loop3A_319 : vector<16xf32>
      %parallel_loop3A_325 = arith.addf %parallel_loop3A_312, %parallel_loop3A_323 : vector<16xf32>
      %parallel_loop3A_326 = arith.index_cast %parallel_loop3A_275 : i32 to index
      %parallel_loop3A_327 = arith.constant 64 : index
      %parallel_loop3A_328 = tpu.vector_load %arg18[%parallel_loop3A_326, %parallel_loop3A_327] {strides = array<i32>} : memref<80x128xf32, #tpu.memory_space<vmem>>, vector<16xf32>,
      %parallel_loop3A_329 = arith.index_cast %parallel_loop3A_275 : i32 to index
      %parallel_loop3A_330 = arith.constant 64 : index
      %parallel_loop3A_331 = tpu.vector_load %arg19[%parallel_loop3A_329, %parallel_loop3A_330] {strides = array<i32>} : memref<80x128xf32, #tpu.memory_space<vmem>>, vector<16xf32>,
      %parallel_loop3A_332 = arith.mulf %parallel_loop3A_328, %parallel_loop3A_331 : vector<16xf32>
      %parallel_loop3A_333 = arith.index_cast %parallel_loop3A_275 : i32 to index
      %parallel_loop3A_334 = arith.constant 64 : index
      %parallel_loop3A_335 = tpu.vector_load %arg20[%parallel_loop3A_333, %parallel_loop3A_334] {strides = array<i32>} : memref<80x128xf32, #tpu.memory_space<vmem>>, vector<16xf32>,
      %parallel_loop3A_336 = arith.mulf %parallel_loop3A_328, %parallel_loop3A_335 : vector<16xf32>
      %parallel_loop3A_337 = arith.addf %parallel_loop3A_324, %parallel_loop3A_332 : vector<16xf32>
      %parallel_loop3A_338 = arith.addf %parallel_loop3A_325, %parallel_loop3A_336 : vector<16xf32>
      %parallel_loop3A_339 = arith.index_cast %parallel_loop3A_275 : i32 to index
      %parallel_loop3A_340 = arith.constant 80 : index
      %parallel_loop3A_341 = tpu.vector_load %arg18[%parallel_loop3A_339, %parallel_loop3A_340] {strides = array<i32>} : memref<80x128xf32, #tpu.memory_space<vmem>>, vector<16xf32>,
      %parallel_loop3A_342 = arith.index_cast %parallel_loop3A_275 : i32 to index
      %parallel_loop3A_343 = arith.constant 80 : index
      %parallel_loop3A_344 = tpu.vector_load %arg19[%parallel_loop3A_342, %parallel_loop3A_343] {strides = array<i32>} : memref<80x128xf32, #tpu.memory_space<vmem>>, vector<16xf32>,
      %parallel_loop3A_345 = arith.mulf %parallel_loop3A_341, %parallel_loop3A_344 : vector<16xf32>
      %parallel_loop3A_346 = arith.index_cast %parallel_loop3A_275 : i32 to index
      %parallel_loop3A_347 = arith.constant 80 : index
      %parallel_loop3A_348 = tpu.vector_load %arg20[%parallel_loop3A_346, %parallel_loop3A_347] {strides = array<i32>} : memref<80x128xf32, #tpu.memory_space<vmem>>, vector<16xf32>,
      %parallel_loop3A_349 = arith.mulf %parallel_loop3A_341, %parallel_loop3A_348 : vector<16xf32>
      %parallel_loop3A_350 = arith.addf %parallel_loop3A_337, %parallel_loop3A_345 : vector<16xf32>
      %parallel_loop3A_351 = arith.addf %parallel_loop3A_338, %parallel_loop3A_349 : vector<16xf32>
      %parallel_loop3A_352 = arith.index_cast %parallel_loop3A_275 : i32 to index
      %parallel_loop3A_353 = arith.constant 96 : index
      %parallel_loop3A_354 = tpu.vector_load %arg18[%parallel_loop3A_352, %parallel_loop3A_353] {strides = array<i32>} : memref<80x128xf32, #tpu.memory_space<vmem>>, vector<16xf32>,
      %parallel_loop3A_355 = arith.index_cast %parallel_loop3A_275 : i32 to index
      %parallel_loop3A_356 = arith.constant 96 : index
      %parallel_loop3A_357 = tpu.vector_load %arg19[%parallel_loop3A_355, %parallel_loop3A_356] {strides = array<i32>} : memref<80x128xf32, #tpu.memory_space<vmem>>, vector<16xf32>,
      %parallel_loop3A_358 = arith.mulf %parallel_loop3A_354, %parallel_loop3A_357 : vector<16xf32>
      %parallel_loop3A_359 = arith.index_cast %parallel_loop3A_275 : i32 to index
      %parallel_loop3A_360 = arith.constant 96 : index
      %parallel_loop3A_361 = tpu.vector_load %arg20[%parallel_loop3A_359, %parallel_loop3A_360] {strides = array<i32>} : memref<80x128xf32, #tpu.memory_space<vmem>>, vector<16xf32>,
      %parallel_loop3A_362 = arith.mulf %parallel_loop3A_354, %parallel_loop3A_361 : vector<16xf32>
      %parallel_loop3A_363 = arith.addf %parallel_loop3A_350, %parallel_loop3A_358 : vector<16xf32>
      %parallel_loop3A_364 = arith.addf %parallel_loop3A_351, %parallel_loop3A_362 : vector<16xf32>
      %parallel_loop3A_365 = arith.index_cast %parallel_loop3A_275 : i32 to index
      %parallel_loop3A_366 = arith.constant 112 : index
      %parallel_loop3A_367 = tpu.vector_load %arg18[%parallel_loop3A_365, %parallel_loop3A_366] {strides = array<i32>} : memref<80x128xf32, #tpu.memory_space<vmem>>, vector<16xf32>,
      %parallel_loop3A_368 = arith.index_cast %parallel_loop3A_275 : i32 to index
      %parallel_loop3A_369 = arith.constant 112 : index
      %parallel_loop3A_370 = tpu.vector_load %arg19[%parallel_loop3A_368, %parallel_loop3A_369] {strides = array<i32>} : memref<80x128xf32, #tpu.memory_space<vmem>>, vector<16xf32>,
      %parallel_loop3A_371 = arith.mulf %parallel_loop3A_367, %parallel_loop3A_370 : vector<16xf32>
      %parallel_loop3A_372 = arith.index_cast %parallel_loop3A_275 : i32 to index
      %parallel_loop3A_373 = arith.constant 112 : index
      %parallel_loop3A_374 = tpu.vector_load %arg20[%parallel_loop3A_372, %parallel_loop3A_373] {strides = array<i32>} : memref<80x128xf32, #tpu.memory_space<vmem>>, vector<16xf32>,
      %parallel_loop3A_375 = arith.mulf %parallel_loop3A_367, %parallel_loop3A_374 : vector<16xf32>
      %parallel_loop3A_376 = arith.addf %parallel_loop3A_363, %parallel_loop3A_371 : vector<16xf32>
      %parallel_loop3A_377 = arith.addf %parallel_loop3A_364, %parallel_loop3A_375 : vector<16xf32>
      %parallel_loop3A_378 = arith.constant 0 : i32
      %parallel_loop3A_379 = vector.broadcast %parallel_loop3A_378 : i32 to vector<16xi32>
      %parallel_loop3A_380 = arith.cmpi slt, %xor3A_14, %parallel_loop3A_379 : vector<16xi32>
      %parallel_loop3A_381 = arith.constant 16 : i32
      %parallel_loop3A_382 = vector.broadcast %parallel_loop3A_381 : i32 to vector<16xi32>
      %parallel_loop3A_383 = arith.addi %xor3A_14, %parallel_loop3A_382 : vector<16xi32>
      %parallel_loop3A_384 = arith.select %parallel_loop3A_380, %parallel_loop3A_383, %xor3A_14 : vector<16xi1>, vector<16xi32>
      %parallel_loop3A_385 = vector.shape_cast %parallel_loop3A_384 : vector<16xi32> to vector<16x1xi32>
      %parallel_loop3A_386 = vector.shape_cast %parallel_loop3A_385 : vector<16x1xi32> to vector<16xi32>
      %parallel_loop3A_387 = tpu.dynamic_gather %parallel_loop3A_376[%parallel_loop3A_386] in [0] : vector<16xf32>, vector<16xi32> -> vector<16xf32>
      %parallel_loop3A_388 = arith.addf %parallel_loop3A_376, %parallel_loop3A_387 : vector<16xf32>
      %parallel_loop3A_389 = arith.constant 0 : i32
      %parallel_loop3A_390 = vector.broadcast %parallel_loop3A_389 : i32 to vector<16xi32>
      %parallel_loop3A_391 = arith.cmpi slt, %xor3A_14, %parallel_loop3A_390 : vector<16xi32>
      %parallel_loop3A_392 = arith.constant 16 : i32
      %parallel_loop3A_393 = vector.broadcast %parallel_loop3A_392 : i32 to vector<16xi32>
      %parallel_loop3A_394 = arith.addi %xor3A_14, %parallel_loop3A_393 : vector<16xi32>
      %parallel_loop3A_395 = arith.select %parallel_loop3A_391, %parallel_loop3A_394, %xor3A_14 : vector<16xi1>, vector<16xi32>
      %parallel_loop3A_396 = vector.shape_cast %parallel_loop3A_395 : vector<16xi32> to vector<16x1xi32>
      %parallel_loop3A_397 = vector.shape_cast %parallel_loop3A_396 : vector<16x1xi32> to vector<16xi32>
      %parallel_loop3A_398 = tpu.dynamic_gather %parallel_loop3A_377[%parallel_loop3A_397] in [0] : vector<16xf32>, vector<16xi32> -> vector<16xf32>
      %parallel_loop3A_399 = arith.addf %parallel_loop3A_377, %parallel_loop3A_398 : vector<16xf32>
      %parallel_loop3A_400 = arith.select %eq3A_12, %parallel_loop3A_388, %parallel_loop3A_399 : vector<16xi1>, vector<16xf32>
      %parallel_loop3A_401 = arith.constant 0 : i32
      %parallel_loop3A_402 = vector.broadcast %parallel_loop3A_401 : i32 to vector<16xi32>
      %parallel_loop3A_403 = arith.cmpi slt, %xor3A_17, %parallel_loop3A_402 : vector<16xi32>
      %parallel_loop3A_404 = arith.constant 16 : i32
      %parallel_loop3A_405 = vector.broadcast %parallel_loop3A_404 : i32 to vector<16xi32>
      %parallel_loop3A_406 = arith.addi %xor3A_17, %parallel_loop3A_405 : vector<16xi32>
      %parallel_loop3A_407 = arith.select %parallel_loop3A_403, %parallel_loop3A_406, %xor3A_17 : vector<16xi1>, vector<16xi32>
      %parallel_loop3A_408 = vector.shape_cast %parallel_loop3A_407 : vector<16xi32> to vector<16x1xi32>
      %parallel_loop3A_409 = vector.shape_cast %parallel_loop3A_408 : vector<16x1xi32> to vector<16xi32>
      %parallel_loop3A_410 = tpu.dynamic_gather %parallel_loop3A_400[%parallel_loop3A_409] in [0] : vector<16xf32>, vector<16xi32> -> vector<16xf32>
      %parallel_loop3A_411 = arith.addf %parallel_loop3A_400, %parallel_loop3A_410 : vector<16xf32>
      %parallel_loop3A_412 = arith.constant 0 : i32
      %parallel_loop3A_413 = vector.broadcast %parallel_loop3A_412 : i32 to vector<16xi32>
      %parallel_loop3A_414 = arith.cmpi slt, %xor3A_20, %parallel_loop3A_413 : vector<16xi32>
      %parallel_loop3A_415 = arith.constant 16 : i32
      %parallel_loop3A_416 = vector.broadcast %parallel_loop3A_415 : i32 to vector<16xi32>
      %parallel_loop3A_417 = arith.addi %xor3A_20, %parallel_loop3A_416 : vector<16xi32>
      %parallel_loop3A_418 = arith.select %parallel_loop3A_414, %parallel_loop3A_417, %xor3A_20 : vector<16xi1>, vector<16xi32>
      %parallel_loop3A_419 = vector.shape_cast %parallel_loop3A_418 : vector<16xi32> to vector<16x1xi32>
      %parallel_loop3A_420 = vector.shape_cast %parallel_loop3A_419 : vector<16x1xi32> to vector<16xi32>
      %parallel_loop3A_421 = tpu.dynamic_gather %parallel_loop3A_411[%parallel_loop3A_420] in [0] : vector<16xf32>, vector<16xi32> -> vector<16xf32>
      %parallel_loop3A_422 = arith.addf %parallel_loop3A_411, %parallel_loop3A_421 : vector<16xf32>
      %parallel_loop3A_423 = arith.constant 0 : i32
      %parallel_loop3A_424 = vector.broadcast %parallel_loop3A_423 : i32 to vector<16xi32>
      %parallel_loop3A_425 = arith.cmpi slt, %xor3A_23, %parallel_loop3A_424 : vector<16xi32>
      %parallel_loop3A_426 = arith.constant 16 : i32
      %parallel_loop3A_427 = vector.broadcast %parallel_loop3A_426 : i32 to vector<16xi32>
      %parallel_loop3A_428 = arith.addi %xor3A_23, %parallel_loop3A_427 : vector<16xi32>
      %parallel_loop3A_429 = arith.select %parallel_loop3A_425, %parallel_loop3A_428, %xor3A_23 : vector<16xi1>, vector<16xi32>
      %parallel_loop3A_430 = vector.shape_cast %parallel_loop3A_429 : vector<16xi32> to vector<16x1xi32>
      %parallel_loop3A_431 = vector.shape_cast %parallel_loop3A_430 : vector<16x1xi32> to vector<16xi32>
      %parallel_loop3A_432 = tpu.dynamic_gather %parallel_loop3A_422[%parallel_loop3A_431] in [0] : vector<16xf32>, vector<16xi32> -> vector<16xf32>
      %parallel_loop3A_433 = arith.addf %parallel_loop3A_422, %parallel_loop3A_432 : vector<16xf32>
      %parallel_loop3A_434 = arith.addi %mul3A_108, %parallel_loop3A_275 : i32
      %parallel_loop3A_435 = vector.broadcast %parallel_loop3A_434 : i32 to vector<16xi32>
      tpu.vector_store_idx %arg16[%parallel_loop3A_435], %parallel_loop3A_433 masked %eq3A_4 : memref<10000xf32, #tpu.memory_space<vmem>>[vector<16xi32>], vector<16xf32>, vector<16xi1>
      tpu.vector_store_idx %arg17[%parallel_loop3A_435], %parallel_loop3A_433 masked %eq3A_7 : memref<10000xf32, #tpu.memory_space<vmem>>[vector<16xi32>], vector<16xf32>, vector<16xi1>
    } {sc.loop_unroll_factor = 2 : i64, sc.parallel_access}
    "tpu.region"() ({
      %run_scoped3A = tpu.sem_alloc : memref<!tpu.dma_semaphore, #tpu.memory_space<semaphore_mem>>
      %dma_start3A_111 = tpu.memref_slice %arg8[%mul3A_2] : memref<320000xf32, #tpu.memory_space<hbm>> -> memref<10000xf32, #tpu.memory_space<hbm>>
      %dma_start3A_112 = tpu.memref_slice %arg8[%mul3A_2] : memref<320000xf32, #tpu.memory_space<hbm>> -> memref<10000xf32, #tpu.memory_space<hbm>>
      tpu.enqueue_dma source(%arg16 : memref<10000xf32, #tpu.memory_space<vmem>>) target(%dma_start3A_112 : memref<10000xf32, #tpu.memory_space<hbm>>) target_semaphore(%run_scoped3A : memref<!tpu.dma_semaphore, #tpu.memory_space<semaphore_mem>>)
      %dma_wait3A_113 = tpu.memref_slice %arg8[%mul3A_2] : memref<320000xf32, #tpu.memory_space<hbm>> -> memref<10000xf32, #tpu.memory_space<hbm>>
      %dma_wait3A_114 = tpu.memref_slice %arg8[%mul3A_2] : memref<320000xf32, #tpu.memory_space<hbm>> -> memref<10000xf32, #tpu.memory_space<hbm>>
      tpu.wait_dma2 semaphore(%run_scoped3A : memref<!tpu.dma_semaphore, #tpu.memory_space<semaphore_mem>>) src(%arg16 : memref<10000xf32, #tpu.memory_space<vmem>>) dst(%dma_wait3A_114 : memref<10000xf32, #tpu.memory_space<hbm>>)
      tpu.yield
    }) : () -> ()
    "tpu.region"() ({
      %run_scoped3A = tpu.sem_alloc : memref<!tpu.dma_semaphore, #tpu.memory_space<semaphore_mem>>
      %dma_start3A_111 = tpu.memref_slice %arg9[%mul3A_2] : memref<320000xf32, #tpu.memory_space<hbm>> -> memref<10000xf32, #tpu.memory_space<hbm>>
      %dma_start3A_112 = tpu.memref_slice %arg9[%mul3A_2] : memref<320000xf32, #tpu.memory_space<hbm>> -> memref<10000xf32, #tpu.memory_space<hbm>>
      tpu.enqueue_dma source(%arg17 : memref<10000xf32, #tpu.memory_space<vmem>>) target(%dma_start3A_112 : memref<10000xf32, #tpu.memory_space<hbm>>) target_semaphore(%run_scoped3A : memref<!tpu.dma_semaphore, #tpu.memory_space<semaphore_mem>>)
      %dma_wait3A_113 = tpu.memref_slice %arg9[%mul3A_2] : memref<320000xf32, #tpu.memory_space<hbm>> -> memref<10000xf32, #tpu.memory_space<hbm>>
      %dma_wait3A_114 = tpu.memref_slice %arg9[%mul3A_2] : memref<320000xf32, #tpu.memory_space<hbm>> -> memref<10000xf32, #tpu.memory_space<hbm>>
      tpu.wait_dma2 semaphore(%run_scoped3A : memref<!tpu.dma_semaphore, #tpu.memory_space<semaphore_mem>>) src(%arg17 : memref<10000xf32, #tpu.memory_space<vmem>>) dst(%dma_wait3A_114 : memref<10000xf32, #tpu.memory_space<hbm>>)
      tpu.yield
    }) : () -> ()
    return
  }
}

module attributes {stable_mosaic.version = 14 : i64} {
  func.func @_tc_reduce_body(%arg0: memref<2500x128xf32, #tpu.memory_space<vmem>>, %arg1: memref<2500x128xf32, #tpu.memory_space<vmem>>, %arg2: memref<1xf32, #tpu.memory_space<smem>>) attributes {dimension_semantics = [], scalar_prefetch = 0 : i64, scratch_operands = 0 : i64, tpu.core_type = #tpu.core_type<tc>} {
    %get3A = arith.constant 0 : index
    %get3A_0 = arith.constant 0 : index
    %get3A_1 = vector.load %arg0[%get3A, %get3A_0] : memref<2500x128xf32, #tpu.memory_space<vmem>>, vector<2500x128xf32>
    %get3A_2 = arith.constant 0 : index
    %get3A_3 = arith.constant 0 : index
    %get3A_4 = vector.load %arg1[%get3A_2, %get3A_3] : memref<2500x128xf32, #tpu.memory_space<vmem>>, vector<2500x128xf32>
    %logistic3A = arith.negf %get3A_1 : vector<2500x128xf32>
    %logistic3A_5 = math.exp %logistic3A : vector<2500x128xf32>
    %logistic3A_6 = arith.constant 1.000000e+00 : f32
    %logistic3A_7 = vector.broadcast %logistic3A_6 : f32 to vector<2500x128xf32>
    %logistic3A_8 = arith.addf %logistic3A_7, %logistic3A_5 : vector<2500x128xf32>
    %logistic3A_9 = arith.divf %logistic3A_7, %logistic3A_8 : vector<2500x128xf32>
    %add3A = arith.constant 9.99999974E-6 : f32
    %add3A_10 = vector.broadcast %add3A : f32 to vector<2500x128xf32>
    %add3A_11 = arith.addf %logistic3A_9, %add3A_10 : vector<2500x128xf32>
    %log3A = math.log %add3A_11 : vector<2500x128xf32>
    %neg3A = arith.constant 0.000000e+00 : f32
    %neg3A_12 = vector.broadcast %neg3A : f32 to vector<2500x128xf32>
    %neg3A_13 = arith.subf %neg3A_12, %log3A : vector<2500x128xf32>
    %logistic3A_14 = arith.negf %get3A_4 : vector<2500x128xf32>
    %logistic3A_15 = math.exp %logistic3A_14 : vector<2500x128xf32>
    %logistic3A_16 = arith.constant 1.000000e+00 : f32
    %logistic3A_17 = vector.broadcast %logistic3A_16 : f32 to vector<2500x128xf32>
    %logistic3A_18 = arith.addf %logistic3A_17, %logistic3A_15 : vector<2500x128xf32>
    %logistic3A_19 = arith.divf %logistic3A_17, %logistic3A_18 : vector<2500x128xf32>
    %sub3A = arith.constant 1.000000e+00 : f32
    %sub3A_20 = vector.broadcast %sub3A : f32 to vector<2500x128xf32>
    %sub3A_21 = arith.subf %sub3A_20, %logistic3A_19 : vector<2500x128xf32>
    %add3A_22 = arith.constant 9.99999974E-6 : f32
    %add3A_23 = vector.broadcast %add3A_22 : f32 to vector<2500x128xf32>
    %add3A_24 = arith.addf %sub3A_21, %add3A_23 : vector<2500x128xf32>
    %log3A_25 = math.log %add3A_24 : vector<2500x128xf32>
    %neg3A_26 = arith.constant 0.000000e+00 : f32
    %neg3A_27 = vector.broadcast %neg3A_26 : f32 to vector<2500x128xf32>
    %neg3A_28 = arith.subf %neg3A_27, %log3A_25 : vector<2500x128xf32>
    %reduce_sum3A = vector.shape_cast %neg3A_13 : vector<2500x128xf32> to vector<1x2500x128xf32>
    %reduce_sum3A_29 = arith.constant dense<0.000000e+00> : vector<1xf32>
    %reduce_sum3A_30 = vector.multi_reduction <add>, %reduce_sum3A, %reduce_sum3A_29 [1, 2] : vector<1x2500x128xf32> to vector<1xf32>
    %reduce_sum3A_31 = vector.shape_cast %reduce_sum3A_30 : vector<1xf32> to vector<1x1x1xf32>
    %reduce_sum3A_32 = vector.extract %reduce_sum3A_31[0, 0, 0] : f32 from vector<1x1x1xf32>
    %reduce_sum3A_33 = vector.shape_cast %neg3A_28 : vector<2500x128xf32> to vector<1x2500x128xf32>
    %reduce_sum3A_34 = arith.constant dense<0.000000e+00> : vector<1xf32>
    %reduce_sum3A_35 = vector.multi_reduction <add>, %reduce_sum3A_33, %reduce_sum3A_34 [1, 2] : vector<1x2500x128xf32> to vector<1xf32>
    %reduce_sum3A_36 = vector.shape_cast %reduce_sum3A_35 : vector<1xf32> to vector<1x1x1xf32>
    %reduce_sum3A_37 = vector.extract %reduce_sum3A_36[0, 0, 0] : f32 from vector<1x1x1xf32>
    %add3A_38 = arith.addf %reduce_sum3A_32, %reduce_sum3A_37 : f32
    %div3A = arith.constant 3.200000e+05 : f32
    %div3A_39 = arith.divf %add3A_38, %div3A : f32
    %swap3A = arith.constant 0 : index
    %swap3A_40 = memref.load %arg2[%swap3A] : memref<1xf32, #tpu.memory_space<smem>>
    memref.store %div3A_39, %arg2[%swap3A] : memref<1xf32, #tpu.memory_space<smem>>
    return
  }
}

</mosaic_0001>

<sc_bundles>
// kernel: kernel.4.cloned.1.call-start
scs
__scs_entry_jumppad:
0x0: {  	(pc) =	sbr.rel $0x88, $3  }
0x1: {  	(tag) =	ssettag $0x0;
	lr =	simm.s32 $0x1  }
0x2: {  	[smem:$0x3F9E] =	sst lr;
	_ =	strace $0xD0000000  }
0x3: {  	_ = 	snop  }
0x4: {  	_ = 	snop  }
0x5: {  	_ = 	snop  }
0x6: {  	_ = 	snop  }
0x7: {  	_ = 	snop  }
__scs_overlays_trampoline_lowered:
0x8: {  	[smem:$0x3FAD] =	sst s0  }
0x9: {  	[smem:$0x3FAE] =	sst s1  }
0xa: {  	[smem:$0x3FAF] =	sst s2  }
0xb: {  	[smem:$0x3FB0] =	sst s3  }
0xc: {  	[smem:$0x3FB1] =	sst s4  }
0xd: {  	[smem:$0x3FB2] =	sst s5  }
0xe: {  	[smem:$0x3FB3] =	sst s6  }
0xf: {  	[smem:$0x3FB4] =	sst s7  }
0x10: {  	[smem:$0x3FB5] =	sst s8  }
0x11: {  	[smem:$0x3FB6] =	sst s9;
	s0 =	simm.s32 @!p0 $0x0  }
0x12: {  	s1 =	sld [smem:$0x3F9C];
	s0 =	simm.s32 @p0 $0x1  }
0x13: {  	[smem:$0x3FB7] =	sst s0;
	s0 =	simm.s32 @!p1 $0x0  }
0x14: {  	s2 =	sld [smem:$0x3F9B];
	s0 =	simm.s32 @p1 $0x1  }
0x15: {  	[smem:$0x3FB8] =	sst s0;
	s0 =	simm.s32 @!p2 $0x0  }
0x16: {  	s3 =	sld [smem:$0x3FDB];
	s0 =	simm.s32 @p2 $0x1  }
0x17: {  	s4 =	simm.s32 $0x1BF5;
	[smem:$0x3FBA] =	sst s0  }
0x18: {  	s0 =	sld [smem:$0x3F9D];
	_ =	swait.ge [sflag:s4], $0x0  }
0x19: {  	s7 =	sld [smem:$0x3F9E]  }
0x1a: {  	s8 =	sadd.s32 $0xFFFFE003, lr  }
0x1b: {  	s9 =	sadd.s32 $0xFFFFFEF7, lr;
	s5 =	simm.s32 $0xFFFFFFFF;
	p2 =	slt.u32 s8, $0xFFFFF086  }
0x1c: {  	p1 =	slt.u32 s9, $0xF7A;
	s5 =	simm.s32 @!p2 $0x0  }
0x1d: {  	s5 =	simm.s32 @p1 $0x1;
	p0 =	seq.s32 s7, s2  }
0x1e: {  	s7 =	smul.u32 @!p0 $0xF7A, s2;
	p2 =	seq.s32 @!p0 s5, $0x0  }
0x1f: {  	s9 =	smul.u32 $0xF7A, s1;
	s8 =	simm.s32 @!p0 $0x1BF5;
	p2 =	por !p2, p0  }
0x20: {  	[sflag:s8] =	ssyncset.s32 @!p0 $0xFFFFF086;
	s6 =	sadd.s32 @!p0 s3, s7;
	s7 =	simm.s32 @!p0 $0x108  }
0x21: {  	s3 =	sadd.s32 s3, s9;
	s6 =	sadd.s32 @!p0 $0x88, s6;
	s7 =	simm.s32 @p2 $0x1082  }
0x22: {  	[simem:s7], [sflag:s8] =	dma.local @!p0 [hbm:s6], $0xF7A  }
0x23: {  	s9 =	sor.u32 $0xD0000000, s2;
	s6 =	simm.s32 $0x108;
	_ =	swait.ge @!p0 [sflag:s8], $0x0  }
0x24: {  	s3 =	sadd.s32 $0x88, s3;
	s6 =	simm.s32 @!p1 $0x1082;
	[sflag:s4] =	ssyncset.s32 $0xFFFFF086  }
0x25: {  	[simem:s6], [sflag:s4] =	dma.local [hbm:s3], $0xF7A  }
0x26: {  	[smem:$0x3F9E] =	sst s1;
	(tag) =	ssettag s2;
	_ =	strace s9  }
0x27: {  	s1 =	sld [smem:$0x3FAE]  }
0x28: {  	s2 =	sld [smem:$0x3FAF]  }
0x29: {  	s4 =	sld [smem:$0x3FB1]  }
0x2a: {  	p0 =	seq.s32 s5, $0x0;
	s5 =	sld [smem:$0x3FB2]  }
0x2b: {  	s6 =	sld [smem:$0x3FB3]  }
0x2c: {  	s7 =	sld [smem:$0x3FB4]  }
0x2d: {  	s3 =	simm.s32 $0x108;
	s8 =	sld [smem:$0x3FB5]  }
0x2e: {  	s3 =	simm.s32 @!p0 $0x1082;
	s9 =	sld [smem:$0x3FB6]  }
0x2f: {  	lr =	sadd.s32 s0, s3;
	s0 =	sld [smem:$0x3FAD]  }
0x30: {  	s3 =	sld [smem:$0x3FB0]  }
0x31: {  	[smem:$0x3FB9] =	sst s10  }
0x32: {  	s10 =	sld [smem:$0x3FB7];
	_ =	sdelay $0x3  }
0x33: {  	p0 =	seq.s32 s10, $0x1;
	s10 =	sld [smem:$0x3FB9];
	_ =	sdelay $0x3  }
0x34: {  	[smem:$0x3FB9] =	sst s10  }
0x35: {  	s10 =	sld [smem:$0x3FB8];
	_ =	sdelay $0x3  }
0x36: {  	p1 =	seq.s32 s10, $0x1;
	s10 =	sld [smem:$0x3FB9];
	_ =	sdelay $0x3  }
0x37: {  	[smem:$0x3FB9] =	sst s10  }
0x38: {  	s10 =	sld [smem:$0x3FBA]  }
0x39: {  	_ = 	snop;
	(pc) =	sbr.ind lr, $3  }
0x3a: {  	_ = 	snop  }
0x3b: {  	_ = 	snop  }
0x3c: {  	p2 =	seq.s32 s10, $0x1;
	s10 =	sld [smem:$0x3FB9]  }
0x3d: {  	_ =	shalt  }
0x3e: {  	_ =	shalt  }
0x3f: {  	_ =	shalt  }
0x40: {  	_ =	shalt  }
0x41: {  	_ =	shalt  }
0x42: {  	_ =	shalt  }
0x43: {  	_ =	shalt  }
0x44: {  	_ =	shalt  }
0x45: {  	_ =	shalt  }
0x46: {  	_ =	shalt  }
0x47: {  	_ =	shalt  }
0x48: {  	_ =	shalt  }
0x49: {  	_ =	shalt  }
0x4a: {  	_ =	shalt  }
0x4b: {  	_ =	shalt  }
0x4c: {  	_ =	shalt  }
0x4d: {  	_ =	shalt  }
0x4e: {  	_ =	shalt  }
0x4f: {  	_ =	shalt  }
0x50: {  	_ =	shalt  }
0x51: {  	_ =	shalt  }
0x52: {  	_ =	shalt  }
0x53: {  	_ =	shalt  }
0x54: {  	_ =	shalt  }
0x55: {  	_ =	shalt  }
0x56: {  	_ =	shalt  }
0x57: {  	_ =	shalt  }
0x58: {  	_ =	shalt  }
0x59: {  	_ =	shalt  }
0x5a: {  	_ =	shalt  }
0x5b: {  	_ =	shalt  }
0x5c: {  	_ =	shalt  }
0x5d: {  	_ =	shalt  }
0x5e: {  	_ =	shalt  }
0x5f: {  	_ =	shalt  }
0x60: {  	_ =	shalt  }
0x61: {  	_ =	shalt  }
0x62: {  	_ =	shalt  }
0x63: {  	_ =	shalt  }
0x64: {  	_ =	shalt  }
0x65: {  	_ =	shalt  }
0x66: {  	_ =	shalt  }
0x67: {  	_ =	shalt  }
0x68: {  	_ =	shalt  }
0x69: {  	_ =	shalt  }
0x6a: {  	_ =	shalt  }
0x6b: {  	_ =	shalt  }
0x6c: {  	_ =	shalt  }
0x6d: {  	_ =	shalt  }
0x6e: {  	_ =	shalt  }
0x6f: {  	_ =	shalt  }
0x70: {  	_ =	shalt  }
0x71: {  	_ =	shalt  }
0x72: {  	_ =	shalt  }
0x73: {  	_ =	shalt  }
0x74: {  	_ =	shalt  }
0x75: {  	_ =	shalt  }
0x76: {  	_ =	shalt  }
0x77: {  	_ =	shalt  }
0x78: {  	_ =	shalt  }
0x79: {  	_ =	shalt  }
0x7a: {  	_ =	shalt  }
0x7b: {  	_ =	shalt  }
0x7c: {  	_ =	shalt  }
0x7d: {  	_ =	shalt  }
0x7e: {  	_ =	shalt  }
0x7f: {  	_ =	shalt  }
0x80: {  	_ =	shalt  }
0x81: {  	_ =	shalt  }
0x82: {  	_ =	shalt  }
0x83: {  	_ =	shalt  }
0x84: {  	_ =	shalt  }
0x85: {  	_ =	shalt  }
0x86: {  	_ =	shalt  }
0x87: {  	_ =	shalt  }
.Lfunc_end0:
.L_simem_size_0:
called_computation_lowered:
.L_overlay_start_0:
0x88: {  	s2 =	sld [smem:$0x3FD9]  }
0x89: {  	s3 =	sld [smem:$0x3FFE];
	_ =	sdelay $0x1  }
0x8a: {  	s1 =	srdreg.scid  }
0x8b: {  	s0 =	sand.u32 $0x1, s1  }
0x8c: {  	s17 =	sshll.u32 s0, $0xA;
	s2 =	sadd.s32 s3, s2  }
0x8d: {  	s2 =	sadd.s32 s2, s17  }
0x8e: {  	[smem:$0x3FC5] =	sst s2  }
0x8f: {  	_ = 	snop  }
0x90: {  	s2 =	sld [smem:$0x3FC9]  }
0x91: {  	s18 =	sld [smem:$0x3FD0];
	(tm) =	ssettm $0x1  }
0x92: {  	s4 =	sld [smem:$0x3FFB];
	_ =	sdelay $0x3  }
0x93: {  	_ =	strace s4  }
0x94: {  	s4 =	sld [smem:$0x3FFC];
	_ =	sdelay $0x3  }
0x95: {  	_ =	strace s4  }
0x96: {  	s4 =	sld [smem:$0x3FFD];
	_ =	sdelay $0x3  }
0x97: {  	_ =	strace s4  }
0x98: {  	_ =	strace $0x8FFFFFFF  }
0x99: {  	s19 =	sld [smem:$0x3FDB];
	_ =	sdelay $0x1  }
0x9a: {  	s5 =	simm.s32 $_scs_section_size  }
0x9b: {  	s6 =	simm.s32 $_size__tile_overlayer_lowered;
	s7 =	simm.s32 $_tile_overlayer_lowered  }
0x9c: {  	s22 =	simm.s32 $0x1BFF;
	s21 =	sshll.u32 s7, $0x1;
	s4 =	sadd.s32 s5, s19  }
0x9d: {  	s8 =	simm.s32 $0x0;
	s20 =	sshll.u32 s6, $0x1;
	s6 =	sadd.s32 s21, s4  }
0x9e: {  	[timem:s8], [sflag:s22] =	dma.local [hbm:s6], s20  }
0x9f: {  	_ =	swait.ge [sflag:s22], s20  }
0xa0: {  	s5 =	ssub.s32 $0x0, s20;
	[sflag:s22] =	ssyncset.done $0x0  }
0xa1: {  	[sflag:s22] =	ssyncadd.s32 s5;
	_ =	sdelay $0x1  }
0xa2: {  	s23 =	simm.s32 $0x1B8B  }
0xa3: {  	_ =	swait.ge [sflag:s23], $0x1  }
0xa4: {  	[sflag:s23] =	ssyncset.done $0x0  }
0xa5: {  	s25 =	simm.s32 $0x1B8E;
	s24 =	sld [smem:$0x3FFE];
	[sflag:s23] =	ssyncadd.s32 $0xFFFFFFFF  }
0xa6: {  	s26 =	simm.s32 $execute0_lowered;
	[smem:$0x3FD2] =	sst s25  }
0xa7: {  	s6 =	sshll.u32 s26, $0x1;
	_ =	strace $0x80000046;
	[dreg:$0x1] =	wrdreg $0xFFFFFFFF  }
0xa8: {  	s28 =	simm.s32 $_size_execute0_lowered;
	s4 =	sadd.s32 s4, s6;
	[dreg:$0x0] =	wrdreg $0x0  }
0xa9: {  	s6 =	sshll.u32 s28, $0x1;
	[dreg:$0x2] =	wrdreg s4  }
0xaa: {  	[dreg:$0x3] =	wrdreg s6  }
0xab: {  	[dreg:$0x4] =	wrdreg $0xC0  }
0xac: {  	_ =	task [dreg:s8], $0x5FFFF  }
0xad: {  	[dreg:$0x1] =	wrdreg $0xFFFFFFFF  }
0xae: {  	[dreg:$0x0] =	wrdreg $0x60  }
0xaf: {  	[dreg:$0x2] =	wrdreg s2  }
0xb0: {  	[dreg:$0x3] =	wrdreg s24  }
0xb1: {  	[dreg:$0x4] =	wrdreg s18  }
0xb2: {  	[dreg:$0x5] =	wrdreg $0x9  }
0xb3: {  	_ =	task.clear_ibuf [dreg:s8], $0x6FFFF;
	_ =	strace $0x90000046  }
0xb4: {  	s29 =	simm.s32 $0x9;
	_ =	strace $0x80000048  }
0xb5: {  	_ =	swait.ge [sflag:s29], $0x1  }
0xb6: {  	[sflag:s29] =	ssyncadd.s32 $0xFFFFFFFF  }
0xb7: {  	_ =	strace $0x90000048  }
0xb8: {  	_ =	sfence  }
0xb9: {  	s30 =	sld [smem:$0x0];
	_ =	sdelay $0x2  }
0xba: {  	s31 =	sshll.u32 s1, $0xD;
	s1 =	sshrl.u32 s1, $0x2  }
0xbb: {  	s3 =	sand.u32 $0x4000, s31;
	s1 =	sadd.s32 s1, s30  }
0xbc: {  	s0 =	sor.u32 s3, s0;
	s1 =	sshll.u32 s1, $0x11  }
0xbd: {  	s0 =	sor.u32 s1, s0  }
0xbe: {  	s0 =	sadd.s32 $0x8F2B, s0  }
0xbf: {  	[sflag:s0] =	ssyncadd.remote.s32 $0x1  }
0xc0: {  	_ =	sfence.sel $0xFFFF  }
0xc1: {  	[dreg:$0x0] =	wrdreg $0xFFFFFFFF;
	(pc) =	sbr.abs _section_cstart, $3  }
0xc2: {  	[dreg:$0x1] =	wrdreg $0xFFFFFFFF  }
0xc3: {  	_ =	task.clear_ibuf [dreg:s8], $0x2FFFF;
	_ =	strace $0x9FFFFFFF  }
0xc4: {  	(tm) =	ssettm $0x7FFFFFFF  }
0xc5: {  	_ =	shalt  }
tec
execute0_lowered:
.L_overlay_start_1:
0x0: {  	(tag) =	ssettag $0x1  }
0x1: {  	v0 =	vimm.s32 $0xEFCDAB89  }
0x2: {  	v1 =	vimm.s32 $0x67452301;
	vm0 =	vcmask $0xB08;
	vm1 =	vcmask $0x300  }
0x3: {  	s0 =	srdreg.scid;
	v2 =	vimm.s32 $0xDCFE98BA;
	v3 =	vimm.s32 $0xBA98FEDC;
	v4 =	vimm.s32 $0x32107654  }
0x4: {  	s2 =	stileid.u32;
	s1 =	rddreg [dreg:$0x0];
	v5 =	vimm.s32 $0xFEDCBA98;
	v0 =	vunpack.c.l.s4.s8 v0;
	v1 =	vunpack.c.l.s4.s8 v1  }
0x5: {  	s3 =	rddreg [dreg:$0x1];
	s5 =	simm.s32 $0x0;
	s12 =	simm.s32 $0x4;
	v6 =	vimm.s32 $0x76543210;
	vm0 =	vmor vm1, vm0;
	vm1 =	vcmask $0x1310  }
0x6: {  	s13 =	simm.s32 $0x80;
	s17 =	simm.s32 $0x1;
	s18 =	simm.s32 $0x50;
	v2 =	vunpack.c.l.s4.s8 v2;
	v0 =	vunpack.c.0.s8.s32 v0;
	v1 =	vunpack.c.0.s8.s32 v1  }
0x7: {  	s19 =	simm.s32 $0xEE00;
	s0 =	sand.u32 $0x1, s0;
	s2 =	sshll.u32 s2, $0x1;
	v3 =	vunpack.c.l.s4.s8 v3;
	v4 =	vunpack.c.l.s4.s8 v4;
	v5 =	vunpack.c.l.s4.s8 v5  }
0x8: {  	s20 =	simm.s32 $0x11600;
	s2 =	sor.u32 s0, s2;
	s0 =	ssub.s32 $0x2, s0;
	v1 =	vcombine.low v1, v0;
	v0 =	vunpack.c.0.s8.s32 v2;
	v2 =	vimm.s32 $0x54761032  }
0x9: {  	s22 =	simm.s32 $0x16600;
	vm0 =	vmor vm0, vm1;
	vm1 =	vcmask $0x1B18;
	s2 =	smul.u32 $0x4E2, s2;
	s23 =	sshrl.u32 s0, $0x1;
	v2 =	vunpack.c.l.s4.s8 v2  }
0xa: {  	s29 =	simm.s32 $0x1B600;
	s30 =	simm.s32 $0x2;
	v6 =	vunpack.c.l.s4.s8 v6;
	vm0 =	vmor vm0, vm1;
	vm1 =	vcmask $0x2320;
	s0 =	ssub.s32 s0, s23  }
0xb: {  	[smem:$0x7FF] =	sst s5;
	v3 =	vunpack.c.0.s8.s32 v3;
	v4 =	vunpack.c.0.s8.s32 v4;
	s2 =	sadd.s32 s2, s3;
	s0 =	smax.u32 s0, $0x1;
	v2 =	vunpack.c.0.s8.s32 v2  }
0xc: {  	_ =	strace $0x80000047;
	v5 =	vunpack.c.0.s8.s32 v5;
	vm0 =	vmor vm0, vm1;
	vm1 =	vcmask $0x2B28;
	s24 =	sadd.s32 $0xA000, s2;
	[dreg:$0x9] =	wrdreg s0  }
0xd: {  	s31 =	simm.s32 $0x9F00;
	vm0 =	vmor vm0, vm1;
	s25 =	sadd.s32 $0x200, s2;
	[dreg:$0x4] =	wrdreg s24;
	v2 =	vcombine.low v2, v0;
	v0 =	vimm.s32 $0x8  }
0xe: {  	s4 =	simm.s32 $0x0;
	vm1 =	vcmask $0x3330;
	v3 =	vcombine.low v4, v3;
	v4 =	vunpack.c.0.s8.s32 v6;
	s26 =	sadd.s32 $0x13E00, s2;
	[dreg:$0x5] =	wrdreg s25  }
0xf: {  	v5 =	vand.u32 $0xF, v5;
	s3 =	simm.s32 $0xC680;
	vm0 =	vmor vm0, vm1;
	s28 =	sadd.s32 $0x1DC00, s2;
	vm1 =	vcmask $0x3B38;
	[dreg:$0x6] =	wrdreg s26  }
0x10: {  	s2 =	sadd.s32 $0x27A00, s2;
	s0 =	simm.s32 $0x3;
	[dreg:$0x7] =	wrdreg s28;
	vm0 =	vmor vm0, vm1;
	v1 =	vand.u32 $0xF, v1;
	v4 =	vcombine.low v5, v4  }
0x11: {  	[dreg:$0x8] =	wrdreg s2;
	s24 =	simm.s32 $0x18E00;
	s26 =	simm.s32 $0x13E00;
	v3 =	vand.u32 $0xF, v3;
	vm1 =	vcmask $0x704;
	v2 =	vand.u32 $0xF, v2  }
.LBB2_1:
0x12: {  	s2 =	rddreg [dreg:$0x1]  }
0x13: {  	[tilespmem:s5], [sflag:$0x4] =	stream.linear.gather [hbm4b:s2+s5], $0x80, $0x38;
	[tilespmem:$0x1DE00] =	vst v63  }
0x14: {  	_ =	swait.ge [sflag:s12], $0x80  }
0x15: {  	[sflag:s12] =	ssyncset.done $0x0  }
0x16: {  	[sflag:s12] =	ssyncadd.s32 $0xFFFFFF80  }
0x17: {  	s15 =	rddreg [dreg:$0x2]  }
0x18: {  	[tilespmem:s13], [sflag:$0x4] =	stream.linear.gather [hbm4b:s15+s5], $0x80, $0x38;
	[tilespmem:$0x1DE00] =	vst v63  }
0x19: {  	_ =	swait.ge [sflag:s12], $0x80  }
0x1a: {  	[sflag:s12] =	ssyncset.done $0x0  }
0x1b: {  	s6 =	simm.s32 $0x100;
	s16 =	rddreg [dreg:$0x4];
	[sflag:s12] =	ssyncadd.s32 $0xFFFFFF80  }
0x1c: {  	[tilespmem:s6], [sflag:$0x1] =	stream.linear.gather [hbm4b:s16+s5], $0x2710, $0x38;
	[tilespmem:$0x1DE00] =	vst v63  }
0x1d: {  	s7 =	simm.s32 $0x2880;
	s21 =	rddreg [dreg:$0x5]  }
0x1e: {  	[tilespmem:s7], [sflag:$0x1] =	stream.linear.gather [hbm4b:s21+s5], $0x2710, $0x38;
	[tilespmem:$0x1DE00] =	vst v63  }
0x1f: {  	s8 =	simm.s32 $0x7780;
	s23 =	rddreg [dreg:$0x6]  }
0x20: {  	[tilespmem:s8], [sflag:$0x1] =	stream.linear.gather [hbm4b:s23+s5], $0x2710, $0x38;
	[tilespmem:$0x1DE00] =	vst v63  }
0x21: {  	_ =	swait.ge [sflag:s17], $0x2710  }
0x22: {  	[sflag:s17] =	ssyncset.done $0x0  }
0x23: {  	[sflag:s17] =	ssyncadd.s32 $0xFFFFD8F0  }
0x24: {  	_ =	swait.ge [sflag:s17], $0x2710  }
0x25: {  	[sflag:s17] =	ssyncset.done $0x0  }
0x26: {  	[sflag:s17] =	ssyncadd.s32 $0xFFFFD8F0  }
0x27: {  	_ =	swait.ge [sflag:s17], $0x2710  }
0x28: {  	[sflag:s17] =	ssyncset.done $0x0  }
0x29: {  	[sflag:s17] =	ssyncadd.s32 $0xFFFFD8F0  }
0x2a: {  	[tilespmem:s19], [sflag:$0x2] =	stream.indirect.gather [hbm4b:s1+s18], $0x80, s6, s18, $0xb8;
	[tilespmem:$0x1DE00] =	vst v63  }
0x2b: {  	_ = 	snop  }
0x2c: {  	[tilespmem:s20], [sflag:$0x2] =	stream.indirect.gather [hbm4b:s1+s18], $0x80, s7, s18, $0xb8;
	[tilespmem:$0x1DE00] =	vst v63  }
0x2d: {  	s25 =	simm.s32 $0x150  }
0x2e: {  	[tilespmem:s22], [sflag:$0x3] =	stream.indirect.gather [hbm4b:s1+s18], $0x80, s25, s18, $0xb8;
	[tilespmem:$0x1DE00] =	vst v63  }
0x2f: {  	s28 =	simm.s32 $0x28D0;
	s2 =	simm.s32 $0x0  }
0x30: {  	[tilespmem:s24], [sflag:$0x3] =	stream.indirect.gather [hbm4b:s1+s18], $0x80, s28, s18, $0xb8;
	[tilespmem:$0x1DE00] =	vst v63  }
.LBB2_2:
0x31: {  	s6 =	sshra.s32 s2, $0x2;
	v6 =	vld.idx.msk [tilespmem:v0+s13+$0x0], $0xffff  }
0x32: {  	v5 =	vld [tilespmem:s6+$0x100];
	_ =	sdelay $0x4  }
0x33: {  	vm2 =	vgt.s32 v6, v5  }
0x34: {  	v6 =	vsel vm2, $0x0, v0  }
0x35: {  	v7 =	vor.u32 $0x4, v6;
	_ =	sdelay $0x4  }
0x36: {  	v8 =	vld.idx.msk [tilespmem:v7+s13+$0x0], $0xffff;
	_ =	sdelay $0x4  }
0x37: {  	vm2 =	vgt.s32 v8, v5  }
0x38: {  	v6 =	vsel vm2, v6, v7  }
0x39: {  	v7 =	vor.u32 $0x2, v6;
	_ =	sdelay $0x4  }
0x3a: {  	v61 =	vld.idx.msk [tilespmem:v7+s13+$0x0], $0xffff;
	_ =	sdelay $0x4  }
0x3b: {  	vm2 =	vgt.s32 v61, v5  }
0x3c: {  	v6 =	vsel vm2, v6, v7  }
0x3d: {  	v7 =	vor.u32 $0x1, v6;
	_ =	sdelay $0x4  }
0x3e: {  	v62 =	vld.idx.msk [tilespmem:v7+s13+$0x0], $0xffff;
	_ =	sdelay $0x4  }
0x3f: {  	vm2 =	vgt.s32 v62, v5  }
0x40: {  	v5 =	vsel vm2, v6, v7;
	_ =	sdelay $0x4  }
0x41: {  	v6 =	vld.idx.msk [tilespmem:v5+s5+$0x0], $0xffff;
	_ =	sdelay $0x1  }
0x42: {  	v7 =	vld [tilespmem:s6+$0x7780];
	_ =	sdelay $0x2  }
0x43: {  	v63 =	vcvt.s32.f32 v6;
	_ =	sdelay $0x1  }
0x44: {  	v7 =	vmul.f32 v63, v7;
	_ =	sdelay $0x1  }
0x45: {  	v5 =	vld.idx.msk [tilespmem:v5+s13+$0x0], $0xffff;
	v7 =	vtrunc.f32 v7  }
0x46: {  	p0 =	sne.s32 s2, $0x9C00;
	v7 =	vcvt.f32.s32 v7  }
.Ltmp0:
0x47: {  	v6 =	vadd.s32 $0xFFFFFFFF, v6;
	(pc) =	sbr.rel @p0 .LBB2_2-.Ltmp0, $4  }
0x48: {  	vm2 =	vlt.s32 v7, v6  }
0x49: {  	v6 =	vsel vm2, v7, v6  }
0x4a: {  	v5 =	vadd.s32 v5, v6  }
0x4b: {  	s2 =	sadd.s32 $0x40, s2;
	[tilespmem:s6+$0x5000] =	vst v5  }
0x4c: {  	s2 =	simm.s32 $0x5000  }
0x4d: {  	[tilespmem:s26], [sflag:$0x2] =	stream.indirect.gather [hbm4b:s1+s18], $0x80, s2, s18, $0xb8;
	[tilespmem:$0x1DE00] =	vst v63  }
0x4e: {  	s28 =	simm.s32 $0x5050;
	s16 =	simm.s32 $0x0;
	s21 =	simm.s32 $0x0  }
0x4f: {  	[tilespmem:s29], [sflag:$0x3] =	stream.indirect.gather [hbm4b:s1+s18], $0x80, s28, s18, $0xb8;
	[tilespmem:$0x1DE00] =	vst v63  }
.LBB2_4:
0x50: {  	_ =	swait.ge [sflag:s30], $0x2800  }
0x51: {  	[sflag:s30] =	ssyncset.done $0x0  }
0x52: {  	[sflag:s30] =	ssyncadd.s32 $0xFFFFD800  }
0x53: {  	_ =	swait.ge [sflag:s30], $0x2800  }
0x54: {  	[sflag:s30] =	ssyncset.done $0x0  }
0x55: {  	[sflag:s30] =	ssyncadd.s32 $0xFFFFD800  }
0x56: {  	_ =	swait.ge [sflag:s30], $0x2800  }
0x57: {  	[sflag:s30] =	ssyncset.done $0x0  }
0x58: {  	s7 =	simm.s32 $0xEF00;
	[sflag:s30] =	ssyncadd.s32 $0xFFFFD800  }
0x59: {  	v5 =	vld [tilespmem:s7+$0x70]  }
0x5a: {  	v6 =	vld [tilespmem:s7+$0x60]  }
0x5b: {  	v7 =	vld [tilespmem:s7+$0x50]  }
0x5c: {  	v8 =	vld [tilespmem:s7+$0x40]  }
0x5d: {  	v9 =	vld [tilespmem:s7+$0x30]  }
0x5e: {  	v10 =	vld [tilespmem:s7+$0x20]  }
0x5f: {  	s14 =	simm.s32 $0x11700;
	v11 =	vld [tilespmem:s7+$0x0]  }
0x60: {  	s23 =	simm.s32 $0x13F00;
	v12 =	vld [tilespmem:s14+$0x0]  }
0x61: {  	v13 =	vld [tilespmem:s23+$0x0]  }
0x62: {  	v14 =	vld [tilespmem:s7+$0x10]  }
0x63: {  	v15 =	vld [tilespmem:s14+$0x10]  }
0x64: {  	v16 =	vld [tilespmem:s23+$0x10]  }
0x65: {  	v17 =	vld [tilespmem:s14+$0x20]  }
0x66: {  	v18 =	vld [tilespmem:s23+$0x20]  }
0x67: {  	v19 =	vld [tilespmem:s14+$0x30]  }
0x68: {  	v20 =	vld [tilespmem:s23+$0x40]  }
0x69: {  	s25 =	simm.s32 $0xF100;
	v21 =	vld [tilespmem:s23+$0xFFFFFF40]  }
0x6a: {  	v46 =	vld [tilespmem:s25+$0x70]  }
0x6b: {  	v47 =	vld [tilespmem:s25+$0x60]  }
0x6c: {  	v48 =	vld [tilespmem:s25+$0x50]  }
0x6d: {  	v49 =	vld [tilespmem:s25+$0x40]  }
0x6e: {  	v50 =	vld [tilespmem:s25+$0x30]  }
0x6f: {  	v51 =	vld [tilespmem:s25+$0x20]  }
0x70: {  	s28 =	simm.s32 $0x11900;
	v52 =	vld [tilespmem:s25+$0x0]  }
0x71: {  	v53 =	vld [tilespmem:s28+$0x0]  }
0x72: {  	v55 =	vld [tilespmem:s25+$0x10]  }
0x73: {  	v56 =	vld [tilespmem:s28+$0x10]  }
0x74: {  	v58 =	vld [tilespmem:s28+$0x20]  }
0x75: {  	v60 =	vld [tilespmem:s28+$0x30]  }
0x76: {  	v62 =	vld [tilespmem:s28+$0x40]  }
0x77: {  	v12 =	vmul.f32 v12, v11;
	v11 =	vmul.f32 v13, v11;
	v13 =	vld [tilespmem:s23+$0x30]  }
0x78: {  	v15 =	vmul.f32 v15, v14;
	v14 =	vmul.f32 v16, v14;
	v16 =	vld [tilespmem:s14+$0x40]  }
0x79: {  	v17 =	vmul.f32 v17, v10;
	v10 =	vmul.f32 v18, v10;
	v18 =	vld [tilespmem:s23+$0x50]  }
0x7a: {  	v53 =	vmul.f32 v53, v52;
	v56 =	vmul.f32 v56, v55;
	v11 =	vadd.f32 v14, v11;
	v14 =	vld [tilespmem:s14+$0x50]  }
0x7b: {  	v12 =	vadd.f32 v15, v12;
	v15 =	vmul.f32 v19, v9;
	v19 =	vld [tilespmem:s14+$0xFFFFFF30]  }
0x7c: {  	v53 =	vadd.f32 v56, v53;
	v56 =	vld [tilespmem:s28+$0x50]  }
0x7d: {  	v10 =	vadd.f32 v10, v11;
	v11 =	vld [tilespmem:s14+$0x60]  }
0x7e: {  	v12 =	vadd.f32 v17, v12;
	v17 =	vld [tilespmem:s14+$0xFFFFFF00]  }
0x7f: {  	v9 =	vmul.f32 v13, v9;
	v13 =	vmul.f32 v16, v8;
	v16 =	vld [tilespmem:s23+$0x60]  }
0x80: {  	v12 =	vadd.f32 v15, v12;
	v15 =	vld [tilespmem:s23+$0x70]  }
0x81: {  	v8 =	vmul.f32 v20, v8;
	v9 =	vadd.f32 v9, v10;
	v10 =	vld [tilespmem:s14+$0x70]  }
0x82: {  	v14 =	vmul.f32 v14, v7;
	v7 =	vmul.f32 v18, v7;
	v18 =	vld [tilespmem:s7+$0xFFFFFF30];
	v12 =	vadd.f32 v13, v12  }
0x83: {  	v13 =	vld [tilespmem:s7+$0xFFFFFF10];
	v8 =	vadd.f32 v8, v9  }
0x84: {  	v9 =	vld [tilespmem:s23+$0xFFFFFF00];
	v11 =	vmul.f32 v11, v6;
	v12 =	vadd.f32 v14, v12  }
0x85: {  	v6 =	vmul.f32 v16, v6;
	v7 =	vadd.f32 v7, v8;
	v8 =	vld [tilespmem:s14+$0xFFFFFF10]  }
0x86: {  	v14 =	vld [tilespmem:s23+$0xFFFFFF10];
	v10 =	vmul.f32 v10, v5;
	v11 =	vadd.f32 v11, v12  }
0x87: {  	v5 =	vmul.f32 v15, v5;
	v6 =	vadd.f32 v6, v7;
	v7 =	vld [tilespmem:s7+$0xFFFFFF00]  }
0x88: {  	v12 =	vld [tilespmem:s7+$0xFFFFFF20];
	v10 =	vadd.f32 v10, v11  }
0x89: {  	v11 =	vld [tilespmem:s23+$0xFFFFFF20];
	v5 =	vadd.f32 v5, v6  }
0x8a: {  	v6 =	vld [tilespmem:s14+$0xFFFFFF20];
	v15 =	vperm.xlane v10, v1;
	v8 =	vmul.f32 v8, v13  }
0x8b: {  	v13 =	vmul.f32 v14, v13;
	v14 =	vld [tilespmem:s14+$0xFFFFFF50];
	v16 =	vperm.xlane v5, v1  }
0x8c: {  	v10 =	vadd.f32 v15, v10;
	v15 =	vld [tilespmem:s23+$0xFFFFFF30];
	v17 =	vmul.f32 v17, v7  }
0x8d: {  	v7 =	vmul.f32 v9, v7;
	v9 =	vld [tilespmem:s7+$0xFFFFFF50];
	v5 =	vadd.f32 v16, v5  }
0x8e: {  	v16 =	vld [tilespmem:s7+$0xFFFFFF40];
	v11 =	vmul.f32 v11, v12;
	v8 =	vadd.f32 v8, v17  }
0x8f: {  	v6 =	vmul.f32 v6, v12;
	v7 =	vadd.f32 v13, v7;
	v13 =	vld [tilespmem:s23+$0xFFFFFF50];
	v5 =	vsel vm0, v10, v5  }
0x90: {  	s6 =	sadd.s32 $0xFFFFFFFC, s16;
	v10 =	vld [tilespmem:s14+$0xFFFFFF40];
	v20 =	vperm.xlane v5, v2  }
0x91: {  	s2 =	sadd.s32 $0x6, s6;
	v6 =	vadd.f32 v6, v8;
	v8 =	vld [tilespmem:s7+$0xFFFFFF60];
	v7 =	vadd.f32 v11, v7  }
0x92: {  	v11 =	vmul.f32 v15, v18;
	v15 =	vld [tilespmem:s23+$0xFFFFFF60];
	v5 =	vadd.f32 v5, v20;
	v20 =	vmov s2  }
0x93: {  	s2 =	simm.s32 $0x14100;
	v12 =	vand.u32 $0xFFFFFFFE, v20;
	v20 =	vld [tilespmem:s14+$0xFFFFFF60]  }
0x94: {  	v54 =	vld [tilespmem:s2+$0x0]  }
0x95: {  	v19 =	vmul.f32 v19, v18;
	v57 =	vld [tilespmem:s2+$0x10]  }
0x96: {  	v59 =	vld [tilespmem:s2+$0x20]  }
0x97: {  	v6 =	vadd.f32 v19, v6;
	v61 =	vld [tilespmem:s2+$0x30];
	v17 =	vperm.xlane v5, v3  }
0x98: {  	v7 =	vadd.f32 v11, v7;
	v11 =	vmul.f32 v21, v16;
	v10 =	vmul.f32 v10, v16;
	v16 =	vld [tilespmem:s14+$0xFFFFFF70]  }
0x99: {  	v5 =	vadd.f32 v5, v17;
	v17 =	vld [tilespmem:s7+$0xFFFFFF70]  }
0x9a: {  	v6 =	vadd.f32 v10, v6;
	v10 =	vmul.f32 v14, v9;
	v14 =	vld [tilespmem:s23+$0xFFFFFF70]  }
0x9b: {  	v12 =	vbroadcast v12, $0x0;
	v63 =	vmul.f32 v57, v55;
	v55 =	vld [tilespmem:s2+$0x40]  }
0x9c: {  	v52 =	vmul.f32 v54, v52;
	v54 =	vld [tilespmem:s2+$0x50]  }
0x9d: {  	v18 =	vperm.xlane v5, v4;
	v6 =	vadd.f32 v10, v6;
	v57 =	vmul.f32 v58, v51;
	v58 =	vld [tilespmem:s28+$0x70]  }
0x9e: {  	v51 =	vmul.f32 v59, v51;
	v52 =	vadd.f32 v63, v52;
	v63 =	vmul.f32 v60, v50;
	v60 =	vld [tilespmem:s28+$0x60]  }
0x9f: {  	v10 =	vmul.f32 v20, v8;
	v5 =	vadd.f32 v5, v18;
	v53 =	vadd.f32 v57, v53;
	v57 =	vld [tilespmem:s2+$0xFFFFFF20]  }
0xa0: {  	v50 =	vmul.f32 v61, v50;
	v61 =	vmul.f32 v62, v49;
	v51 =	vadd.f32 v51, v52;
	v52 =	vld [tilespmem:s2+$0x60]  }
0xa1: {  	[tilespmem:v12+s31+$0x0] =	vst.idx.msk $0x1, v5;
	v53 =	vadd.f32 v63, v53;
	v49 =	vmul.f32 v55, v49;
	v55 =	vld [tilespmem:s28+$0xFFFFFF00]  }
0xa2: {  	v63 =	vmul.f32 v56, v48;
	[tilespmem:v12+s3+$0x0] =	vst.idx.msk vm1, v5;
	v59 =	vmul.f32 v54, v48;
	v48 =	vld [tilespmem:s2+$0xFFFFFF00]  }
0xa3: {  	v5 =	vadd.f32 v10, v6;
	v10 =	vld [tilespmem:s7+$0xF0]  }
0xa4: {  	v23 =	vld [tilespmem:s7+$0xE0]  }
0xa5: {  	v27 =	vld [tilespmem:s7+$0xD0]  }
0xa6: {  	v29 =	vld [tilespmem:s7+$0xC0]  }
0xa7: {  	v30 =	vld [tilespmem:s7+$0xB0]  }
0xa8: {  	v31 =	vld [tilespmem:s7+$0xA0]  }
0xa9: {  	v32 =	vld [tilespmem:s7+$0x80]  }
0xaa: {  	v33 =	vld [tilespmem:s14+$0x80]  }
0xab: {  	v34 =	vld [tilespmem:s23+$0x80]  }
0xac: {  	v35 =	vld [tilespmem:s7+$0x90]  }
0xad: {  	v36 =	vld [tilespmem:s14+$0x90]  }
0xae: {  	v37 =	vld [tilespmem:s23+$0x90]  }
0xaf: {  	v38 =	vld [tilespmem:s14+$0xA0]  }
0xb0: {  	v39 =	vld [tilespmem:s23+$0xA0]  }
0xb1: {  	v40 =	vld [tilespmem:s14+$0xB0]  }
0xb2: {  	v41 =	vld [tilespmem:s23+$0xB0]  }
0xb3: {  	v7 =	vadd.f32 v11, v7;
	v9 =	vmul.f32 v13, v9;
	v42 =	vld [tilespmem:s14+$0xC0]  }
0xb4: {  	v43 =	vld [tilespmem:s23+$0xC0]  }
0xb5: {  	v7 =	vadd.f32 v9, v7;
	v8 =	vmul.f32 v15, v8;
	v44 =	vld [tilespmem:s14+$0xD0]  }
0xb6: {  	v45 =	vld [tilespmem:s23+$0xD0]  }
0xb7: {  	v6 =	vadd.f32 v8, v7;
	v7 =	vmul.f32 v16, v17;
	v8 =	vmul.f32 v14, v17;
	v28 =	vld [tilespmem:s14+$0xE0]  }
0xb8: {  	v26 =	vld [tilespmem:s23+$0xE0]  }
0xb9: {  	v25 =	vld [tilespmem:s14+$0xF0];
	v5 =	vadd.f32 v7, v5;
	v6 =	vadd.f32 v8, v6  }
0xba: {  	v24 =	vld [tilespmem:s23+$0xF0];
	v62 =	vadd.f32 v50, v51;
	v60 =	vmul.f32 v60, v47  }
0xbb: {  	v50 =	vld [tilespmem:s2+$0x70];
	v53 =	vadd.f32 v61, v53;
	v7 =	vperm.xlane v5, v1;
	v8 =	vperm.xlane v6, v1  }
0xbc: {  	v51 =	vld [tilespmem:s25+$0xFFFFFF10];
	v33 =	vmul.f32 v33, v32;
	v32 =	vmul.f32 v34, v32  }
0xbd: {  	v61 =	vadd.f32 v63, v53;
	v63 =	vld [tilespmem:s28+$0xFFFFFF10];
	v36 =	vmul.f32 v36, v35;
	v35 =	vmul.f32 v37, v35  }
0xbe: {  	v53 =	vld [tilespmem:s25+$0xFFFFFF00];
	v34 =	vadd.f32 v49, v62;
	v62 =	vmul.f32 v52, v47;
	v38 =	vmul.f32 v38, v31  }
0xbf: {  	v5 =	vadd.f32 v7, v5;
	v31 =	vmul.f32 v39, v31;
	v39 =	vld [tilespmem:s2+$0xFFFFFF10];
	v52 =	vmul.f32 v58, v46  }
0xc0: {  	v6 =	vadd.f32 v8, v6;
	v46 =	vmul.f32 v50, v46;
	v56 =	vmul.f32 v42, v29;
	v42 =	vld [tilespmem:s25+$0xFFFFFF30]  }
0xc1: {  	v54 =	vmul.f32 v40, v30;
	v30 =	vmul.f32 v41, v30;
	v50 =	vld [tilespmem:s25+$0xFFFFFF40];
	v34 =	vadd.f32 v59, v34  }
0xc2: {  	v47 =	vld [tilespmem:s2+$0xFFFFFF60];
	v5 =	vsel vm0, v5, v6;
	v33 =	vadd.f32 v36, v33;
	v32 =	vadd.f32 v35, v32  }
0xc3: {  	v36 =	vadd.f32 v60, v61;
	v61 =	vld [tilespmem:s28+$0xFFFFFF30];
	v6 =	vperm.xlane v5, v2;
	v34 =	vadd.f32 v62, v34  }
0xc4: {  	v49 =	vmul.f32 v55, v53;
	v55 =	vld [tilespmem:s2+$0xFFFFFF40];
	v33 =	vadd.f32 v38, v33;
	v31 =	vadd.f32 v31, v32  }
0xc5: {  	s9 =	sadd.s32 $0x4, s6;
	v29 =	vmul.f32 v43, v29;
	v32 =	vld [tilespmem:s25+$0xFFFFFF20];
	v35 =	vadd.f32 v52, v36;
	v5 =	vadd.f32 v5, v6  }
0xc6: {  	v36 =	vld [tilespmem:s28+$0xFFFFFF20];
	v52 =	vmul.f32 v48, v53;
	v6 =	vmov s9;
	v39 =	vmul.f32 v39, v51  }
0xc7: {  	v62 =	vld [tilespmem:s2+$0xFFFFFF30];
	v6 =	vand.u32 $0xFFFFFFFC, v6;
	v34 =	vadd.f32 v46, v34;
	v7 =	vperm.xlane v5, v3  }
0xc8: {  	v53 =	vld [tilespmem:s28+$0xFFFFFF40];
	v33 =	vadd.f32 v54, v33;
	v30 =	vadd.f32 v30, v31;
	v58 =	vperm.xlane v35, v1  }
0xc9: {  	v46 =	vld [tilespmem:s28+$0xFFFFFF60];
	v6 =	vbroadcast v6, $0x0;
	v59 =	vperm.xlane v34, v1;
	v5 =	vadd.f32 v5, v7  }
0xca: {  	v63 =	vmul.f32 v63, v51;
	v39 =	vadd.f32 v39, v52;
	v52 =	vld [tilespmem:s28+$0xFFFFFF70];
	v33 =	vadd.f32 v56, v33  }
0xcb: {  	v31 =	vadd.f32 v58, v35;
	v56 =	vld [tilespmem:s25+$0xFFFFFF50];
	v34 =	vadd.f32 v59, v34;
	v7 =	vperm.xlane v5, v4  }
0xcc: {  	v60 =	vmul.f32 v44, v27;
	v29 =	vadd.f32 v29, v30;
	v58 =	vld [tilespmem:s28+$0xFFFFFF50]  }
0xcd: {  	v30 =	vadd.f32 v63, v49;
	v63 =	vld [tilespmem:s25+$0xFFFFFF60];
	v31 =	vsel vm0, v31, v34;
	v5 =	vadd.f32 v5, v7  }
0xce: {  	v49 =	vmul.f32 v55, v50;
	v33 =	vadd.f32 v60, v33;
	v60 =	vld [tilespmem:s2+$0xFFFFFF50];
	v54 =	vperm.xlane v31, v2  }
0xcf: {  	v36 =	vmul.f32 v36, v32;
	v34 =	vmul.f32 v53, v50;
	v50 =	vld [tilespmem:s25+$0xFFFFFF70];
	[tilespmem:v6+s31+$0x0] =	vst.idx.msk $0x1, v5  }
0xd0: {  	v32 =	vmul.f32 v57, v32;
	v57 =	vadd.f32 v31, v54;
	v54 =	vld [tilespmem:s2+$0xFFFFFF70];
	[tilespmem:v6+s3+$0x0] =	vst.idx.msk vm1, v5  }
0xd1: {  	v18 =	vld [tilespmem:s7+$0xFFFFFF80]  }
0xd2: {  	v22 =	vld [tilespmem:s14+$0xFFFFFF80]  }
0xd3: {  	v20 =	vld [tilespmem:s23+$0xFFFFFF80]  }
0xd4: {  	v17 =	vld [tilespmem:s7+$0xFFFFFF90]  }
0xd5: {  	v21 =	vld [tilespmem:s14+$0xFFFFFF90]  }
0xd6: {  	v19 =	vld [tilespmem:s23+$0xFFFFFF90]  }
0xd7: {  	v13 =	vld [tilespmem:s7+$0xFFFFFFA0]  }
0xd8: {  	v16 =	vld [tilespmem:s14+$0xFFFFFFA0]  }
0xd9: {  	v15 =	vld [tilespmem:s23+$0xFFFFFFA0]  }
0xda: {  	v11 =	vld [tilespmem:s7+$0xFFFFFFB0]  }
0xdb: {  	s8 =	sadd.s32 $0x0, s16;
	v28 =	vmul.f32 v28, v23;
	v23 =	vmul.f32 v26, v23;
	v14 =	vld [tilespmem:s14+$0xFFFFFFB0]  }
0xdc: {  	s15 =	sadd.s32 $0x6, s8;
	v27 =	vmul.f32 v45, v27;
	v59 =	vmul.f32 v61, v42;
	v30 =	vadd.f32 v36, v30;
	v12 =	vld [tilespmem:s23+$0xFFFFFFB0]  }
0xdd: {  	v35 =	vmul.f32 v62, v42;
	v62 =	vmov s15;
	v7 =	vld [tilespmem:s7+$0xFFFFFFC0];
	v61 =	vperm.xlane v57, v3  }
0xde: {  	v25 =	vmul.f32 v25, v10;
	v45 =	vand.u32 $0xFFFFFFFE, v62;
	v30 =	vadd.f32 v59, v30;
	v9 =	vld [tilespmem:s14+$0xFFFFFFC0]  }
0xdf: {  	v27 =	vadd.f32 v27, v29;
	v36 =	vbroadcast v45, $0x0;
	v8 =	vld [tilespmem:s23+$0xFFFFFFC0];
	v29 =	vadd.f32 v57, v61  }
0xe0: {  	v32 =	vadd.f32 v32, v39;
	v30 =	vadd.f32 v34, v30;
	v31 =	vmul.f32 v58, v56;
	v5 =	vld [tilespmem:s7+$0xFFFFFFD0]  }
0xe1: {  	v28 =	vadd.f32 v28, v33;
	v23 =	vadd.f32 v23, v27;
	v6 =	vld [tilespmem:s14+$0xFFFFFFD0];
	v51 =	vperm.xlane v29, v4  }
0xe2: {  	v10 =	vmul.f32 v24, v10;
	v48 =	vadd.f32 v35, v32;
	v30 =	vadd.f32 v31, v30;
	v31 =	vld [tilespmem:s7+$0xFFFFFFE0]  }
0xe3: {  	v25 =	vadd.f32 v25, v28;
	v38 =	vld [tilespmem:s14+$0xFFFFFFE0];
	v55 =	vadd.f32 v29, v51  }
0xe4: {  	v10 =	vadd.f32 v10, v23;
	v26 =	vadd.f32 v49, v48;
	v53 =	vmul.f32 v60, v56;
	v58 =	vld [tilespmem:s23+$0xFFFFFFE0]  }
0xe5: {  	v56 =	vmul.f32 v46, v63;
	v40 =	vperm.xlane v25, v1;
	v59 =	vld [tilespmem:s7+$0xFFFFFFF0];
	[tilespmem:v36+s31+$0x0] =	vst.idx.msk $0x1, v55  }
0xe6: {  	v26 =	vadd.f32 v53, v26;
	v57 =	vmul.f32 v47, v63;
	v29 =	vld [tilespmem:s23+$0xFFFFFFD0];
	[tilespmem:v36+s3+$0x0] =	vst.idx.msk vm1, v55  }
0xe7: {  	v41 =	vperm.xlane v10, v1;
	v60 =	vmul.f32 v52, v50;
	v62 =	vld [tilespmem:s25+$0xF0]  }
0xe8: {  	v30 =	vadd.f32 v56, v30;
	v61 =	vmul.f32 v54, v50;
	v26 =	vadd.f32 v57, v26;
	v63 =	vld [tilespmem:s25+$0xE0]  }
0xe9: {  	v25 =	vadd.f32 v40, v25;
	v10 =	vadd.f32 v41, v10;
	v42 =	vld [tilespmem:s25+$0xC0]  }
0xea: {  	v30 =	vadd.f32 v60, v30;
	v22 =	vmul.f32 v22, v18;
	v26 =	vadd.f32 v61, v26;
	v45 =	vld [tilespmem:s25+$0x80]  }
0xeb: {  	v18 =	vmul.f32 v20, v18;
	v20 =	vmul.f32 v21, v17;
	v46 =	vld [tilespmem:s28+$0x80]  }
0xec: {  	v10 =	vsel vm0, v25, v10;
	v43 =	vperm.xlane v30, v1;
	v44 =	vperm.xlane v26, v1;
	v47 =	vld [tilespmem:s2+$0x80]  }
0xed: {  	v17 =	vmul.f32 v19, v17;
	v19 =	vperm.xlane v10, v2;
	v20 =	vadd.f32 v20, v22;
	v49 =	vld [tilespmem:s25+$0x90]  }
0xee: {  	v16 =	vmul.f32 v16, v13;
	v30 =	vadd.f32 v43, v30;
	v26 =	vadd.f32 v44, v26;
	v51 =	vld [tilespmem:s28+$0x90]  }
0xef: {  	v13 =	vmul.f32 v15, v13;
	v17 =	vadd.f32 v17, v18;
	v10 =	vadd.f32 v10, v19;
	v15 =	vld [tilespmem:s2+$0x90]  }
0xf0: {  	v14 =	vmul.f32 v14, v11;
	v16 =	vadd.f32 v16, v20;
	v18 =	vld [tilespmem:s25+$0xA0];
	v48 =	vsel vm0, v30, v26  }
0xf1: {  	v13 =	vadd.f32 v13, v17;
	v17 =	vperm.xlane v10, v3;
	v20 =	vld [tilespmem:s28+$0xA0];
	v50 =	vperm.xlane v48, v2  }
0xf2: {  	v11 =	vmul.f32 v12, v11;
	v9 =	vmul.f32 v9, v7;
	v12 =	vadd.f32 v14, v16;
	v14 =	vld [tilespmem:s2+$0xA0]  }
0xf3: {  	v36 =	vld [tilespmem:s25+$0xB0];
	v10 =	vadd.f32 v10, v17;
	v19 =	vadd.f32 v48, v50;
	v52 =	vmul.f32 v46, v45  }
0xf4: {  	s10 =	sadd.s32 $0x4, s8;
	v17 =	vld [tilespmem:s28+$0xB0];
	v11 =	vadd.f32 v11, v13;
	v13 =	vmul.f32 v47, v45;
	v15 =	vmul.f32 v15, v49  }
0xf5: {  	v55 =	vmov s10;
	v54 =	vld [tilespmem:s2+$0xB0];
	v53 =	vmul.f32 v51, v49;
	v16 =	vperm.xlane v19, v3  }
0xf6: {  	v25 =	vand.u32 $0xFFFFFFFC, v55;
	v20 =	vmul.f32 v20, v18;
	v13 =	vadd.f32 v15, v13;
	v15 =	vld [tilespmem:s2+$0xC0]  }
0xf7: {  	v14 =	vmul.f32 v14, v18;
	v22 =	vadd.f32 v53, v52;
	v16 =	vadd.f32 v19, v16;
	v19 =	vld [tilespmem:s28+$0xC0]  }
0xf8: {  	v7 =	vmul.f32 v8, v7;
	v25 =	vbroadcast v25, $0x0;
	v18 =	vld [tilespmem:s25+$0xD0]  }
0xf9: {  	v17 =	vmul.f32 v17, v36;
	v20 =	vadd.f32 v20, v22;
	v8 =	vadd.f32 v14, v13;
	v14 =	vld [tilespmem:s2+$0xD0]  }
0xfa: {  	v6 =	vmul.f32 v6, v5;
	v56 =	vld [tilespmem:s28+$0xD0];
	v13 =	vmul.f32 v54, v36  }
0xfb: {  	v9 =	vadd.f32 v9, v12;
	v12 =	vperm.xlane v16, v4;
	v17 =	vadd.f32 v17, v20;
	v20 =	vld [tilespmem:s28+$0xE0]  }
0xfc: {  	v8 =	vadd.f32 v13, v8;
	v15 =	vmul.f32 v15, v42;
	v13 =	vmul.f32 v19, v42;
	v19 =	vld [tilespmem:s2+$0xE0]  }
0xfd: {  	v57 =	vmul.f32 v29, v5;
	v7 =	vadd.f32 v7, v11;
	v12 =	vadd.f32 v16, v12;
	v16 =	vld [tilespmem:s28+$0xF0]  }
0xfe: {  	v6 =	vadd.f32 v6, v9;
	v8 =	vadd.f32 v15, v8;
	v15 =	vld [tilespmem:s2+$0xF0];
	v14 =	vmul.f32 v14, v18  }
0xff: {  	s11 =	sadd.s32 $0x5, s6;
	[tilespmem:v25+s31+$0x0] =	vst.idx.msk $0x1, v12;
	v13 =	vadd.f32 v13, v17;
	v17 =	vmul.f32 v56, v18;
	v18 =	vld [tilespmem:s14+$0xFFFFFFF0]  }
0x100: {  	v5 =	vmov s11;
	v9 =	vmul.f32 v38, v31;
	[tilespmem:v25+s3+$0x0] =	vst.idx.msk vm1, v12;
	v11 =	vmul.f32 v20, v63;
	v12 =	vld [tilespmem:s23+$0xFFFFFFF0]  }
0x101: {  	v8 =	vadd.f32 v14, v8;
	v20 =	vld [tilespmem:s25+$0xFFFFFF80];
	v13 =	vadd.f32 v17, v13;
	v14 =	vmul.f32 v19, v63  }
0x102: {  	v5 =	vand.u32 $0xFFFFFFFD, v5;
	v6 =	vadd.f32 v9, v6;
	v9 =	vld [tilespmem:s25+$0xFFFFFF90];
	v16 =	vmul.f32 v16, v62  }
0x103: {  	v60 =	vld [tilespmem:s2+$0xFFFFFFA0];
	v11 =	vadd.f32 v11, v13;
	v13 =	vmul.f32 v15, v62;
	v8 =	vadd.f32 v14, v8  }
0x104: {  	v5 =	vbroadcast v5, $0x0;
	v7 =	vadd.f32 v57, v7;
	v17 =	vld [tilespmem:s28+$0xFFFFFF80];
	v14 =	vmul.f32 v58, v31  }
0x105: {  	v19 =	vld [tilespmem:s2+$0xFFFFFF80];
	v15 =	vperm.xlane v10, v4;
	v11 =	vadd.f32 v16, v11;
	v8 =	vadd.f32 v13, v8  }
0x106: {  	v58 =	vld [tilespmem:s28+$0xFFFFFF90];
	v12 =	vmul.f32 v12, v59;
	v7 =	vadd.f32 v14, v7;
	v13 =	vmul.f32 v18, v59  }
0x107: {  	s6 =	sadd.s32 $0x7, s6;
	v10 =	vadd.f32 v10, v15;
	v15 =	vld [tilespmem:s25+$0xFFFFFFA0];
	v16 =	vperm.xlane v11, v1;
	v18 =	vperm.xlane v8, v1  }
0x108: {  	s14 =	sadd.s32 $0x5, s8;
	v14 =	vld [tilespmem:s2+$0xFFFFFF90];
	v59 =	vmov s6;
	v6 =	vadd.f32 v13, v6;
	v7 =	vadd.f32 v12, v7  }
0x109: {  	v12 =	vld [tilespmem:s28+$0xFFFFFFA0];
	v13 =	vmov s14;
	v11 =	vadd.f32 v16, v11;
	v8 =	vadd.f32 v18, v8  }
0x10a: {  	v25 =	vld [tilespmem:s28+$0xFFFFFFB0];
	v16 =	vand.u32 $0xFFFFFFFD, v13;
	v13 =	vperm.xlane v6, v1;
	v61 =	vperm.xlane v7, v1  }
0x10b: {  	v17 =	vmul.f32 v17, v20;
	v21 =	vmul.f32 v58, v9;
	v18 =	vld [tilespmem:s25+$0xFFFFFFB0];
	v8 =	vsel vm0, v11, v8  }
0x10c: {  	v62 =	vld [tilespmem:s2+$0xFFFFFFB0];
	v6 =	vadd.f32 v13, v6;
	v7 =	vadd.f32 v61, v7;
	v11 =	vperm.xlane v8, v2  }
0x10d: {  	v14 =	vmul.f32 v14, v9;
	v17 =	vadd.f32 v21, v17;
	v9 =	vld [tilespmem:s25+$0xFFFFFFC0];
	v13 =	vmul.f32 v19, v20  }
0x10e: {  	v19 =	vld [tilespmem:s28+$0xFFFFFFC0];
	v12 =	vmul.f32 v12, v15;
	v6 =	vsel vm0, v6, v7;
	v20 =	vadd.f32 v8, v11  }
0x10f: {  	v7 =	vadd.f32 v14, v13;
	v13 =	vld [tilespmem:s2+$0xFFFFFFC0];
	v8 =	vmul.f32 v60, v15;
	v15 =	vperm.xlane v6, v2  }
0x110: {  	v14 =	vld [tilespmem:s28+$0xFFFFFFD0];
	v12 =	vadd.f32 v12, v17;
	v17 =	vmul.f32 v25, v18;
	v63 =	vperm.xlane v20, v3  }
0x111: {  	v11 =	vld [tilespmem:s25+$0xFFFFFFD0];
	v18 =	vmul.f32 v62, v18;
	v7 =	vadd.f32 v8, v7;
	v8 =	vadd.f32 v6, v15  }
0x112: {  	s15 =	sadd.s32 $0x7, s8;
	s7 =	simm.s32 $0xF300;
	s23 =	smul.u32 $0xA0, s21;
	[tilespmem:v59+s31+$0x0] =	vst.idx.msk $0x1, v10;
	v6 =	vbroadcast v16, $0x0;
	v16 =	vadd.f32 v17, v12;
	v15 =	vld [tilespmem:s2+$0xFFFFFFD0];
	v12 =	vadd.f32 v20, v63  }
0x113: {  	s6 =	simm.s32 $0x11900;
	s14 =	simm.s32 $0x4;
	[tilespmem:v59+s3+$0x0] =	vst.idx.msk vm1, v10;
	v10 =	vmov s15;
	s15 =	simm.s32 $0x14100;
	v17 =	vadd.f32 v18, v7;
	v18 =	vmul.f32 v19, v9;
	v7 =	vld [tilespmem:s25+$0xFFFFFFE0]  }
.LBB2_5:
0x114: {  	v19 =	vld [tilespmem:s7+$0x70];
	v9 =	vmul.f32 v13, v9;
	v13 =	vperm.xlane v12, v4;
	s8 =	smov.u32 s14  }
0x115: {  	v20 =	vld [tilespmem:s7+$0x60];
	v16 =	vadd.f32 v18, v16;
	v18 =	vperm.xlane v8, v3  }
0x116: {  	v21 =	vld [tilespmem:s7+$0x50];
	v9 =	vadd.f32 v9, v17;
	v14 =	vmul.f32 v14, v11;
	v12 =	vadd.f32 v12, v13  }
0x117: {  	v13 =	vld [tilespmem:s7+$0x40];
	v11 =	vmul.f32 v15, v11;
	v15 =	vadd.f32 v8, v18  }
0x118: {  	v17 =	vld [tilespmem:s7+$0x30];
	v8 =	vadd.f32 v14, v16;
	[tilespmem:v10+s31+$0x0] =	vst.idx.msk $0x1, v12  }
0x119: {  	v14 =	vld [tilespmem:s7+$0x20];
	v9 =	vadd.f32 v11, v9;
	[tilespmem:v10+s3+$0x0] =	vst.idx.msk vm1, v12;
	v10 =	vperm.xlane v15, v4  }
0x11a: {  	s28 =	sadd.s32 $0x200, s28;
	v11 =	vld [tilespmem:s7+$0x0]  }
0x11b: {  	s2 =	sadd.s32 $0x200, s2;
	v12 =	vld [tilespmem:s28+$0x0];
	v10 =	vadd.f32 v15, v10  }
0x11c: {  	v15 =	vld [tilespmem:s2+$0x0]  }
0x11d: {  	v16 =	vld [tilespmem:s7+$0x10];
	[tilespmem:v5+s31+$0x0] =	vst.idx.msk $0x1, v10  }
0x11e: {  	v18 =	vld [tilespmem:s28+$0x10];
	[tilespmem:v5+s3+$0x0] =	vst.idx.msk vm1, v10;
	v5 =	vmov v6  }
0x11f: {  	v6 =	vld [tilespmem:s2+$0x10]  }
0x120: {  	v10 =	vld [tilespmem:s28+$0x20]  }
0x121: {  	v22 =	vld [tilespmem:s2+$0x20]  }
0x122: {  	v23 =	vld [tilespmem:s28+$0x30]  }
0x123: {  	v12 =	vmul.f32 v12, v11;
	v11 =	vmul.f32 v15, v11;
	v15 =	vld [tilespmem:s2+$0x30]  }
0x124: {  	v18 =	vmul.f32 v18, v16;
	v6 =	vmul.f32 v6, v16;
	v16 =	vld [tilespmem:s28+$0x40]  }
0x125: {  	v10 =	vmul.f32 v10, v14;
	v24 =	vld [tilespmem:s2+$0x40]  }
0x126: {  	v12 =	vadd.f32 v18, v12;
	v6 =	vadd.f32 v6, v11;
	v11 =	vmul.f32 v22, v14;
	v14 =	vld [tilespmem:s28+$0x50]  }
0x127: {  	v18 =	vmul.f32 v23, v17;
	v22 =	vld [tilespmem:s2+$0x50]  }
0x128: {  	v10 =	vadd.f32 v10, v12;
	v6 =	vadd.f32 v11, v6;
	v11 =	vmul.f32 v15, v17;
	v12 =	vld [tilespmem:s28+$0x60]  }
0x129: {  	v15 =	vmul.f32 v16, v13;
	v16 =	vld [tilespmem:s2+$0x60]  }
0x12a: {  	v10 =	vadd.f32 v18, v10;
	v6 =	vadd.f32 v11, v6;
	v11 =	vmul.f32 v24, v13;
	v13 =	vld [tilespmem:s28+$0x70]  }
0x12b: {  	v14 =	vmul.f32 v14, v21;
	v17 =	vld [tilespmem:s2+$0x70]  }
0x12c: {  	s14 =	sadd.s32 $0x4, s14;
	v10 =	vadd.f32 v15, v10;
	v18 =	vld [tilespmem:s28+$0xFFFFFF00];
	v6 =	vadd.f32 v11, v6;
	v11 =	vmul.f32 v22, v21  }
0x12d: {  	p0 =	slt.u32 s14, $0x4C;
	v15 =	vld [tilespmem:s2+$0xFFFFFF00];
	v12 =	vmul.f32 v12, v20  }
0x12e: {  	v10 =	vadd.f32 v14, v10;
	v21 =	vld [tilespmem:s7+$0xFFFFFF10];
	v6 =	vadd.f32 v11, v6;
	v11 =	vmul.f32 v16, v20  }
0x12f: {  	v14 =	vld [tilespmem:s28+$0xFFFFFF10];
	v13 =	vmul.f32 v13, v19  }
0x130: {  	v10 =	vadd.f32 v12, v10;
	v16 =	vld [tilespmem:s2+$0xFFFFFF10];
	v6 =	vadd.f32 v11, v6;
	v11 =	vmul.f32 v17, v19  }
0x131: {  	v12 =	vld [tilespmem:s7+$0xFFFFFF00]  }
0x132: {  	v10 =	vadd.f32 v13, v10;
	v17 =	vld [tilespmem:s7+$0xFFFFFF20];
	v6 =	vadd.f32 v11, v6  }
0x133: {  	v11 =	vld [tilespmem:s28+$0xFFFFFF20]  }
0x134: {  	v19 =	vperm.xlane v10, v1;
	v13 =	vld [tilespmem:s2+$0xFFFFFF20];
	v20 =	vperm.xlane v6, v1  }
0x135: {  	v14 =	vmul.f32 v14, v21;
	v16 =	vmul.f32 v16, v21;
	v21 =	vld [tilespmem:s7+$0xFFFFFF30]  }
0x136: {  	v10 =	vadd.f32 v19, v10;
	v18 =	vmul.f32 v18, v12;
	v22 =	vld [tilespmem:s28+$0xFFFFFF30];
	v6 =	vadd.f32 v20, v6  }
0x137: {  	v12 =	vmul.f32 v15, v12;
	v15 =	vld [tilespmem:s2+$0xFFFFFF30]  }
0x138: {  	v14 =	vadd.f32 v14, v18;
	v11 =	vmul.f32 v11, v17;
	v18 =	vld [tilespmem:s7+$0xFFFFFF40];
	v6 =	vsel vm0, v10, v6  }
0x139: {  	v10 =	vadd.f32 v16, v12;
	v12 =	vmul.f32 v13, v17;
	v13 =	vld [tilespmem:s28+$0xFFFFFF40];
	v16 =	vperm.xlane v6, v2  }
0x13a: {  	v11 =	vadd.f32 v11, v14;
	v14 =	vld [tilespmem:s2+$0xFFFFFF40]  }
0x13b: {  	s8 =	sadd.s32 s8, s16;
	v10 =	vadd.f32 v12, v10;
	v12 =	vmul.f32 v22, v21;
	v17 =	vld [tilespmem:s7+$0xFFFFFF50];
	v6 =	vadd.f32 v6, v16  }
0x13c: {  	s9 =	sadd.s32 $0x4, s8;
	s10 =	sadd.s32 $0x5, s8;
	s11 =	sadd.s32 $0x6, s8;
	v15 =	vmul.f32 v15, v21;
	v16 =	vld [tilespmem:s28+$0xFFFFFF50]  }
0x13d: {  	v20 =	vmov s11;
	v11 =	vadd.f32 v12, v11;
	v12 =	vld [tilespmem:s2+$0xFFFFFF50];
	v19 =	vperm.xlane v6, v3  }
0x13e: {  	v20 =	vand.u32 $0xFFFFFFFE, v20;
	v10 =	vadd.f32 v15, v10;
	v13 =	vmul.f32 v13, v18;
	v15 =	vld [tilespmem:s7+$0xFFFFFF60]  }
0x13f: {  	v14 =	vmul.f32 v14, v18;
	v18 =	vld [tilespmem:s28+$0xFFFFFF60];
	v6 =	vadd.f32 v6, v19;
	v19 =	vbroadcast v20, $0x0  }
0x140: {  	v21 =	vmov s10;
	v20 =	vmov s9;
	v11 =	vadd.f32 v13, v11;
	v13 =	vld [tilespmem:s2+$0xFFFFFF60]  }
0x141: {  	v10 =	vadd.f32 v14, v10;
	v14 =	vmul.f32 v16, v17;
	v16 =	vld [tilespmem:s7+$0xFFFFFF70];
	v22 =	vperm.xlane v6, v4  }
0x142: {  	v21 =	vand.u32 $0xFFFFFFFD, v21;
	v20 =	vand.u32 $0xFFFFFFFC, v20;
	v12 =	vmul.f32 v12, v17;
	v17 =	vld [tilespmem:s28+$0xFFFFFF70]  }
0x143: {  	v20 =	vbroadcast v20, $0x0;
	v11 =	vadd.f32 v14, v11;
	v14 =	vld [tilespmem:s2+$0xFFFFFF70];
	v22 =	vadd.f32 v6, v22  }
0x144: {  	v6 =	vbroadcast v21, $0x0;
	v10 =	vadd.f32 v12, v10;
	v12 =	vmul.f32 v18, v15;
	v18 =	vld [tilespmem:s6+$0xFFFFFFE0]  }
0x145: {  	v13 =	vmul.f32 v13, v15;
	[tilespmem:v19+s31+$0x0] =	vst.idx.msk $0x1, v22;
	v15 =	vld [tilespmem:s15+$0xFFFFFFE0]  }
0x146: {  	v11 =	vadd.f32 v12, v11;
	[tilespmem:v19+s3+$0x0] =	vst.idx.msk vm1, v22;
	v12 =	vld [tilespmem:s25+$0xFFFFFFF0];
	s25 =	smov.u32 s7  }
0x147: {  	v10 =	vadd.f32 v13, v10;
	v13 =	vmul.f32 v17, v16;
	v17 =	vld [tilespmem:s7+$0xF0]  }
0x148: {  	v14 =	vmul.f32 v14, v16;
	v16 =	vld [tilespmem:s7+$0xE0]  }
0x149: {  	v11 =	vadd.f32 v13, v11;
	v13 =	vld [tilespmem:s7+$0xD0];
	v18 =	vmul.f32 v18, v7  }
0x14a: {  	v10 =	vadd.f32 v14, v10;
	v14 =	vld [tilespmem:s7+$0xC0];
	v7 =	vmul.f32 v15, v7  }
0x14b: {  	v15 =	vperm.xlane v11, v1;
	v19 =	vld [tilespmem:s7+$0xB0];
	v8 =	vadd.f32 v18, v8  }
0x14c: {  	v18 =	vperm.xlane v10, v1;
	v21 =	vld [tilespmem:s7+$0xA0];
	v7 =	vadd.f32 v7, v9  }
0x14d: {  	v9 =	vadd.f32 v15, v11;
	v11 =	vld [tilespmem:s7+$0x80]  }
0x14e: {  	v10 =	vadd.f32 v18, v10;
	v15 =	vld [tilespmem:s28+$0x80]  }
0x14f: {  	v18 =	vld [tilespmem:s2+$0x80]  }
0x150: {  	v9 =	vsel vm0, v9, v10;
	v10 =	vld [tilespmem:s7+$0x90]  }
0x151: {  	v22 =	vperm.xlane v9, v2;
	v23 =	vld [tilespmem:s28+$0x90]  }
0x152: {  	v24 =	vld [tilespmem:s2+$0x90]  }
0x153: {  	v9 =	vadd.f32 v9, v22;
	v22 =	vld [tilespmem:s28+$0xA0]  }
0x154: {  	v25 =	vld [tilespmem:s2+$0xA0]  }
0x155: {  	v26 =	vperm.xlane v9, v3;
	v27 =	vld [tilespmem:s28+$0xB0]  }
0x156: {  	v15 =	vmul.f32 v15, v11;
	v11 =	vmul.f32 v18, v11;
	v18 =	vld [tilespmem:s2+$0xB0]  }
0x157: {  	v23 =	vmul.f32 v23, v10;
	v9 =	vadd.f32 v9, v26;
	v10 =	vmul.f32 v24, v10;
	v24 =	vld [tilespmem:s28+$0xC0]  }
0x158: {  	v22 =	vmul.f32 v22, v21;
	v26 =	vld [tilespmem:s2+$0xC0]  }
0x159: {  	v15 =	vadd.f32 v23, v15;
	v10 =	vadd.f32 v10, v11;
	v11 =	vmul.f32 v25, v21;
	v21 =	vld [tilespmem:s28+$0xD0]  }
0x15a: {  	v23 =	vperm.xlane v9, v4;
	v25 =	vmul.f32 v27, v19;
	v27 =	vld [tilespmem:s2+$0xD0]  }
0x15b: {  	v15 =	vadd.f32 v22, v15;
	v10 =	vadd.f32 v11, v10;
	v11 =	vmul.f32 v18, v19;
	v18 =	vld [tilespmem:s28+$0xE0]  }
0x15c: {  	v9 =	vadd.f32 v9, v23;
	v19 =	vmul.f32 v24, v14;
	v22 =	vld [tilespmem:s2+$0xE0]  }
0x15d: {  	v15 =	vadd.f32 v25, v15;
	v10 =	vadd.f32 v11, v10;
	v11 =	vmul.f32 v26, v14;
	v14 =	vld [tilespmem:s28+$0xF0]  }
0x15e: {  	[tilespmem:v20+s31+$0x0] =	vst.idx.msk $0x1, v9;
	v21 =	vmul.f32 v21, v13;
	v23 =	vld [tilespmem:s2+$0xF0]  }
0x15f: {  	v15 =	vadd.f32 v19, v15;
	v10 =	vadd.f32 v11, v10;
	v11 =	vmul.f32 v27, v13;
	v13 =	vld [tilespmem:s6+$0xFFFFFFF0];
	s6 =	smov.u32 s28  }
0x160: {  	[tilespmem:v20+s3+$0x0] =	vst.idx.msk vm1, v9;
	v9 =	vmul.f32 v18, v16;
	v18 =	vld [tilespmem:s15+$0xFFFFFFF0];
	s15 =	smov.u32 s2  }
0x161: {  	v15 =	vadd.f32 v21, v15;
	v19 =	vld [tilespmem:s7+$0xFFFFFF80];
	v10 =	vadd.f32 v11, v10;
	v11 =	vmul.f32 v22, v16  }
0x162: {  	v16 =	vld [tilespmem:s28+$0xFFFFFF80];
	v14 =	vmul.f32 v14, v17  }
0x163: {  	v9 =	vadd.f32 v9, v15;
	v20 =	vld [tilespmem:s2+$0xFFFFFF80];
	v10 =	vadd.f32 v11, v10;
	v11 =	vmul.f32 v23, v17  }
0x164: {  	v15 =	vld [tilespmem:s7+$0xFFFFFF90];
	v13 =	vmul.f32 v13, v12  }
0x165: {  	v9 =	vadd.f32 v14, v9;
	v17 =	vld [tilespmem:s28+$0xFFFFFF90];
	v10 =	vadd.f32 v11, v10;
	v11 =	vmul.f32 v18, v12  }
0x166: {  	v12 =	vld [tilespmem:s2+$0xFFFFFF90];
	v8 =	vadd.f32 v13, v8  }
0x167: {  	v14 =	vperm.xlane v9, v1;
	v13 =	vld [tilespmem:s7+$0xFFFFFFA0];
	v18 =	vperm.xlane v10, v1;
	v7 =	vadd.f32 v11, v7  }
0x168: {  	v11 =	vmul.f32 v16, v19;
	v16 =	vmul.f32 v20, v19;
	v19 =	vld [tilespmem:s28+$0xFFFFFFA0]  }
0x169: {  	v9 =	vadd.f32 v14, v9;
	v14 =	vperm.xlane v8, v1;
	v20 =	vld [tilespmem:s2+$0xFFFFFFA0];
	v10 =	vadd.f32 v18, v10  }
0x16a: {  	v21 =	vperm.xlane v7, v1;
	v17 =	vmul.f32 v17, v15;
	v18 =	vld [tilespmem:s7+$0xFFFFFFB0]  }
0x16b: {  	v8 =	vadd.f32 v14, v8;
	v12 =	vmul.f32 v12, v15;
	v15 =	vld [tilespmem:s28+$0xFFFFFFB0];
	v10 =	vsel vm0, v9, v10  }
0x16c: {  	v7 =	vadd.f32 v21, v7;
	v11 =	vadd.f32 v17, v11;
	v14 =	vld [tilespmem:s2+$0xFFFFFFB0];
	v17 =	vperm.xlane v10, v2  }
0x16d: {  	v12 =	vadd.f32 v12, v16;
	v16 =	vmul.f32 v19, v13;
	v9 =	vld [tilespmem:s7+$0xFFFFFFC0]  }
0x16e: {  	v7 =	vsel vm0, v8, v7;
	v19 =	vmul.f32 v20, v13;
	v20 =	vld [tilespmem:s28+$0xFFFFFFC0];
	v10 =	vadd.f32 v10, v17  }
.Ltmp1:
0x16f: {  	v8 =	vperm.xlane v7, v2;
	v16 =	vadd.f32 v16, v11;
	v13 =	vld [tilespmem:s2+$0xFFFFFFC0];
	(pc) =	sbr.rel @p0 .LBB2_5-.Ltmp1, $4  }
0x170: {  	v17 =	vadd.f32 v19, v12;
	v12 =	vmul.f32 v15, v18;
	v11 =	vld [tilespmem:s7+$0xFFFFFFD0];
	v19 =	vperm.xlane v10, v3  }
0x171: {  	v8 =	vadd.f32 v7, v8;
	v18 =	vmul.f32 v14, v18;
	v14 =	vld [tilespmem:s28+$0xFFFFFFD0]  }
0x172: {  	s8 =	sadd.s32 $0x7, s8;
	v16 =	vadd.f32 v12, v16;
	v15 =	vld [tilespmem:s2+$0xFFFFFFD0];
	v12 =	vadd.f32 v10, v19  }
0x173: {  	s7 =	sadd.s32 $0x200, s7;
	v10 =	vmov s8;
	v17 =	vadd.f32 v18, v17;
	v18 =	vmul.f32 v20, v9;
	v7 =	vld [tilespmem:s25+$0xFFFFFFE0]  }
0x174: {  	v19 =	vld [tilespmem:s6+$0xFFFFFFE0]  }
0x175: {  	v20 =	vld [tilespmem:s15+$0xFFFFFFE0]  }
0x176: {  	v21 =	vld [tilespmem:s25+$0xFFFFFFF0]  }
0x177: {  	v9 =	vmul.f32 v13, v9;
	v13 =	vld [tilespmem:s6+$0xFFFFFFF0]  }
0x178: {  	v16 =	vadd.f32 v18, v16;
	v18 =	vld [tilespmem:s15+$0xFFFFFFF0];
	v14 =	vmul.f32 v14, v11  }
0x179: {  	v9 =	vadd.f32 v9, v17;
	v11 =	vmul.f32 v15, v11  }
0x17a: {  	v14 =	vadd.f32 v14, v16;
	v15 =	vmul.f32 v19, v7  }
0x17b: {  	v9 =	vadd.f32 v11, v9;
	v7 =	vmul.f32 v20, v7  }
0x17c: {  	v11 =	vadd.f32 v15, v14  }
0x17d: {  	v7 =	vadd.f32 v7, v9;
	v9 =	vmul.f32 v13, v21;
	v13 =	vmul.f32 v18, v21;
	_ =	sdelay $0x1  }
0x17e: {  	v9 =	vadd.f32 v9, v11;
	v7 =	vadd.f32 v13, v7;
	_ =	sdelay $0x1  }
0x17f: {  	v11 =	vperm.xlane v9, v1;
	v13 =	vperm.xlane v7, v1;
	_ =	sdelay $0x1  }
0x180: {  	v9 =	vadd.f32 v11, v9;
	v7 =	vadd.f32 v13, v7;
	_ =	sdelay $0x1  }
0x181: {  	v7 =	vsel vm0, v9, v7  }
0x182: {  	v9 =	vperm.xlane v7, v2;
	_ =	sdelay $0x1  }
0x183: {  	v11 =	vperm.xlane v8, v3;
	v7 =	vadd.f32 v7, v9;
	_ =	sdelay $0x1  }
0x184: {  	v8 =	vadd.f32 v8, v11;
	v9 =	vperm.xlane v12, v4;
	v11 =	vperm.xlane v7, v3;
	_ =	sdelay $0x1  }
0x185: {  	v9 =	vadd.f32 v12, v9;
	v12 =	vperm.xlane v8, v4;
	v7 =	vadd.f32 v7, v11;
	_ =	sdelay $0x1  }
0x186: {  	[tilespmem:v10+s31+$0x0] =	vst.idx.msk $0x1, v9;
	v8 =	vadd.f32 v8, v12;
	v11 =	vperm.xlane v7, v4  }
0x187: {  	[tilespmem:v10+s3+$0x0] =	vst.idx.msk vm1, v9  }
0x188: {  	[tilespmem:v5+s31+$0x0] =	vst.idx.msk $0x1, v8;
	v7 =	vadd.f32 v7, v11  }
0x189: {  	[tilespmem:v5+s3+$0x0] =	vst.idx.msk vm1, v8  }
0x18a: {  	[tilespmem:v6+s31+$0x0] =	vst.idx.msk $0x1, v7  }
0x18b: {  	s2 =	sadd.s32 $0x1A0, s23;
	[tilespmem:v6+s3+$0x0] =	vst.idx.msk vm1, v7  }
0x18c: {  	[tilespmem:s19], [sflag:$0x2] =	stream.indirect.gather [hbm4b:s1+s18], $0x80, s2, s18, $0xb8;
	[tilespmem:$0x1DE00] =	vst v63  }
0x18d: {  	s6 =	sadd.s32 $0x2920, s23  }
0x18e: {  	[tilespmem:s20], [sflag:$0x2] =	stream.indirect.gather [hbm4b:s1+s18], $0x80, s6, s18, $0xb8;
	[tilespmem:$0x1DE00] =	vst v63  }
0x18f: {  	s7 =	sadd.s32 $0x50A0, s23  }
0x190: {  	[tilespmem:s26], [sflag:$0x2] =	stream.indirect.gather [hbm4b:s1+s18], $0x80, s7, s18, $0xb8;
	[tilespmem:$0x1DE00] =	vst v63  }
0x191: {  	_ =	swait.ge [sflag:s0], $0x2800  }
0x192: {  	[sflag:s0] =	ssyncset.done $0x0  }
0x193: {  	[sflag:s0] =	ssyncadd.s32 $0xFFFFD800  }
0x194: {  	_ =	swait.ge [sflag:s0], $0x2800  }
0x195: {  	[sflag:s0] =	ssyncset.done $0x0  }
0x196: {  	[sflag:s0] =	ssyncadd.s32 $0xFFFFD800  }
0x197: {  	_ =	swait.ge [sflag:s0], $0x2800  }
0x198: {  	[sflag:s0] =	ssyncset.done $0x0  }
0x199: {  	s7 =	simm.s32 $0x16700;
	[sflag:s0] =	ssyncadd.s32 $0xFFFFD800  }
0x19a: {  	v5 =	vld [tilespmem:s7+$0x70]  }
0x19b: {  	v6 =	vld [tilespmem:s7+$0x60]  }
0x19c: {  	v7 =	vld [tilespmem:s7+$0x50]  }
0x19d: {  	v8 =	vld [tilespmem:s7+$0x40]  }
0x19e: {  	v9 =	vld [tilespmem:s7+$0x30]  }
0x19f: {  	v10 =	vld [tilespmem:s7+$0x20]  }
0x1a0: {  	s15 =	simm.s32 $0x18F00;
	v11 =	vld [tilespmem:s7+$0x0]  }
0x1a1: {  	s14 =	simm.s32 $0x1B700;
	v12 =	vld [tilespmem:s15+$0x0]  }
0x1a2: {  	v13 =	vld [tilespmem:s14+$0x0]  }
0x1a3: {  	v14 =	vld [tilespmem:s7+$0x10]  }
0x1a4: {  	v15 =	vld [tilespmem:s15+$0x10]  }
0x1a5: {  	v16 =	vld [tilespmem:s14+$0x10]  }
0x1a6: {  	v17 =	vld [tilespmem:s15+$0x20]  }
0x1a7: {  	v18 =	vld [tilespmem:s14+$0x20]  }
0x1a8: {  	v19 =	vld [tilespmem:s15+$0x30]  }
0x1a9: {  	v20 =	vld [tilespmem:s14+$0x40]  }
0x1aa: {  	s25 =	simm.s32 $0x16900;
	v62 =	vld [tilespmem:s14+$0xFFFFFF40]  }
0x1ab: {  	v46 =	vld [tilespmem:s25+$0x70]  }
0x1ac: {  	v47 =	vld [tilespmem:s25+$0x60]  }
0x1ad: {  	v48 =	vld [tilespmem:s25+$0x50]  }
0x1ae: {  	v49 =	vld [tilespmem:s25+$0x40]  }
0x1af: {  	v50 =	vld [tilespmem:s25+$0x30]  }
0x1b0: {  	v51 =	vld [tilespmem:s25+$0x20]  }
0x1b1: {  	s28 =	simm.s32 $0x19100;
	v52 =	vld [tilespmem:s25+$0x0]  }
0x1b2: {  	s2 =	simm.s32 $0x1B900;
	v53 =	vld [tilespmem:s28+$0x0]  }
0x1b3: {  	v54 =	vld [tilespmem:s2+$0x0]  }
0x1b4: {  	v55 =	vld [tilespmem:s25+$0x10]  }
0x1b5: {  	v56 =	vld [tilespmem:s28+$0x10]  }
0x1b6: {  	v57 =	vld [tilespmem:s2+$0x10]  }
0x1b7: {  	v58 =	vld [tilespmem:s28+$0x20]  }
0x1b8: {  	v59 =	vld [tilespmem:s2+$0x20]  }
0x1b9: {  	v60 =	vld [tilespmem:s28+$0x30]  }
0x1ba: {  	v61 =	vld [tilespmem:s2+$0x30]  }
0x1bb: {  	v12 =	vmul.f32 v12, v11;
	v11 =	vmul.f32 v13, v11;
	v13 =	vld [tilespmem:s14+$0x30]  }
0x1bc: {  	v15 =	vmul.f32 v15, v14;
	v14 =	vmul.f32 v16, v14;
	v16 =	vld [tilespmem:s15+$0x40]  }
0x1bd: {  	v17 =	vmul.f32 v17, v10;
	v10 =	vmul.f32 v18, v10;
	v18 =	vld [tilespmem:s14+$0x50]  }
0x1be: {  	v56 =	vmul.f32 v56, v55;
	v63 =	vmul.f32 v57, v55;
	v55 =	vld [tilespmem:s2+$0x40]  }
0x1bf: {  	v53 =	vmul.f32 v53, v52;
	v52 =	vmul.f32 v54, v52;
	v54 =	vld [tilespmem:s2+$0x50]  }
0x1c0: {  	v57 =	vmul.f32 v58, v51;
	v58 =	vld [tilespmem:s28+$0x70]  }
0x1c1: {  	v11 =	vadd.f32 v14, v11;
	v14 =	vld [tilespmem:s15+$0x50]  }
0x1c2: {  	v12 =	vadd.f32 v15, v12;
	v15 =	vmul.f32 v19, v9;
	v19 =	vld [tilespmem:s15+$0xFFFFFF30]  }
0x1c3: {  	v53 =	vadd.f32 v56, v53;
	v56 =	vld [tilespmem:s28+$0x50]  }
0x1c4: {  	v52 =	vadd.f32 v63, v52;
	v63 =	vmul.f32 v60, v50;
	v60 =	vld [tilespmem:s28+$0x60]  }
0x1c5: {  	v51 =	vmul.f32 v59, v51;
	v10 =	vadd.f32 v10, v11;
	v11 =	vld [tilespmem:s15+$0x60]  }
0x1c6: {  	v12 =	vadd.f32 v17, v12;
	v17 =	vld [tilespmem:s15+$0xFFFFFF00]  }
0x1c7: {  	v51 =	vadd.f32 v51, v52;
	v52 =	vld [tilespmem:s2+$0x60]  }
0x1c8: {  	v53 =	vadd.f32 v57, v53;
	v57 =	vld [tilespmem:s2+$0xFFFFFF20]  }
0x1c9: {  	v9 =	vmul.f32 v13, v9;
	v13 =	vmul.f32 v16, v8;
	v16 =	vld [tilespmem:s14+$0x60]  }
0x1ca: {  	v12 =	vadd.f32 v15, v12;
	v15 =	vld [tilespmem:s14+$0x70]  }
0x1cb: {  	v8 =	vmul.f32 v20, v8;
	v59 =	vmul.f32 v54, v48;
	v9 =	vadd.f32 v9, v10;
	v10 =	vld [tilespmem:s15+$0x70]  }
0x1cc: {  	v14 =	vmul.f32 v14, v7;
	v7 =	vmul.f32 v18, v7;
	v18 =	vld [tilespmem:s7+$0xFFFFFF30];
	v12 =	vadd.f32 v13, v12  }
0x1cd: {  	v53 =	vadd.f32 v63, v53;
	v63 =	vmul.f32 v56, v48;
	v48 =	vld [tilespmem:s2+$0xFFFFFF00];
	v8 =	vadd.f32 v8, v9  }
0x1ce: {  	v13 =	vld [tilespmem:s7+$0xFFFFFF10];
	v11 =	vmul.f32 v11, v6;
	v12 =	vadd.f32 v14, v12  }
0x1cf: {  	v9 =	vld [tilespmem:s14+$0xFFFFFF00];
	v6 =	vmul.f32 v16, v6;
	v7 =	vadd.f32 v7, v8  }
0x1d0: {  	v14 =	vld [tilespmem:s14+$0xFFFFFF10];
	v10 =	vmul.f32 v10, v5;
	v11 =	vadd.f32 v11, v12  }
0x1d1: {  	v8 =	vld [tilespmem:s15+$0xFFFFFF10];
	v5 =	vmul.f32 v15, v5;
	v6 =	vadd.f32 v6, v7  }
0x1d2: {  	v7 =	vld [tilespmem:s7+$0xFFFFFF00];
	v10 =	vadd.f32 v10, v11  }
0x1d3: {  	v12 =	vld [tilespmem:s7+$0xFFFFFF20];
	v5 =	vadd.f32 v5, v6  }
0x1d4: {  	v11 =	vld [tilespmem:s14+$0xFFFFFF20];
	v15 =	vperm.xlane v10, v1  }
0x1d5: {  	v6 =	vld [tilespmem:s15+$0xFFFFFF20];
	v16 =	vperm.xlane v5, v1  }
0x1d6: {  	v8 =	vmul.f32 v8, v13;
	v13 =	vmul.f32 v14, v13;
	v10 =	vadd.f32 v15, v10;
	v15 =	vld [tilespmem:s14+$0xFFFFFF30]  }
0x1d7: {  	v14 =	vld [tilespmem:s15+$0xFFFFFF50];
	v17 =	vmul.f32 v17, v7;
	v7 =	vmul.f32 v9, v7;
	v5 =	vadd.f32 v16, v5  }
0x1d8: {  	v16 =	vld [tilespmem:s7+$0xFFFFFF40]  }
0x1d9: {  	v9 =	vld [tilespmem:s7+$0xFFFFFF50];
	v11 =	vmul.f32 v11, v12;
	v7 =	vadd.f32 v13, v7;
	v5 =	vsel vm0, v10, v5  }
0x1da: {  	v8 =	vadd.f32 v8, v17;
	v6 =	vmul.f32 v6, v12;
	v10 =	vld [tilespmem:s15+$0xFFFFFF40];
	v20 =	vperm.xlane v5, v2  }
0x1db: {  	v13 =	vld [tilespmem:s14+$0xFFFFFF50];
	v7 =	vadd.f32 v11, v7;
	v11 =	vmul.f32 v15, v18  }
0x1dc: {  	s6 =	sadd.s32 $0xFFFFFFFC, s16;
	v6 =	vadd.f32 v6, v8;
	v8 =	vld [tilespmem:s7+$0xFFFFFF60];
	v5 =	vadd.f32 v5, v20  }
0x1dd: {  	s8 =	sadd.s32 $0x56, s6;
	v19 =	vmul.f32 v19, v18;
	v7 =	vadd.f32 v11, v7;
	v11 =	vmul.f32 v62, v16;
	v62 =	vld [tilespmem:s28+$0x40]  }
0x1de: {  	v15 =	vld [tilespmem:s14+$0xFFFFFF60];
	v20 =	vmov s8;
	v17 =	vperm.xlane v5, v3  }
0x1df: {  	v6 =	vadd.f32 v19, v6;
	v12 =	vand.u32 $0xFFFFFFFE, v20;
	v20 =	vld [tilespmem:s15+$0xFFFFFF60];
	v10 =	vmul.f32 v10, v16  }
0x1e0: {  	v12 =	vbroadcast v12, $0x0;
	v16 =	vld [tilespmem:s15+$0xFFFFFF70];
	v5 =	vadd.f32 v5, v17  }
0x1e1: {  	v50 =	vmul.f32 v61, v50;
	v17 =	vld [tilespmem:s7+$0xFFFFFF70];
	v6 =	vadd.f32 v10, v6;
	v10 =	vmul.f32 v14, v9  }
0x1e2: {  	v14 =	vld [tilespmem:s14+$0xFFFFFF70];
	v18 =	vperm.xlane v5, v4;
	v61 =	vmul.f32 v62, v49  }
0x1e3: {  	v62 =	vadd.f32 v50, v51;
	v50 =	vld [tilespmem:s2+$0x70]  }
0x1e4: {  	v49 =	vmul.f32 v55, v49;
	v55 =	vld [tilespmem:s28+$0xFFFFFF00];
	v5 =	vadd.f32 v5, v18;
	v53 =	vadd.f32 v61, v53  }
0x1e5: {  	v6 =	vadd.f32 v10, v6;
	v51 =	vld [tilespmem:s25+$0xFFFFFF10]  }
0x1e6: {  	v10 =	vmul.f32 v20, v8;
	[tilespmem:v12+s31+$0x0] =	vst.idx.msk $0x1, v5;
	v61 =	vadd.f32 v63, v53;
	v63 =	vld [tilespmem:s28+$0xFFFFFF10]  }
0x1e7: {  	v53 =	vld [tilespmem:s25+$0xFFFFFF00];
	[tilespmem:v12+s3+$0x0] =	vst.idx.msk vm1, v5  }
0x1e8: {  	v5 =	vadd.f32 v10, v6;
	v10 =	vld [tilespmem:s7+$0xF0]  }
0x1e9: {  	v23 =	vld [tilespmem:s7+$0xE0]  }
0x1ea: {  	v27 =	vld [tilespmem:s7+$0xD0]  }
0x1eb: {  	v29 =	vld [tilespmem:s7+$0xC0]  }
0x1ec: {  	v30 =	vld [tilespmem:s7+$0xB0]  }
0x1ed: {  	v31 =	vld [tilespmem:s7+$0xA0]  }
0x1ee: {  	v32 =	vld [tilespmem:s7+$0x80]  }
0x1ef: {  	v33 =	vld [tilespmem:s15+$0x80]  }
0x1f0: {  	v34 =	vld [tilespmem:s14+$0x80]  }
0x1f1: {  	v35 =	vld [tilespmem:s7+$0x90]  }
0x1f2: {  	v36 =	vld [tilespmem:s15+$0x90]  }
0x1f3: {  	v37 =	vld [tilespmem:s14+$0x90]  }
0x1f4: {  	v7 =	vadd.f32 v11, v7;
	v9 =	vmul.f32 v13, v9;
	v38 =	vld [tilespmem:s15+$0xA0]  }
0x1f5: {  	v39 =	vld [tilespmem:s14+$0xA0]  }
0x1f6: {  	v7 =	vadd.f32 v9, v7;
	v8 =	vmul.f32 v15, v8;
	v40 =	vld [tilespmem:s15+$0xB0]  }
0x1f7: {  	v41 =	vld [tilespmem:s14+$0xB0]  }
0x1f8: {  	v6 =	vadd.f32 v8, v7;
	v7 =	vmul.f32 v16, v17;
	v8 =	vmul.f32 v14, v17;
	v42 =	vld [tilespmem:s15+$0xC0]  }
0x1f9: {  	v43 =	vld [tilespmem:s14+$0xC0]  }
0x1fa: {  	v44 =	vld [tilespmem:s15+$0xD0];
	v5 =	vadd.f32 v7, v5;
	v6 =	vadd.f32 v8, v6  }
0x1fb: {  	v60 =	vmul.f32 v60, v47;
	v45 =	vld [tilespmem:s14+$0xD0]  }
0x1fc: {  	v28 =	vld [tilespmem:s15+$0xE0];
	v7 =	vperm.xlane v5, v1;
	v8 =	vperm.xlane v6, v1  }
0x1fd: {  	v26 =	vld [tilespmem:s14+$0xE0];
	v63 =	vmul.f32 v63, v51;
	v33 =	vmul.f32 v33, v32  }
0x1fe: {  	v25 =	vld [tilespmem:s15+$0xF0];
	v32 =	vmul.f32 v34, v32;
	v36 =	vmul.f32 v36, v35  }
0x1ff: {  	v24 =	vld [tilespmem:s14+$0xF0];
	v35 =	vmul.f32 v37, v35;
	v34 =	vadd.f32 v49, v62;
	v62 =	vmul.f32 v52, v47  }
0x200: {  	v5 =	vadd.f32 v7, v5;
	v38 =	vmul.f32 v38, v31;
	v31 =	vmul.f32 v39, v31;
	v39 =	vld [tilespmem:s2+$0xFFFFFF10]  }
0x201: {  	v6 =	vadd.f32 v8, v6;
	v52 =	vmul.f32 v58, v46;
	v56 =	vmul.f32 v42, v29;
	v42 =	vld [tilespmem:s25+$0xFFFFFF30]  }
0x202: {  	v46 =	vmul.f32 v50, v46;
	v49 =	vmul.f32 v55, v53;
	v50 =	vld [tilespmem:s25+$0xFFFFFF40];
	v34 =	vadd.f32 v59, v34  }
0x203: {  	v55 =	vld [tilespmem:s2+$0xFFFFFF40];
	v5 =	vsel vm0, v5, v6;
	v33 =	vadd.f32 v36, v33;
	v32 =	vadd.f32 v35, v32  }
0x204: {  	v47 =	vld [tilespmem:s2+$0xFFFFFF60];
	v36 =	vadd.f32 v60, v61;
	v6 =	vperm.xlane v5, v2;
	v34 =	vadd.f32 v62, v34  }
0x205: {  	v54 =	vmul.f32 v40, v30;
	v61 =	vld [tilespmem:s28+$0xFFFFFF30];
	v33 =	vadd.f32 v38, v33;
	v31 =	vadd.f32 v31, v32  }
0x206: {  	s9 =	sadd.s32 $0x54, s6;
	v30 =	vmul.f32 v41, v30;
	v32 =	vld [tilespmem:s25+$0xFFFFFF20];
	v35 =	vadd.f32 v52, v36;
	v5 =	vadd.f32 v5, v6  }
0x207: {  	v36 =	vld [tilespmem:s28+$0xFFFFFF20];
	v52 =	vmul.f32 v48, v53;
	v6 =	vmov s9;
	v39 =	vmul.f32 v39, v51  }
0x208: {  	v62 =	vld [tilespmem:s2+$0xFFFFFF30];
	v6 =	vand.u32 $0xFFFFFFFC, v6;
	v34 =	vadd.f32 v46, v34;
	v7 =	vperm.xlane v5, v3  }
0x209: {  	v53 =	vld [tilespmem:s28+$0xFFFFFF40];
	v33 =	vadd.f32 v54, v33;
	v30 =	vadd.f32 v30, v31;
	v58 =	vperm.xlane v35, v1  }
0x20a: {  	v46 =	vld [tilespmem:s28+$0xFFFFFF60];
	v6 =	vbroadcast v6, $0x0;
	v59 =	vperm.xlane v34, v1;
	v5 =	vadd.f32 v5, v7  }
0x20b: {  	v29 =	vmul.f32 v43, v29;
	v39 =	vadd.f32 v39, v52;
	v52 =	vld [tilespmem:s28+$0xFFFFFF70];
	v33 =	vadd.f32 v56, v33  }
0x20c: {  	v31 =	vadd.f32 v58, v35;
	v56 =	vld [tilespmem:s25+$0xFFFFFF50];
	v34 =	vadd.f32 v59, v34;
	v7 =	vperm.xlane v5, v4  }
0x20d: {  	v60 =	vmul.f32 v44, v27;
	v29 =	vadd.f32 v29, v30;
	v58 =	vld [tilespmem:s28+$0xFFFFFF50]  }
0x20e: {  	v30 =	vadd.f32 v63, v49;
	v63 =	vld [tilespmem:s25+$0xFFFFFF60];
	v31 =	vsel vm0, v31, v34;
	v5 =	vadd.f32 v5, v7  }
0x20f: {  	v49 =	vmul.f32 v55, v50;
	v33 =	vadd.f32 v60, v33;
	v60 =	vld [tilespmem:s2+$0xFFFFFF50];
	v54 =	vperm.xlane v31, v2  }
0x210: {  	v36 =	vmul.f32 v36, v32;
	v34 =	vmul.f32 v53, v50;
	v50 =	vld [tilespmem:s25+$0xFFFFFF70];
	[tilespmem:v6+s31+$0x0] =	vst.idx.msk $0x1, v5  }
0x211: {  	v32 =	vmul.f32 v57, v32;
	v57 =	vadd.f32 v31, v54;
	v54 =	vld [tilespmem:s2+$0xFFFFFF70];
	[tilespmem:v6+s3+$0x0] =	vst.idx.msk vm1, v5  }
0x212: {  	v18 =	vld [tilespmem:s7+$0xFFFFFF80]  }
0x213: {  	v22 =	vld [tilespmem:s15+$0xFFFFFF80]  }
0x214: {  	v20 =	vld [tilespmem:s14+$0xFFFFFF80]  }
0x215: {  	v17 =	vld [tilespmem:s7+$0xFFFFFF90]  }
0x216: {  	v21 =	vld [tilespmem:s15+$0xFFFFFF90]  }
0x217: {  	v19 =	vld [tilespmem:s14+$0xFFFFFF90]  }
0x218: {  	v13 =	vld [tilespmem:s7+$0xFFFFFFA0]  }
0x219: {  	v16 =	vld [tilespmem:s15+$0xFFFFFFA0]  }
0x21a: {  	v15 =	vld [tilespmem:s14+$0xFFFFFFA0]  }
0x21b: {  	v11 =	vld [tilespmem:s7+$0xFFFFFFB0]  }
0x21c: {  	s8 =	sadd.s32 $0x0, s16;
	v28 =	vmul.f32 v28, v23;
	v23 =	vmul.f32 v26, v23;
	v14 =	vld [tilespmem:s15+$0xFFFFFFB0]  }
0x21d: {  	v27 =	vmul.f32 v45, v27;
	s9 =	sadd.s32 $0x56, s8;
	v59 =	vmul.f32 v61, v42;
	v30 =	vadd.f32 v36, v30;
	v12 =	vld [tilespmem:s14+$0xFFFFFFB0]  }
0x21e: {  	v35 =	vmul.f32 v62, v42;
	v62 =	vmov s9;
	v7 =	vld [tilespmem:s7+$0xFFFFFFC0];
	v61 =	vperm.xlane v57, v3  }
0x21f: {  	v25 =	vmul.f32 v25, v10;
	v45 =	vand.u32 $0xFFFFFFFE, v62;
	v30 =	vadd.f32 v59, v30;
	v9 =	vld [tilespmem:s15+$0xFFFFFFC0]  }
0x220: {  	v27 =	vadd.f32 v27, v29;
	v36 =	vbroadcast v45, $0x0;
	v8 =	vld [tilespmem:s14+$0xFFFFFFC0];
	v29 =	vadd.f32 v57, v61  }
0x221: {  	v32 =	vadd.f32 v32, v39;
	v30 =	vadd.f32 v34, v30;
	v31 =	vmul.f32 v58, v56;
	v5 =	vld [tilespmem:s7+$0xFFFFFFD0]  }
0x222: {  	v28 =	vadd.f32 v28, v33;
	v23 =	vadd.f32 v23, v27;
	v6 =	vld [tilespmem:s15+$0xFFFFFFD0];
	v51 =	vperm.xlane v29, v4  }
0x223: {  	v10 =	vmul.f32 v24, v10;
	v48 =	vadd.f32 v35, v32;
	v30 =	vadd.f32 v31, v30;
	v31 =	vld [tilespmem:s7+$0xFFFFFFE0]  }
0x224: {  	v25 =	vadd.f32 v25, v28;
	v38 =	vld [tilespmem:s15+$0xFFFFFFE0];
	v55 =	vadd.f32 v29, v51  }
0x225: {  	v10 =	vadd.f32 v10, v23;
	v26 =	vadd.f32 v49, v48;
	v53 =	vmul.f32 v60, v56;
	v58 =	vld [tilespmem:s14+$0xFFFFFFE0]  }
0x226: {  	v56 =	vmul.f32 v46, v63;
	v40 =	vperm.xlane v25, v1;
	v59 =	vld [tilespmem:s7+$0xFFFFFFF0];
	[tilespmem:v36+s31+$0x0] =	vst.idx.msk $0x1, v55  }
0x227: {  	v26 =	vadd.f32 v53, v26;
	v57 =	vmul.f32 v47, v63;
	v29 =	vld [tilespmem:s14+$0xFFFFFFD0];
	[tilespmem:v36+s3+$0x0] =	vst.idx.msk vm1, v55  }
0x228: {  	v41 =	vperm.xlane v10, v1;
	v60 =	vmul.f32 v52, v50;
	v62 =	vld [tilespmem:s25+$0xF0]  }
0x229: {  	v30 =	vadd.f32 v56, v30;
	v61 =	vmul.f32 v54, v50;
	v26 =	vadd.f32 v57, v26;
	v63 =	vld [tilespmem:s25+$0xE0]  }
0x22a: {  	v25 =	vadd.f32 v40, v25;
	v10 =	vadd.f32 v41, v10;
	v42 =	vld [tilespmem:s25+$0xC0]  }
0x22b: {  	v30 =	vadd.f32 v60, v30;
	v22 =	vmul.f32 v22, v18;
	v26 =	vadd.f32 v61, v26;
	v45 =	vld [tilespmem:s25+$0x80]  }
0x22c: {  	v18 =	vmul.f32 v20, v18;
	v20 =	vmul.f32 v21, v17;
	v46 =	vld [tilespmem:s28+$0x80]  }
0x22d: {  	v10 =	vsel vm0, v25, v10;
	v43 =	vperm.xlane v30, v1;
	v44 =	vperm.xlane v26, v1;
	v47 =	vld [tilespmem:s2+$0x80]  }
0x22e: {  	v17 =	vmul.f32 v19, v17;
	v19 =	vperm.xlane v10, v2;
	v20 =	vadd.f32 v20, v22;
	v49 =	vld [tilespmem:s25+$0x90]  }
0x22f: {  	v16 =	vmul.f32 v16, v13;
	v30 =	vadd.f32 v43, v30;
	v26 =	vadd.f32 v44, v26;
	v51 =	vld [tilespmem:s28+$0x90]  }
0x230: {  	v13 =	vmul.f32 v15, v13;
	v17 =	vadd.f32 v17, v18;
	v10 =	vadd.f32 v10, v19;
	v15 =	vld [tilespmem:s2+$0x90]  }
0x231: {  	v14 =	vmul.f32 v14, v11;
	v16 =	vadd.f32 v16, v20;
	v18 =	vld [tilespmem:s25+$0xA0];
	v48 =	vsel vm0, v30, v26  }
0x232: {  	v13 =	vadd.f32 v13, v17;
	v17 =	vperm.xlane v10, v3;
	v20 =	vld [tilespmem:s28+$0xA0];
	v50 =	vperm.xlane v48, v2  }
0x233: {  	v11 =	vmul.f32 v12, v11;
	v9 =	vmul.f32 v9, v7;
	v12 =	vadd.f32 v14, v16;
	v14 =	vld [tilespmem:s2+$0xA0]  }
0x234: {  	v36 =	vld [tilespmem:s25+$0xB0];
	v10 =	vadd.f32 v10, v17;
	v19 =	vadd.f32 v48, v50;
	v52 =	vmul.f32 v46, v45  }
0x235: {  	s10 =	sadd.s32 $0x54, s8;
	v17 =	vld [tilespmem:s28+$0xB0];
	v11 =	vadd.f32 v11, v13;
	v13 =	vmul.f32 v47, v45;
	v15 =	vmul.f32 v15, v49  }
0x236: {  	v55 =	vmov s10;
	v54 =	vld [tilespmem:s2+$0xB0];
	v53 =	vmul.f32 v51, v49;
	v16 =	vperm.xlane v19, v3  }
0x237: {  	v25 =	vand.u32 $0xFFFFFFFC, v55;
	v20 =	vmul.f32 v20, v18;
	v13 =	vadd.f32 v15, v13;
	v15 =	vld [tilespmem:s2+$0xC0]  }
0x238: {  	v14 =	vmul.f32 v14, v18;
	v22 =	vadd.f32 v53, v52;
	v16 =	vadd.f32 v19, v16;
	v19 =	vld [tilespmem:s28+$0xC0]  }
0x239: {  	v7 =	vmul.f32 v8, v7;
	v25 =	vbroadcast v25, $0x0;
	v18 =	vld [tilespmem:s25+$0xD0]  }
0x23a: {  	v17 =	vmul.f32 v17, v36;
	v20 =	vadd.f32 v20, v22;
	v8 =	vadd.f32 v14, v13;
	v14 =	vld [tilespmem:s2+$0xD0]  }
0x23b: {  	v6 =	vmul.f32 v6, v5;
	v56 =	vld [tilespmem:s28+$0xD0];
	v13 =	vmul.f32 v54, v36  }
0x23c: {  	v9 =	vadd.f32 v9, v12;
	v12 =	vperm.xlane v16, v4;
	v17 =	vadd.f32 v17, v20;
	v20 =	vld [tilespmem:s28+$0xE0]  }
0x23d: {  	v8 =	vadd.f32 v13, v8;
	v15 =	vmul.f32 v15, v42;
	v13 =	vmul.f32 v19, v42;
	v19 =	vld [tilespmem:s2+$0xE0]  }
0x23e: {  	v57 =	vmul.f32 v29, v5;
	v7 =	vadd.f32 v7, v11;
	v12 =	vadd.f32 v16, v12;
	v16 =	vld [tilespmem:s28+$0xF0]  }
0x23f: {  	v6 =	vadd.f32 v6, v9;
	v8 =	vadd.f32 v15, v8;
	v15 =	vld [tilespmem:s2+$0xF0];
	v14 =	vmul.f32 v14, v18  }
0x240: {  	s11 =	sadd.s32 $0x55, s6;
	[tilespmem:v25+s31+$0x0] =	vst.idx.msk $0x1, v12;
	v13 =	vadd.f32 v13, v17;
	v17 =	vmul.f32 v56, v18;
	v18 =	vld [tilespmem:s15+$0xFFFFFFF0]  }
0x241: {  	v5 =	vmov s11;
	v9 =	vmul.f32 v38, v31;
	[tilespmem:v25+s3+$0x0] =	vst.idx.msk vm1, v12;
	v11 =	vmul.f32 v20, v63;
	v12 =	vld [tilespmem:s14+$0xFFFFFFF0]  }
0x242: {  	v8 =	vadd.f32 v14, v8;
	v20 =	vld [tilespmem:s25+$0xFFFFFF80];
	v13 =	vadd.f32 v17, v13;
	v14 =	vmul.f32 v19, v63  }
0x243: {  	v5 =	vand.u32 $0xFFFFFFFD, v5;
	v6 =	vadd.f32 v9, v6;
	v9 =	vld [tilespmem:s25+$0xFFFFFF90];
	v16 =	vmul.f32 v16, v62  }
0x244: {  	v60 =	vld [tilespmem:s2+$0xFFFFFFA0];
	v11 =	vadd.f32 v11, v13;
	v13 =	vmul.f32 v15, v62;
	v8 =	vadd.f32 v14, v8  }
0x245: {  	v5 =	vbroadcast v5, $0x0;
	v7 =	vadd.f32 v57, v7;
	v17 =	vld [tilespmem:s28+$0xFFFFFF80];
	v14 =	vmul.f32 v58, v31  }
0x246: {  	v19 =	vld [tilespmem:s2+$0xFFFFFF80];
	v15 =	vperm.xlane v10, v4;
	v11 =	vadd.f32 v16, v11;
	v8 =	vadd.f32 v13, v8  }
0x247: {  	v58 =	vld [tilespmem:s28+$0xFFFFFF90];
	v12 =	vmul.f32 v12, v59;
	v7 =	vadd.f32 v14, v7;
	v13 =	vmul.f32 v18, v59  }
0x248: {  	s6 =	sadd.s32 $0x57, s6;
	v10 =	vadd.f32 v10, v15;
	v15 =	vld [tilespmem:s25+$0xFFFFFFA0];
	v16 =	vperm.xlane v11, v1;
	v18 =	vperm.xlane v8, v1  }
0x249: {  	s14 =	sadd.s32 $0x55, s8;
	v14 =	vld [tilespmem:s2+$0xFFFFFF90];
	v59 =	vmov s6;
	v6 =	vadd.f32 v13, v6;
	v7 =	vadd.f32 v12, v7  }
0x24a: {  	v12 =	vld [tilespmem:s28+$0xFFFFFFA0];
	v13 =	vmov s14;
	v11 =	vadd.f32 v16, v11;
	v8 =	vadd.f32 v18, v8  }
0x24b: {  	v25 =	vld [tilespmem:s28+$0xFFFFFFB0];
	v16 =	vand.u32 $0xFFFFFFFD, v13;
	v13 =	vperm.xlane v6, v1;
	v61 =	vperm.xlane v7, v1  }
0x24c: {  	v17 =	vmul.f32 v17, v20;
	v21 =	vmul.f32 v58, v9;
	v18 =	vld [tilespmem:s25+$0xFFFFFFB0];
	v8 =	vsel vm0, v11, v8  }
0x24d: {  	v62 =	vld [tilespmem:s2+$0xFFFFFFB0];
	v6 =	vadd.f32 v13, v6;
	v7 =	vadd.f32 v61, v7;
	v11 =	vperm.xlane v8, v2  }
0x24e: {  	v14 =	vmul.f32 v14, v9;
	v17 =	vadd.f32 v21, v17;
	v9 =	vld [tilespmem:s25+$0xFFFFFFC0];
	v13 =	vmul.f32 v19, v20  }
0x24f: {  	v19 =	vld [tilespmem:s28+$0xFFFFFFC0];
	v12 =	vmul.f32 v12, v15;
	v6 =	vsel vm0, v6, v7;
	v20 =	vadd.f32 v8, v11  }
0x250: {  	v7 =	vadd.f32 v14, v13;
	v13 =	vld [tilespmem:s2+$0xFFFFFFC0];
	v8 =	vmul.f32 v60, v15;
	v15 =	vperm.xlane v6, v2  }
0x251: {  	v14 =	vld [tilespmem:s28+$0xFFFFFFD0];
	v12 =	vadd.f32 v12, v17;
	v17 =	vmul.f32 v25, v18;
	v63 =	vperm.xlane v20, v3  }
0x252: {  	v11 =	vld [tilespmem:s25+$0xFFFFFFD0];
	v18 =	vmul.f32 v62, v18;
	v7 =	vadd.f32 v8, v7;
	v8 =	vadd.f32 v6, v15  }
0x253: {  	s7 =	simm.s32 $0x16B00;
	s15 =	sadd.s32 $0x57, s8;
	[tilespmem:v59+s31+$0x0] =	vst.idx.msk $0x1, v10;
	v6 =	vbroadcast v16, $0x0;
	v16 =	vadd.f32 v17, v12;
	v15 =	vld [tilespmem:s2+$0xFFFFFFD0];
	v12 =	vadd.f32 v20, v63  }
0x254: {  	s6 =	simm.s32 $0x19100;
	s14 =	simm.s32 $0x4;
	[tilespmem:v59+s3+$0x0] =	vst.idx.msk vm1, v10;
	v10 =	vmov s15;
	s15 =	simm.s32 $0x1B900;
	v17 =	vadd.f32 v18, v7;
	v18 =	vmul.f32 v19, v9;
	v7 =	vld [tilespmem:s25+$0xFFFFFFE0]  }
.LBB2_7:
0x255: {  	v19 =	vld [tilespmem:s7+$0x70];
	v9 =	vmul.f32 v13, v9;
	v13 =	vperm.xlane v12, v4;
	s8 =	smov.u32 s14  }
0x256: {  	v20 =	vld [tilespmem:s7+$0x60];
	v16 =	vadd.f32 v18, v16;
	v18 =	vperm.xlane v8, v3  }
0x257: {  	v21 =	vld [tilespmem:s7+$0x50];
	v9 =	vadd.f32 v9, v17;
	v14 =	vmul.f32 v14, v11;
	v12 =	vadd.f32 v12, v13  }
0x258: {  	v13 =	vld [tilespmem:s7+$0x40];
	v11 =	vmul.f32 v15, v11;
	v15 =	vadd.f32 v8, v18  }
0x259: {  	v17 =	vld [tilespmem:s7+$0x30];
	v8 =	vadd.f32 v14, v16;
	[tilespmem:v10+s31+$0x0] =	vst.idx.msk $0x1, v12  }
0x25a: {  	v14 =	vld [tilespmem:s7+$0x20];
	v9 =	vadd.f32 v11, v9;
	[tilespmem:v10+s3+$0x0] =	vst.idx.msk vm1, v12;
	v10 =	vperm.xlane v15, v4  }
0x25b: {  	s28 =	sadd.s32 $0x200, s28;
	v11 =	vld [tilespmem:s7+$0x0]  }
0x25c: {  	s2 =	sadd.s32 $0x200, s2;
	v12 =	vld [tilespmem:s28+$0x0];
	v10 =	vadd.f32 v15, v10  }
0x25d: {  	v15 =	vld [tilespmem:s2+$0x0]  }
0x25e: {  	v16 =	vld [tilespmem:s7+$0x10];
	[tilespmem:v5+s31+$0x0] =	vst.idx.msk $0x1, v10  }
0x25f: {  	v18 =	vld [tilespmem:s28+$0x10];
	[tilespmem:v5+s3+$0x0] =	vst.idx.msk vm1, v10;
	v5 =	vmov v6  }
0x260: {  	v6 =	vld [tilespmem:s2+$0x10]  }
0x261: {  	v10 =	vld [tilespmem:s28+$0x20]  }
0x262: {  	v22 =	vld [tilespmem:s2+$0x20]  }
0x263: {  	v23 =	vld [tilespmem:s28+$0x30]  }
0x264: {  	v12 =	vmul.f32 v12, v11;
	v11 =	vmul.f32 v15, v11;
	v15 =	vld [tilespmem:s2+$0x30]  }
0x265: {  	v18 =	vmul.f32 v18, v16;
	v6 =	vmul.f32 v6, v16;
	v16 =	vld [tilespmem:s28+$0x40]  }
0x266: {  	v10 =	vmul.f32 v10, v14;
	v24 =	vld [tilespmem:s2+$0x40]  }
0x267: {  	v12 =	vadd.f32 v18, v12;
	v6 =	vadd.f32 v6, v11;
	v11 =	vmul.f32 v22, v14;
	v14 =	vld [tilespmem:s28+$0x50]  }
0x268: {  	v18 =	vmul.f32 v23, v17;
	v22 =	vld [tilespmem:s2+$0x50]  }
0x269: {  	v10 =	vadd.f32 v10, v12;
	v6 =	vadd.f32 v11, v6;
	v11 =	vmul.f32 v15, v17;
	v12 =	vld [tilespmem:s28+$0x60]  }
0x26a: {  	v15 =	vmul.f32 v16, v13;
	v16 =	vld [tilespmem:s2+$0x60]  }
0x26b: {  	v10 =	vadd.f32 v18, v10;
	v6 =	vadd.f32 v11, v6;
	v11 =	vmul.f32 v24, v13;
	v13 =	vld [tilespmem:s28+$0x70]  }
0x26c: {  	v14 =	vmul.f32 v14, v21;
	v17 =	vld [tilespmem:s2+$0x70]  }
0x26d: {  	s14 =	sadd.s32 $0x4, s14;
	v10 =	vadd.f32 v15, v10;
	v18 =	vld [tilespmem:s28+$0xFFFFFF00];
	v6 =	vadd.f32 v11, v6;
	v11 =	vmul.f32 v22, v21  }
0x26e: {  	p0 =	slt.u32 s14, $0x4C;
	v15 =	vld [tilespmem:s2+$0xFFFFFF00];
	v12 =	vmul.f32 v12, v20  }
0x26f: {  	v10 =	vadd.f32 v14, v10;
	v21 =	vld [tilespmem:s7+$0xFFFFFF10];
	v6 =	vadd.f32 v11, v6;
	v11 =	vmul.f32 v16, v20  }
0x270: {  	v14 =	vld [tilespmem:s28+$0xFFFFFF10];
	v13 =	vmul.f32 v13, v19  }
0x271: {  	v10 =	vadd.f32 v12, v10;
	v16 =	vld [tilespmem:s2+$0xFFFFFF10];
	v6 =	vadd.f32 v11, v6;
	v11 =	vmul.f32 v17, v19  }
0x272: {  	v12 =	vld [tilespmem:s7+$0xFFFFFF00]  }
0x273: {  	v10 =	vadd.f32 v13, v10;
	v17 =	vld [tilespmem:s7+$0xFFFFFF20];
	v6 =	vadd.f32 v11, v6  }
0x274: {  	v11 =	vld [tilespmem:s28+$0xFFFFFF20]  }
0x275: {  	v19 =	vperm.xlane v10, v1;
	v13 =	vld [tilespmem:s2+$0xFFFFFF20];
	v20 =	vperm.xlane v6, v1  }
0x276: {  	v14 =	vmul.f32 v14, v21;
	v16 =	vmul.f32 v16, v21;
	v21 =	vld [tilespmem:s7+$0xFFFFFF30]  }
0x277: {  	v10 =	vadd.f32 v19, v10;
	v18 =	vmul.f32 v18, v12;
	v22 =	vld [tilespmem:s28+$0xFFFFFF30];
	v6 =	vadd.f32 v20, v6  }
0x278: {  	v12 =	vmul.f32 v15, v12;
	v15 =	vld [tilespmem:s2+$0xFFFFFF30]  }
0x279: {  	v14 =	vadd.f32 v14, v18;
	v11 =	vmul.f32 v11, v17;
	v18 =	vld [tilespmem:s7+$0xFFFFFF40];
	v6 =	vsel vm0, v10, v6  }
0x27a: {  	v10 =	vadd.f32 v16, v12;
	v12 =	vmul.f32 v13, v17;
	v13 =	vld [tilespmem:s28+$0xFFFFFF40];
	v16 =	vperm.xlane v6, v2  }
0x27b: {  	v11 =	vadd.f32 v11, v14;
	v14 =	vld [tilespmem:s2+$0xFFFFFF40]  }
0x27c: {  	s8 =	sadd.s32 s8, s16;
	v10 =	vadd.f32 v12, v10;
	v12 =	vmul.f32 v22, v21;
	v17 =	vld [tilespmem:s7+$0xFFFFFF50];
	v6 =	vadd.f32 v6, v16  }
0x27d: {  	s9 =	sadd.s32 $0x54, s8;
	s10 =	sadd.s32 $0x55, s8;
	s11 =	sadd.s32 $0x56, s8;
	v15 =	vmul.f32 v15, v21;
	v16 =	vld [tilespmem:s28+$0xFFFFFF50]  }
0x27e: {  	v20 =	vmov s11;
	v11 =	vadd.f32 v12, v11;
	v12 =	vld [tilespmem:s2+$0xFFFFFF50];
	v19 =	vperm.xlane v6, v3  }
0x27f: {  	v20 =	vand.u32 $0xFFFFFFFE, v20;
	v10 =	vadd.f32 v15, v10;
	v13 =	vmul.f32 v13, v18;
	v15 =	vld [tilespmem:s7+$0xFFFFFF60]  }
0x280: {  	v14 =	vmul.f32 v14, v18;
	v18 =	vld [tilespmem:s28+$0xFFFFFF60];
	v6 =	vadd.f32 v6, v19;
	v19 =	vbroadcast v20, $0x0  }
0x281: {  	v21 =	vmov s10;
	v20 =	vmov s9;
	v11 =	vadd.f32 v13, v11;
	v13 =	vld [tilespmem:s2+$0xFFFFFF60]  }
0x282: {  	v10 =	vadd.f32 v14, v10;
	v14 =	vmul.f32 v16, v17;
	v16 =	vld [tilespmem:s7+$0xFFFFFF70];
	v22 =	vperm.xlane v6, v4  }
0x283: {  	v21 =	vand.u32 $0xFFFFFFFD, v21;
	v20 =	vand.u32 $0xFFFFFFFC, v20;
	v12 =	vmul.f32 v12, v17;
	v17 =	vld [tilespmem:s28+$0xFFFFFF70]  }
0x284: {  	v20 =	vbroadcast v20, $0x0;
	v11 =	vadd.f32 v14, v11;
	v14 =	vld [tilespmem:s2+$0xFFFFFF70];
	v22 =	vadd.f32 v6, v22  }
0x285: {  	v6 =	vbroadcast v21, $0x0;
	v10 =	vadd.f32 v12, v10;
	v12 =	vmul.f32 v18, v15;
	v18 =	vld [tilespmem:s6+$0xFFFFFFE0]  }
0x286: {  	v13 =	vmul.f32 v13, v15;
	[tilespmem:v19+s31+$0x0] =	vst.idx.msk $0x1, v22;
	v15 =	vld [tilespmem:s15+$0xFFFFFFE0]  }
0x287: {  	v11 =	vadd.f32 v12, v11;
	[tilespmem:v19+s3+$0x0] =	vst.idx.msk vm1, v22;
	v12 =	vld [tilespmem:s25+$0xFFFFFFF0];
	s25 =	smov.u32 s7  }
0x288: {  	v10 =	vadd.f32 v13, v10;
	v13 =	vmul.f32 v17, v16;
	v17 =	vld [tilespmem:s7+$0xF0]  }
0x289: {  	v14 =	vmul.f32 v14, v16;
	v16 =	vld [tilespmem:s7+$0xE0]  }
0x28a: {  	v11 =	vadd.f32 v13, v11;
	v13 =	vld [tilespmem:s7+$0xD0];
	v18 =	vmul.f32 v18, v7  }
0x28b: {  	v10 =	vadd.f32 v14, v10;
	v14 =	vld [tilespmem:s7+$0xC0];
	v7 =	vmul.f32 v15, v7  }
0x28c: {  	v15 =	vperm.xlane v11, v1;
	v19 =	vld [tilespmem:s7+$0xB0];
	v8 =	vadd.f32 v18, v8  }
0x28d: {  	v18 =	vperm.xlane v10, v1;
	v21 =	vld [tilespmem:s7+$0xA0];
	v7 =	vadd.f32 v7, v9  }
0x28e: {  	v9 =	vadd.f32 v15, v11;
	v11 =	vld [tilespmem:s7+$0x80]  }
0x28f: {  	v10 =	vadd.f32 v18, v10;
	v15 =	vld [tilespmem:s28+$0x80]  }
0x290: {  	v18 =	vld [tilespmem:s2+$0x80]  }
0x291: {  	v9 =	vsel vm0, v9, v10;
	v10 =	vld [tilespmem:s7+$0x90]  }
0x292: {  	v22 =	vperm.xlane v9, v2;
	v23 =	vld [tilespmem:s28+$0x90]  }
0x293: {  	v24 =	vld [tilespmem:s2+$0x90]  }
0x294: {  	v9 =	vadd.f32 v9, v22;
	v22 =	vld [tilespmem:s28+$0xA0]  }
0x295: {  	v25 =	vld [tilespmem:s2+$0xA0]  }
0x296: {  	v26 =	vperm.xlane v9, v3;
	v27 =	vld [tilespmem:s28+$0xB0]  }
0x297: {  	v15 =	vmul.f32 v15, v11;
	v11 =	vmul.f32 v18, v11;
	v18 =	vld [tilespmem:s2+$0xB0]  }
0x298: {  	v23 =	vmul.f32 v23, v10;
	v9 =	vadd.f32 v9, v26;
	v10 =	vmul.f32 v24, v10;
	v24 =	vld [tilespmem:s28+$0xC0]  }
0x299: {  	v22 =	vmul.f32 v22, v21;
	v26 =	vld [tilespmem:s2+$0xC0]  }
0x29a: {  	v15 =	vadd.f32 v23, v15;
	v10 =	vadd.f32 v10, v11;
	v11 =	vmul.f32 v25, v21;
	v21 =	vld [tilespmem:s28+$0xD0]  }
0x29b: {  	v23 =	vperm.xlane v9, v4;
	v25 =	vmul.f32 v27, v19;
	v27 =	vld [tilespmem:s2+$0xD0]  }
0x29c: {  	v15 =	vadd.f32 v22, v15;
	v10 =	vadd.f32 v11, v10;
	v11 =	vmul.f32 v18, v19;
	v18 =	vld [tilespmem:s28+$0xE0]  }
0x29d: {  	v9 =	vadd.f32 v9, v23;
	v19 =	vmul.f32 v24, v14;
	v22 =	vld [tilespmem:s2+$0xE0]  }
0x29e: {  	v15 =	vadd.f32 v25, v15;
	v10 =	vadd.f32 v11, v10;
	v11 =	vmul.f32 v26, v14;
	v14 =	vld [tilespmem:s28+$0xF0]  }
0x29f: {  	[tilespmem:v20+s31+$0x0] =	vst.idx.msk $0x1, v9;
	v21 =	vmul.f32 v21, v13;
	v23 =	vld [tilespmem:s2+$0xF0]  }
0x2a0: {  	v15 =	vadd.f32 v19, v15;
	v10 =	vadd.f32 v11, v10;
	v11 =	vmul.f32 v27, v13;
	v13 =	vld [tilespmem:s6+$0xFFFFFFF0];
	s6 =	smov.u32 s28  }
0x2a1: {  	[tilespmem:v20+s3+$0x0] =	vst.idx.msk vm1, v9;
	v9 =	vmul.f32 v18, v16;
	v18 =	vld [tilespmem:s15+$0xFFFFFFF0];
	s15 =	smov.u32 s2  }
0x2a2: {  	v15 =	vadd.f32 v21, v15;
	v19 =	vld [tilespmem:s7+$0xFFFFFF80];
	v10 =	vadd.f32 v11, v10;
	v11 =	vmul.f32 v22, v16  }
0x2a3: {  	v16 =	vld [tilespmem:s28+$0xFFFFFF80];
	v14 =	vmul.f32 v14, v17  }
0x2a4: {  	v9 =	vadd.f32 v9, v15;
	v20 =	vld [tilespmem:s2+$0xFFFFFF80];
	v10 =	vadd.f32 v11, v10;
	v11 =	vmul.f32 v23, v17  }
0x2a5: {  	v15 =	vld [tilespmem:s7+$0xFFFFFF90];
	v13 =	vmul.f32 v13, v12  }
0x2a6: {  	v9 =	vadd.f32 v14, v9;
	v17 =	vld [tilespmem:s28+$0xFFFFFF90];
	v10 =	vadd.f32 v11, v10;
	v11 =	vmul.f32 v18, v12  }
0x2a7: {  	v12 =	vld [tilespmem:s2+$0xFFFFFF90];
	v8 =	vadd.f32 v13, v8  }
0x2a8: {  	v14 =	vperm.xlane v9, v1;
	v13 =	vld [tilespmem:s7+$0xFFFFFFA0];
	v18 =	vperm.xlane v10, v1;
	v7 =	vadd.f32 v11, v7  }
0x2a9: {  	v11 =	vmul.f32 v16, v19;
	v16 =	vmul.f32 v20, v19;
	v19 =	vld [tilespmem:s28+$0xFFFFFFA0]  }
0x2aa: {  	v9 =	vadd.f32 v14, v9;
	v14 =	vperm.xlane v8, v1;
	v20 =	vld [tilespmem:s2+$0xFFFFFFA0];
	v10 =	vadd.f32 v18, v10  }
0x2ab: {  	v21 =	vperm.xlane v7, v1;
	v17 =	vmul.f32 v17, v15;
	v18 =	vld [tilespmem:s7+$0xFFFFFFB0]  }
0x2ac: {  	v8 =	vadd.f32 v14, v8;
	v12 =	vmul.f32 v12, v15;
	v15 =	vld [tilespmem:s28+$0xFFFFFFB0];
	v10 =	vsel vm0, v9, v10  }
0x2ad: {  	v7 =	vadd.f32 v21, v7;
	v11 =	vadd.f32 v17, v11;
	v14 =	vld [tilespmem:s2+$0xFFFFFFB0];
	v17 =	vperm.xlane v10, v2  }
0x2ae: {  	v12 =	vadd.f32 v12, v16;
	v16 =	vmul.f32 v19, v13;
	v9 =	vld [tilespmem:s7+$0xFFFFFFC0]  }
0x2af: {  	v7 =	vsel vm0, v8, v7;
	v19 =	vmul.f32 v20, v13;
	v20 =	vld [tilespmem:s28+$0xFFFFFFC0];
	v10 =	vadd.f32 v10, v17  }
.Ltmp2:
0x2b0: {  	v8 =	vperm.xlane v7, v2;
	v16 =	vadd.f32 v16, v11;
	v13 =	vld [tilespmem:s2+$0xFFFFFFC0];
	(pc) =	sbr.rel @p0 .LBB2_7-.Ltmp2, $4  }
0x2b1: {  	v17 =	vadd.f32 v19, v12;
	v12 =	vmul.f32 v15, v18;
	v11 =	vld [tilespmem:s7+$0xFFFFFFD0];
	v19 =	vperm.xlane v10, v3  }
0x2b2: {  	v8 =	vadd.f32 v7, v8;
	v18 =	vmul.f32 v14, v18;
	v14 =	vld [tilespmem:s28+$0xFFFFFFD0]  }
0x2b3: {  	s8 =	sadd.s32 $0x57, s8;
	v16 =	vadd.f32 v12, v16;
	v15 =	vld [tilespmem:s2+$0xFFFFFFD0];
	v12 =	vadd.f32 v10, v19  }
0x2b4: {  	s7 =	sadd.s32 $0x200, s7;
	v10 =	vmov s8;
	v17 =	vadd.f32 v18, v17;
	v18 =	vmul.f32 v20, v9;
	v7 =	vld [tilespmem:s25+$0xFFFFFFE0]  }
0x2b5: {  	v19 =	vld [tilespmem:s6+$0xFFFFFFE0]  }
0x2b6: {  	v20 =	vld [tilespmem:s15+$0xFFFFFFE0]  }
0x2b7: {  	v21 =	vld [tilespmem:s25+$0xFFFFFFF0]  }
0x2b8: {  	v9 =	vmul.f32 v13, v9;
	v53 =	vld [tilespmem:s6+$0xFFFFFFF0]  }
0x2b9: {  	v54 =	vld [tilespmem:s15+$0xFFFFFFF0];
	v16 =	vadd.f32 v18, v16;
	v14 =	vmul.f32 v14, v11  }
0x2ba: {  	v9 =	vadd.f32 v9, v17;
	v55 =	vmul.f32 v15, v11  }
0x2bb: {  	v14 =	vadd.f32 v14, v16  }
0x2bc: {  	v56 =	vmul.f32 v19, v7;
	v9 =	vadd.f32 v55, v9;
	v7 =	vmul.f32 v20, v7  }
0x2bd: {  	v58 =	vmul.f32 v53, v21  }
0x2be: {  	v59 =	vmul.f32 v54, v21;
	v57 =	vadd.f32 v56, v14;
	v7 =	vadd.f32 v7, v9;
	_ =	sdelay $0x1  }
0x2bf: {  	v9 =	vadd.f32 v58, v57;
	v7 =	vadd.f32 v59, v7;
	_ =	sdelay $0x1  }
0x2c0: {  	v11 =	vperm.xlane v9, v1;
	v13 =	vperm.xlane v7, v1;
	_ =	sdelay $0x1  }
0x2c1: {  	v9 =	vadd.f32 v11, v9;
	v7 =	vadd.f32 v13, v7;
	_ =	sdelay $0x1  }
0x2c2: {  	v7 =	vsel vm0, v9, v7  }
0x2c3: {  	v60 =	vperm.xlane v8, v3;
	v9 =	vperm.xlane v7, v2;
	_ =	sdelay $0x1  }
0x2c4: {  	v8 =	vadd.f32 v8, v60;
	v7 =	vadd.f32 v7, v9;
	_ =	sdelay $0x1  }
0x2c5: {  	v63 =	vperm.xlane v8, v4;
	v62 =	vperm.xlane v7, v3;
	_ =	sdelay $0x1  }
0x2c6: {  	v61 =	vperm.xlane v12, v4;
	v8 =	vadd.f32 v8, v63;
	v7 =	vadd.f32 v7, v62;
	_ =	sdelay $0x1  }
0x2c7: {  	p0 =	seq.s32 s21, $0x3D;
	[tilespmem:v5+s31+$0x0] =	vst.idx.msk $0x1, v8;
	v9 =	vadd.f32 v12, v61;
	v11 =	vperm.xlane v7, v4  }
.Ltmp3:
0x2c8: {  	[tilespmem:v5+s3+$0x0] =	vst.idx.msk vm1, v8;
	(pc) =	sbr.rel @p0 .LBB2_10-.Ltmp3, $4  }
0x2c9: {  	[tilespmem:v10+s31+$0x0] =	vst.idx.msk $0x1, v9;
	v7 =	vadd.f32 v7, v11  }
0x2ca: {  	[tilespmem:v10+s3+$0x0] =	vst.idx.msk vm1, v9  }
0x2cb: {  	[tilespmem:v6+s31+$0x0] =	vst.idx.msk $0x1, v7  }
0x2cc: {  	[tilespmem:v6+s3+$0x0] =	vst.idx.msk vm1, v7  }
0x2cd: {  	s2 =	sadd.s32 $0x1F0, s23  }
0x2ce: {  	[tilespmem:s22], [sflag:$0x3] =	stream.indirect.gather [hbm4b:s1+s18], $0x80, s2, s18, $0xb8;
	[tilespmem:$0x1DE00] =	vst v63  }
.Ltmp4:
0x2cf: {  	_ = 	snop;
	(pc) =	sbr.rel .LBB2_4-.Ltmp4, $4  }
0x2d0: {  	s25 =	sadd.s32 $0x2970, s23  }
0x2d1: {  	[tilespmem:s24], [sflag:$0x3] =	stream.indirect.gather [hbm4b:s1+s18], $0x80, s25, s18, $0xb8;
	[tilespmem:$0x1DE00] =	vst v63  }
0x2d2: {  	s28 =	sadd.s32 $0x50F0, s23;
	s21 =	sadd.s32 $0x1, s21;
	s16 =	sadd.s32 $0xA0, s16  }
0x2d3: {  	[tilespmem:s29], [sflag:$0x3] =	stream.indirect.gather [hbm4b:s1+s18], $0x80, s28, s18, $0xb8;
	[tilespmem:$0x1DE00] =	vst v63  }
.LBB2_10:
0x2d4: {  	_ =	swait.ge [sflag:s30], $0x2800  }
0x2d5: {  	[sflag:s30] =	ssyncset.done $0x0  }
0x2d6: {  	[sflag:s30] =	ssyncadd.s32 $0xFFFFD800  }
0x2d7: {  	_ =	swait.ge [sflag:s30], $0x2800  }
0x2d8: {  	[sflag:s30] =	ssyncset.done $0x0  }
0x2d9: {  	[sflag:s30] =	ssyncadd.s32 $0xFFFFD800  }
0x2da: {  	_ =	swait.ge [sflag:s30], $0x2800  }
0x2db: {  	[sflag:s30] =	ssyncset.done $0x0  }
0x2dc: {  	s6 =	simm.s32 $0xEF00;
	[sflag:s30] =	ssyncadd.s32 $0xFFFFD800  }
0x2dd: {  	v5 =	vld [tilespmem:s6+$0x70]  }
0x2de: {  	v6 =	vld [tilespmem:s6+$0x60]  }
0x2df: {  	v7 =	vld [tilespmem:s6+$0x50]  }
0x2e0: {  	v8 =	vld [tilespmem:s6+$0x40]  }
0x2e1: {  	v9 =	vld [tilespmem:s6+$0x30]  }
0x2e2: {  	v10 =	vld [tilespmem:s6+$0x20]  }
0x2e3: {  	s15 =	simm.s32 $0x11700;
	v11 =	vld [tilespmem:s6+$0x0]  }
0x2e4: {  	s14 =	simm.s32 $0x13F00;
	v12 =	vld [tilespmem:s15+$0x0]  }
0x2e5: {  	v13 =	vld [tilespmem:s14+$0x0]  }
0x2e6: {  	v14 =	vld [tilespmem:s6+$0x10]  }
0x2e7: {  	v15 =	vld [tilespmem:s15+$0x10]  }
0x2e8: {  	v16 =	vld [tilespmem:s14+$0x10]  }
0x2e9: {  	v17 =	vld [tilespmem:s15+$0x20]  }
0x2ea: {  	v18 =	vld [tilespmem:s14+$0x20]  }
0x2eb: {  	v19 =	vld [tilespmem:s15+$0x30]  }
0x2ec: {  	v20 =	vld [tilespmem:s14+$0x40]  }
0x2ed: {  	v21 =	vld [tilespmem:s14+$0xFFFFFF40]  }
0x2ee: {  	s16 =	simm.s32 $0xF100;
	v59 =	vld [tilespmem:s15+$0xFFFFFF60]  }
0x2ef: {  	v41 =	vld [tilespmem:s16+$0x70]  }
0x2f0: {  	v42 =	vld [tilespmem:s16+$0x60]  }
0x2f1: {  	v43 =	vld [tilespmem:s16+$0x50]  }
0x2f2: {  	v44 =	vld [tilespmem:s16+$0x40]  }
0x2f3: {  	v45 =	vld [tilespmem:s16+$0x30]  }
0x2f4: {  	s2 =	simm.s32 $0x26C2;
	v46 =	vld [tilespmem:s16+$0x20]  }
0x2f5: {  	v58 =	vmov s2;
	s2 =	simm.s32 $0x11900;
	v47 =	vld [tilespmem:s16+$0x0]  }
0x2f6: {  	v48 =	vld [tilespmem:s2+$0x0]  }
0x2f7: {  	v50 =	vld [tilespmem:s16+$0x10]  }
0x2f8: {  	v51 =	vld [tilespmem:s2+$0x10]  }
0x2f9: {  	v53 =	vld [tilespmem:s2+$0x20]  }
0x2fa: {  	v12 =	vmul.f32 v12, v11;
	v11 =	vmul.f32 v13, v11;
	v13 =	vld [tilespmem:s14+$0x30]  }
0x2fb: {  	v15 =	vmul.f32 v15, v14;
	v14 =	vmul.f32 v16, v14;
	v16 =	vld [tilespmem:s15+$0x40]  }
0x2fc: {  	v55 =	vld [tilespmem:s2+$0x30];
	v17 =	vmul.f32 v17, v10  }
0x2fd: {  	v10 =	vmul.f32 v18, v10;
	v12 =	vadd.f32 v15, v12;
	v11 =	vadd.f32 v14, v11;
	v14 =	vld [tilespmem:s15+$0x50]  }
0x2fe: {  	v18 =	vld [tilespmem:s14+$0x50];
	v15 =	vmul.f32 v19, v9  }
0x2ff: {  	v12 =	vadd.f32 v17, v12;
	v10 =	vadd.f32 v10, v11;
	v11 =	vld [tilespmem:s15+$0x60];
	v9 =	vmul.f32 v13, v9  }
0x300: {  	v48 =	vmul.f32 v48, v47;
	v13 =	vmul.f32 v16, v8;
	v16 =	vld [tilespmem:s14+$0x60]  }
0x301: {  	v8 =	vmul.f32 v20, v8;
	v12 =	vadd.f32 v15, v12;
	v9 =	vadd.f32 v9, v10;
	v10 =	vld [tilespmem:s15+$0x70]  }
0x302: {  	v51 =	vmul.f32 v51, v50;
	v15 =	vld [tilespmem:s14+$0x70];
	v14 =	vmul.f32 v14, v7  }
0x303: {  	v62 =	vld [tilespmem:s2+$0x60];
	v7 =	vmul.f32 v18, v7;
	v12 =	vadd.f32 v13, v12;
	v8 =	vadd.f32 v8, v9  }
0x304: {  	v61 =	vmul.f32 v53, v46;
	v53 =	vld [tilespmem:s2+$0xFFFFFF00];
	v48 =	vadd.f32 v51, v48;
	v11 =	vmul.f32 v11, v6  }
0x305: {  	v19 =	vld [tilespmem:s15+$0xFFFFFF30];
	v12 =	vadd.f32 v14, v12;
	v6 =	vmul.f32 v16, v6;
	v7 =	vadd.f32 v7, v8  }
0x306: {  	v17 =	vld [tilespmem:s15+$0xFFFFFF00];
	v48 =	vadd.f32 v61, v48;
	v10 =	vmul.f32 v10, v5  }
0x307: {  	v61 =	vld [tilespmem:s2+$0xFFFFFF10];
	v11 =	vadd.f32 v11, v12;
	v5 =	vmul.f32 v15, v5;
	v6 =	vadd.f32 v6, v7  }
0x308: {  	v18 =	vld [tilespmem:s6+$0xFFFFFF30]  }
0x309: {  	v13 =	vld [tilespmem:s6+$0xFFFFFF10];
	v10 =	vadd.f32 v10, v11;
	v5 =	vadd.f32 v5, v6  }
0x30a: {  	v9 =	vld [tilespmem:s14+$0xFFFFFF00]  }
0x30b: {  	v14 =	vld [tilespmem:s14+$0xFFFFFF10];
	v15 =	vperm.xlane v10, v1;
	v16 =	vperm.xlane v5, v1  }
0x30c: {  	v8 =	vld [tilespmem:s15+$0xFFFFFF10]  }
0x30d: {  	v7 =	vld [tilespmem:s6+$0xFFFFFF00];
	v10 =	vadd.f32 v15, v10;
	v5 =	vadd.f32 v16, v5  }
0x30e: {  	v12 =	vld [tilespmem:s6+$0xFFFFFF20]  }
0x30f: {  	v6 =	vld [tilespmem:s15+$0xFFFFFF20];
	v5 =	vsel vm0, v10, v5  }
0x310: {  	v11 =	vld [tilespmem:s14+$0xFFFFFF20];
	v57 =	vperm.xlane v5, v2  }
0x311: {  	v8 =	vmul.f32 v8, v13;
	v13 =	vmul.f32 v14, v13;
	v14 =	vld [tilespmem:s15+$0xFFFFFF50]  }
0x312: {  	v15 =	vld [tilespmem:s14+$0xFFFFFF30];
	v17 =	vmul.f32 v17, v7;
	v5 =	vadd.f32 v5, v57  }
0x313: {  	v19 =	vmul.f32 v19, v18;
	v7 =	vmul.f32 v9, v7;
	v16 =	vld [tilespmem:s6+$0xFFFFFF40]  }
0x314: {  	v8 =	vadd.f32 v8, v17;
	v6 =	vmul.f32 v6, v12;
	v10 =	vld [tilespmem:s15+$0xFFFFFF40];
	v17 =	vperm.xlane v5, v3  }
0x315: {  	v9 =	vld [tilespmem:s6+$0xFFFFFF50];
	v11 =	vmul.f32 v11, v12;
	v7 =	vadd.f32 v13, v7;
	v12 =	vand.u32 $0xFFFFFFFE, v58  }
0x316: {  	v13 =	vld [tilespmem:s14+$0xFFFFFF50];
	v12 =	vbroadcast v12, $0x0;
	v6 =	vadd.f32 v6, v8;
	v5 =	vadd.f32 v5, v17  }
0x317: {  	v8 =	vld [tilespmem:s6+$0xFFFFFF60];
	v7 =	vadd.f32 v11, v7;
	v11 =	vmul.f32 v15, v18  }
0x318: {  	v15 =	vld [tilespmem:s14+$0xFFFFFF60];
	v6 =	vadd.f32 v19, v6;
	v18 =	vperm.xlane v5, v4  }
0x319: {  	v7 =	vadd.f32 v11, v7;
	v11 =	vmul.f32 v21, v16;
	v10 =	vmul.f32 v10, v16;
	v16 =	vld [tilespmem:s15+$0xFFFFFF70]  }
0x31a: {  	v17 =	vld [tilespmem:s6+$0xFFFFFF70];
	v5 =	vadd.f32 v5, v18  }
0x31b: {  	v6 =	vadd.f32 v10, v6;
	v10 =	vmul.f32 v14, v9;
	v14 =	vld [tilespmem:s14+$0xFFFFFF70]  }
0x31c: {  	v57 =	vld [tilespmem:s2+$0x40];
	v7 =	vadd.f32 v11, v7;
	v9 =	vmul.f32 v13, v9;
	[tilespmem:v12+s31+$0x0] =	vst.idx.msk $0x1, v5  }
0x31d: {  	v6 =	vadd.f32 v10, v6;
	v10 =	vmul.f32 v59, v8;
	v59 =	vld [tilespmem:s2+$0x50];
	[tilespmem:v12+s3+$0x0] =	vst.idx.msk vm1, v5  }
0x31e: {  	v7 =	vadd.f32 v9, v7;
	v8 =	vmul.f32 v15, v8;
	v5 =	vld [tilespmem:s6+$0xF0]  }
0x31f: {  	v6 =	vadd.f32 v10, v6;
	v9 =	vld [tilespmem:s6+$0xE0]  }
0x320: {  	v7 =	vadd.f32 v8, v7;
	v8 =	vmul.f32 v16, v17;
	v10 =	vmul.f32 v14, v17;
	v17 =	vld [tilespmem:s6+$0xD0]  }
0x321: {  	v25 =	vld [tilespmem:s6+$0xC0]  }
0x322: {  	v28 =	vld [tilespmem:s6+$0xB0]  }
0x323: {  	v30 =	vld [tilespmem:s6+$0xA0]  }
0x324: {  	v31 =	vld [tilespmem:s6+$0x80]  }
0x325: {  	v32 =	vld [tilespmem:s15+$0x80]  }
0x326: {  	v33 =	vld [tilespmem:s14+$0x80]  }
0x327: {  	v34 =	vld [tilespmem:s6+$0x90]  }
0x328: {  	v35 =	vld [tilespmem:s15+$0x90]  }
0x329: {  	v36 =	vld [tilespmem:s14+$0x90]  }
0x32a: {  	v37 =	vld [tilespmem:s15+$0xA0]  }
0x32b: {  	v38 =	vld [tilespmem:s14+$0xA0]  }
0x32c: {  	v39 =	vld [tilespmem:s15+$0xB0]  }
0x32d: {  	v40 =	vld [tilespmem:s14+$0xB0]  }
0x32e: {  	v29 =	vld [tilespmem:s15+$0xC0]  }
0x32f: {  	v27 =	vld [tilespmem:s14+$0xC0]  }
0x330: {  	v26 =	vld [tilespmem:s15+$0xD0]  }
0x331: {  	v6 =	vadd.f32 v8, v6;
	v24 =	vld [tilespmem:s14+$0xD0]  }
0x332: {  	v23 =	vld [tilespmem:s15+$0xE0]  }
0x333: {  	v22 =	vld [tilespmem:s14+$0xE0];
	v8 =	vperm.xlane v6, v1  }
0x334: {  	s21 =	simm.s32 $0x26C0;
	v21 =	vld [tilespmem:s15+$0xF0]  }
0x335: {  	v20 =	vld [tilespmem:s14+$0xF0];
	v6 =	vadd.f32 v8, v6;
	v8 =	vmov s21;
	s21 =	simm.s32 $0x14100  }
0x336: {  	v49 =	vld [tilespmem:s21+$0x0]  }
0x337: {  	v7 =	vadd.f32 v10, v7;
	v52 =	vld [tilespmem:s21+$0x10]  }
0x338: {  	v63 =	vmul.f32 v55, v45;
	v54 =	vld [tilespmem:s21+$0x20]  }
0x339: {  	v10 =	vperm.xlane v7, v1;
	v56 =	vld [tilespmem:s21+$0x30]  }
0x33a: {  	v48 =	vadd.f32 v63, v48;
	v58 =	vld [tilespmem:s21+$0x40];
	v32 =	vmul.f32 v32, v31;
	v35 =	vmul.f32 v35, v34  }
0x33b: {  	v7 =	vadd.f32 v10, v7;
	v63 =	vld [tilespmem:s21+$0xFFFFFF10];
	v31 =	vmul.f32 v33, v31;
	v34 =	vmul.f32 v36, v34  }
0x33c: {  	v32 =	vadd.f32 v35, v32;
	v35 =	vld [tilespmem:s2+$0xFFFFFF30]  }
0x33d: {  	v6 =	vsel vm0, v6, v7;
	v31 =	vadd.f32 v34, v31;
	v34 =	vld [tilespmem:s16+$0xFFFFFF40]  }
0x33e: {  	v7 =	vperm.xlane v6, v2;
	v60 =	vmul.f32 v52, v50;
	v50 =	vld [tilespmem:s21+$0x50]  }
0x33f: {  	v62 =	vmul.f32 v62, v42;
	v47 =	vmul.f32 v49, v47;
	v49 =	vld [tilespmem:s21+$0x60]  }
0x340: {  	v57 =	vmul.f32 v57, v44;
	v6 =	vadd.f32 v6, v7;
	v46 =	vmul.f32 v54, v46;
	v52 =	vld [tilespmem:s2+$0x70]  }
0x341: {  	v45 =	vmul.f32 v56, v45;
	v54 =	vld [tilespmem:s16+$0xFFFFFF10];
	v56 =	vmul.f32 v37, v30  }
0x342: {  	v48 =	vadd.f32 v57, v48;
	v30 =	vmul.f32 v38, v30;
	v38 =	vld [tilespmem:s2+$0xFFFFFF40];
	v7 =	vperm.xlane v6, v3  }
0x343: {  	v8 =	vand.u32 $0xFFFFFFFC, v8;
	v37 =	vld [tilespmem:s16+$0xFFFFFF50];
	v47 =	vadd.f32 v60, v47;
	v60 =	vmul.f32 v59, v43  }
0x344: {  	v32 =	vadd.f32 v56, v32;
	v59 =	vmul.f32 v39, v28;
	v39 =	vld [tilespmem:s21+$0xFFFFFF40];
	v6 =	vadd.f32 v6, v7  }
0x345: {  	v44 =	vmul.f32 v58, v44;
	v7 =	vbroadcast v8, $0x0;
	v46 =	vadd.f32 v46, v47;
	v47 =	vld [tilespmem:s21+$0x70]  }
0x346: {  	v48 =	vadd.f32 v60, v48;
	v32 =	vadd.f32 v59, v32;
	v59 =	vld [tilespmem:s2+$0xFFFFFF60];
	v8 =	vperm.xlane v6, v4  }
0x347: {  	v43 =	vmul.f32 v50, v43;
	v42 =	vmul.f32 v49, v42;
	v49 =	vld [tilespmem:s16+$0xFFFFFF20]  }
0x348: {  	v52 =	vmul.f32 v52, v41;
	v50 =	vld [tilespmem:s21+$0xFFFFFF30];
	v45 =	vadd.f32 v45, v46;
	v48 =	vadd.f32 v62, v48  }
0x349: {  	v46 =	vld [tilespmem:s21+$0xFFFFFF00];
	v6 =	vadd.f32 v6, v8  }
0x34a: {  	v44 =	vadd.f32 v44, v45;
	v55 =	vadd.f32 v52, v48;
	v52 =	vld [tilespmem:s2+$0xFFFFFF50]  }
0x34b: {  	[tilespmem:v7+s31+$0x0] =	vst.idx.msk $0x1, v6;
	v41 =	vmul.f32 v47, v41;
	v47 =	vld [tilespmem:s21+$0xFFFFFF20]  }
0x34c: {  	[tilespmem:v7+s3+$0x0] =	vst.idx.msk vm1, v6;
	v43 =	vadd.f32 v43, v44;
	v44 =	vld [tilespmem:s16+$0xFFFFFF00]  }
0x34d: {  	v15 =	vld [tilespmem:s6+$0xFFFFFF80]  }
0x34e: {  	v19 =	vld [tilespmem:s15+$0xFFFFFF80]  }
0x34f: {  	v16 =	vld [tilespmem:s14+$0xFFFFFF80]  }
0x350: {  	v12 =	vld [tilespmem:s6+$0xFFFFFF90]  }
0x351: {  	v18 =	vld [tilespmem:s15+$0xFFFFFF90]  }
0x352: {  	v14 =	vld [tilespmem:s14+$0xFFFFFF90]  }
0x353: {  	v10 =	vld [tilespmem:s6+$0xFFFFFFA0]  }
0x354: {  	v29 =	vmul.f32 v29, v25;
	v25 =	vmul.f32 v27, v25;
	v13 =	vld [tilespmem:s15+$0xFFFFFFA0];
	v42 =	vadd.f32 v42, v43  }
0x355: {  	v26 =	vmul.f32 v26, v17;
	v30 =	vadd.f32 v30, v31;
	v28 =	vmul.f32 v40, v28;
	v43 =	vld [tilespmem:s2+$0xFFFFFF20]  }
0x356: {  	v17 =	vmul.f32 v24, v17;
	v61 =	vmul.f32 v61, v54;
	v11 =	vld [tilespmem:s14+$0xFFFFFFA0];
	v41 =	vadd.f32 v41, v42  }
0x357: {  	v28 =	vadd.f32 v28, v30;
	v62 =	vmul.f32 v63, v54;
	v57 =	vperm.xlane v55, v1;
	v42 =	vld [tilespmem:s16+$0xFFFFFF30]  }
0x358: {  	v29 =	vadd.f32 v29, v32;
	v6 =	vld [tilespmem:s6+$0xFFFFFFB0];
	v63 =	vmul.f32 v53, v44;
	v58 =	vperm.xlane v41, v1  }
0x359: {  	v25 =	vadd.f32 v25, v28;
	v7 =	vld [tilespmem:s15+$0xFFFFFFB0];
	v33 =	vadd.f32 v57, v55;
	v48 =	vmul.f32 v46, v44  }
0x35a: {  	v55 =	vld [tilespmem:s21+$0xFFFFFF50];
	v53 =	vadd.f32 v61, v63;
	v54 =	vmul.f32 v43, v49;
	v60 =	vadd.f32 v58, v41  }
0x35b: {  	v17 =	vadd.f32 v17, v25;
	v57 =	vld [tilespmem:s16+$0xFFFFFF60];
	v56 =	vmul.f32 v47, v49;
	v36 =	vadd.f32 v62, v48  }
0x35c: {  	v8 =	vld [tilespmem:s14+$0xFFFFFFB0];
	v30 =	vadd.f32 v54, v53;
	v58 =	vmul.f32 v35, v42;
	v33 =	vsel vm0, v33, v60  }
0x35d: {  	v62 =	vld [tilespmem:s21+$0xFFFFFF60];
	v36 =	vadd.f32 v56, v36;
	v60 =	vmul.f32 v50, v42;
	v51 =	vperm.xlane v33, v2  }
0x35e: {  	v47 =	vld [tilespmem:s16+$0xFFFFFF70];
	v46 =	vmul.f32 v38, v34;
	v34 =	vmul.f32 v39, v34;
	v63 =	vadd.f32 v58, v30  }
0x35f: {  	v48 =	vld [tilespmem:s2+$0xFFFFFF70];
	v49 =	vmul.f32 v52, v37;
	v36 =	vadd.f32 v60, v36;
	v33 =	vadd.f32 v33, v51  }
0x360: {  	s7 =	simm.s32 $0x26C6;
	v37 =	vmul.f32 v55, v37;
	v35 =	vmul.f32 v59, v57;
	v50 =	vld [tilespmem:s21+$0xFFFFFF70];
	v27 =	vadd.f32 v46, v63  }
0x361: {  	v32 =	vld [tilespmem:s6+$0xFFFFFFD0];
	v51 =	vmov s7;
	v34 =	vadd.f32 v34, v36;
	v61 =	vperm.xlane v33, v3  }
0x362: {  	v24 =	vld [tilespmem:s14+$0xFFFFFFD0];
	v52 =	vmul.f32 v62, v57;
	v40 =	vand.u32 $0xFFFFFFFE, v51;
	v27 =	vadd.f32 v49, v27  }
0x363: {  	v25 =	vld [tilespmem:s15+$0xFFFFFFE0];
	v40 =	vbroadcast v40, $0x0;
	v34 =	vadd.f32 v37, v34;
	v33 =	vadd.f32 v33, v61  }
0x364: {  	v26 =	vadd.f32 v26, v29;
	v29 =	vld [tilespmem:s14+$0xFFFFFFE0];
	v54 =	vmul.f32 v48, v47;
	v27 =	vadd.f32 v35, v27  }
0x365: {  	v38 =	vld [tilespmem:s15+$0xFFFFFFD0];
	v31 =	vmul.f32 v50, v47;
	v34 =	vadd.f32 v52, v34;
	v53 =	vperm.xlane v33, v4  }
0x366: {  	v41 =	vld [tilespmem:s14+$0xFFFFFFC0];
	v27 =	vadd.f32 v54, v27  }
0x367: {  	v59 =	vld [tilespmem:s6+$0xFFFFFFF0];
	v31 =	vadd.f32 v31, v34;
	v55 =	vadd.f32 v33, v53  }
0x368: {  	v30 =	vld [tilespmem:s15+$0xFFFFFFC0]  }
0x369: {  	v36 =	vld [tilespmem:s6+$0xFFFFFFC0];
	v56 =	vperm.xlane v27, v1;
	v57 =	vperm.xlane v31, v1;
	[tilespmem:v40+s31+$0x0] =	vst.idx.msk $0x1, v55  }
0x36a: {  	v23 =	vmul.f32 v23, v9;
	v9 =	vmul.f32 v22, v9;
	v33 =	vld [tilespmem:s6+$0xFFFFFFE0];
	[tilespmem:v40+s3+$0x0] =	vst.idx.msk vm1, v55  }
0x36b: {  	v27 =	vadd.f32 v56, v27;
	v61 =	vadd.f32 v57, v31;
	v60 =	vld [tilespmem:s16+$0xF0]  }
0x36c: {  	v21 =	vmul.f32 v21, v5;
	v5 =	vmul.f32 v20, v5;
	v9 =	vadd.f32 v9, v17;
	v17 =	vld [tilespmem:s16+$0xE0]  }
0x36d: {  	v58 =	vadd.f32 v23, v26;
	v63 =	vld [tilespmem:s16+$0xD0];
	v39 =	vsel vm0, v27, v61  }
0x36e: {  	v5 =	vadd.f32 v5, v9;
	v9 =	vld [tilespmem:s16+$0xC0];
	v27 =	vperm.xlane v39, v2  }
0x36f: {  	v62 =	vadd.f32 v21, v58;
	v42 =	vld [tilespmem:s16+$0xB0]  }
0x370: {  	v19 =	vmul.f32 v19, v15;
	v15 =	vmul.f32 v16, v15;
	v44 =	vld [tilespmem:s16+$0xA0];
	v22 =	vadd.f32 v39, v27  }
0x371: {  	s23 =	simm.s32 $0x26C4;
	v43 =	vperm.xlane v5, v1;
	v40 =	vperm.xlane v62, v1;
	v45 =	vld [tilespmem:s16+$0x80]  }
0x372: {  	v16 =	vmul.f32 v18, v12;
	v48 =	vmov s23;
	v46 =	vld [tilespmem:s2+$0x80];
	v47 =	vperm.xlane v22, v3  }
0x373: {  	v5 =	vadd.f32 v43, v5;
	v37 =	vand.u32 $0xFFFFFFFC, v48;
	v18 =	vld [tilespmem:s21+$0x80];
	v20 =	vadd.f32 v40, v62  }
0x374: {  	v50 =	vbroadcast v37, $0x0;
	v49 =	vld [tilespmem:s16+$0x90];
	v22 =	vadd.f32 v22, v47  }
0x375: {  	v12 =	vmul.f32 v14, v12;
	v51 =	vld [tilespmem:s2+$0x90];
	v5 =	vsel vm0, v20, v5  }
0x376: {  	v16 =	vadd.f32 v16, v19;
	v19 =	vld [tilespmem:s21+$0x90];
	v14 =	vperm.xlane v5, v2;
	v52 =	vperm.xlane v22, v4  }
0x377: {  	v13 =	vmul.f32 v13, v10;
	v10 =	vmul.f32 v11, v10;
	v12 =	vadd.f32 v12, v15;
	v11 =	vld [tilespmem:s2+$0xA0]  }
0x378: {  	v7 =	vmul.f32 v7, v6;
	v15 =	vld [tilespmem:s21+$0xA0];
	v5 =	vadd.f32 v5, v14;
	v14 =	vadd.f32 v22, v52  }
0x379: {  	v6 =	vmul.f32 v8, v6;
	v13 =	vadd.f32 v13, v16;
	v10 =	vadd.f32 v10, v12;
	v8 =	vld [tilespmem:s2+$0xB0]  }
0x37a: {  	v16 =	vld [tilespmem:s21+$0xB0];
	v12 =	vmul.f32 v46, v45;
	v53 =	vmul.f32 v51, v49;
	[tilespmem:v50+s31+$0x0] =	vst.idx.msk $0x1, v14  }
0x37b: {  	v18 =	vmul.f32 v18, v45;
	v19 =	vmul.f32 v19, v49;
	[tilespmem:v50+s3+$0x0] =	vst.idx.msk vm1, v14;
	v14 =	vld [tilespmem:s2+$0xC0]  }
0x37c: {  	v7 =	vadd.f32 v7, v13;
	v55 =	vld [tilespmem:s21+$0xC0];
	v11 =	vmul.f32 v11, v44;
	v12 =	vadd.f32 v53, v12  }
0x37d: {  	v6 =	vadd.f32 v6, v10;
	v15 =	vmul.f32 v15, v44;
	v13 =	vadd.f32 v19, v18;
	v18 =	vld [tilespmem:s2+$0xD0]  }
0x37e: {  	v8 =	vmul.f32 v8, v42;
	v19 =	vmul.f32 v41, v36;
	v11 =	vadd.f32 v11, v12;
	v12 =	vld [tilespmem:s21+$0xD0]  }
0x37f: {  	v54 =	vperm.xlane v5, v3;
	v10 =	vadd.f32 v15, v13;
	v13 =	vmul.f32 v16, v42;
	v15 =	vld [tilespmem:s2+$0xE0]  }
0x380: {  	v16 =	vmul.f32 v30, v36;
	v8 =	vadd.f32 v8, v11;
	v11 =	vld [tilespmem:s21+$0xE0];
	v14 =	vmul.f32 v14, v9  }
0x381: {  	v6 =	vadd.f32 v19, v6;
	v10 =	vadd.f32 v13, v10;
	v13 =	vld [tilespmem:s2+$0xF0];
	v9 =	vmul.f32 v55, v9  }
0x382: {  	v7 =	vadd.f32 v16, v7;
	v16 =	vmul.f32 v38, v32;
	v8 =	vadd.f32 v14, v8;
	v14 =	vld [tilespmem:s21+$0xF0]  }
0x383: {  	v56 =	vld [tilespmem:s14+$0xFFFFFFF0];
	v12 =	vmul.f32 v12, v63;
	v9 =	vadd.f32 v9, v10;
	v10 =	vmul.f32 v18, v63  }
0x384: {  	v19 =	vmul.f32 v24, v32;
	v7 =	vadd.f32 v16, v7;
	v15 =	vmul.f32 v15, v17;
	v16 =	vld [tilespmem:s2+$0xFFFFFF80]  }
0x385: {  	v11 =	vmul.f32 v11, v17;
	v18 =	vld [tilespmem:s15+$0xFFFFFFF0];
	v8 =	vadd.f32 v10, v8;
	v9 =	vadd.f32 v12, v9  }
0x386: {  	v5 =	vadd.f32 v5, v54;
	v13 =	vmul.f32 v13, v60;
	v17 =	vld [tilespmem:s21+$0xFFFFFF80];
	v12 =	vmul.f32 v25, v33  }
0x387: {  	v62 =	vld [tilespmem:s2+$0xFFFFFFB0];
	v8 =	vadd.f32 v15, v8;
	v9 =	vadd.f32 v11, v9;
	v11 =	vmul.f32 v14, v60  }
0x388: {  	v6 =	vadd.f32 v19, v6;
	v10 =	vld [tilespmem:s16+$0xFFFFFF80];
	v7 =	vadd.f32 v12, v7;
	v14 =	vmul.f32 v29, v33  }
0x389: {  	v58 =	vperm.xlane v5, v4;
	v12 =	vld [tilespmem:s16+$0xFFFFFF90];
	v8 =	vadd.f32 v13, v8;
	v9 =	vadd.f32 v11, v9  }
0x38a: {  	v15 =	vld [tilespmem:s2+$0xFFFFFF90];
	v13 =	vmul.f32 v56, v59;
	v6 =	vadd.f32 v14, v6;
	v11 =	vmul.f32 v18, v59  }
0x38b: {  	v5 =	vadd.f32 v5, v58;
	v14 =	vld [tilespmem:s21+$0xFFFFFF90];
	v19 =	vperm.xlane v8, v1;
	v57 =	vperm.xlane v9, v1  }
0x38c: {  	v18 =	vld [tilespmem:s16+$0xFFFFFFA0];
	v7 =	vadd.f32 v11, v7;
	v6 =	vadd.f32 v13, v6  }
0x38d: {  	s25 =	simm.s32 $0x26C3;
	v11 =	vld [tilespmem:s2+$0xFFFFFFA0];
	v8 =	vadd.f32 v19, v8;
	v9 =	vadd.f32 v57, v9  }
0x38e: {  	v59 =	vmov s25;
	v13 =	vld [tilespmem:s21+$0xFFFFFFA0];
	v19 =	vperm.xlane v7, v1;
	v61 =	vperm.xlane v6, v1  }
0x38f: {  	v60 =	vld [tilespmem:s16+$0xFFFFFFB0];
	v16 =	vmul.f32 v16, v10;
	v15 =	vmul.f32 v15, v12;
	v8 =	vsel vm0, v8, v9  }
0x390: {  	v7 =	vadd.f32 v19, v7;
	v19 =	vld [tilespmem:s21+$0xFFFFFFB0];
	v6 =	vadd.f32 v61, v6;
	v63 =	vperm.xlane v8, v2  }
0x391: {  	v10 =	vmul.f32 v17, v10;
	v12 =	vmul.f32 v14, v12;
	v14 =	vadd.f32 v15, v16;
	v16 =	vld [tilespmem:s2+$0xFFFFFFC0]  }
0x392: {  	v9 =	vld [tilespmem:s16+$0xFFFFFFC0];
	v15 =	vmul.f32 v11, v18;
	v6 =	vsel vm0, v7, v6;
	v8 =	vadd.f32 v8, v63  }
0x393: {  	v11 =	vld [tilespmem:s21+$0xFFFFFFC0];
	v7 =	vadd.f32 v12, v10;
	v12 =	vmul.f32 v13, v18;
	v13 =	vperm.xlane v6, v2  }
0x394: {  	v10 =	vld [tilespmem:s16+$0xFFFFFFD0];
	v14 =	vadd.f32 v15, v14;
	v15 =	vmul.f32 v62, v60;
	v17 =	vperm.xlane v8, v3  }
0x395: {  	s28 =	simm.s32 $0x26C7;
	v18 =	vadd.f32 v12, v7;
	v12 =	vld [tilespmem:s2+$0xFFFFFFD0];
	v19 =	vmul.f32 v19, v60;
	v6 =	vadd.f32 v6, v13  }
0x396: {  	s8 =	simm.s32 $0x26C1;
	s23 =	simm.s32 $0x0;
	s6 =	simm.s32 $0x11900;
	[tilespmem:v59+s31+$0x0] =	vst.idx.msk $0x1, v5;
	v14 =	vadd.f32 v15, v14;
	v13 =	vld [tilespmem:s21+$0xFFFFFFD0];
	v7 =	vadd.f32 v8, v17  }
0x397: {  	s14 =	simm.s32 $0x4;
	s15 =	simm.s32 $0xF300;
	s25 =	simm.s32 $0x14100;
	[tilespmem:v59+s3+$0x0] =	vst.idx.msk vm1, v5;
	v5 =	vld [tilespmem:s16+$0xFFFFFFE0];
	v16 =	vmul.f32 v16, v9;
	v15 =	vadd.f32 v19, v18;
	v8 =	vmov s28  }
.LBB2_11:
0x398: {  	v17 =	vld [tilespmem:s15+$0x70];
	v9 =	vmul.f32 v11, v9;
	v11 =	vperm.xlane v7, v4;
	v18 =	vmov s8;
	s7 =	smov.u32 s14  }
0x399: {  	v19 =	vld [tilespmem:s15+$0x60];
	v14 =	vadd.f32 v16, v14;
	v16 =	vperm.xlane v6, v3;
	v18 =	vand.u32 $0xFFFFFFFD, v18  }
0x39a: {  	v20 =	vld [tilespmem:s15+$0x50];
	v9 =	vadd.f32 v9, v15;
	v12 =	vmul.f32 v12, v10;
	v11 =	vadd.f32 v7, v11  }
0x39b: {  	v15 =	vld [tilespmem:s15+$0x40];
	v7 =	vmul.f32 v13, v10;
	v10 =	vadd.f32 v6, v16;
	v13 =	vbroadcast v18, $0x0  }
0x39c: {  	v16 =	vld [tilespmem:s15+$0x30];
	v6 =	vadd.f32 v12, v14;
	[tilespmem:v8+s31+$0x0] =	vst.idx.msk $0x1, v11  }
0x39d: {  	v12 =	vld [tilespmem:s15+$0x20];
	v7 =	vadd.f32 v7, v9;
	[tilespmem:v8+s3+$0x0] =	vst.idx.msk vm1, v11;
	v8 =	vperm.xlane v10, v4  }
0x39e: {  	s2 =	sadd.s32 $0x200, s2;
	v9 =	vld [tilespmem:s15+$0x0]  }
0x39f: {  	s21 =	sadd.s32 $0x200, s21;
	v11 =	vld [tilespmem:s2+$0x0];
	v8 =	vadd.f32 v10, v8  }
0x3a0: {  	v10 =	vld [tilespmem:s21+$0x0]  }
0x3a1: {  	v14 =	vld [tilespmem:s15+$0x10];
	[tilespmem:v13+s31+$0x0] =	vst.idx.msk $0x1, v8  }
0x3a2: {  	v18 =	vld [tilespmem:s2+$0x10];
	[tilespmem:v13+s3+$0x0] =	vst.idx.msk vm1, v8  }
0x3a3: {  	v8 =	vld [tilespmem:s21+$0x10]  }
0x3a4: {  	v13 =	vld [tilespmem:s2+$0x20]  }
0x3a5: {  	v21 =	vld [tilespmem:s21+$0x20]  }
0x3a6: {  	v22 =	vld [tilespmem:s2+$0x30]  }
0x3a7: {  	v11 =	vmul.f32 v11, v9;
	v9 =	vmul.f32 v10, v9;
	v10 =	vld [tilespmem:s21+$0x30]  }
0x3a8: {  	v18 =	vmul.f32 v18, v14;
	v8 =	vmul.f32 v8, v14;
	v14 =	vld [tilespmem:s2+$0x40]  }
0x3a9: {  	v13 =	vmul.f32 v13, v12;
	v23 =	vld [tilespmem:s21+$0x40]  }
0x3aa: {  	v11 =	vadd.f32 v18, v11;
	v8 =	vadd.f32 v8, v9;
	v9 =	vmul.f32 v21, v12;
	v12 =	vld [tilespmem:s2+$0x50]  }
0x3ab: {  	v18 =	vmul.f32 v22, v16;
	v21 =	vld [tilespmem:s21+$0x50]  }
0x3ac: {  	v11 =	vadd.f32 v13, v11;
	v8 =	vadd.f32 v9, v8;
	v9 =	vmul.f32 v10, v16;
	v10 =	vld [tilespmem:s2+$0x60]  }
0x3ad: {  	v13 =	vmul.f32 v14, v15;
	v14 =	vld [tilespmem:s21+$0x60]  }
0x3ae: {  	v11 =	vadd.f32 v18, v11;
	v8 =	vadd.f32 v9, v8;
	v9 =	vmul.f32 v23, v15;
	v15 =	vld [tilespmem:s2+$0x70]  }
0x3af: {  	v12 =	vmul.f32 v12, v20;
	v16 =	vld [tilespmem:s21+$0x70]  }
0x3b0: {  	s14 =	sadd.s32 $0x4, s14;
	v11 =	vadd.f32 v13, v11;
	v18 =	vld [tilespmem:s2+$0xFFFFFF00];
	v8 =	vadd.f32 v9, v8;
	v9 =	vmul.f32 v21, v20  }
0x3b1: {  	p0 =	slt.u32 s14, $0x4C;
	v13 =	vld [tilespmem:s21+$0xFFFFFF00];
	v10 =	vmul.f32 v10, v19  }
0x3b2: {  	v11 =	vadd.f32 v12, v11;
	v20 =	vld [tilespmem:s15+$0xFFFFFF10];
	v8 =	vadd.f32 v9, v8;
	v9 =	vmul.f32 v14, v19  }
0x3b3: {  	v12 =	vld [tilespmem:s2+$0xFFFFFF10];
	v14 =	vmul.f32 v15, v17  }
0x3b4: {  	v10 =	vadd.f32 v10, v11;
	v15 =	vld [tilespmem:s21+$0xFFFFFF10];
	v8 =	vadd.f32 v9, v8;
	v9 =	vmul.f32 v16, v17  }
0x3b5: {  	v11 =	vld [tilespmem:s15+$0xFFFFFF00]  }
0x3b6: {  	v10 =	vadd.f32 v14, v10;
	v16 =	vld [tilespmem:s15+$0xFFFFFF20];
	v8 =	vadd.f32 v9, v8  }
0x3b7: {  	v9 =	vld [tilespmem:s2+$0xFFFFFF20]  }
0x3b8: {  	v17 =	vperm.xlane v10, v1;
	v14 =	vld [tilespmem:s21+$0xFFFFFF20];
	v19 =	vperm.xlane v8, v1  }
0x3b9: {  	v12 =	vmul.f32 v12, v20;
	v15 =	vmul.f32 v15, v20;
	v20 =	vld [tilespmem:s15+$0xFFFFFF30]  }
0x3ba: {  	v10 =	vadd.f32 v17, v10;
	v18 =	vmul.f32 v18, v11;
	v21 =	vld [tilespmem:s2+$0xFFFFFF30];
	v8 =	vadd.f32 v19, v8  }
0x3bb: {  	v11 =	vmul.f32 v13, v11;
	v13 =	vld [tilespmem:s21+$0xFFFFFF30]  }
0x3bc: {  	v12 =	vadd.f32 v12, v18;
	v9 =	vmul.f32 v9, v16;
	v17 =	vld [tilespmem:s15+$0xFFFFFF40];
	v8 =	vsel vm0, v10, v8  }
0x3bd: {  	v10 =	vadd.f32 v15, v11;
	v11 =	vmul.f32 v14, v16;
	v14 =	vld [tilespmem:s2+$0xFFFFFF40];
	v15 =	vperm.xlane v8, v2  }
0x3be: {  	v9 =	vadd.f32 v9, v12;
	v12 =	vld [tilespmem:s21+$0xFFFFFF40]  }
0x3bf: {  	v10 =	vadd.f32 v11, v10;
	v11 =	vmul.f32 v21, v20;
	v16 =	vld [tilespmem:s15+$0xFFFFFF50];
	v8 =	vadd.f32 v8, v15  }
0x3c0: {  	s8 =	sadd.s32 $0x26C6, s7;
	v13 =	vmul.f32 v13, v20;
	v15 =	vld [tilespmem:s2+$0xFFFFFF50]  }
0x3c1: {  	v19 =	vmov s8;
	v9 =	vadd.f32 v11, v9;
	v11 =	vld [tilespmem:s21+$0xFFFFFF50];
	v18 =	vperm.xlane v8, v3  }
0x3c2: {  	v19 =	vand.u32 $0xFFFFFFFE, v19;
	v10 =	vadd.f32 v13, v10;
	v13 =	vmul.f32 v14, v17;
	v14 =	vld [tilespmem:s15+$0xFFFFFF60]  }
0x3c3: {  	v12 =	vmul.f32 v12, v17;
	v17 =	vld [tilespmem:s2+$0xFFFFFF60];
	v8 =	vadd.f32 v8, v18;
	v18 =	vbroadcast v19, $0x0  }
0x3c4: {  	v9 =	vadd.f32 v13, v9;
	v13 =	vld [tilespmem:s21+$0xFFFFFF60]  }
0x3c5: {  	v10 =	vadd.f32 v12, v10;
	v12 =	vmul.f32 v15, v16;
	v15 =	vld [tilespmem:s15+$0xFFFFFF70];
	v19 =	vperm.xlane v8, v4  }
0x3c6: {  	v11 =	vmul.f32 v11, v16;
	v16 =	vld [tilespmem:s2+$0xFFFFFF70]  }
0x3c7: {  	v9 =	vadd.f32 v12, v9;
	v12 =	vld [tilespmem:s21+$0xFFFFFF70];
	v8 =	vadd.f32 v8, v19  }
0x3c8: {  	v10 =	vadd.f32 v11, v10;
	v11 =	vmul.f32 v17, v14;
	v17 =	vld [tilespmem:s6+$0xFFFFFFE0]  }
0x3c9: {  	v13 =	vmul.f32 v13, v14;
	[tilespmem:v18+s31+$0x0] =	vst.idx.msk $0x1, v8;
	v14 =	vld [tilespmem:s25+$0xFFFFFFE0]  }
0x3ca: {  	v9 =	vadd.f32 v11, v9;
	[tilespmem:v18+s3+$0x0] =	vst.idx.msk vm1, v8;
	v8 =	vld [tilespmem:s16+$0xFFFFFFF0];
	s16 =	smov.u32 s15  }
0x3cb: {  	v10 =	vadd.f32 v13, v10;
	v11 =	vmul.f32 v16, v15;
	v13 =	vld [tilespmem:s15+$0xF0]  }
0x3cc: {  	v12 =	vmul.f32 v12, v15;
	v15 =	vld [tilespmem:s15+$0xE0]  }
0x3cd: {  	v9 =	vadd.f32 v11, v9;
	v11 =	vld [tilespmem:s15+$0xD0];
	v16 =	vmul.f32 v17, v5  }
0x3ce: {  	v10 =	vadd.f32 v12, v10;
	v12 =	vld [tilespmem:s15+$0xC0];
	v5 =	vmul.f32 v14, v5  }
0x3cf: {  	v14 =	vperm.xlane v9, v1;
	v17 =	vld [tilespmem:s15+$0xB0];
	v6 =	vadd.f32 v16, v6  }
0x3d0: {  	v16 =	vperm.xlane v10, v1;
	v18 =	vld [tilespmem:s15+$0xA0];
	v5 =	vadd.f32 v5, v7  }
0x3d1: {  	v7 =	vadd.f32 v14, v9;
	v9 =	vld [tilespmem:s15+$0x80]  }
0x3d2: {  	v10 =	vadd.f32 v16, v10;
	v14 =	vld [tilespmem:s2+$0x80]  }
0x3d3: {  	v16 =	vld [tilespmem:s21+$0x80]  }
0x3d4: {  	v7 =	vsel vm0, v7, v10;
	v10 =	vld [tilespmem:s15+$0x90]  }
0x3d5: {  	v19 =	vperm.xlane v7, v2;
	v20 =	vld [tilespmem:s2+$0x90]  }
0x3d6: {  	v21 =	vld [tilespmem:s21+$0x90]  }
0x3d7: {  	v7 =	vadd.f32 v7, v19;
	v19 =	vld [tilespmem:s2+$0xA0]  }
0x3d8: {  	s8 =	sadd.s32 $0x26C4, s7;
	v22 =	vld [tilespmem:s21+$0xA0]  }
0x3d9: {  	v24 =	vmov s8;
	v23 =	vperm.xlane v7, v3;
	v25 =	vld [tilespmem:s2+$0xB0]  }
0x3da: {  	v24 =	vand.u32 $0xFFFFFFFC, v24;
	v14 =	vmul.f32 v14, v9;
	v9 =	vmul.f32 v16, v9;
	v16 =	vld [tilespmem:s21+$0xB0]  }
0x3db: {  	v20 =	vmul.f32 v20, v10;
	v7 =	vadd.f32 v7, v23;
	v10 =	vmul.f32 v21, v10;
	v21 =	vld [tilespmem:s2+$0xC0]  }
0x3dc: {  	v23 =	vbroadcast v24, $0x0;
	v19 =	vmul.f32 v19, v18;
	v24 =	vld [tilespmem:s21+$0xC0]  }
0x3dd: {  	v14 =	vadd.f32 v20, v14;
	v9 =	vadd.f32 v10, v9;
	v10 =	vmul.f32 v22, v18;
	v18 =	vld [tilespmem:s2+$0xD0]  }
0x3de: {  	v20 =	vperm.xlane v7, v4;
	v22 =	vmul.f32 v25, v17;
	v25 =	vld [tilespmem:s21+$0xD0]  }
0x3df: {  	v14 =	vadd.f32 v19, v14;
	v9 =	vadd.f32 v10, v9;
	v10 =	vmul.f32 v16, v17;
	v16 =	vld [tilespmem:s2+$0xE0]  }
0x3e0: {  	v7 =	vadd.f32 v7, v20;
	v17 =	vmul.f32 v21, v12;
	v19 =	vld [tilespmem:s21+$0xE0]  }
0x3e1: {  	v14 =	vadd.f32 v22, v14;
	v9 =	vadd.f32 v10, v9;
	v10 =	vmul.f32 v24, v12;
	v12 =	vld [tilespmem:s2+$0xF0]  }
0x3e2: {  	[tilespmem:v23+s31+$0x0] =	vst.idx.msk $0x1, v7;
	v18 =	vmul.f32 v18, v11;
	v20 =	vld [tilespmem:s21+$0xF0]  }
0x3e3: {  	v14 =	vadd.f32 v17, v14;
	v9 =	vadd.f32 v10, v9;
	v10 =	vmul.f32 v25, v11;
	v11 =	vld [tilespmem:s6+$0xFFFFFFF0];
	s6 =	smov.u32 s2  }
0x3e4: {  	[tilespmem:v23+s3+$0x0] =	vst.idx.msk vm1, v7;
	v7 =	vmul.f32 v16, v15;
	v16 =	vld [tilespmem:s25+$0xFFFFFFF0];
	s25 =	smov.u32 s21  }
0x3e5: {  	v14 =	vadd.f32 v18, v14;
	v17 =	vld [tilespmem:s15+$0xFFFFFF80];
	v9 =	vadd.f32 v10, v9;
	v10 =	vmul.f32 v19, v15  }
0x3e6: {  	v15 =	vld [tilespmem:s2+$0xFFFFFF80];
	v12 =	vmul.f32 v12, v13  }
0x3e7: {  	v7 =	vadd.f32 v7, v14;
	v18 =	vld [tilespmem:s21+$0xFFFFFF80];
	v9 =	vadd.f32 v10, v9;
	v10 =	vmul.f32 v20, v13  }
0x3e8: {  	v13 =	vld [tilespmem:s15+$0xFFFFFF90];
	v11 =	vmul.f32 v11, v8  }
0x3e9: {  	v7 =	vadd.f32 v12, v7;
	v14 =	vld [tilespmem:s2+$0xFFFFFF90];
	v9 =	vadd.f32 v10, v9;
	v8 =	vmul.f32 v16, v8  }
0x3ea: {  	v10 =	vld [tilespmem:s21+$0xFFFFFF90];
	v6 =	vadd.f32 v11, v6  }
0x3eb: {  	v12 =	vperm.xlane v7, v1;
	v11 =	vld [tilespmem:s15+$0xFFFFFFA0];
	v16 =	vperm.xlane v9, v1;
	v5 =	vadd.f32 v8, v5  }
0x3ec: {  	v8 =	vmul.f32 v15, v17;
	v15 =	vmul.f32 v18, v17;
	v17 =	vld [tilespmem:s2+$0xFFFFFFA0]  }
0x3ed: {  	v7 =	vadd.f32 v12, v7;
	v12 =	vperm.xlane v6, v1;
	v18 =	vld [tilespmem:s21+$0xFFFFFFA0];
	v9 =	vadd.f32 v16, v9  }
0x3ee: {  	v19 =	vperm.xlane v5, v1;
	v14 =	vmul.f32 v14, v13;
	v16 =	vld [tilespmem:s15+$0xFFFFFFB0]  }
0x3ef: {  	v6 =	vadd.f32 v12, v6;
	v10 =	vmul.f32 v10, v13;
	v13 =	vld [tilespmem:s2+$0xFFFFFFB0];
	v7 =	vsel vm0, v7, v9  }
0x3f0: {  	v5 =	vadd.f32 v19, v5;
	v8 =	vadd.f32 v14, v8;
	v12 =	vld [tilespmem:s21+$0xFFFFFFB0];
	v14 =	vperm.xlane v7, v2  }
0x3f1: {  	v10 =	vadd.f32 v10, v15;
	v15 =	vmul.f32 v17, v11;
	v9 =	vld [tilespmem:s15+$0xFFFFFFC0]  }
0x3f2: {  	v5 =	vsel vm0, v6, v5;
	v17 =	vmul.f32 v18, v11;
	v18 =	vld [tilespmem:s2+$0xFFFFFFC0];
	v7 =	vadd.f32 v7, v14  }
.Ltmp5:
0x3f3: {  	v6 =	vperm.xlane v5, v2;
	v8 =	vadd.f32 v15, v8;
	v11 =	vld [tilespmem:s21+$0xFFFFFFC0];
	(pc) =	sbr.rel @p0 .LBB2_11-.Ltmp5, $4  }
0x3f4: {  	v15 =	vadd.f32 v17, v10;
	v13 =	vmul.f32 v13, v16;
	v10 =	vld [tilespmem:s15+$0xFFFFFFD0];
	v17 =	vperm.xlane v7, v3  }
0x3f5: {  	v6 =	vadd.f32 v5, v6;
	v16 =	vmul.f32 v12, v16;
	v12 =	vld [tilespmem:s2+$0xFFFFFFD0]  }
0x3f6: {  	s8 =	sadd.s32 $0x26C7, s7;
	v14 =	vadd.f32 v13, v8;
	v13 =	vld [tilespmem:s21+$0xFFFFFFD0];
	v7 =	vadd.f32 v7, v17  }
0x3f7: {  	s15 =	sadd.s32 $0x200, s15;
	v8 =	vmov s8;
	s8 =	sadd.s32 $0x26C5, s23;
	s23 =	smov.u32 s7;
	v15 =	vadd.f32 v16, v15;
	v16 =	vmul.f32 v18, v9;
	v5 =	vld [tilespmem:s16+$0xFFFFFFE0]  }
0x3f8: {  	v17 =	vld [tilespmem:s6+$0xFFFFFFE0]  }
0x3f9: {  	v18 =	vld [tilespmem:s25+$0xFFFFFFE0]  }
0x3fa: {  	v19 =	vld [tilespmem:s16+$0xFFFFFFF0]  }
0x3fb: {  	v9 =	vmul.f32 v11, v9;
	v48 =	vld [tilespmem:s6+$0xFFFFFFF0]  }
0x3fc: {  	v49 =	vld [tilespmem:s25+$0xFFFFFFF0];
	v14 =	vadd.f32 v16, v14;
	v12 =	vmul.f32 v12, v10  }
0x3fd: {  	v9 =	vadd.f32 v9, v15;
	v50 =	vmul.f32 v13, v10  }
0x3fe: {  	v12 =	vadd.f32 v12, v14  }
0x3ff: {  	v51 =	vmul.f32 v17, v5;
	v9 =	vadd.f32 v50, v9;
	v5 =	vmul.f32 v18, v5  }
0x400: {  	v53 =	vmul.f32 v48, v19  }
0x401: {  	v54 =	vmul.f32 v49, v19;
	v52 =	vadd.f32 v51, v12;
	v5 =	vadd.f32 v5, v9;
	_ =	sdelay $0x1  }
0x402: {  	v9 =	vadd.f32 v53, v52;
	v5 =	vadd.f32 v54, v5;
	_ =	sdelay $0x1  }
0x403: {  	v10 =	vperm.xlane v9, v1;
	v11 =	vperm.xlane v5, v1;
	_ =	sdelay $0x1  }
0x404: {  	v9 =	vadd.f32 v10, v9;
	v5 =	vadd.f32 v11, v5;
	_ =	sdelay $0x1  }
0x405: {  	v5 =	vsel vm0, v9, v5  }
0x406: {  	v9 =	vperm.xlane v5, v2;
	_ =	sdelay $0x1  }
0x407: {  	v55 =	vperm.xlane v6, v3;
	v56 =	vmov s8;
	s2 =	sadd.s32 $0x26C5, s23;
	v5 =	vadd.f32 v5, v9  }
0x408: {  	v57 =	vperm.xlane v7, v4;
	v59 =	vmov s2;
	v11 =	vand.u32 $0xFFFFFFFD, v56  }
0x409: {  	v6 =	vadd.f32 v6, v55;
	v58 =	vbroadcast v11, $0x0;
	v60 =	vperm.xlane v5, v3  }
0x40a: {  	v7 =	vadd.f32 v7, v57;
	v61 =	vand.u32 $0xFFFFFFFD, v59  }
0x40b: {  	v62 =	vperm.xlane v6, v4;
	v9 =	vbroadcast v61, $0x0;
	v5 =	vadd.f32 v5, v60;
	_ =	sdelay $0x1  }
0x40c: {  	[tilespmem:v8+s31+$0x0] =	vst.idx.msk $0x1, v7;
	v6 =	vadd.f32 v6, v62;
	v63 =	vperm.xlane v5, v4  }
0x40d: {  	[tilespmem:v8+s3+$0x0] =	vst.idx.msk vm1, v7  }
0x40e: {  	[tilespmem:v58+s31+$0x0] =	vst.idx.msk $0x1, v6;
	v5 =	vadd.f32 v5, v63  }
0x40f: {  	[tilespmem:v58+s3+$0x0] =	vst.idx.msk vm1, v6  }
0x410: {  	[tilespmem:v9+s31+$0x0] =	vst.idx.msk $0x1, v5  }
0x411: {  	[tilespmem:v9+s3+$0x0] =	vst.idx.msk vm1, v5  }
0x412: {  	s23 =	rddreg [dreg:$0x7]  }
0x413: {  	[hbm4b:s23+s5] =	stream.linear.scatter [tilespmem:s31], [sflag:$0x4], $0x2710, $0x38;
	[tilespmem:$0x1DE00] =	vst v63  }
0x414: {  	_ =	swait.ge [sflag:s12], $0x2710  }
0x415: {  	[sflag:s12] =	ssyncset.done $0x0  }
0x416: {  	s25 =	rddreg [dreg:$0x8];
	[sflag:s12] =	ssyncadd.s32 $0xFFFFD8F0  }
0x417: {  	[hbm4b:s25+s5] =	stream.linear.scatter [tilespmem:s3], [sflag:$0x4], $0x2710, $0x38;
	[tilespmem:$0x1DE00] =	vst v63  }
0x418: {  	_ =	swait.ge [sflag:s12], $0x2710  }
0x419: {  	s4 =	sadd.s32 $0x1, s4;
	s28 =	rddreg [dreg:$0x9]  }
0x41a: {  	p0 =	sne.s32 s4, s28  }
.Ltmp6:
0x41b: {  	_ = 	snop;
	(pc) =	sbr.rel @p0 .LBB2_1-.Ltmp6, $3  }
0x41c: {  	_ =	sdelay $0x1  }
0x41d: {  	[sflag:s12] =	ssyncset.done $0x0  }
0x41e: {  	[sflag:s12] =	ssyncadd.s32 $0xFFFFD8F0  }
0x41f: {  	_ =	sfence.sel $0x180000  }
0x420: {  	[bflag:$0x0] =	sbarrier.arrive $0xFFFF  }
0x421: {  	_ =	strace $0x90000047  }
0x422: {  	s0 =	stileid.u32;
	[bflag:$0x2] =	sbarrier.arrive $0xFFFF  }
0x423: {  	p0 =	sne.s32 s0, $0x0;
	s0 =	rddreg [dreg:$0x3]  }
0x424: {  	s0 =	sadd.s32 @!p0 $0x100000, s0  }
0x425: {  	[sflag:s0] =	ssyncadd.tile.s32 @!p0 $0x1;
	_ =	shalt  }
.Lfunc_end2:
_tile_overlayer_lowered:
.L_overlay_start_2:
0x426: {  	(tag) =	ssettag $0x2  }
0x427: {  	s0 =	rddreg [dreg:$0x0];
	s2 =	stileid.u32  }
0x428: {  	s1 =	rddreg [dreg:$0x1];
	p0 =	sne.s32 s2, $0x0  }
0x429: {  	s3 =	rddreg [dreg:$0x2];
	[bflag:$0x3] =	sbarrier.arrive $0xFFFF;
	s2 =	simm.s32 @!p0 $0x1C04  }
0x42a: {  	[timem:s3], [sflag:s2] =	dma.local @!p0 [hbm:s0], s1  }
0x42b: {  	s0 =	simm.s32 @!p0 $0x4  }
0x42c: {  	_ =	swait.ge @!p0 [sflag:s0], s1  }
0x42d: {  	s1 =	ssub.s32 @!p0 $0x0, s1;
	[sflag:s0] =	ssyncset.done @!p0 $0x0  }
0x42e: {  	[sflag:s0] =	ssyncadd.s32 @!p0 s1  }
0x42f: {  	[bflag:$0x3] =	sbarrier.arrive $0xFFFF  }
0x430: {  	_ =	shalt  }

</sc_bundles>
